<compile_context>
chip_gen: v7x
topology: tpu7x:2x2x1
jax: 0.10.2.dev20260603
libtpu: 0.0.44.dev20260713+nightly
codegen_flags: <defaults>
</compile_context>

<pallas_src>
import functools

import jax
import jax.numpy as jnp
import numpy as np
from jax.experimental import pallas as pl
from jax.experimental.pallas import tpu as pltpu

PRE_NMS_TOP_N = 6000
POST_NMS_TOP_N = 1000
NMS_THRESH = 0.7
MIN_SIZE = 0.0
STRIDES = (4, 8, 16, 32, 64)
SIZES = (32, 64, 128, 256, 512)
RATIOS = (0.5, 1.0, 2.0)


def _conv(x, w, b):
    y = jax.lax.conv_general_dilated(x, w, (1, 1), 'SAME',
                                     dimension_numbers=('NCHW', 'OIHW', 'NCHW'))
    return y + b.reshape(1, -1, 1, 1)


def _make_anchors(H, W, stride, size):
    ratios = jnp.asarray(RATIOS, jnp.float32)
    h = size * jnp.sqrt(ratios)
    w = size / jnp.sqrt(ratios)
    base = jnp.stack([-w / 2.0, -h / 2.0, w / 2.0, h / 2.0], axis=1)
    sx = jnp.arange(W, dtype=jnp.float32) * stride
    sy = jnp.arange(H, dtype=jnp.float32) * stride
    sy, sx = jnp.meshgrid(sy, sx, indexing='ij')
    shifts = jnp.stack([sx, sy, sx, sy], axis=-1).reshape(-1, 1, 4)
    return (shifts + base.reshape(1, -1, 4)).reshape(-1, 4)


def _apply_deltas(anchors, deltas):
    widths = anchors[:, 2] - anchors[:, 0]
    heights = anchors[:, 3] - anchors[:, 1]
    ctr_x = anchors[:, 0] + 0.5 * widths
    ctr_y = anchors[:, 1] + 0.5 * heights
    dx, dy, dw, dh = deltas[:, 0], deltas[:, 1], deltas[:, 2], deltas[:, 3]
    pred_ctr_x = dx * widths + ctr_x
    pred_ctr_y = dy * heights + ctr_y
    pred_w = jnp.exp(dw) * widths
    pred_h = jnp.exp(dh) * heights
    return jnp.stack([pred_ctr_x - 0.5 * pred_w, pred_ctr_y - 0.5 * pred_h,
                      pred_ctr_x + 0.5 * pred_w, pred_ctr_y + 0.5 * pred_h], axis=1)


def _nms(boxes, n, thresh):
    areas = (boxes[:, 2] - boxes[:, 0]) * (boxes[:, 3] - boxes[:, 1])
    idxs = jnp.arange(n)

    def body(i, keep):
        b = boxes[i]
        xx1 = jnp.maximum(b[0], boxes[:, 0])
        yy1 = jnp.maximum(b[1], boxes[:, 1])
        xx2 = jnp.minimum(b[2], boxes[:, 2])
        yy2 = jnp.minimum(b[3], boxes[:, 3])
        inter = jnp.clip(xx2 - xx1, 0.0) * jnp.clip(yy2 - yy1, 0.0)
        area_i = (b[2] - b[0]) * (b[3] - b[1])
        iou = inter / (area_i + areas - inter + 1e-9)
        suppress = (iou > thresh) & (idxs > i) & keep[i]
        return keep & (~suppress)

    return jax.lax.fori_loop(0, n, body, jnp.ones((n,), dtype=bool))



_B = 128
_NB = 48
_NPOST = 1024


def _nms_compact_body(xr_ref, xs_ref, o_ref, kcol_ref, cnt_ref):
    f32 = jnp.float32
    ri = jax.lax.broadcasted_iota(jnp.int32, (_B, _B), 0)
    ci = jax.lax.broadcasted_iota(jnp.int32, (_B, _B), 1)
    trif = (ci > ri).astype(f32)
    eyef = (ci == ri).astype(f32)
    c1 = jax.lax.broadcasted_iota(jnp.int32, (1, _B), 1)
    rrows = jax.lax.broadcasted_iota(jnp.int32, (_NPOST, 1), 0)

    o_ref[...] = jnp.zeros((4, _NPOST, 1), f32)
    cnt_ref[0] = 0

    def block_body(b, carry):
        @pl.when(cnt_ref[0] < POST_NMS_TOP_N)
        def _():
            x1r = xr_ref[0, pl.ds(b, 1), :]
            y1r = xr_ref[1, pl.ds(b, 1), :]
            x2r = xr_ref[2, pl.ds(b, 1), :]
            y2r = xr_ref[3, pl.ds(b, 1), :]
            areas_r = (x2r - x1r) * (y2r - y1r)
            x1c = xs_ref[0, pl.ds(b, 1), :, :].reshape(_B, 1)
            y1c = xs_ref[1, pl.ds(b, 1), :, :].reshape(_B, 1)
            x2c = xs_ref[2, pl.ds(b, 1), :, :].reshape(_B, 1)
            y2c = xs_ref[3, pl.ds(b, 1), :, :].reshape(_B, 1)
            areas_c = (x2c - x1c) * (y2c - y1c)

            def cross(a, sup):
                ax1 = xs_ref[0, pl.ds(a, 1), :, :].reshape(_B, 1)
                ay1 = xs_ref[1, pl.ds(a, 1), :, :].reshape(_B, 1)
                ax2 = xs_ref[2, pl.ds(a, 1), :, :].reshape(_B, 1)
                ay2 = xs_ref[3, pl.ds(a, 1), :, :].reshape(_B, 1)
                ka = kcol_ref[pl.ds(a, 1), :, :].reshape(_B, 1)
                a_areas = (ax2 - ax1) * (ay2 - ay1)
                xx1 = jnp.maximum(ax1, x1r)
                yy1 = jnp.maximum(ay1, y1r)
                xx2 = jnp.minimum(ax2, x2r)
                yy2 = jnp.minimum(ay2, y2r)
                inter = jnp.maximum(xx2 - xx1, 0.0) * jnp.maximum(yy2 - yy1, 0.0)
                iou = inter / (a_areas + areas_r - inter + 1e-9)
                hit = ((iou > NMS_THRESH).astype(f32)) * ka
                return jnp.maximum(sup, jnp.max(hit, axis=0, keepdims=True))

            sup = jax.lax.fori_loop(0, b, cross, jnp.zeros((1, _B), f32))
            validf = ((b * _B + c1) < PRE_NMS_TOP_N).astype(f32)
            kvf = validf * (1.0 - sup)

            xx1 = jnp.maximum(x1c, x1r)
            yy1 = jnp.maximum(y1c, y1r)
            xx2 = jnp.minimum(x2c, x2r)
            yy2 = jnp.minimum(y2c, y2r)
            inter = jnp.maximum(xx2 - xx1, 0.0) * jnp.maximum(yy2 - yy1, 0.0)
            iou = inter / (areas_c + areas_r - inter + 1e-9)
            mf = ((iou > NMS_THRESH).astype(f32)) * trif

            def fix_cond(carry):
                return carry[1]

            def fix_body(carry):
                kv, _ = carry
                kcolv = jnp.sum(eyef * kv, axis=1, keepdims=True)
                supv = jnp.max(mf * kcolv, axis=0, keepdims=True)
                kv_new = kvf * (1.0 - supv)
                return kv_new, jnp.any(kv_new != kv)

            kvf2, _ = jax.lax.while_loop(fix_cond, fix_body, (kvf, True))

            kcol = jnp.sum(eyef * kvf2, axis=1, keepdims=True)
            kcol_ref[pl.ds(b, 1), :, :] = kcol.reshape(1, _B, 1)

            prev = cnt_ref[0]
            csum = kvf2
            for s in (1, 2, 4, 8, 16, 32, 64):
                csum = csum + jnp.concatenate(
                    [jnp.zeros((1, s), f32), csum[:, :_B - s]], axis=1)
            granki = prev + csum.astype(jnp.int32) - 1
            oneh = ((rrows == granki).astype(f32)) * kvf2
            for c, xc in enumerate((x1r, y1r, x2r, y2r)):
                o_ref[c, :, :] = o_ref[c, :, :] + jnp.sum(oneh * xc, axis=1,
                                                          keepdims=True)
            cnt_ref[0] = prev + jnp.sum(kvf2).astype(jnp.int32)
        return carry

    jax.lax.fori_loop(0, _NB, block_body, 0)


def _pallas_nms_compact(props_pre):
    from jax.experimental.pallas import tpu as _pltpu
    n = props_pre.shape[0]
    padded = jnp.zeros((_NB * _B, 4), jnp.float32).at[:n].set(props_pre)
    xr = padded.T.reshape(4, _NB, _B)
    xs = xr.reshape(4, _NB, _B, 1)
    out = pl.pallas_call(
        _nms_compact_body,
        out_shape=jax.ShapeDtypeStruct((4, _NPOST, 1), jnp.float32),
        scratch_shapes=[
            _pltpu.VMEM((_NB, _B, 1), jnp.float32),
            _pltpu.SMEM((1,), jnp.int32),
        ],
    )(xr, xs)
    return out.reshape(4, _NPOST).T[:POST_NMS_TOP_N]



_SR = 512
_SC = 128
_SN = _SR * _SC


def _row_xor(x, m):
    g = _SR // (2 * m)
    xr = x.reshape(g, 2, m, _SC)
    sw = jnp.concatenate([xr[:, 1:2], xr[:, 0:1]], axis=1)
    return sw.reshape(_SR, _SC)


def _lane_xor(x, d, ciota):
    from jax.experimental.pallas import tpu as _pltpu
    lo = (ciota & d) == 0
    return jnp.where(lo, _pltpu.roll(x, _SC - d, axis=1),
                     _pltpu.roll(x, d, axis=1))


def _sort_body(scores_ref, oidx_ref):
    f32 = jnp.float32
    riota = jax.lax.broadcasted_iota(jnp.int32, (_SR, _SC), 0)
    ciota = jax.lax.broadcasted_iota(jnp.int32, (_SR, _SC), 1)

    n_real = 65472
    lin = riota * _SC + ciota
    s = jnp.where(lin < n_real, scores_ref[...], -jnp.inf)
    v = lin.astype(f32)

    def bit_mask(q):
        if q < _SC:
            return (ciota & q) == 0
        return (riota & (q // _SC)) == 0

    for p in range(1, 17):
        k = 1 << p
        dirm = bit_mask(k) if k < _SN else jnp.full((_SR, _SC), True)
        for j in range(p - 1, -1, -1):
            d = 1 << j
            if d < _SC:
                ps = _lane_xor(s, d, ciota)
                pv = _lane_xor(v, d, ciota)
            else:
                ps = _row_xor(s, d // _SC)
                pv = _row_xor(v, d // _SC)
            is_low = bit_mask(d)
            cmp = (s > ps) | ((s == ps) & (v < pv))
            take_self = cmp == (is_low == dirm)
            s = jnp.where(take_self, s, ps)
            v = jnp.where(take_self, v, pv)

    oidx_ref[...] = v[:_NB, :]


def _pallas_sort(scores_flat):
    x = jnp.zeros((_SN,), jnp.float32).at[:scores_flat.shape[0]].set(
        scores_flat).reshape(_SR, _SC)
    oidx = pl.pallas_call(
        _sort_body,
        out_shape=jax.ShapeDtypeStruct((_NB, _SC), jnp.float32),
    )(x)
    return oidx.reshape(-1).astype(jnp.int32)


def kernel(p2, p3, p4, p5, p6, conv_w, conv_b, cls_w, cls_b, bbox_w, bbox_b,
           image_h, image_w):
    feats = [p2, p3, p4, p5, p6]
    image_h_f = jnp.asarray(image_h).astype(jnp.float32)
    image_w_f = jnp.asarray(image_w).astype(jnp.float32)
    props_all, scores_all = [], []
    for feat, stride, size in zip(feats, STRIDES, SIZES):
        t = jax.nn.relu(_conv(feat, conv_w, conv_b))
        logits = _conv(t, cls_w, cls_b)
        bbox = _conv(t, bbox_w, bbox_b)
        B, A, H, W = logits.shape
        logits = jnp.transpose(logits, (0, 2, 3, 1)).reshape(B, -1)
        bbox = jnp.transpose(bbox, (0, 2, 3, 1)).reshape(B, -1, 4)
        scores = jax.nn.sigmoid(logits[0])
        deltas = bbox[0]
        anchors = _make_anchors(H, W, stride, size)
        props = _apply_deltas(anchors, deltas)
        x1 = jnp.clip(props[:, 0], 0.0, image_w_f)
        y1 = jnp.clip(props[:, 1], 0.0, image_h_f)
        x2 = jnp.clip(props[:, 2], 0.0, image_w_f)
        y2 = jnp.clip(props[:, 3], 0.0, image_h_f)
        props = jnp.stack([x1, y1, x2, y2], axis=1)
        keep_small = ((x2 - x1) >= MIN_SIZE) & ((y2 - y1) >= MIN_SIZE)
        scores = jnp.where(keep_small, scores, -jnp.inf)
        props_all.append(props)
        scores_all.append(scores)
    props_all = jnp.concatenate(props_all, axis=0)
    scores_all = jnp.concatenate(scores_all, axis=0)
    props_all, scores_all = jax.lax.optimization_barrier((props_all, scores_all))
    num_pre = min(PRE_NMS_TOP_N, props_all.shape[0])
    order = _pallas_sort(scores_all)[:num_pre]
    props_pre = props_all[order]
    return _pallas_nms_compact(props_pre)

# --- scband reference (transcript-rebuilt; emitter-appended) ---
"""Pipeline reference for scband-region-proposal-network-35201551958803 (READ-ONLY COPY).

The authoritative reference and input builder live on the scoring server;
editing this copy changes nothing except your own understanding.
"""

import jax, jax.numpy as jnp
import numpy as np

PRE_NMS_TOP_N = 6000
POST_NMS_TOP_N = 1000
NMS_THRESH = 0.7
MIN_SIZE = 0.0
STRIDES = (4, 8, 16, 32, 64)
SIZES = (32, 64, 128, 256, 512)
RATIOS = (0.5, 1.0, 2.0)


def _conv(x, w, b):
    y = jax.lax.conv_general_dilated(x, w, (1, 1), 'SAME', dimension_numbers=('NCHW', 'OIHW', 'NCHW'))
    return y + b.reshape(1, -1, 1, 1)


def _make_anchors(H, W, stride, size):
    ratios = jnp.asarray(RATIOS, jnp.float32)
    h = size * jnp.sqrt(ratios)
    w = size / jnp.sqrt(ratios)
    base = jnp.stack([-w / 2.0, -h / 2.0, w / 2.0, h / 2.0], axis=1)  # (A,4)
    sx = jnp.arange(W, dtype=jnp.float32) * stride
    sy = jnp.arange(H, dtype=jnp.float32) * stride
    sy, sx = jnp.meshgrid(sy, sx, indexing='ij')
    shifts = jnp.stack([sx, sy, sx, sy], axis=-1).reshape(-1, 1, 4)  # (H*W,1,4)
    return (shifts + base.reshape(1, -1, 4)).reshape(-1, 4)  # order (h, w, a)


def _apply_deltas(anchors, deltas):
    widths = anchors[:, 2] - anchors[:, 0]
    heights = anchors[:, 3] - anchors[:, 1]
    ctr_x = anchors[:, 0] + 0.5 * widths
    ctr_y = anchors[:, 1] + 0.5 * heights
    dx, dy, dw, dh = deltas[:, 0], deltas[:, 1], deltas[:, 2], deltas[:, 3]
    pred_ctr_x = dx * widths + ctr_x
    pred_ctr_y = dy * heights + ctr_y
    pred_w = jnp.exp(dw) * widths
    pred_h = jnp.exp(dh) * heights
    return jnp.stack([pred_ctr_x - 0.5 * pred_w, pred_ctr_y - 0.5 * pred_h,
                      pred_ctr_x + 0.5 * pred_w, pred_ctr_y + 0.5 * pred_h], axis=1)


def _nms(boxes, n, thresh):
    areas = (boxes[:, 2] - boxes[:, 0]) * (boxes[:, 3] - boxes[:, 1])
    idxs = jnp.arange(n)

    def body(i, keep):
        b = boxes[i]
        xx1 = jnp.maximum(b[0], boxes[:, 0])
        yy1 = jnp.maximum(b[1], boxes[:, 1])
        xx2 = jnp.minimum(b[2], boxes[:, 2])
        yy2 = jnp.minimum(b[3], boxes[:, 3])
        inter = jnp.clip(xx2 - xx1, 0.0) * jnp.clip(yy2 - yy1, 0.0)
        area_i = (b[2] - b[0]) * (b[3] - b[1])
        iou = inter / (area_i + areas - inter + 1e-9)
        suppress = (iou > thresh) & (idxs > i) & keep[i]
        return keep & (~suppress)

    return jax.lax.fori_loop(0, n, body, jnp.ones((n,), dtype=bool))


def setup_inputs(seed: int = 0) -> dict:
    key = jax.random.key(seed)
    ks = jax.random.split(key, 12)
    C, A = 256, 3
    inp = {}
    for i, (name, hw) in enumerate(zip(['p2', 'p3', 'p4', 'p5', 'p6'], [128, 64, 32, 16, 8])):
        inp[name] = jax.random.normal(ks[i], (1, C, hw, hw), dtype=jnp.float32)
    inp['conv_w'] = 0.01 * jax.random.normal(ks[5], (C, C, 3, 3), dtype=jnp.float32)
    inp['conv_b'] = jnp.zeros((C,), jnp.float32)
    inp['cls_w'] = 0.01 * jax.random.normal(ks[6], (A, C, 1, 1), dtype=jnp.float32)
    inp['cls_b'] = jnp.zeros((A,), jnp.float32)
    inp['bbox_w'] = 0.01 * jax.random.normal(ks[7], (A * 4, C, 1, 1), dtype=jnp.float32)
    inp['bbox_b'] = jnp.zeros((A * 4,), jnp.float32)
    inp['image_h'] = 512
    inp['image_w'] = 512
    return inp


def reference(p2, p3, p4, p5, p6, conv_w, conv_b, cls_w, cls_b, bbox_w, bbox_b, image_h, image_w):
    feats = [p2, p3, p4, p5, p6]
    image_h_f = jnp.asarray(image_h).astype(jnp.float32)
    image_w_f = jnp.asarray(image_w).astype(jnp.float32)
    props_all, scores_all = [], []
    for feat, stride, size in zip(feats, STRIDES, SIZES):
        t = jax.nn.relu(_conv(feat, conv_w, conv_b))
        logits = _conv(t, cls_w, cls_b)
        bbox = _conv(t, bbox_w, bbox_b)
        B, A, H, W = logits.shape
        logits = jnp.transpose(logits, (0, 2, 3, 1)).reshape(B, -1)
        bbox = jnp.transpose(bbox, (0, 2, 3, 1)).reshape(B, -1, 4)
        scores = jax.nn.sigmoid(logits[0])
        deltas = bbox[0]
        anchors = _make_anchors(H, W, stride, size)
        props = _apply_deltas(anchors, deltas)
        x1 = jnp.clip(props[:, 0], 0.0, image_w_f)
        y1 = jnp.clip(props[:, 1], 0.0, image_h_f)
        x2 = jnp.clip(props[:, 2], 0.0, image_w_f)
        y2 = jnp.clip(props[:, 3], 0.0, image_h_f)
        props = jnp.stack([x1, y1, x2, y2], axis=1)
        keep_small = ((x2 - x1) >= MIN_SIZE) & ((y2 - y1) >= MIN_SIZE)
        scores = jnp.where(keep_small, scores, -jnp.inf)
        props_all.append(props)
        scores_all.append(scores)
    props_all = jnp.concatenate(props_all, axis=0)
    scores_all = jnp.concatenate(scores_all, axis=0)
    num_pre = min(PRE_NMS_TOP_N, props_all.shape[0])
    order = jnp.argsort(-scores_all)[:num_pre]
    props_pre = props_all[order]
    keep = _nms(jax.lax.stop_gradient(props_pre), num_pre, NMS_THRESH)
    keep_idx = jnp.nonzero(keep, size=POST_NMS_TOP_N, fill_value=num_pre)[0]
    padded = jnp.concatenate([props_pre, jnp.zeros((1, 4), props_pre.dtype)], axis=0)
    return padded[keep_idx]  # (POST_NMS_TOP_N, 4); rows past the kept count are zero padding

if __name__ == "__main__":
    import jax
    _d = setup_inputs()
    print(jax.jit(kernel)(*tuple(_d.values())))

</pallas_src>

<mosaic_0001>
module attributes {stable_mosaic.version = 14 : i64} {
  func.func @_sort_body(%arg0: memref<512x128xf32, #tpu.memory_space<vmem>>, %arg1: memref<48x128xf32, #tpu.memory_space<vmem>>) attributes {dimension_semantics = [], scalar_prefetch = 0 : i64, scratch_operands = 0 : i64, tpu.core_type = #tpu.core_type<tc>} {
    %iota3A = tpu.iota {dimensions = array<i32: 0>} : vector<512x128xi32>
    %iota3A_0 = tpu.iota {dimensions = array<i32: 1>} : vector<512x128xi32>
    %mul3A = arith.constant 128 : i32
    %mul3A_1 = vector.broadcast %mul3A : i32 to vector<512x128xi32>
    %mul3A_2 = arith.muli %iota3A, %mul3A_1 : vector<512x128xi32>
    %add3A = arith.addi %mul3A_2, %iota3A_0 : vector<512x128xi32>
    %lt3A = arith.constant 65472 : i32
    %lt3A_3 = vector.broadcast %lt3A : i32 to vector<512x128xi32>
    %lt3A_4 = arith.cmpi slt, %add3A, %lt3A_3 : vector<512x128xi32>
    %get3A = arith.constant 0 : index
    %get3A_5 = arith.constant 0 : index
    %get3A_6 = vector.load %arg0[%get3A, %get3A_5] : memref<512x128xf32, #tpu.memory_space<vmem>>, vector<512x128xf32>
    %jit3A = arith.constant 0xFF800000 : f32
    %broadcast_in_dim3A = vector.broadcast %jit3A : f32 to vector<512x128xf32>
    %select_n3A = arith.select %lt3A_4, %get3A_6, %broadcast_in_dim3A : vector<512x128xi1>, vector<512x128xf32>
    %convert_element_type3A = arith.sitofp %add3A : vector<512x128xi32> to vector<512x128xf32>
    %and3A = arith.constant 2 : i32
    %and3A_7 = vector.broadcast %and3A : i32 to vector<512x128xi32>
    %and3A_8 = arith.andi %iota3A_0, %and3A_7 : vector<512x128xi32>
    %eq3A = arith.constant 0 : i32
    %eq3A_9 = vector.broadcast %eq3A : i32 to vector<512x128xi32>
    %eq3A_10 = arith.cmpi eq, %and3A_8, %eq3A_9 : vector<512x128xi32>
    %and3A_11 = arith.constant 1 : i32
    %and3A_12 = vector.broadcast %and3A_11 : i32 to vector<512x128xi32>
    %and3A_13 = arith.andi %iota3A_0, %and3A_12 : vector<512x128xi32>
    %eq3A_14 = arith.constant 0 : i32
    %eq3A_15 = vector.broadcast %eq3A_14 : i32 to vector<512x128xi32>
    %eq3A_16 = arith.cmpi eq, %and3A_13, %eq3A_15 : vector<512x128xi32>
    %roll3A = arith.constant 127 : i32
    %roll3A_17 = tpu.dynamic_rotate %select_n3A by %roll3A dim 1 : vector<512x128xf32>, i32 -> vector<512x128xf32>
    %roll3A_18 = arith.constant 1 : i32
    %roll3A_19 = tpu.dynamic_rotate %select_n3A by %roll3A_18 dim 1 : vector<512x128xf32>, i32 -> vector<512x128xf32>
    %select_n3A_20 = arith.select %eq3A_16, %roll3A_17, %roll3A_19 : vector<512x128xi1>, vector<512x128xf32>
    %and3A_21 = arith.constant 1 : i32
    %and3A_22 = vector.broadcast %and3A_21 : i32 to vector<512x128xi32>
    %and3A_23 = arith.andi %iota3A_0, %and3A_22 : vector<512x128xi32>
    %eq3A_24 = arith.constant 0 : i32
    %eq3A_25 = vector.broadcast %eq3A_24 : i32 to vector<512x128xi32>
    %eq3A_26 = arith.cmpi eq, %and3A_23, %eq3A_25 : vector<512x128xi32>
    %roll3A_27 = arith.constant 127 : i32
    %roll3A_28 = tpu.dynamic_rotate %convert_element_type3A by %roll3A_27 dim 1 : vector<512x128xf32>, i32 -> vector<512x128xf32>
    %roll3A_29 = arith.constant 1 : i32
    %roll3A_30 = tpu.dynamic_rotate %convert_element_type3A by %roll3A_29 dim 1 : vector<512x128xf32>, i32 -> vector<512x128xf32>
    %select_n3A_31 = arith.select %eq3A_26, %roll3A_28, %roll3A_30 : vector<512x128xi1>, vector<512x128xf32>
    %and3A_32 = arith.constant 1 : i32
    %and3A_33 = vector.broadcast %and3A_32 : i32 to vector<512x128xi32>
    %and3A_34 = arith.andi %iota3A_0, %and3A_33 : vector<512x128xi32>
    %eq3A_35 = arith.constant 0 : i32
    %eq3A_36 = vector.broadcast %eq3A_35 : i32 to vector<512x128xi32>
    %eq3A_37 = arith.cmpi eq, %and3A_34, %eq3A_36 : vector<512x128xi32>
    %gt3A = arith.cmpf ogt, %select_n3A, %select_n3A_20 : vector<512x128xf32>
    %eq3A_38 = arith.cmpf oeq, %select_n3A, %select_n3A_20 : vector<512x128xf32>
    %lt3A_39 = arith.cmpf olt, %convert_element_type3A, %select_n3A_31 : vector<512x128xf32>
    %and3A_40 = arith.andi %eq3A_38, %lt3A_39 : vector<512x128xi1>
    %or3A = arith.ori %gt3A, %and3A_40 : vector<512x128xi1>
    %eq3A_41 = arith.xori %eq3A_37, %eq3A_10 : vector<512x128xi1>
    %eq3A_42 = arith.constant dense<true> : vector<512x128xi1>
    %eq3A_43 = arith.xori %eq3A_41, %eq3A_42 : vector<512x128xi1>
    %eq3A_44 = arith.xori %or3A, %eq3A_43 : vector<512x128xi1>
    %eq3A_45 = arith.constant dense<true> : vector<512x128xi1>
    %eq3A_46 = arith.xori %eq3A_44, %eq3A_45 : vector<512x128xi1>
    %select_n3A_47 = arith.select %eq3A_46, %select_n3A, %select_n3A_20 : vector<512x128xi1>, vector<512x128xf32>
    %select_n3A_48 = arith.select %eq3A_46, %convert_element_type3A, %select_n3A_31 : vector<512x128xi1>, vector<512x128xf32>
    %and3A_49 = arith.constant 4 : i32
    %and3A_50 = vector.broadcast %and3A_49 : i32 to vector<512x128xi32>
    %and3A_51 = arith.andi %iota3A_0, %and3A_50 : vector<512x128xi32>
    %eq3A_52 = arith.constant 0 : i32
    %eq3A_53 = vector.broadcast %eq3A_52 : i32 to vector<512x128xi32>
    %eq3A_54 = arith.cmpi eq, %and3A_51, %eq3A_53 : vector<512x128xi32>
    %and3A_55 = arith.constant 2 : i32
    %and3A_56 = vector.broadcast %and3A_55 : i32 to vector<512x128xi32>
    %and3A_57 = arith.andi %iota3A_0, %and3A_56 : vector<512x128xi32>
    %eq3A_58 = arith.constant 0 : i32
    %eq3A_59 = vector.broadcast %eq3A_58 : i32 to vector<512x128xi32>
    %eq3A_60 = arith.cmpi eq, %and3A_57, %eq3A_59 : vector<512x128xi32>
    %roll3A_61 = arith.constant 126 : i32
    %roll3A_62 = tpu.dynamic_rotate %select_n3A_47 by %roll3A_61 dim 1 : vector<512x128xf32>, i32 -> vector<512x128xf32>
    %roll3A_63 = arith.constant 2 : i32
    %roll3A_64 = tpu.dynamic_rotate %select_n3A_47 by %roll3A_63 dim 1 : vector<512x128xf32>, i32 -> vector<512x128xf32>
    %select_n3A_65 = arith.select %eq3A_60, %roll3A_62, %roll3A_64 : vector<512x128xi1>, vector<512x128xf32>
    %and3A_66 = arith.constant 2 : i32
    %and3A_67 = vector.broadcast %and3A_66 : i32 to vector<512x128xi32>
    %and3A_68 = arith.andi %iota3A_0, %and3A_67 : vector<512x128xi32>
    %eq3A_69 = arith.constant 0 : i32
    %eq3A_70 = vector.broadcast %eq3A_69 : i32 to vector<512x128xi32>
    %eq3A_71 = arith.cmpi eq, %and3A_68, %eq3A_70 : vector<512x128xi32>
    %roll3A_72 = arith.constant 126 : i32
    %roll3A_73 = tpu.dynamic_rotate %select_n3A_48 by %roll3A_72 dim 1 : vector<512x128xf32>, i32 -> vector<512x128xf32>
    %roll3A_74 = arith.constant 2 : i32
    %roll3A_75 = tpu.dynamic_rotate %select_n3A_48 by %roll3A_74 dim 1 : vector<512x128xf32>, i32 -> vector<512x128xf32>
    %select_n3A_76 = arith.select %eq3A_71, %roll3A_73, %roll3A_75 : vector<512x128xi1>, vector<512x128xf32>
    %and3A_77 = arith.constant 2 : i32
    %and3A_78 = vector.broadcast %and3A_77 : i32 to vector<512x128xi32>
    %and3A_79 = arith.andi %iota3A_0, %and3A_78 : vector<512x128xi32>
    %eq3A_80 = arith.constant 0 : i32
    %eq3A_81 = vector.broadcast %eq3A_80 : i32 to vector<512x128xi32>
    %eq3A_82 = arith.cmpi eq, %and3A_79, %eq3A_81 : vector<512x128xi32>
    %gt3A_83 = arith.cmpf ogt, %select_n3A_47, %select_n3A_65 : vector<512x128xf32>
    %eq3A_84 = arith.cmpf oeq, %select_n3A_47, %select_n3A_65 : vector<512x128xf32>
    %lt3A_85 = arith.cmpf olt, %select_n3A_48, %select_n3A_76 : vector<512x128xf32>
    %and3A_86 = arith.andi %eq3A_84, %lt3A_85 : vector<512x128xi1>
    %or3A_87 = arith.ori %gt3A_83, %and3A_86 : vector<512x128xi1>
    %eq3A_88 = arith.xori %eq3A_82, %eq3A_54 : vector<512x128xi1>
    %eq3A_89 = arith.constant dense<true> : vector<512x128xi1>
    %eq3A_90 = arith.xori %eq3A_88, %eq3A_89 : vector<512x128xi1>
    %eq3A_91 = arith.xori %or3A_87, %eq3A_90 : vector<512x128xi1>
    %eq3A_92 = arith.constant dense<true> : vector<512x128xi1>
    %eq3A_93 = arith.xori %eq3A_91, %eq3A_92 : vector<512x128xi1>
    %select_n3A_94 = arith.select %eq3A_93, %select_n3A_47, %select_n3A_65 : vector<512x128xi1>, vector<512x128xf32>
    %select_n3A_95 = arith.select %eq3A_93, %select_n3A_48, %select_n3A_76 : vector<512x128xi1>, vector<512x128xf32>
    %and3A_96 = arith.constant 1 : i32
    %and3A_97 = vector.broadcast %and3A_96 : i32 to vector<512x128xi32>
    %and3A_98 = arith.andi %iota3A_0, %and3A_97 : vector<512x128xi32>
    %eq3A_99 = arith.constant 0 : i32
    %eq3A_100 = vector.broadcast %eq3A_99 : i32 to vector<512x128xi32>
    %eq3A_101 = arith.cmpi eq, %and3A_98, %eq3A_100 : vector<512x128xi32>
    %roll3A_102 = arith.constant 127 : i32
    %roll3A_103 = tpu.dynamic_rotate %select_n3A_94 by %roll3A_102 dim 1 : vector<512x128xf32>, i32 -> vector<512x128xf32>
    %roll3A_104 = arith.constant 1 : i32
    %roll3A_105 = tpu.dynamic_rotate %select_n3A_94 by %roll3A_104 dim 1 : vector<512x128xf32>, i32 -> vector<512x128xf32>
    %select_n3A_106 = arith.select %eq3A_101, %roll3A_103, %roll3A_105 : vector<512x128xi1>, vector<512x128xf32>
    %and3A_107 = arith.constant 1 : i32
    %and3A_108 = vector.broadcast %and3A_107 : i32 to vector<512x128xi32>
    %and3A_109 = arith.andi %iota3A_0, %and3A_108 : vector<512x128xi32>
    %eq3A_110 = arith.constant 0 : i32
    %eq3A_111 = vector.broadcast %eq3A_110 : i32 to vector<512x128xi32>
    %eq3A_112 = arith.cmpi eq, %and3A_109, %eq3A_111 : vector<512x128xi32>
    %roll3A_113 = arith.constant 127 : i32
    %roll3A_114 = tpu.dynamic_rotate %select_n3A_95 by %roll3A_113 dim 1 : vector<512x128xf32>, i32 -> vector<512x128xf32>
    %roll3A_115 = arith.constant 1 : i32
    %roll3A_116 = tpu.dynamic_rotate %select_n3A_95 by %roll3A_115 dim 1 : vector<512x128xf32>, i32 -> vector<512x128xf32>
    %select_n3A_117 = arith.select %eq3A_112, %roll3A_114, %roll3A_116 : vector<512x128xi1>, vector<512x128xf32>
    %and3A_118 = arith.constant 1 : i32
    %and3A_119 = vector.broadcast %and3A_118 : i32 to vector<512x128xi32>
    %and3A_120 = arith.andi %iota3A_0, %and3A_119 : vector<512x128xi32>
    %eq3A_121 = arith.constant 0 : i32
    %eq3A_122 = vector.broadcast %eq3A_121 : i32 to vector<512x128xi32>
    %eq3A_123 = arith.cmpi eq, %and3A_120, %eq3A_122 : vector<512x128xi32>
    %gt3A_124 = arith.cmpf ogt, %select_n3A_94, %select_n3A_106 : vector<512x128xf32>
    %eq3A_125 = arith.cmpf oeq, %select_n3A_94, %select_n3A_106 : vector<512x128xf32>
    %lt3A_126 = arith.cmpf olt, %select_n3A_95, %select_n3A_117 : vector<512x128xf32>
    %and3A_127 = arith.andi %eq3A_125, %lt3A_126 : vector<512x128xi1>
    %or3A_128 = arith.ori %gt3A_124, %and3A_127 : vector<512x128xi1>
    %eq3A_129 = arith.xori %eq3A_123, %eq3A_54 : vector<512x128xi1>
    %eq3A_130 = arith.constant dense<true> : vector<512x128xi1>
    %eq3A_131 = arith.xori %eq3A_129, %eq3A_130 : vector<512x128xi1>
    %eq3A_132 = arith.xori %or3A_128, %eq3A_131 : vector<512x128xi1>
    %eq3A_133 = arith.constant dense<true> : vector<512x128xi1>
    %eq3A_134 = arith.xori %eq3A_132, %eq3A_133 : vector<512x128xi1>
    %select_n3A_135 = arith.select %eq3A_134, %select_n3A_94, %select_n3A_106 : vector<512x128xi1>, vector<512x128xf32>
    %select_n3A_136 = arith.select %eq3A_134, %select_n3A_95, %select_n3A_117 : vector<512x128xi1>, vector<512x128xf32>
    %and3A_137 = arith.constant 8 : i32
    %and3A_138 = vector.broadcast %and3A_137 : i32 to vector<512x128xi32>
    %and3A_139 = arith.andi %iota3A_0, %and3A_138 : vector<512x128xi32>
    %eq3A_140 = arith.constant 0 : i32
    %eq3A_141 = vector.broadcast %eq3A_140 : i32 to vector<512x128xi32>
    %eq3A_142 = arith.cmpi eq, %and3A_139, %eq3A_141 : vector<512x128xi32>
    %and3A_143 = arith.constant 4 : i32
    %and3A_144 = vector.broadcast %and3A_143 : i32 to vector<512x128xi32>
    %and3A_145 = arith.andi %iota3A_0, %and3A_144 : vector<512x128xi32>
    %eq3A_146 = arith.constant 0 : i32
    %eq3A_147 = vector.broadcast %eq3A_146 : i32 to vector<512x128xi32>
    %eq3A_148 = arith.cmpi eq, %and3A_145, %eq3A_147 : vector<512x128xi32>
    %roll3A_149 = arith.constant 124 : i32
    %roll3A_150 = tpu.dynamic_rotate %select_n3A_135 by %roll3A_149 dim 1 : vector<512x128xf32>, i32 -> vector<512x128xf32>
    %roll3A_151 = arith.constant 4 : i32
    %roll3A_152 = tpu.dynamic_rotate %select_n3A_135 by %roll3A_151 dim 1 : vector<512x128xf32>, i32 -> vector<512x128xf32>
    %select_n3A_153 = arith.select %eq3A_148, %roll3A_150, %roll3A_152 : vector<512x128xi1>, vector<512x128xf32>
    %and3A_154 = arith.constant 4 : i32
    %and3A_155 = vector.broadcast %and3A_154 : i32 to vector<512x128xi32>
    %and3A_156 = arith.andi %iota3A_0, %and3A_155 : vector<512x128xi32>
    %eq3A_157 = arith.constant 0 : i32
    %eq3A_158 = vector.broadcast %eq3A_157 : i32 to vector<512x128xi32>
    %eq3A_159 = arith.cmpi eq, %and3A_156, %eq3A_158 : vector<512x128xi32>
    %roll3A_160 = arith.constant 124 : i32
    %roll3A_161 = tpu.dynamic_rotate %select_n3A_136 by %roll3A_160 dim 1 : vector<512x128xf32>, i32 -> vector<512x128xf32>
    %roll3A_162 = arith.constant 4 : i32
    %roll3A_163 = tpu.dynamic_rotate %select_n3A_136 by %roll3A_162 dim 1 : vector<512x128xf32>, i32 -> vector<512x128xf32>
    %select_n3A_164 = arith.select %eq3A_159, %roll3A_161, %roll3A_163 : vector<512x128xi1>, vector<512x128xf32>
    %and3A_165 = arith.constant 4 : i32
    %and3A_166 = vector.broadcast %and3A_165 : i32 to vector<512x128xi32>
    %and3A_167 = arith.andi %iota3A_0, %and3A_166 : vector<512x128xi32>
    %eq3A_168 = arith.constant 0 : i32
    %eq3A_169 = vector.broadcast %eq3A_168 : i32 to vector<512x128xi32>
    %eq3A_170 = arith.cmpi eq, %and3A_167, %eq3A_169 : vector<512x128xi32>
    %gt3A_171 = arith.cmpf ogt, %select_n3A_135, %select_n3A_153 : vector<512x128xf32>
    %eq3A_172 = arith.cmpf oeq, %select_n3A_135, %select_n3A_153 : vector<512x128xf32>
    %lt3A_173 = arith.cmpf olt, %select_n3A_136, %select_n3A_164 : vector<512x128xf32>
    %and3A_174 = arith.andi %eq3A_172, %lt3A_173 : vector<512x128xi1>
    %or3A_175 = arith.ori %gt3A_171, %and3A_174 : vector<512x128xi1>
    %eq3A_176 = arith.xori %eq3A_170, %eq3A_142 : vector<512x128xi1>
    %eq3A_177 = arith.constant dense<true> : vector<512x128xi1>
    %eq3A_178 = arith.xori %eq3A_176, %eq3A_177 : vector<512x128xi1>
    %eq3A_179 = arith.xori %or3A_175, %eq3A_178 : vector<512x128xi1>
    %eq3A_180 = arith.constant dense<true> : vector<512x128xi1>
    %eq3A_181 = arith.xori %eq3A_179, %eq3A_180 : vector<512x128xi1>
    %select_n3A_182 = arith.select %eq3A_181, %select_n3A_135, %select_n3A_153 : vector<512x128xi1>, vector<512x128xf32>
    %select_n3A_183 = arith.select %eq3A_181, %select_n3A_136, %select_n3A_164 : vector<512x128xi1>, vector<512x128xf32>
    %and3A_184 = arith.constant 2 : i32
    %and3A_185 = vector.broadcast %and3A_184 : i32 to vector<512x128xi32>
    %and3A_186 = arith.andi %iota3A_0, %and3A_185 : vector<512x128xi32>
    %eq3A_187 = arith.constant 0 : i32
    %eq3A_188 = vector.broadcast %eq3A_187 : i32 to vector<512x128xi32>
    %eq3A_189 = arith.cmpi eq, %and3A_186, %eq3A_188 : vector<512x128xi32>
    %roll3A_190 = arith.constant 126 : i32
    %roll3A_191 = tpu.dynamic_rotate %select_n3A_182 by %roll3A_190 dim 1 : vector<512x128xf32>, i32 -> vector<512x128xf32>
    %roll3A_192 = arith.constant 2 : i32
    %roll3A_193 = tpu.dynamic_rotate %select_n3A_182 by %roll3A_192 dim 1 : vector<512x128xf32>, i32 -> vector<512x128xf32>
    %select_n3A_194 = arith.select %eq3A_189, %roll3A_191, %roll3A_193 : vector<512x128xi1>, vector<512x128xf32>
    %and3A_195 = arith.constant 2 : i32
    %and3A_196 = vector.broadcast %and3A_195 : i32 to vector<512x128xi32>
    %and3A_197 = arith.andi %iota3A_0, %and3A_196 : vector<512x128xi32>
    %eq3A_198 = arith.constant 0 : i32
    %eq3A_199 = vector.broadcast %eq3A_198 : i32 to vector<512x128xi32>
    %eq3A_200 = arith.cmpi eq, %and3A_197, %eq3A_199 : vector<512x128xi32>
    %roll3A_201 = arith.constant 126 : i32
    %roll3A_202 = tpu.dynamic_rotate %select_n3A_183 by %roll3A_201 dim 1 : vector<512x128xf32>, i32 -> vector<512x128xf32>
    %roll3A_203 = arith.constant 2 : i32
    %roll3A_204 = tpu.dynamic_rotate %select_n3A_183 by %roll3A_203 dim 1 : vector<512x128xf32>, i32 -> vector<512x128xf32>
    %select_n3A_205 = arith.select %eq3A_200, %roll3A_202, %roll3A_204 : vector<512x128xi1>, vector<512x128xf32>
    %and3A_206 = arith.constant 2 : i32
    %and3A_207 = vector.broadcast %and3A_206 : i32 to vector<512x128xi32>
    %and3A_208 = arith.andi %iota3A_0, %and3A_207 : vector<512x128xi32>
    %eq3A_209 = arith.constant 0 : i32
    %eq3A_210 = vector.broadcast %eq3A_209 : i32 to vector<512x128xi32>
    %eq3A_211 = arith.cmpi eq, %and3A_208, %eq3A_210 : vector<512x128xi32>
    %gt3A_212 = arith.cmpf ogt, %select_n3A_182, %select_n3A_194 : vector<512x128xf32>
    %eq3A_213 = arith.cmpf oeq, %select_n3A_182, %select_n3A_194 : vector<512x128xf32>
    %lt3A_214 = arith.cmpf olt, %select_n3A_183, %select_n3A_205 : vector<512x128xf32>
    %and3A_215 = arith.andi %eq3A_213, %lt3A_214 : vector<512x128xi1>
    %or3A_216 = arith.ori %gt3A_212, %and3A_215 : vector<512x128xi1>
    %eq3A_217 = arith.xori %eq3A_211, %eq3A_142 : vector<512x128xi1>
    %eq3A_218 = arith.constant dense<true> : vector<512x128xi1>
    %eq3A_219 = arith.xori %eq3A_217, %eq3A_218 : vector<512x128xi1>
    %eq3A_220 = arith.xori %or3A_216, %eq3A_219 : vector<512x128xi1>
    %eq3A_221 = arith.constant dense<true> : vector<512x128xi1>
    %eq3A_222 = arith.xori %eq3A_220, %eq3A_221 : vector<512x128xi1>
    %select_n3A_223 = arith.select %eq3A_222, %select_n3A_182, %select_n3A_194 : vector<512x128xi1>, vector<512x128xf32>
    %select_n3A_224 = arith.select %eq3A_222, %select_n3A_183, %select_n3A_205 : vector<512x128xi1>, vector<512x128xf32>
    %and3A_225 = arith.constant 1 : i32
    %and3A_226 = vector.broadcast %and3A_225 : i32 to vector<512x128xi32>
    %and3A_227 = arith.andi %iota3A_0, %and3A_226 : vector<512x128xi32>
    %eq3A_228 = arith.constant 0 : i32
    %eq3A_229 = vector.broadcast %eq3A_228 : i32 to vector<512x128xi32>
    %eq3A_230 = arith.cmpi eq, %and3A_227, %eq3A_229 : vector<512x128xi32>
    %roll3A_231 = arith.constant 127 : i32
    %roll3A_232 = tpu.dynamic_rotate %select_n3A_223 by %roll3A_231 dim 1 : vector<512x128xf32>, i32 -> vector<512x128xf32>
    %roll3A_233 = arith.constant 1 : i32
    %roll3A_234 = tpu.dynamic_rotate %select_n3A_223 by %roll3A_233 dim 1 : vector<512x128xf32>, i32 -> vector<512x128xf32>
    %select_n3A_235 = arith.select %eq3A_230, %roll3A_232, %roll3A_234 : vector<512x128xi1>, vector<512x128xf32>
    %and3A_236 = arith.constant 1 : i32
    %and3A_237 = vector.broadcast %and3A_236 : i32 to vector<512x128xi32>
    %and3A_238 = arith.andi %iota3A_0, %and3A_237 : vector<512x128xi32>
    %eq3A_239 = arith.constant 0 : i32
    %eq3A_240 = vector.broadcast %eq3A_239 : i32 to vector<512x128xi32>
    %eq3A_241 = arith.cmpi eq, %and3A_238, %eq3A_240 : vector<512x128xi32>
    %roll3A_242 = arith.constant 127 : i32
    %roll3A_243 = tpu.dynamic_rotate %select_n3A_224 by %roll3A_242 dim 1 : vector<512x128xf32>, i32 -> vector<512x128xf32>
    %roll3A_244 = arith.constant 1 : i32
    %roll3A_245 = tpu.dynamic_rotate %select_n3A_224 by %roll3A_244 dim 1 : vector<512x128xf32>, i32 -> vector<512x128xf32>
    %select_n3A_246 = arith.select %eq3A_241, %roll3A_243, %roll3A_245 : vector<512x128xi1>, vector<512x128xf32>
    %and3A_247 = arith.constant 1 : i32
    %and3A_248 = vector.broadcast %and3A_247 : i32 to vector<512x128xi32>
    %and3A_249 = arith.andi %iota3A_0, %and3A_248 : vector<512x128xi32>
    %eq3A_250 = arith.constant 0 : i32
    %eq3A_251 = vector.broadcast %eq3A_250 : i32 to vector<512x128xi32>
    %eq3A_252 = arith.cmpi eq, %and3A_249, %eq3A_251 : vector<512x128xi32>
    %gt3A_253 = arith.cmpf ogt, %select_n3A_223, %select_n3A_235 : vector<512x128xf32>
    %eq3A_254 = arith.cmpf oeq, %select_n3A_223, %select_n3A_235 : vector<512x128xf32>
    %lt3A_255 = arith.cmpf olt, %select_n3A_224, %select_n3A_246 : vector<512x128xf32>
    %and3A_256 = arith.andi %eq3A_254, %lt3A_255 : vector<512x128xi1>
    %or3A_257 = arith.ori %gt3A_253, %and3A_256 : vector<512x128xi1>
    %eq3A_258 = arith.xori %eq3A_252, %eq3A_142 : vector<512x128xi1>
    %eq3A_259 = arith.constant dense<true> : vector<512x128xi1>
    %eq3A_260 = arith.xori %eq3A_258, %eq3A_259 : vector<512x128xi1>
    %eq3A_261 = arith.xori %or3A_257, %eq3A_260 : vector<512x128xi1>
    %eq3A_262 = arith.constant dense<true> : vector<512x128xi1>
    %eq3A_263 = arith.xori %eq3A_261, %eq3A_262 : vector<512x128xi1>
    %select_n3A_264 = arith.select %eq3A_263, %select_n3A_223, %select_n3A_235 : vector<512x128xi1>, vector<512x128xf32>
    %select_n3A_265 = arith.select %eq3A_263, %select_n3A_224, %select_n3A_246 : vector<512x128xi1>, vector<512x128xf32>
    %and3A_266 = arith.constant 16 : i32
    %and3A_267 = vector.broadcast %and3A_266 : i32 to vector<512x128xi32>
    %and3A_268 = arith.andi %iota3A_0, %and3A_267 : vector<512x128xi32>
    %eq3A_269 = arith.constant 0 : i32
    %eq3A_270 = vector.broadcast %eq3A_269 : i32 to vector<512x128xi32>
    %eq3A_271 = arith.cmpi eq, %and3A_268, %eq3A_270 : vector<512x128xi32>
    %and3A_272 = arith.constant 8 : i32
    %and3A_273 = vector.broadcast %and3A_272 : i32 to vector<512x128xi32>
    %and3A_274 = arith.andi %iota3A_0, %and3A_273 : vector<512x128xi32>
    %eq3A_275 = arith.constant 0 : i32
    %eq3A_276 = vector.broadcast %eq3A_275 : i32 to vector<512x128xi32>
    %eq3A_277 = arith.cmpi eq, %and3A_274, %eq3A_276 : vector<512x128xi32>
    %roll3A_278 = arith.constant 120 : i32
    %roll3A_279 = tpu.dynamic_rotate %select_n3A_264 by %roll3A_278 dim 1 : vector<512x128xf32>, i32 -> vector<512x128xf32>
    %roll3A_280 = arith.constant 8 : i32
    %roll3A_281 = tpu.dynamic_rotate %select_n3A_264 by %roll3A_280 dim 1 : vector<512x128xf32>, i32 -> vector<512x128xf32>
    %select_n3A_282 = arith.select %eq3A_277, %roll3A_279, %roll3A_281 : vector<512x128xi1>, vector<512x128xf32>
    %and3A_283 = arith.constant 8 : i32
    %and3A_284 = vector.broadcast %and3A_283 : i32 to vector<512x128xi32>
    %and3A_285 = arith.andi %iota3A_0, %and3A_284 : vector<512x128xi32>
    %eq3A_286 = arith.constant 0 : i32
    %eq3A_287 = vector.broadcast %eq3A_286 : i32 to vector<512x128xi32>
    %eq3A_288 = arith.cmpi eq, %and3A_285, %eq3A_287 : vector<512x128xi32>
    %roll3A_289 = arith.constant 120 : i32
    %roll3A_290 = tpu.dynamic_rotate %select_n3A_265 by %roll3A_289 dim 1 : vector<512x128xf32>, i32 -> vector<512x128xf32>
    %roll3A_291 = arith.constant 8 : i32
    %roll3A_292 = tpu.dynamic_rotate %select_n3A_265 by %roll3A_291 dim 1 : vector<512x128xf32>, i32 -> vector<512x128xf32>
    %select_n3A_293 = arith.select %eq3A_288, %roll3A_290, %roll3A_292 : vector<512x128xi1>, vector<512x128xf32>
    %and3A_294 = arith.constant 8 : i32
    %and3A_295 = vector.broadcast %and3A_294 : i32 to vector<512x128xi32>
    %and3A_296 = arith.andi %iota3A_0, %and3A_295 : vector<512x128xi32>
    %eq3A_297 = arith.constant 0 : i32
    %eq3A_298 = vector.broadcast %eq3A_297 : i32 to vector<512x128xi32>
    %eq3A_299 = arith.cmpi eq, %and3A_296, %eq3A_298 : vector<512x128xi32>
    %gt3A_300 = arith.cmpf ogt, %select_n3A_264, %select_n3A_282 : vector<512x128xf32>
    %eq3A_301 = arith.cmpf oeq, %select_n3A_264, %select_n3A_282 : vector<512x128xf32>
    %lt3A_302 = arith.cmpf olt, %select_n3A_265, %select_n3A_293 : vector<512x128xf32>
    %and3A_303 = arith.andi %eq3A_301, %lt3A_302 : vector<512x128xi1>
    %or3A_304 = arith.ori %gt3A_300, %and3A_303 : vector<512x128xi1>
    %eq3A_305 = arith.xori %eq3A_299, %eq3A_271 : vector<512x128xi1>
    %eq3A_306 = arith.constant dense<true> : vector<512x128xi1>
    %eq3A_307 = arith.xori %eq3A_305, %eq3A_306 : vector<512x128xi1>
    %eq3A_308 = arith.xori %or3A_304, %eq3A_307 : vector<512x128xi1>
    %eq3A_309 = arith.constant dense<true> : vector<512x128xi1>
    %eq3A_310 = arith.xori %eq3A_308, %eq3A_309 : vector<512x128xi1>
    %select_n3A_311 = arith.select %eq3A_310, %select_n3A_264, %select_n3A_282 : vector<512x128xi1>, vector<512x128xf32>
    %select_n3A_312 = arith.select %eq3A_310, %select_n3A_265, %select_n3A_293 : vector<512x128xi1>, vector<512x128xf32>
    %and3A_313 = arith.constant 4 : i32
    %and3A_314 = vector.broadcast %and3A_313 : i32 to vector<512x128xi32>
    %and3A_315 = arith.andi %iota3A_0, %and3A_314 : vector<512x128xi32>
    %eq3A_316 = arith.constant 0 : i32
    %eq3A_317 = vector.broadcast %eq3A_316 : i32 to vector<512x128xi32>
    %eq3A_318 = arith.cmpi eq, %and3A_315, %eq3A_317 : vector<512x128xi32>
    %roll3A_319 = arith.constant 124 : i32
    %roll3A_320 = tpu.dynamic_rotate %select_n3A_311 by %roll3A_319 dim 1 : vector<512x128xf32>, i32 -> vector<512x128xf32>
    %roll3A_321 = arith.constant 4 : i32
    %roll3A_322 = tpu.dynamic_rotate %select_n3A_311 by %roll3A_321 dim 1 : vector<512x128xf32>, i32 -> vector<512x128xf32>
    %select_n3A_323 = arith.select %eq3A_318, %roll3A_320, %roll3A_322 : vector<512x128xi1>, vector<512x128xf32>
    %and3A_324 = arith.constant 4 : i32
    %and3A_325 = vector.broadcast %and3A_324 : i32 to vector<512x128xi32>
    %and3A_326 = arith.andi %iota3A_0, %and3A_325 : vector<512x128xi32>
    %eq3A_327 = arith.constant 0 : i32
    %eq3A_328 = vector.broadcast %eq3A_327 : i32 to vector<512x128xi32>
    %eq3A_329 = arith.cmpi eq, %and3A_326, %eq3A_328 : vector<512x128xi32>
    %roll3A_330 = arith.constant 124 : i32
    %roll3A_331 = tpu.dynamic_rotate %select_n3A_312 by %roll3A_330 dim 1 : vector<512x128xf32>, i32 -> vector<512x128xf32>
    %roll3A_332 = arith.constant 4 : i32
    %roll3A_333 = tpu.dynamic_rotate %select_n3A_312 by %roll3A_332 dim 1 : vector<512x128xf32>, i32 -> vector<512x128xf32>
    %select_n3A_334 = arith.select %eq3A_329, %roll3A_331, %roll3A_333 : vector<512x128xi1>, vector<512x128xf32>
    %and3A_335 = arith.constant 4 : i32
    %and3A_336 = vector.broadcast %and3A_335 : i32 to vector<512x128xi32>
    %and3A_337 = arith.andi %iota3A_0, %and3A_336 : vector<512x128xi32>
    %eq3A_338 = arith.constant 0 : i32
    %eq3A_339 = vector.broadcast %eq3A_338 : i32 to vector<512x128xi32>
    %eq3A_340 = arith.cmpi eq, %and3A_337, %eq3A_339 : vector<512x128xi32>
    %gt3A_341 = arith.cmpf ogt, %select_n3A_311, %select_n3A_323 : vector<512x128xf32>
    %eq3A_342 = arith.cmpf oeq, %select_n3A_311, %select_n3A_323 : vector<512x128xf32>
    %lt3A_343 = arith.cmpf olt, %select_n3A_312, %select_n3A_334 : vector<512x128xf32>
    %and3A_344 = arith.andi %eq3A_342, %lt3A_343 : vector<512x128xi1>
    %or3A_345 = arith.ori %gt3A_341, %and3A_344 : vector<512x128xi1>
    %eq3A_346 = arith.xori %eq3A_340, %eq3A_271 : vector<512x128xi1>
    %eq3A_347 = arith.constant dense<true> : vector<512x128xi1>
    %eq3A_348 = arith.xori %eq3A_346, %eq3A_347 : vector<512x128xi1>
    %eq3A_349 = arith.xori %or3A_345, %eq3A_348 : vector<512x128xi1>
    %eq3A_350 = arith.constant dense<true> : vector<512x128xi1>
    %eq3A_351 = arith.xori %eq3A_349, %eq3A_350 : vector<512x128xi1>
    %select_n3A_352 = arith.select %eq3A_351, %select_n3A_311, %select_n3A_323 : vector<512x128xi1>, vector<512x128xf32>
    %select_n3A_353 = arith.select %eq3A_351, %select_n3A_312, %select_n3A_334 : vector<512x128xi1>, vector<512x128xf32>
    %and3A_354 = arith.constant 2 : i32
    %and3A_355 = vector.broadcast %and3A_354 : i32 to vector<512x128xi32>
    %and3A_356 = arith.andi %iota3A_0, %and3A_355 : vector<512x128xi32>
    %eq3A_357 = arith.constant 0 : i32
    %eq3A_358 = vector.broadcast %eq3A_357 : i32 to vector<512x128xi32>
    %eq3A_359 = arith.cmpi eq, %and3A_356, %eq3A_358 : vector<512x128xi32>
    %roll3A_360 = arith.constant 126 : i32
    %roll3A_361 = tpu.dynamic_rotate %select_n3A_352 by %roll3A_360 dim 1 : vector<512x128xf32>, i32 -> vector<512x128xf32>
    %roll3A_362 = arith.constant 2 : i32
    %roll3A_363 = tpu.dynamic_rotate %select_n3A_352 by %roll3A_362 dim 1 : vector<512x128xf32>, i32 -> vector<512x128xf32>
    %select_n3A_364 = arith.select %eq3A_359, %roll3A_361, %roll3A_363 : vector<512x128xi1>, vector<512x128xf32>
    %and3A_365 = arith.constant 2 : i32
    %and3A_366 = vector.broadcast %and3A_365 : i32 to vector<512x128xi32>
    %and3A_367 = arith.andi %iota3A_0, %and3A_366 : vector<512x128xi32>
    %eq3A_368 = arith.constant 0 : i32
    %eq3A_369 = vector.broadcast %eq3A_368 : i32 to vector<512x128xi32>
    %eq3A_370 = arith.cmpi eq, %and3A_367, %eq3A_369 : vector<512x128xi32>
    %roll3A_371 = arith.constant 126 : i32
    %roll3A_372 = tpu.dynamic_rotate %select_n3A_353 by %roll3A_371 dim 1 : vector<512x128xf32>, i32 -> vector<512x128xf32>
    %roll3A_373 = arith.constant 2 : i32
    %roll3A_374 = tpu.dynamic_rotate %select_n3A_353 by %roll3A_373 dim 1 : vector<512x128xf32>, i32 -> vector<512x128xf32>
    %select_n3A_375 = arith.select %eq3A_370, %roll3A_372, %roll3A_374 : vector<512x128xi1>, vector<512x128xf32>
    %and3A_376 = arith.constant 2 : i32
    %and3A_377 = vector.broadcast %and3A_376 : i32 to vector<512x128xi32>
    %and3A_378 = arith.andi %iota3A_0, %and3A_377 : vector<512x128xi32>
    %eq3A_379 = arith.constant 0 : i32
    %eq3A_380 = vector.broadcast %eq3A_379 : i32 to vector<512x128xi32>
    %eq3A_381 = arith.cmpi eq, %and3A_378, %eq3A_380 : vector<512x128xi32>
    %gt3A_382 = arith.cmpf ogt, %select_n3A_352, %select_n3A_364 : vector<512x128xf32>
    %eq3A_383 = arith.cmpf oeq, %select_n3A_352, %select_n3A_364 : vector<512x128xf32>
    %lt3A_384 = arith.cmpf olt, %select_n3A_353, %select_n3A_375 : vector<512x128xf32>
    %and3A_385 = arith.andi %eq3A_383, %lt3A_384 : vector<512x128xi1>
    %or3A_386 = arith.ori %gt3A_382, %and3A_385 : vector<512x128xi1>
    %eq3A_387 = arith.xori %eq3A_381, %eq3A_271 : vector<512x128xi1>
    %eq3A_388 = arith.constant dense<true> : vector<512x128xi1>
    %eq3A_389 = arith.xori %eq3A_387, %eq3A_388 : vector<512x128xi1>
    %eq3A_390 = arith.xori %or3A_386, %eq3A_389 : vector<512x128xi1>
    %eq3A_391 = arith.constant dense<true> : vector<512x128xi1>
    %eq3A_392 = arith.xori %eq3A_390, %eq3A_391 : vector<512x128xi1>
    %select_n3A_393 = arith.select %eq3A_392, %select_n3A_352, %select_n3A_364 : vector<512x128xi1>, vector<512x128xf32>
    %select_n3A_394 = arith.select %eq3A_392, %select_n3A_353, %select_n3A_375 : vector<512x128xi1>, vector<512x128xf32>
    %and3A_395 = arith.constant 1 : i32
    %and3A_396 = vector.broadcast %and3A_395 : i32 to vector<512x128xi32>
    %and3A_397 = arith.andi %iota3A_0, %and3A_396 : vector<512x128xi32>
    %eq3A_398 = arith.constant 0 : i32
    %eq3A_399 = vector.broadcast %eq3A_398 : i32 to vector<512x128xi32>
    %eq3A_400 = arith.cmpi eq, %and3A_397, %eq3A_399 : vector<512x128xi32>
    %roll3A_401 = arith.constant 127 : i32
    %roll3A_402 = tpu.dynamic_rotate %select_n3A_393 by %roll3A_401 dim 1 : vector<512x128xf32>, i32 -> vector<512x128xf32>
    %roll3A_403 = arith.constant 1 : i32
    %roll3A_404 = tpu.dynamic_rotate %select_n3A_393 by %roll3A_403 dim 1 : vector<512x128xf32>, i32 -> vector<512x128xf32>
    %select_n3A_405 = arith.select %eq3A_400, %roll3A_402, %roll3A_404 : vector<512x128xi1>, vector<512x128xf32>
    %and3A_406 = arith.constant 1 : i32
    %and3A_407 = vector.broadcast %and3A_406 : i32 to vector<512x128xi32>
    %and3A_408 = arith.andi %iota3A_0, %and3A_407 : vector<512x128xi32>
    %eq3A_409 = arith.constant 0 : i32
    %eq3A_410 = vector.broadcast %eq3A_409 : i32 to vector<512x128xi32>
    %eq3A_411 = arith.cmpi eq, %and3A_408, %eq3A_410 : vector<512x128xi32>
    %roll3A_412 = arith.constant 127 : i32
    %roll3A_413 = tpu.dynamic_rotate %select_n3A_394 by %roll3A_412 dim 1 : vector<512x128xf32>, i32 -> vector<512x128xf32>
    %roll3A_414 = arith.constant 1 : i32
    %roll3A_415 = tpu.dynamic_rotate %select_n3A_394 by %roll3A_414 dim 1 : vector<512x128xf32>, i32 -> vector<512x128xf32>
    %select_n3A_416 = arith.select %eq3A_411, %roll3A_413, %roll3A_415 : vector<512x128xi1>, vector<512x128xf32>
    %and3A_417 = arith.constant 1 : i32
    %and3A_418 = vector.broadcast %and3A_417 : i32 to vector<512x128xi32>
    %and3A_419 = arith.andi %iota3A_0, %and3A_418 : vector<512x128xi32>
    %eq3A_420 = arith.constant 0 : i32
    %eq3A_421 = vector.broadcast %eq3A_420 : i32 to vector<512x128xi32>
    %eq3A_422 = arith.cmpi eq, %and3A_419, %eq3A_421 : vector<512x128xi32>
    %gt3A_423 = arith.cmpf ogt, %select_n3A_393, %select_n3A_405 : vector<512x128xf32>
    %eq3A_424 = arith.cmpf oeq, %select_n3A_393, %select_n3A_405 : vector<512x128xf32>
    %lt3A_425 = arith.cmpf olt, %select_n3A_394, %select_n3A_416 : vector<512x128xf32>
    %and3A_426 = arith.andi %eq3A_424, %lt3A_425 : vector<512x128xi1>
    %or3A_427 = arith.ori %gt3A_423, %and3A_426 : vector<512x128xi1>
    %eq3A_428 = arith.xori %eq3A_422, %eq3A_271 : vector<512x128xi1>
    %eq3A_429 = arith.constant dense<true> : vector<512x128xi1>
    %eq3A_430 = arith.xori %eq3A_428, %eq3A_429 : vector<512x128xi1>
    %eq3A_431 = arith.xori %or3A_427, %eq3A_430 : vector<512x128xi1>
    %eq3A_432 = arith.constant dense<true> : vector<512x128xi1>
    %eq3A_433 = arith.xori %eq3A_431, %eq3A_432 : vector<512x128xi1>
    %select_n3A_434 = arith.select %eq3A_433, %select_n3A_393, %select_n3A_405 : vector<512x128xi1>, vector<512x128xf32>
    %select_n3A_435 = arith.select %eq3A_433, %select_n3A_394, %select_n3A_416 : vector<512x128xi1>, vector<512x128xf32>
    %and3A_436 = arith.constant 32 : i32
    %and3A_437 = vector.broadcast %and3A_436 : i32 to vector<512x128xi32>
    %and3A_438 = arith.andi %iota3A_0, %and3A_437 : vector<512x128xi32>
    %eq3A_439 = arith.constant 0 : i32
    %eq3A_440 = vector.broadcast %eq3A_439 : i32 to vector<512x128xi32>
    %eq3A_441 = arith.cmpi eq, %and3A_438, %eq3A_440 : vector<512x128xi32>
    %and3A_442 = arith.constant 16 : i32
    %and3A_443 = vector.broadcast %and3A_442 : i32 to vector<512x128xi32>
    %and3A_444 = arith.andi %iota3A_0, %and3A_443 : vector<512x128xi32>
    %eq3A_445 = arith.constant 0 : i32
    %eq3A_446 = vector.broadcast %eq3A_445 : i32 to vector<512x128xi32>
    %eq3A_447 = arith.cmpi eq, %and3A_444, %eq3A_446 : vector<512x128xi32>
    %roll3A_448 = arith.constant 112 : i32
    %roll3A_449 = tpu.dynamic_rotate %select_n3A_434 by %roll3A_448 dim 1 : vector<512x128xf32>, i32 -> vector<512x128xf32>
    %roll3A_450 = arith.constant 16 : i32
    %roll3A_451 = tpu.dynamic_rotate %select_n3A_434 by %roll3A_450 dim 1 : vector<512x128xf32>, i32 -> vector<512x128xf32>
    %select_n3A_452 = arith.select %eq3A_447, %roll3A_449, %roll3A_451 : vector<512x128xi1>, vector<512x128xf32>
    %and3A_453 = arith.constant 16 : i32
    %and3A_454 = vector.broadcast %and3A_453 : i32 to vector<512x128xi32>
    %and3A_455 = arith.andi %iota3A_0, %and3A_454 : vector<512x128xi32>
    %eq3A_456 = arith.constant 0 : i32
    %eq3A_457 = vector.broadcast %eq3A_456 : i32 to vector<512x128xi32>
    %eq3A_458 = arith.cmpi eq, %and3A_455, %eq3A_457 : vector<512x128xi32>
    %roll3A_459 = arith.constant 112 : i32
    %roll3A_460 = tpu.dynamic_rotate %select_n3A_435 by %roll3A_459 dim 1 : vector<512x128xf32>, i32 -> vector<512x128xf32>
    %roll3A_461 = arith.constant 16 : i32
    %roll3A_462 = tpu.dynamic_rotate %select_n3A_435 by %roll3A_461 dim 1 : vector<512x128xf32>, i32 -> vector<512x128xf32>
    %select_n3A_463 = arith.select %eq3A_458, %roll3A_460, %roll3A_462 : vector<512x128xi1>, vector<512x128xf32>
    %and3A_464 = arith.constant 16 : i32
    %and3A_465 = vector.broadcast %and3A_464 : i32 to vector<512x128xi32>
    %and3A_466 = arith.andi %iota3A_0, %and3A_465 : vector<512x128xi32>
    %eq3A_467 = arith.constant 0 : i32
    %eq3A_468 = vector.broadcast %eq3A_467 : i32 to vector<512x128xi32>
    %eq3A_469 = arith.cmpi eq, %and3A_466, %eq3A_468 : vector<512x128xi32>
    %gt3A_470 = arith.cmpf ogt, %select_n3A_434, %select_n3A_452 : vector<512x128xf32>
    %eq3A_471 = arith.cmpf oeq, %select_n3A_434, %select_n3A_452 : vector<512x128xf32>
    %lt3A_472 = arith.cmpf olt, %select_n3A_435, %select_n3A_463 : vector<512x128xf32>
    %and3A_473 = arith.andi %eq3A_471, %lt3A_472 : vector<512x128xi1>
    %or3A_474 = arith.ori %gt3A_470, %and3A_473 : vector<512x128xi1>
    %eq3A_475 = arith.xori %eq3A_469, %eq3A_441 : vector<512x128xi1>
    %eq3A_476 = arith.constant dense<true> : vector<512x128xi1>
    %eq3A_477 = arith.xori %eq3A_475, %eq3A_476 : vector<512x128xi1>
    %eq3A_478 = arith.xori %or3A_474, %eq3A_477 : vector<512x128xi1>
    %eq3A_479 = arith.constant dense<true> : vector<512x128xi1>
    %eq3A_480 = arith.xori %eq3A_478, %eq3A_479 : vector<512x128xi1>
    %select_n3A_481 = arith.select %eq3A_480, %select_n3A_434, %select_n3A_452 : vector<512x128xi1>, vector<512x128xf32>
    %select_n3A_482 = arith.select %eq3A_480, %select_n3A_435, %select_n3A_463 : vector<512x128xi1>, vector<512x128xf32>
    %and3A_483 = arith.constant 8 : i32
    %and3A_484 = vector.broadcast %and3A_483 : i32 to vector<512x128xi32>
    %and3A_485 = arith.andi %iota3A_0, %and3A_484 : vector<512x128xi32>
    %eq3A_486 = arith.constant 0 : i32
    %eq3A_487 = vector.broadcast %eq3A_486 : i32 to vector<512x128xi32>
    %eq3A_488 = arith.cmpi eq, %and3A_485, %eq3A_487 : vector<512x128xi32>
    %roll3A_489 = arith.constant 120 : i32
    %roll3A_490 = tpu.dynamic_rotate %select_n3A_481 by %roll3A_489 dim 1 : vector<512x128xf32>, i32 -> vector<512x128xf32>
    %roll3A_491 = arith.constant 8 : i32
    %roll3A_492 = tpu.dynamic_rotate %select_n3A_481 by %roll3A_491 dim 1 : vector<512x128xf32>, i32 -> vector<512x128xf32>
    %select_n3A_493 = arith.select %eq3A_488, %roll3A_490, %roll3A_492 : vector<512x128xi1>, vector<512x128xf32>
    %and3A_494 = arith.constant 8 : i32
    %and3A_495 = vector.broadcast %and3A_494 : i32 to vector<512x128xi32>
    %and3A_496 = arith.andi %iota3A_0, %and3A_495 : vector<512x128xi32>
    %eq3A_497 = arith.constant 0 : i32
    %eq3A_498 = vector.broadcast %eq3A_497 : i32 to vector<512x128xi32>
    %eq3A_499 = arith.cmpi eq, %and3A_496, %eq3A_498 : vector<512x128xi32>
    %roll3A_500 = arith.constant 120 : i32
    %roll3A_501 = tpu.dynamic_rotate %select_n3A_482 by %roll3A_500 dim 1 : vector<512x128xf32>, i32 -> vector<512x128xf32>
    %roll3A_502 = arith.constant 8 : i32
    %roll3A_503 = tpu.dynamic_rotate %select_n3A_482 by %roll3A_502 dim 1 : vector<512x128xf32>, i32 -> vector<512x128xf32>
    %select_n3A_504 = arith.select %eq3A_499, %roll3A_501, %roll3A_503 : vector<512x128xi1>, vector<512x128xf32>
    %and3A_505 = arith.constant 8 : i32
    %and3A_506 = vector.broadcast %and3A_505 : i32 to vector<512x128xi32>
    %and3A_507 = arith.andi %iota3A_0, %and3A_506 : vector<512x128xi32>
    %eq3A_508 = arith.constant 0 : i32
    %eq3A_509 = vector.broadcast %eq3A_508 : i32 to vector<512x128xi32>
    %eq3A_510 = arith.cmpi eq, %and3A_507, %eq3A_509 : vector<512x128xi32>
    %gt3A_511 = arith.cmpf ogt, %select_n3A_481, %select_n3A_493 : vector<512x128xf32>
    %eq3A_512 = arith.cmpf oeq, %select_n3A_481, %select_n3A_493 : vector<512x128xf32>
    %lt3A_513 = arith.cmpf olt, %select_n3A_482, %select_n3A_504 : vector<512x128xf32>
    %and3A_514 = arith.andi %eq3A_512, %lt3A_513 : vector<512x128xi1>
    %or3A_515 = arith.ori %gt3A_511, %and3A_514 : vector<512x128xi1>
    %eq3A_516 = arith.xori %eq3A_510, %eq3A_441 : vector<512x128xi1>
    %eq3A_517 = arith.constant dense<true> : vector<512x128xi1>
    %eq3A_518 = arith.xori %eq3A_516, %eq3A_517 : vector<512x128xi1>
    %eq3A_519 = arith.xori %or3A_515, %eq3A_518 : vector<512x128xi1>
    %eq3A_520 = arith.constant dense<true> : vector<512x128xi1>
    %eq3A_521 = arith.xori %eq3A_519, %eq3A_520 : vector<512x128xi1>
    %select_n3A_522 = arith.select %eq3A_521, %select_n3A_481, %select_n3A_493 : vector<512x128xi1>, vector<512x128xf32>
    %select_n3A_523 = arith.select %eq3A_521, %select_n3A_482, %select_n3A_504 : vector<512x128xi1>, vector<512x128xf32>
    %and3A_524 = arith.constant 4 : i32
    %and3A_525 = vector.broadcast %and3A_524 : i32 to vector<512x128xi32>
    %and3A_526 = arith.andi %iota3A_0, %and3A_525 : vector<512x128xi32>
    %eq3A_527 = arith.constant 0 : i32
    %eq3A_528 = vector.broadcast %eq3A_527 : i32 to vector<512x128xi32>
    %eq3A_529 = arith.cmpi eq, %and3A_526, %eq3A_528 : vector<512x128xi32>
    %roll3A_530 = arith.constant 124 : i32
    %roll3A_531 = tpu.dynamic_rotate %select_n3A_522 by %roll3A_530 dim 1 : vector<512x128xf32>, i32 -> vector<512x128xf32>
    %roll3A_532 = arith.constant 4 : i32
    %roll3A_533 = tpu.dynamic_rotate %select_n3A_522 by %roll3A_532 dim 1 : vector<512x128xf32>, i32 -> vector<512x128xf32>
    %select_n3A_534 = arith.select %eq3A_529, %roll3A_531, %roll3A_533 : vector<512x128xi1>, vector<512x128xf32>
    %and3A_535 = arith.constant 4 : i32
    %and3A_536 = vector.broadcast %and3A_535 : i32 to vector<512x128xi32>
    %and3A_537 = arith.andi %iota3A_0, %and3A_536 : vector<512x128xi32>
    %eq3A_538 = arith.constant 0 : i32
    %eq3A_539 = vector.broadcast %eq3A_538 : i32 to vector<512x128xi32>
    %eq3A_540 = arith.cmpi eq, %and3A_537, %eq3A_539 : vector<512x128xi32>
    %roll3A_541 = arith.constant 124 : i32
    %roll3A_542 = tpu.dynamic_rotate %select_n3A_523 by %roll3A_541 dim 1 : vector<512x128xf32>, i32 -> vector<512x128xf32>
    %roll3A_543 = arith.constant 4 : i32
    %roll3A_544 = tpu.dynamic_rotate %select_n3A_523 by %roll3A_543 dim 1 : vector<512x128xf32>, i32 -> vector<512x128xf32>
    %select_n3A_545 = arith.select %eq3A_540, %roll3A_542, %roll3A_544 : vector<512x128xi1>, vector<512x128xf32>
    %and3A_546 = arith.constant 4 : i32
    %and3A_547 = vector.broadcast %and3A_546 : i32 to vector<512x128xi32>
    %and3A_548 = arith.andi %iota3A_0, %and3A_547 : vector<512x128xi32>
    %eq3A_549 = arith.constant 0 : i32
    %eq3A_550 = vector.broadcast %eq3A_549 : i32 to vector<512x128xi32>
    %eq3A_551 = arith.cmpi eq, %and3A_548, %eq3A_550 : vector<512x128xi32>
    %gt3A_552 = arith.cmpf ogt, %select_n3A_522, %select_n3A_534 : vector<512x128xf32>
    %eq3A_553 = arith.cmpf oeq, %select_n3A_522, %select_n3A_534 : vector<512x128xf32>
    %lt3A_554 = arith.cmpf olt, %select_n3A_523, %select_n3A_545 : vector<512x128xf32>
    %and3A_555 = arith.andi %eq3A_553, %lt3A_554 : vector<512x128xi1>
    %or3A_556 = arith.ori %gt3A_552, %and3A_555 : vector<512x128xi1>
    %eq3A_557 = arith.xori %eq3A_551, %eq3A_441 : vector<512x128xi1>
    %eq3A_558 = arith.constant dense<true> : vector<512x128xi1>
    %eq3A_559 = arith.xori %eq3A_557, %eq3A_558 : vector<512x128xi1>
    %eq3A_560 = arith.xori %or3A_556, %eq3A_559 : vector<512x128xi1>
    %eq3A_561 = arith.constant dense<true> : vector<512x128xi1>
    %eq3A_562 = arith.xori %eq3A_560, %eq3A_561 : vector<512x128xi1>
    %select_n3A_563 = arith.select %eq3A_562, %select_n3A_522, %select_n3A_534 : vector<512x128xi1>, vector<512x128xf32>
    %select_n3A_564 = arith.select %eq3A_562, %select_n3A_523, %select_n3A_545 : vector<512x128xi1>, vector<512x128xf32>
    %and3A_565 = arith.constant 2 : i32
    %and3A_566 = vector.broadcast %and3A_565 : i32 to vector<512x128xi32>
    %and3A_567 = arith.andi %iota3A_0, %and3A_566 : vector<512x128xi32>
    %eq3A_568 = arith.constant 0 : i32
    %eq3A_569 = vector.broadcast %eq3A_568 : i32 to vector<512x128xi32>
    %eq3A_570 = arith.cmpi eq, %and3A_567, %eq3A_569 : vector<512x128xi32>
    %roll3A_571 = arith.constant 126 : i32
    %roll3A_572 = tpu.dynamic_rotate %select_n3A_563 by %roll3A_571 dim 1 : vector<512x128xf32>, i32 -> vector<512x128xf32>
    %roll3A_573 = arith.constant 2 : i32
    %roll3A_574 = tpu.dynamic_rotate %select_n3A_563 by %roll3A_573 dim 1 : vector<512x128xf32>, i32 -> vector<512x128xf32>
    %select_n3A_575 = arith.select %eq3A_570, %roll3A_572, %roll3A_574 : vector<512x128xi1>, vector<512x128xf32>
    %and3A_576 = arith.constant 2 : i32
    %and3A_577 = vector.broadcast %and3A_576 : i32 to vector<512x128xi32>
    %and3A_578 = arith.andi %iota3A_0, %and3A_577 : vector<512x128xi32>
    %eq3A_579 = arith.constant 0 : i32
    %eq3A_580 = vector.broadcast %eq3A_579 : i32 to vector<512x128xi32>
    %eq3A_581 = arith.cmpi eq, %and3A_578, %eq3A_580 : vector<512x128xi32>
    %roll3A_582 = arith.constant 126 : i32
    %roll3A_583 = tpu.dynamic_rotate %select_n3A_564 by %roll3A_582 dim 1 : vector<512x128xf32>, i32 -> vector<512x128xf32>
    %roll3A_584 = arith.constant 2 : i32
    %roll3A_585 = tpu.dynamic_rotate %select_n3A_564 by %roll3A_584 dim 1 : vector<512x128xf32>, i32 -> vector<512x128xf32>
    %select_n3A_586 = arith.select %eq3A_581, %roll3A_583, %roll3A_585 : vector<512x128xi1>, vector<512x128xf32>
    %and3A_587 = arith.constant 2 : i32
    %and3A_588 = vector.broadcast %and3A_587 : i32 to vector<512x128xi32>
    %and3A_589 = arith.andi %iota3A_0, %and3A_588 : vector<512x128xi32>
    %eq3A_590 = arith.constant 0 : i32
    %eq3A_591 = vector.broadcast %eq3A_590 : i32 to vector<512x128xi32>
    %eq3A_592 = arith.cmpi eq, %and3A_589, %eq3A_591 : vector<512x128xi32>
    %gt3A_593 = arith.cmpf ogt, %select_n3A_563, %select_n3A_575 : vector<512x128xf32>
    %eq3A_594 = arith.cmpf oeq, %select_n3A_563, %select_n3A_575 : vector<512x128xf32>
    %lt3A_595 = arith.cmpf olt, %select_n3A_564, %select_n3A_586 : vector<512x128xf32>
    %and3A_596 = arith.andi %eq3A_594, %lt3A_595 : vector<512x128xi1>
    %or3A_597 = arith.ori %gt3A_593, %and3A_596 : vector<512x128xi1>
    %eq3A_598 = arith.xori %eq3A_592, %eq3A_441 : vector<512x128xi1>
    %eq3A_599 = arith.constant dense<true> : vector<512x128xi1>
    %eq3A_600 = arith.xori %eq3A_598, %eq3A_599 : vector<512x128xi1>
    %eq3A_601 = arith.xori %or3A_597, %eq3A_600 : vector<512x128xi1>
    %eq3A_602 = arith.constant dense<true> : vector<512x128xi1>
    %eq3A_603 = arith.xori %eq3A_601, %eq3A_602 : vector<512x128xi1>
    %select_n3A_604 = arith.select %eq3A_603, %select_n3A_563, %select_n3A_575 : vector<512x128xi1>, vector<512x128xf32>
    %select_n3A_605 = arith.select %eq3A_603, %select_n3A_564, %select_n3A_586 : vector<512x128xi1>, vector<512x128xf32>
    %and3A_606 = arith.constant 1 : i32
    %and3A_607 = vector.broadcast %and3A_606 : i32 to vector<512x128xi32>
    %and3A_608 = arith.andi %iota3A_0, %and3A_607 : vector<512x128xi32>
    %eq3A_609 = arith.constant 0 : i32
    %eq3A_610 = vector.broadcast %eq3A_609 : i32 to vector<512x128xi32>
    %eq3A_611 = arith.cmpi eq, %and3A_608, %eq3A_610 : vector<512x128xi32>
    %roll3A_612 = arith.constant 127 : i32
    %roll3A_613 = tpu.dynamic_rotate %select_n3A_604 by %roll3A_612 dim 1 : vector<512x128xf32>, i32 -> vector<512x128xf32>
    %roll3A_614 = arith.constant 1 : i32
    %roll3A_615 = tpu.dynamic_rotate %select_n3A_604 by %roll3A_614 dim 1 : vector<512x128xf32>, i32 -> vector<512x128xf32>
    %select_n3A_616 = arith.select %eq3A_611, %roll3A_613, %roll3A_615 : vector<512x128xi1>, vector<512x128xf32>
    %and3A_617 = arith.constant 1 : i32
    %and3A_618 = vector.broadcast %and3A_617 : i32 to vector<512x128xi32>
    %and3A_619 = arith.andi %iota3A_0, %and3A_618 : vector<512x128xi32>
    %eq3A_620 = arith.constant 0 : i32
    %eq3A_621 = vector.broadcast %eq3A_620 : i32 to vector<512x128xi32>
    %eq3A_622 = arith.cmpi eq, %and3A_619, %eq3A_621 : vector<512x128xi32>
    %roll3A_623 = arith.constant 127 : i32
    %roll3A_624 = tpu.dynamic_rotate %select_n3A_605 by %roll3A_623 dim 1 : vector<512x128xf32>, i32 -> vector<512x128xf32>
    %roll3A_625 = arith.constant 1 : i32
    %roll3A_626 = tpu.dynamic_rotate %select_n3A_605 by %roll3A_625 dim 1 : vector<512x128xf32>, i32 -> vector<512x128xf32>
    %select_n3A_627 = arith.select %eq3A_622, %roll3A_624, %roll3A_626 : vector<512x128xi1>, vector<512x128xf32>
    %and3A_628 = arith.constant 1 : i32
    %and3A_629 = vector.broadcast %and3A_628 : i32 to vector<512x128xi32>
    %and3A_630 = arith.andi %iota3A_0, %and3A_629 : vector<512x128xi32>
    %eq3A_631 = arith.constant 0 : i32
    %eq3A_632 = vector.broadcast %eq3A_631 : i32 to vector<512x128xi32>
    %eq3A_633 = arith.cmpi eq, %and3A_630, %eq3A_632 : vector<512x128xi32>
    %gt3A_634 = arith.cmpf ogt, %select_n3A_604, %select_n3A_616 : vector<512x128xf32>
    %eq3A_635 = arith.cmpf oeq, %select_n3A_604, %select_n3A_616 : vector<512x128xf32>
    %lt3A_636 = arith.cmpf olt, %select_n3A_605, %select_n3A_627 : vector<512x128xf32>
    %and3A_637 = arith.andi %eq3A_635, %lt3A_636 : vector<512x128xi1>
    %or3A_638 = arith.ori %gt3A_634, %and3A_637 : vector<512x128xi1>
    %eq3A_639 = arith.xori %eq3A_633, %eq3A_441 : vector<512x128xi1>
    %eq3A_640 = arith.constant dense<true> : vector<512x128xi1>
    %eq3A_641 = arith.xori %eq3A_639, %eq3A_640 : vector<512x128xi1>
    %eq3A_642 = arith.xori %or3A_638, %eq3A_641 : vector<512x128xi1>
    %eq3A_643 = arith.constant dense<true> : vector<512x128xi1>
    %eq3A_644 = arith.xori %eq3A_642, %eq3A_643 : vector<512x128xi1>
    %select_n3A_645 = arith.select %eq3A_644, %select_n3A_604, %select_n3A_616 : vector<512x128xi1>, vector<512x128xf32>
    %select_n3A_646 = arith.select %eq3A_644, %select_n3A_605, %select_n3A_627 : vector<512x128xi1>, vector<512x128xf32>
    %and3A_647 = arith.constant 64 : i32
    %and3A_648 = vector.broadcast %and3A_647 : i32 to vector<512x128xi32>
    %and3A_649 = arith.andi %iota3A_0, %and3A_648 : vector<512x128xi32>
    %eq3A_650 = arith.constant 0 : i32
    %eq3A_651 = vector.broadcast %eq3A_650 : i32 to vector<512x128xi32>
    %eq3A_652 = arith.cmpi eq, %and3A_649, %eq3A_651 : vector<512x128xi32>
    %and3A_653 = arith.constant 32 : i32
    %and3A_654 = vector.broadcast %and3A_653 : i32 to vector<512x128xi32>
    %and3A_655 = arith.andi %iota3A_0, %and3A_654 : vector<512x128xi32>
    %eq3A_656 = arith.constant 0 : i32
    %eq3A_657 = vector.broadcast %eq3A_656 : i32 to vector<512x128xi32>
    %eq3A_658 = arith.cmpi eq, %and3A_655, %eq3A_657 : vector<512x128xi32>
    %roll3A_659 = arith.constant 96 : i32
    %roll3A_660 = tpu.dynamic_rotate %select_n3A_645 by %roll3A_659 dim 1 : vector<512x128xf32>, i32 -> vector<512x128xf32>
    %roll3A_661 = arith.constant 32 : i32
    %roll3A_662 = tpu.dynamic_rotate %select_n3A_645 by %roll3A_661 dim 1 : vector<512x128xf32>, i32 -> vector<512x128xf32>
    %select_n3A_663 = arith.select %eq3A_658, %roll3A_660, %roll3A_662 : vector<512x128xi1>, vector<512x128xf32>
    %and3A_664 = arith.constant 32 : i32
    %and3A_665 = vector.broadcast %and3A_664 : i32 to vector<512x128xi32>
    %and3A_666 = arith.andi %iota3A_0, %and3A_665 : vector<512x128xi32>
    %eq3A_667 = arith.constant 0 : i32
    %eq3A_668 = vector.broadcast %eq3A_667 : i32 to vector<512x128xi32>
    %eq3A_669 = arith.cmpi eq, %and3A_666, %eq3A_668 : vector<512x128xi32>
    %roll3A_670 = arith.constant 96 : i32
    %roll3A_671 = tpu.dynamic_rotate %select_n3A_646 by %roll3A_670 dim 1 : vector<512x128xf32>, i32 -> vector<512x128xf32>
    %roll3A_672 = arith.constant 32 : i32
    %roll3A_673 = tpu.dynamic_rotate %select_n3A_646 by %roll3A_672 dim 1 : vector<512x128xf32>, i32 -> vector<512x128xf32>
    %select_n3A_674 = arith.select %eq3A_669, %roll3A_671, %roll3A_673 : vector<512x128xi1>, vector<512x128xf32>
    %and3A_675 = arith.constant 32 : i32
    %and3A_676 = vector.broadcast %and3A_675 : i32 to vector<512x128xi32>
    %and3A_677 = arith.andi %iota3A_0, %and3A_676 : vector<512x128xi32>
    %eq3A_678 = arith.constant 0 : i32
    %eq3A_679 = vector.broadcast %eq3A_678 : i32 to vector<512x128xi32>
    %eq3A_680 = arith.cmpi eq, %and3A_677, %eq3A_679 : vector<512x128xi32>
    %gt3A_681 = arith.cmpf ogt, %select_n3A_645, %select_n3A_663 : vector<512x128xf32>
    %eq3A_682 = arith.cmpf oeq, %select_n3A_645, %select_n3A_663 : vector<512x128xf32>
    %lt3A_683 = arith.cmpf olt, %select_n3A_646, %select_n3A_674 : vector<512x128xf32>
    %and3A_684 = arith.andi %eq3A_682, %lt3A_683 : vector<512x128xi1>
    %or3A_685 = arith.ori %gt3A_681, %and3A_684 : vector<512x128xi1>
    %eq3A_686 = arith.xori %eq3A_680, %eq3A_652 : vector<512x128xi1>
    %eq3A_687 = arith.constant dense<true> : vector<512x128xi1>
    %eq3A_688 = arith.xori %eq3A_686, %eq3A_687 : vector<512x128xi1>
    %eq3A_689 = arith.xori %or3A_685, %eq3A_688 : vector<512x128xi1>
    %eq3A_690 = arith.constant dense<true> : vector<512x128xi1>
    %eq3A_691 = arith.xori %eq3A_689, %eq3A_690 : vector<512x128xi1>
    %select_n3A_692 = arith.select %eq3A_691, %select_n3A_645, %select_n3A_663 : vector<512x128xi1>, vector<512x128xf32>
    %select_n3A_693 = arith.select %eq3A_691, %select_n3A_646, %select_n3A_674 : vector<512x128xi1>, vector<512x128xf32>
    %and3A_694 = arith.constant 16 : i32
    %and3A_695 = vector.broadcast %and3A_694 : i32 to vector<512x128xi32>
    %and3A_696 = arith.andi %iota3A_0, %and3A_695 : vector<512x128xi32>
    %eq3A_697 = arith.constant 0 : i32
    %eq3A_698 = vector.broadcast %eq3A_697 : i32 to vector<512x128xi32>
    %eq3A_699 = arith.cmpi eq, %and3A_696, %eq3A_698 : vector<512x128xi32>
    %roll3A_700 = arith.constant 112 : i32
    %roll3A_701 = tpu.dynamic_rotate %select_n3A_692 by %roll3A_700 dim 1 : vector<512x128xf32>, i32 -> vector<512x128xf32>
    %roll3A_702 = arith.constant 16 : i32
    %roll3A_703 = tpu.dynamic_rotate %select_n3A_692 by %roll3A_702 dim 1 : vector<512x128xf32>, i32 -> vector<512x128xf32>
    %select_n3A_704 = arith.select %eq3A_699, %roll3A_701, %roll3A_703 : vector<512x128xi1>, vector<512x128xf32>
    %and3A_705 = arith.constant 16 : i32
    %and3A_706 = vector.broadcast %and3A_705 : i32 to vector<512x128xi32>
    %and3A_707 = arith.andi %iota3A_0, %and3A_706 : vector<512x128xi32>
    %eq3A_708 = arith.constant 0 : i32
    %eq3A_709 = vector.broadcast %eq3A_708 : i32 to vector<512x128xi32>
    %eq3A_710 = arith.cmpi eq, %and3A_707, %eq3A_709 : vector<512x128xi32>
    %roll3A_711 = arith.constant 112 : i32
    %roll3A_712 = tpu.dynamic_rotate %select_n3A_693 by %roll3A_711 dim 1 : vector<512x128xf32>, i32 -> vector<512x128xf32>
    %roll3A_713 = arith.constant 16 : i32
    %roll3A_714 = tpu.dynamic_rotate %select_n3A_693 by %roll3A_713 dim 1 : vector<512x128xf32>, i32 -> vector<512x128xf32>
    %select_n3A_715 = arith.select %eq3A_710, %roll3A_712, %roll3A_714 : vector<512x128xi1>, vector<512x128xf32>
    %and3A_716 = arith.constant 16 : i32
    %and3A_717 = vector.broadcast %and3A_716 : i32 to vector<512x128xi32>
    %and3A_718 = arith.andi %iota3A_0, %and3A_717 : vector<512x128xi32>
    %eq3A_719 = arith.constant 0 : i32
    %eq3A_720 = vector.broadcast %eq3A_719 : i32 to vector<512x128xi32>
    %eq3A_721 = arith.cmpi eq, %and3A_718, %eq3A_720 : vector<512x128xi32>
    %gt3A_722 = arith.cmpf ogt, %select_n3A_692, %select_n3A_704 : vector<512x128xf32>
    %eq3A_723 = arith.cmpf oeq, %select_n3A_692, %select_n3A_704 : vector<512x128xf32>
    %lt3A_724 = arith.cmpf olt, %select_n3A_693, %select_n3A_715 : vector<512x128xf32>
    %and3A_725 = arith.andi %eq3A_723, %lt3A_724 : vector<512x128xi1>
    %or3A_726 = arith.ori %gt3A_722, %and3A_725 : vector<512x128xi1>
    %eq3A_727 = arith.xori %eq3A_721, %eq3A_652 : vector<512x128xi1>
    %eq3A_728 = arith.constant dense<true> : vector<512x128xi1>
    %eq3A_729 = arith.xori %eq3A_727, %eq3A_728 : vector<512x128xi1>
    %eq3A_730 = arith.xori %or3A_726, %eq3A_729 : vector<512x128xi1>
    %eq3A_731 = arith.constant dense<true> : vector<512x128xi1>
    %eq3A_732 = arith.xori %eq3A_730, %eq3A_731 : vector<512x128xi1>
    %select_n3A_733 = arith.select %eq3A_732, %select_n3A_692, %select_n3A_704 : vector<512x128xi1>, vector<512x128xf32>
    %select_n3A_734 = arith.select %eq3A_732, %select_n3A_693, %select_n3A_715 : vector<512x128xi1>, vector<512x128xf32>
    %and3A_735 = arith.constant 8 : i32
    %and3A_736 = vector.broadcast %and3A_735 : i32 to vector<512x128xi32>
    %and3A_737 = arith.andi %iota3A_0, %and3A_736 : vector<512x128xi32>
    %eq3A_738 = arith.constant 0 : i32
    %eq3A_739 = vector.broadcast %eq3A_738 : i32 to vector<512x128xi32>
    %eq3A_740 = arith.cmpi eq, %and3A_737, %eq3A_739 : vector<512x128xi32>
    %roll3A_741 = arith.constant 120 : i32
    %roll3A_742 = tpu.dynamic_rotate %select_n3A_733 by %roll3A_741 dim 1 : vector<512x128xf32>, i32 -> vector<512x128xf32>
    %roll3A_743 = arith.constant 8 : i32
    %roll3A_744 = tpu.dynamic_rotate %select_n3A_733 by %roll3A_743 dim 1 : vector<512x128xf32>, i32 -> vector<512x128xf32>
    %select_n3A_745 = arith.select %eq3A_740, %roll3A_742, %roll3A_744 : vector<512x128xi1>, vector<512x128xf32>
    %and3A_746 = arith.constant 8 : i32
    %and3A_747 = vector.broadcast %and3A_746 : i32 to vector<512x128xi32>
    %and3A_748 = arith.andi %iota3A_0, %and3A_747 : vector<512x128xi32>
    %eq3A_749 = arith.constant 0 : i32
    %eq3A_750 = vector.broadcast %eq3A_749 : i32 to vector<512x128xi32>
    %eq3A_751 = arith.cmpi eq, %and3A_748, %eq3A_750 : vector<512x128xi32>
    %roll3A_752 = arith.constant 120 : i32
    %roll3A_753 = tpu.dynamic_rotate %select_n3A_734 by %roll3A_752 dim 1 : vector<512x128xf32>, i32 -> vector<512x128xf32>
    %roll3A_754 = arith.constant 8 : i32
    %roll3A_755 = tpu.dynamic_rotate %select_n3A_734 by %roll3A_754 dim 1 : vector<512x128xf32>, i32 -> vector<512x128xf32>
    %select_n3A_756 = arith.select %eq3A_751, %roll3A_753, %roll3A_755 : vector<512x128xi1>, vector<512x128xf32>
    %and3A_757 = arith.constant 8 : i32
    %and3A_758 = vector.broadcast %and3A_757 : i32 to vector<512x128xi32>
    %and3A_759 = arith.andi %iota3A_0, %and3A_758 : vector<512x128xi32>
    %eq3A_760 = arith.constant 0 : i32
    %eq3A_761 = vector.broadcast %eq3A_760 : i32 to vector<512x128xi32>
    %eq3A_762 = arith.cmpi eq, %and3A_759, %eq3A_761 : vector<512x128xi32>
    %gt3A_763 = arith.cmpf ogt, %select_n3A_733, %select_n3A_745 : vector<512x128xf32>
    %eq3A_764 = arith.cmpf oeq, %select_n3A_733, %select_n3A_745 : vector<512x128xf32>
    %lt3A_765 = arith.cmpf olt, %select_n3A_734, %select_n3A_756 : vector<512x128xf32>
    %and3A_766 = arith.andi %eq3A_764, %lt3A_765 : vector<512x128xi1>
    %or3A_767 = arith.ori %gt3A_763, %and3A_766 : vector<512x128xi1>
    %eq3A_768 = arith.xori %eq3A_762, %eq3A_652 : vector<512x128xi1>
    %eq3A_769 = arith.constant dense<true> : vector<512x128xi1>
    %eq3A_770 = arith.xori %eq3A_768, %eq3A_769 : vector<512x128xi1>
    %eq3A_771 = arith.xori %or3A_767, %eq3A_770 : vector<512x128xi1>
    %eq3A_772 = arith.constant dense<true> : vector<512x128xi1>
    %eq3A_773 = arith.xori %eq3A_771, %eq3A_772 : vector<512x128xi1>
    %select_n3A_774 = arith.select %eq3A_773, %select_n3A_733, %select_n3A_745 : vector<512x128xi1>, vector<512x128xf32>
    %select_n3A_775 = arith.select %eq3A_773, %select_n3A_734, %select_n3A_756 : vector<512x128xi1>, vector<512x128xf32>
    %and3A_776 = arith.constant 4 : i32
    %and3A_777 = vector.broadcast %and3A_776 : i32 to vector<512x128xi32>
    %and3A_778 = arith.andi %iota3A_0, %and3A_777 : vector<512x128xi32>
    %eq3A_779 = arith.constant 0 : i32
    %eq3A_780 = vector.broadcast %eq3A_779 : i32 to vector<512x128xi32>
    %eq3A_781 = arith.cmpi eq, %and3A_778, %eq3A_780 : vector<512x128xi32>
    %roll3A_782 = arith.constant 124 : i32
    %roll3A_783 = tpu.dynamic_rotate %select_n3A_774 by %roll3A_782 dim 1 : vector<512x128xf32>, i32 -> vector<512x128xf32>
    %roll3A_784 = arith.constant 4 : i32
    %roll3A_785 = tpu.dynamic_rotate %select_n3A_774 by %roll3A_784 dim 1 : vector<512x128xf32>, i32 -> vector<512x128xf32>
    %select_n3A_786 = arith.select %eq3A_781, %roll3A_783, %roll3A_785 : vector<512x128xi1>, vector<512x128xf32>
    %and3A_787 = arith.constant 4 : i32
    %and3A_788 = vector.broadcast %and3A_787 : i32 to vector<512x128xi32>
    %and3A_789 = arith.andi %iota3A_0, %and3A_788 : vector<512x128xi32>
    %eq3A_790 = arith.constant 0 : i32
    %eq3A_791 = vector.broadcast %eq3A_790 : i32 to vector<512x128xi32>
    %eq3A_792 = arith.cmpi eq, %and3A_789, %eq3A_791 : vector<512x128xi32>
    %roll3A_793 = arith.constant 124 : i32
    %roll3A_794 = tpu.dynamic_rotate %select_n3A_775 by %roll3A_793 dim 1 : vector<512x128xf32>, i32 -> vector<512x128xf32>
    %roll3A_795 = arith.constant 4 : i32
    %roll3A_796 = tpu.dynamic_rotate %select_n3A_775 by %roll3A_795 dim 1 : vector<512x128xf32>, i32 -> vector<512x128xf32>
    %select_n3A_797 = arith.select %eq3A_792, %roll3A_794, %roll3A_796 : vector<512x128xi1>, vector<512x128xf32>
    %and3A_798 = arith.constant 4 : i32
    %and3A_799 = vector.broadcast %and3A_798 : i32 to vector<512x128xi32>
    %and3A_800 = arith.andi %iota3A_0, %and3A_799 : vector<512x128xi32>
    %eq3A_801 = arith.constant 0 : i32
    %eq3A_802 = vector.broadcast %eq3A_801 : i32 to vector<512x128xi32>
    %eq3A_803 = arith.cmpi eq, %and3A_800, %eq3A_802 : vector<512x128xi32>
    %gt3A_804 = arith.cmpf ogt, %select_n3A_774, %select_n3A_786 : vector<512x128xf32>
    %eq3A_805 = arith.cmpf oeq, %select_n3A_774, %select_n3A_786 : vector<512x128xf32>
    %lt3A_806 = arith.cmpf olt, %select_n3A_775, %select_n3A_797 : vector<512x128xf32>
    %and3A_807 = arith.andi %eq3A_805, %lt3A_806 : vector<512x128xi1>
    %or3A_808 = arith.ori %gt3A_804, %and3A_807 : vector<512x128xi1>
    %eq3A_809 = arith.xori %eq3A_803, %eq3A_652 : vector<512x128xi1>
    %eq3A_810 = arith.constant dense<true> : vector<512x128xi1>
    %eq3A_811 = arith.xori %eq3A_809, %eq3A_810 : vector<512x128xi1>
    %eq3A_812 = arith.xori %or3A_808, %eq3A_811 : vector<512x128xi1>
    %eq3A_813 = arith.constant dense<true> : vector<512x128xi1>
    %eq3A_814 = arith.xori %eq3A_812, %eq3A_813 : vector<512x128xi1>
    %select_n3A_815 = arith.select %eq3A_814, %select_n3A_774, %select_n3A_786 : vector<512x128xi1>, vector<512x128xf32>
    %select_n3A_816 = arith.select %eq3A_814, %select_n3A_775, %select_n3A_797 : vector<512x128xi1>, vector<512x128xf32>
    %and3A_817 = arith.constant 2 : i32
    %and3A_818 = vector.broadcast %and3A_817 : i32 to vector<512x128xi32>
    %and3A_819 = arith.andi %iota3A_0, %and3A_818 : vector<512x128xi32>
    %eq3A_820 = arith.constant 0 : i32
    %eq3A_821 = vector.broadcast %eq3A_820 : i32 to vector<512x128xi32>
    %eq3A_822 = arith.cmpi eq, %and3A_819, %eq3A_821 : vector<512x128xi32>
    %roll3A_823 = arith.constant 126 : i32
    %roll3A_824 = tpu.dynamic_rotate %select_n3A_815 by %roll3A_823 dim 1 : vector<512x128xf32>, i32 -> vector<512x128xf32>
    %roll3A_825 = arith.constant 2 : i32
    %roll3A_826 = tpu.dynamic_rotate %select_n3A_815 by %roll3A_825 dim 1 : vector<512x128xf32>, i32 -> vector<512x128xf32>
    %select_n3A_827 = arith.select %eq3A_822, %roll3A_824, %roll3A_826 : vector<512x128xi1>, vector<512x128xf32>
    %and3A_828 = arith.constant 2 : i32
    %and3A_829 = vector.broadcast %and3A_828 : i32 to vector<512x128xi32>
    %and3A_830 = arith.andi %iota3A_0, %and3A_829 : vector<512x128xi32>
    %eq3A_831 = arith.constant 0 : i32
    %eq3A_832 = vector.broadcast %eq3A_831 : i32 to vector<512x128xi32>
    %eq3A_833 = arith.cmpi eq, %and3A_830, %eq3A_832 : vector<512x128xi32>
    %roll3A_834 = arith.constant 126 : i32
    %roll3A_835 = tpu.dynamic_rotate %select_n3A_816 by %roll3A_834 dim 1 : vector<512x128xf32>, i32 -> vector<512x128xf32>
    %roll3A_836 = arith.constant 2 : i32
    %roll3A_837 = tpu.dynamic_rotate %select_n3A_816 by %roll3A_836 dim 1 : vector<512x128xf32>, i32 -> vector<512x128xf32>
    %select_n3A_838 = arith.select %eq3A_833, %roll3A_835, %roll3A_837 : vector<512x128xi1>, vector<512x128xf32>
    %and3A_839 = arith.constant 2 : i32
    %and3A_840 = vector.broadcast %and3A_839 : i32 to vector<512x128xi32>
    %and3A_841 = arith.andi %iota3A_0, %and3A_840 : vector<512x128xi32>
    %eq3A_842 = arith.constant 0 : i32
    %eq3A_843 = vector.broadcast %eq3A_842 : i32 to vector<512x128xi32>
    %eq3A_844 = arith.cmpi eq, %and3A_841, %eq3A_843 : vector<512x128xi32>
    %gt3A_845 = arith.cmpf ogt, %select_n3A_815, %select_n3A_827 : vector<512x128xf32>
    %eq3A_846 = arith.cmpf oeq, %select_n3A_815, %select_n3A_827 : vector<512x128xf32>
    %lt3A_847 = arith.cmpf olt, %select_n3A_816, %select_n3A_838 : vector<512x128xf32>
    %and3A_848 = arith.andi %eq3A_846, %lt3A_847 : vector<512x128xi1>
    %or3A_849 = arith.ori %gt3A_845, %and3A_848 : vector<512x128xi1>
    %eq3A_850 = arith.xori %eq3A_844, %eq3A_652 : vector<512x128xi1>
    %eq3A_851 = arith.constant dense<true> : vector<512x128xi1>
    %eq3A_852 = arith.xori %eq3A_850, %eq3A_851 : vector<512x128xi1>
    %eq3A_853 = arith.xori %or3A_849, %eq3A_852 : vector<512x128xi1>
    %eq3A_854 = arith.constant dense<true> : vector<512x128xi1>
    %eq3A_855 = arith.xori %eq3A_853, %eq3A_854 : vector<512x128xi1>
    %select_n3A_856 = arith.select %eq3A_855, %select_n3A_815, %select_n3A_827 : vector<512x128xi1>, vector<512x128xf32>
    %select_n3A_857 = arith.select %eq3A_855, %select_n3A_816, %select_n3A_838 : vector<512x128xi1>, vector<512x128xf32>
    %and3A_858 = arith.constant 1 : i32
    %and3A_859 = vector.broadcast %and3A_858 : i32 to vector<512x128xi32>
    %and3A_860 = arith.andi %iota3A_0, %and3A_859 : vector<512x128xi32>
    %eq3A_861 = arith.constant 0 : i32
    %eq3A_862 = vector.broadcast %eq3A_861 : i32 to vector<512x128xi32>
    %eq3A_863 = arith.cmpi eq, %and3A_860, %eq3A_862 : vector<512x128xi32>
    %roll3A_864 = arith.constant 127 : i32
    %roll3A_865 = tpu.dynamic_rotate %select_n3A_856 by %roll3A_864 dim 1 : vector<512x128xf32>, i32 -> vector<512x128xf32>
    %roll3A_866 = arith.constant 1 : i32
    %roll3A_867 = tpu.dynamic_rotate %select_n3A_856 by %roll3A_866 dim 1 : vector<512x128xf32>, i32 -> vector<512x128xf32>
    %select_n3A_868 = arith.select %eq3A_863, %roll3A_865, %roll3A_867 : vector<512x128xi1>, vector<512x128xf32>
    %and3A_869 = arith.constant 1 : i32
    %and3A_870 = vector.broadcast %and3A_869 : i32 to vector<512x128xi32>
    %and3A_871 = arith.andi %iota3A_0, %and3A_870 : vector<512x128xi32>
    %eq3A_872 = arith.constant 0 : i32
    %eq3A_873 = vector.broadcast %eq3A_872 : i32 to vector<512x128xi32>
    %eq3A_874 = arith.cmpi eq, %and3A_871, %eq3A_873 : vector<512x128xi32>
    %roll3A_875 = arith.constant 127 : i32
    %roll3A_876 = tpu.dynamic_rotate %select_n3A_857 by %roll3A_875 dim 1 : vector<512x128xf32>, i32 -> vector<512x128xf32>
    %roll3A_877 = arith.constant 1 : i32
    %roll3A_878 = tpu.dynamic_rotate %select_n3A_857 by %roll3A_877 dim 1 : vector<512x128xf32>, i32 -> vector<512x128xf32>
    %select_n3A_879 = arith.select %eq3A_874, %roll3A_876, %roll3A_878 : vector<512x128xi1>, vector<512x128xf32>
    %and3A_880 = arith.constant 1 : i32
    %and3A_881 = vector.broadcast %and3A_880 : i32 to vector<512x128xi32>
    %and3A_882 = arith.andi %iota3A_0, %and3A_881 : vector<512x128xi32>
    %eq3A_883 = arith.constant 0 : i32
    %eq3A_884 = vector.broadcast %eq3A_883 : i32 to vector<512x128xi32>
    %eq3A_885 = arith.cmpi eq, %and3A_882, %eq3A_884 : vector<512x128xi32>
    %gt3A_886 = arith.cmpf ogt, %select_n3A_856, %select_n3A_868 : vector<512x128xf32>
    %eq3A_887 = arith.cmpf oeq, %select_n3A_856, %select_n3A_868 : vector<512x128xf32>
    %lt3A_888 = arith.cmpf olt, %select_n3A_857, %select_n3A_879 : vector<512x128xf32>
    %and3A_889 = arith.andi %eq3A_887, %lt3A_888 : vector<512x128xi1>
    %or3A_890 = arith.ori %gt3A_886, %and3A_889 : vector<512x128xi1>
    %eq3A_891 = arith.xori %eq3A_885, %eq3A_652 : vector<512x128xi1>
    %eq3A_892 = arith.constant dense<true> : vector<512x128xi1>
    %eq3A_893 = arith.xori %eq3A_891, %eq3A_892 : vector<512x128xi1>
    %eq3A_894 = arith.xori %or3A_890, %eq3A_893 : vector<512x128xi1>
    %eq3A_895 = arith.constant dense<true> : vector<512x128xi1>
    %eq3A_896 = arith.xori %eq3A_894, %eq3A_895 : vector<512x128xi1>
    %select_n3A_897 = arith.select %eq3A_896, %select_n3A_856, %select_n3A_868 : vector<512x128xi1>, vector<512x128xf32>
    %select_n3A_898 = arith.select %eq3A_896, %select_n3A_857, %select_n3A_879 : vector<512x128xi1>, vector<512x128xf32>
    %and3A_899 = arith.constant 1 : i32
    %and3A_900 = vector.broadcast %and3A_899 : i32 to vector<512x128xi32>
    %and3A_901 = arith.andi %iota3A, %and3A_900 : vector<512x128xi32>
    %eq3A_902 = arith.constant 0 : i32
    %eq3A_903 = vector.broadcast %eq3A_902 : i32 to vector<512x128xi32>
    %eq3A_904 = arith.cmpi eq, %and3A_901, %eq3A_903 : vector<512x128xi32>
    %and3A_905 = arith.constant 64 : i32
    %and3A_906 = vector.broadcast %and3A_905 : i32 to vector<512x128xi32>
    %and3A_907 = arith.andi %iota3A_0, %and3A_906 : vector<512x128xi32>
    %eq3A_908 = arith.constant 0 : i32
    %eq3A_909 = vector.broadcast %eq3A_908 : i32 to vector<512x128xi32>
    %eq3A_910 = arith.cmpi eq, %and3A_907, %eq3A_909 : vector<512x128xi32>
    %roll3A_911 = arith.constant 64 : i32
    %roll3A_912 = tpu.dynamic_rotate %select_n3A_897 by %roll3A_911 dim 1 : vector<512x128xf32>, i32 -> vector<512x128xf32>
    %roll3A_913 = arith.constant 64 : i32
    %roll3A_914 = tpu.dynamic_rotate %select_n3A_897 by %roll3A_913 dim 1 : vector<512x128xf32>, i32 -> vector<512x128xf32>
    %select_n3A_915 = arith.select %eq3A_910, %roll3A_912, %roll3A_914 : vector<512x128xi1>, vector<512x128xf32>
    %and3A_916 = arith.constant 64 : i32
    %and3A_917 = vector.broadcast %and3A_916 : i32 to vector<512x128xi32>
    %and3A_918 = arith.andi %iota3A_0, %and3A_917 : vector<512x128xi32>
    %eq3A_919 = arith.constant 0 : i32
    %eq3A_920 = vector.broadcast %eq3A_919 : i32 to vector<512x128xi32>
    %eq3A_921 = arith.cmpi eq, %and3A_918, %eq3A_920 : vector<512x128xi32>
    %roll3A_922 = arith.constant 64 : i32
    %roll3A_923 = tpu.dynamic_rotate %select_n3A_898 by %roll3A_922 dim 1 : vector<512x128xf32>, i32 -> vector<512x128xf32>
    %roll3A_924 = arith.constant 64 : i32
    %roll3A_925 = tpu.dynamic_rotate %select_n3A_898 by %roll3A_924 dim 1 : vector<512x128xf32>, i32 -> vector<512x128xf32>
    %select_n3A_926 = arith.select %eq3A_921, %roll3A_923, %roll3A_925 : vector<512x128xi1>, vector<512x128xf32>
    %and3A_927 = arith.constant 64 : i32
    %and3A_928 = vector.broadcast %and3A_927 : i32 to vector<512x128xi32>
    %and3A_929 = arith.andi %iota3A_0, %and3A_928 : vector<512x128xi32>
    %eq3A_930 = arith.constant 0 : i32
    %eq3A_931 = vector.broadcast %eq3A_930 : i32 to vector<512x128xi32>
    %eq3A_932 = arith.cmpi eq, %and3A_929, %eq3A_931 : vector<512x128xi32>
    %gt3A_933 = arith.cmpf ogt, %select_n3A_897, %select_n3A_915 : vector<512x128xf32>
    %eq3A_934 = arith.cmpf oeq, %select_n3A_897, %select_n3A_915 : vector<512x128xf32>
    %lt3A_935 = arith.cmpf olt, %select_n3A_898, %select_n3A_926 : vector<512x128xf32>
    %and3A_936 = arith.andi %eq3A_934, %lt3A_935 : vector<512x128xi1>
    %or3A_937 = arith.ori %gt3A_933, %and3A_936 : vector<512x128xi1>
    %eq3A_938 = arith.xori %eq3A_932, %eq3A_904 : vector<512x128xi1>
    %eq3A_939 = arith.constant dense<true> : vector<512x128xi1>
    %eq3A_940 = arith.xori %eq3A_938, %eq3A_939 : vector<512x128xi1>
    %eq3A_941 = arith.xori %or3A_937, %eq3A_940 : vector<512x128xi1>
    %eq3A_942 = arith.constant dense<true> : vector<512x128xi1>
    %eq3A_943 = arith.xori %eq3A_941, %eq3A_942 : vector<512x128xi1>
    %select_n3A_944 = arith.select %eq3A_943, %select_n3A_897, %select_n3A_915 : vector<512x128xi1>, vector<512x128xf32>
    %select_n3A_945 = arith.select %eq3A_943, %select_n3A_898, %select_n3A_926 : vector<512x128xi1>, vector<512x128xf32>
    %and3A_946 = arith.constant 32 : i32
    %and3A_947 = vector.broadcast %and3A_946 : i32 to vector<512x128xi32>
    %and3A_948 = arith.andi %iota3A_0, %and3A_947 : vector<512x128xi32>
    %eq3A_949 = arith.constant 0 : i32
    %eq3A_950 = vector.broadcast %eq3A_949 : i32 to vector<512x128xi32>
    %eq3A_951 = arith.cmpi eq, %and3A_948, %eq3A_950 : vector<512x128xi32>
    %roll3A_952 = arith.constant 96 : i32
    %roll3A_953 = tpu.dynamic_rotate %select_n3A_944 by %roll3A_952 dim 1 : vector<512x128xf32>, i32 -> vector<512x128xf32>
    %roll3A_954 = arith.constant 32 : i32
    %roll3A_955 = tpu.dynamic_rotate %select_n3A_944 by %roll3A_954 dim 1 : vector<512x128xf32>, i32 -> vector<512x128xf32>
    %select_n3A_956 = arith.select %eq3A_951, %roll3A_953, %roll3A_955 : vector<512x128xi1>, vector<512x128xf32>
    %and3A_957 = arith.constant 32 : i32
    %and3A_958 = vector.broadcast %and3A_957 : i32 to vector<512x128xi32>
    %and3A_959 = arith.andi %iota3A_0, %and3A_958 : vector<512x128xi32>
    %eq3A_960 = arith.constant 0 : i32
    %eq3A_961 = vector.broadcast %eq3A_960 : i32 to vector<512x128xi32>
    %eq3A_962 = arith.cmpi eq, %and3A_959, %eq3A_961 : vector<512x128xi32>
    %roll3A_963 = arith.constant 96 : i32
    %roll3A_964 = tpu.dynamic_rotate %select_n3A_945 by %roll3A_963 dim 1 : vector<512x128xf32>, i32 -> vector<512x128xf32>
    %roll3A_965 = arith.constant 32 : i32
    %roll3A_966 = tpu.dynamic_rotate %select_n3A_945 by %roll3A_965 dim 1 : vector<512x128xf32>, i32 -> vector<512x128xf32>
    %select_n3A_967 = arith.select %eq3A_962, %roll3A_964, %roll3A_966 : vector<512x128xi1>, vector<512x128xf32>
    %and3A_968 = arith.constant 32 : i32
    %and3A_969 = vector.broadcast %and3A_968 : i32 to vector<512x128xi32>
    %and3A_970 = arith.andi %iota3A_0, %and3A_969 : vector<512x128xi32>
    %eq3A_971 = arith.constant 0 : i32
    %eq3A_972 = vector.broadcast %eq3A_971 : i32 to vector<512x128xi32>
    %eq3A_973 = arith.cmpi eq, %and3A_970, %eq3A_972 : vector<512x128xi32>
    %gt3A_974 = arith.cmpf ogt, %select_n3A_944, %select_n3A_956 : vector<512x128xf32>
    %eq3A_975 = arith.cmpf oeq, %select_n3A_944, %select_n3A_956 : vector<512x128xf32>
    %lt3A_976 = arith.cmpf olt, %select_n3A_945, %select_n3A_967 : vector<512x128xf32>
    %and3A_977 = arith.andi %eq3A_975, %lt3A_976 : vector<512x128xi1>
    %or3A_978 = arith.ori %gt3A_974, %and3A_977 : vector<512x128xi1>
    %eq3A_979 = arith.xori %eq3A_973, %eq3A_904 : vector<512x128xi1>
    %eq3A_980 = arith.constant dense<true> : vector<512x128xi1>
    %eq3A_981 = arith.xori %eq3A_979, %eq3A_980 : vector<512x128xi1>
    %eq3A_982 = arith.xori %or3A_978, %eq3A_981 : vector<512x128xi1>
    %eq3A_983 = arith.constant dense<true> : vector<512x128xi1>
    %eq3A_984 = arith.xori %eq3A_982, %eq3A_983 : vector<512x128xi1>
    %select_n3A_985 = arith.select %eq3A_984, %select_n3A_944, %select_n3A_956 : vector<512x128xi1>, vector<512x128xf32>
    %select_n3A_986 = arith.select %eq3A_984, %select_n3A_945, %select_n3A_967 : vector<512x128xi1>, vector<512x128xf32>
    %and3A_987 = arith.constant 16 : i32
    %and3A_988 = vector.broadcast %and3A_987 : i32 to vector<512x128xi32>
    %and3A_989 = arith.andi %iota3A_0, %and3A_988 : vector<512x128xi32>
    %eq3A_990 = arith.constant 0 : i32
    %eq3A_991 = vector.broadcast %eq3A_990 : i32 to vector<512x128xi32>
    %eq3A_992 = arith.cmpi eq, %and3A_989, %eq3A_991 : vector<512x128xi32>
    %roll3A_993 = arith.constant 112 : i32
    %roll3A_994 = tpu.dynamic_rotate %select_n3A_985 by %roll3A_993 dim 1 : vector<512x128xf32>, i32 -> vector<512x128xf32>
    %roll3A_995 = arith.constant 16 : i32
    %roll3A_996 = tpu.dynamic_rotate %select_n3A_985 by %roll3A_995 dim 1 : vector<512x128xf32>, i32 -> vector<512x128xf32>
    %select_n3A_997 = arith.select %eq3A_992, %roll3A_994, %roll3A_996 : vector<512x128xi1>, vector<512x128xf32>
    %and3A_998 = arith.constant 16 : i32
    %and3A_999 = vector.broadcast %and3A_998 : i32 to vector<512x128xi32>
    %and3A_1000 = arith.andi %iota3A_0, %and3A_999 : vector<512x128xi32>
    %eq3A_1001 = arith.constant 0 : i32
    %eq3A_1002 = vector.broadcast %eq3A_1001 : i32 to vector<512x128xi32>
    %eq3A_1003 = arith.cmpi eq, %and3A_1000, %eq3A_1002 : vector<512x128xi32>
    %roll3A_1004 = arith.constant 112 : i32
    %roll3A_1005 = tpu.dynamic_rotate %select_n3A_986 by %roll3A_1004 dim 1 : vector<512x128xf32>, i32 -> vector<512x128xf32>
    %roll3A_1006 = arith.constant 16 : i32
    %roll3A_1007 = tpu.dynamic_rotate %select_n3A_986 by %roll3A_1006 dim 1 : vector<512x128xf32>, i32 -> vector<512x128xf32>
    %select_n3A_1008 = arith.select %eq3A_1003, %roll3A_1005, %roll3A_1007 : vector<512x128xi1>, vector<512x128xf32>
    %and3A_1009 = arith.constant 16 : i32
    %and3A_1010 = vector.broadcast %and3A_1009 : i32 to vector<512x128xi32>
    %and3A_1011 = arith.andi %iota3A_0, %and3A_1010 : vector<512x128xi32>
    %eq3A_1012 = arith.constant 0 : i32
    %eq3A_1013 = vector.broadcast %eq3A_1012 : i32 to vector<512x128xi32>
    %eq3A_1014 = arith.cmpi eq, %and3A_1011, %eq3A_1013 : vector<512x128xi32>
    %gt3A_1015 = arith.cmpf ogt, %select_n3A_985, %select_n3A_997 : vector<512x128xf32>
    %eq3A_1016 = arith.cmpf oeq, %select_n3A_985, %select_n3A_997 : vector<512x128xf32>
    %lt3A_1017 = arith.cmpf olt, %select_n3A_986, %select_n3A_1008 : vector<512x128xf32>
    %and3A_1018 = arith.andi %eq3A_1016, %lt3A_1017 : vector<512x128xi1>
    %or3A_1019 = arith.ori %gt3A_1015, %and3A_1018 : vector<512x128xi1>
    %eq3A_1020 = arith.xori %eq3A_1014, %eq3A_904 : vector<512x128xi1>
    %eq3A_1021 = arith.constant dense<true> : vector<512x128xi1>
    %eq3A_1022 = arith.xori %eq3A_1020, %eq3A_1021 : vector<512x128xi1>
    %eq3A_1023 = arith.xori %or3A_1019, %eq3A_1022 : vector<512x128xi1>
    %eq3A_1024 = arith.constant dense<true> : vector<512x128xi1>
    %eq3A_1025 = arith.xori %eq3A_1023, %eq3A_1024 : vector<512x128xi1>
    %select_n3A_1026 = arith.select %eq3A_1025, %select_n3A_985, %select_n3A_997 : vector<512x128xi1>, vector<512x128xf32>
    %select_n3A_1027 = arith.select %eq3A_1025, %select_n3A_986, %select_n3A_1008 : vector<512x128xi1>, vector<512x128xf32>
    %and3A_1028 = arith.constant 8 : i32
    %and3A_1029 = vector.broadcast %and3A_1028 : i32 to vector<512x128xi32>
    %and3A_1030 = arith.andi %iota3A_0, %and3A_1029 : vector<512x128xi32>
    %eq3A_1031 = arith.constant 0 : i32
    %eq3A_1032 = vector.broadcast %eq3A_1031 : i32 to vector<512x128xi32>
    %eq3A_1033 = arith.cmpi eq, %and3A_1030, %eq3A_1032 : vector<512x128xi32>
    %roll3A_1034 = arith.constant 120 : i32
    %roll3A_1035 = tpu.dynamic_rotate %select_n3A_1026 by %roll3A_1034 dim 1 : vector<512x128xf32>, i32 -> vector<512x128xf32>
    %roll3A_1036 = arith.constant 8 : i32
    %roll3A_1037 = tpu.dynamic_rotate %select_n3A_1026 by %roll3A_1036 dim 1 : vector<512x128xf32>, i32 -> vector<512x128xf32>
    %select_n3A_1038 = arith.select %eq3A_1033, %roll3A_1035, %roll3A_1037 : vector<512x128xi1>, vector<512x128xf32>
    %and3A_1039 = arith.constant 8 : i32
    %and3A_1040 = vector.broadcast %and3A_1039 : i32 to vector<512x128xi32>
    %and3A_1041 = arith.andi %iota3A_0, %and3A_1040 : vector<512x128xi32>
    %eq3A_1042 = arith.constant 0 : i32
    %eq3A_1043 = vector.broadcast %eq3A_1042 : i32 to vector<512x128xi32>
    %eq3A_1044 = arith.cmpi eq, %and3A_1041, %eq3A_1043 : vector<512x128xi32>
    %roll3A_1045 = arith.constant 120 : i32
    %roll3A_1046 = tpu.dynamic_rotate %select_n3A_1027 by %roll3A_1045 dim 1 : vector<512x128xf32>, i32 -> vector<512x128xf32>
    %roll3A_1047 = arith.constant 8 : i32
    %roll3A_1048 = tpu.dynamic_rotate %select_n3A_1027 by %roll3A_1047 dim 1 : vector<512x128xf32>, i32 -> vector<512x128xf32>
    %select_n3A_1049 = arith.select %eq3A_1044, %roll3A_1046, %roll3A_1048 : vector<512x128xi1>, vector<512x128xf32>
    %and3A_1050 = arith.constant 8 : i32
    %and3A_1051 = vector.broadcast %and3A_1050 : i32 to vector<512x128xi32>
    %and3A_1052 = arith.andi %iota3A_0, %and3A_1051 : vector<512x128xi32>
    %eq3A_1053 = arith.constant 0 : i32
    %eq3A_1054 = vector.broadcast %eq3A_1053 : i32 to vector<512x128xi32>
    %eq3A_1055 = arith.cmpi eq, %and3A_1052, %eq3A_1054 : vector<512x128xi32>
    %gt3A_1056 = arith.cmpf ogt, %select_n3A_1026, %select_n3A_1038 : vector<512x128xf32>
    %eq3A_1057 = arith.cmpf oeq, %select_n3A_1026, %select_n3A_1038 : vector<512x128xf32>
    %lt3A_1058 = arith.cmpf olt, %select_n3A_1027, %select_n3A_1049 : vector<512x128xf32>
    %and3A_1059 = arith.andi %eq3A_1057, %lt3A_1058 : vector<512x128xi1>
    %or3A_1060 = arith.ori %gt3A_1056, %and3A_1059 : vector<512x128xi1>
    %eq3A_1061 = arith.xori %eq3A_1055, %eq3A_904 : vector<512x128xi1>
    %eq3A_1062 = arith.constant dense<true> : vector<512x128xi1>
    %eq3A_1063 = arith.xori %eq3A_1061, %eq3A_1062 : vector<512x128xi1>
    %eq3A_1064 = arith.xori %or3A_1060, %eq3A_1063 : vector<512x128xi1>
    %eq3A_1065 = arith.constant dense<true> : vector<512x128xi1>
    %eq3A_1066 = arith.xori %eq3A_1064, %eq3A_1065 : vector<512x128xi1>
    %select_n3A_1067 = arith.select %eq3A_1066, %select_n3A_1026, %select_n3A_1038 : vector<512x128xi1>, vector<512x128xf32>
    %select_n3A_1068 = arith.select %eq3A_1066, %select_n3A_1027, %select_n3A_1049 : vector<512x128xi1>, vector<512x128xf32>
    %and3A_1069 = arith.constant 4 : i32
    %and3A_1070 = vector.broadcast %and3A_1069 : i32 to vector<512x128xi32>
    %and3A_1071 = arith.andi %iota3A_0, %and3A_1070 : vector<512x128xi32>
    %eq3A_1072 = arith.constant 0 : i32
    %eq3A_1073 = vector.broadcast %eq3A_1072 : i32 to vector<512x128xi32>
    %eq3A_1074 = arith.cmpi eq, %and3A_1071, %eq3A_1073 : vector<512x128xi32>
    %roll3A_1075 = arith.constant 124 : i32
    %roll3A_1076 = tpu.dynamic_rotate %select_n3A_1067 by %roll3A_1075 dim 1 : vector<512x128xf32>, i32 -> vector<512x128xf32>
    %roll3A_1077 = arith.constant 4 : i32
    %roll3A_1078 = tpu.dynamic_rotate %select_n3A_1067 by %roll3A_1077 dim 1 : vector<512x128xf32>, i32 -> vector<512x128xf32>
    %select_n3A_1079 = arith.select %eq3A_1074, %roll3A_1076, %roll3A_1078 : vector<512x128xi1>, vector<512x128xf32>
    %and3A_1080 = arith.constant 4 : i32
    %and3A_1081 = vector.broadcast %and3A_1080 : i32 to vector<512x128xi32>
    %and3A_1082 = arith.andi %iota3A_0, %and3A_1081 : vector<512x128xi32>
    %eq3A_1083 = arith.constant 0 : i32
    %eq3A_1084 = vector.broadcast %eq3A_1083 : i32 to vector<512x128xi32>
    %eq3A_1085 = arith.cmpi eq, %and3A_1082, %eq3A_1084 : vector<512x128xi32>
    %roll3A_1086 = arith.constant 124 : i32
    %roll3A_1087 = tpu.dynamic_rotate %select_n3A_1068 by %roll3A_1086 dim 1 : vector<512x128xf32>, i32 -> vector<512x128xf32>
    %roll3A_1088 = arith.constant 4 : i32
    %roll3A_1089 = tpu.dynamic_rotate %select_n3A_1068 by %roll3A_1088 dim 1 : vector<512x128xf32>, i32 -> vector<512x128xf32>
    %select_n3A_1090 = arith.select %eq3A_1085, %roll3A_1087, %roll3A_1089 : vector<512x128xi1>, vector<512x128xf32>
    %and3A_1091 = arith.constant 4 : i32
    %and3A_1092 = vector.broadcast %and3A_1091 : i32 to vector<512x128xi32>
    %and3A_1093 = arith.andi %iota3A_0, %and3A_1092 : vector<512x128xi32>
    %eq3A_1094 = arith.constant 0 : i32
    %eq3A_1095 = vector.broadcast %eq3A_1094 : i32 to vector<512x128xi32>
    %eq3A_1096 = arith.cmpi eq, %and3A_1093, %eq3A_1095 : vector<512x128xi32>
    %gt3A_1097 = arith.cmpf ogt, %select_n3A_1067, %select_n3A_1079 : vector<512x128xf32>
    %eq3A_1098 = arith.cmpf oeq, %select_n3A_1067, %select_n3A_1079 : vector<512x128xf32>
    %lt3A_1099 = arith.cmpf olt, %select_n3A_1068, %select_n3A_1090 : vector<512x128xf32>
    %and3A_1100 = arith.andi %eq3A_1098, %lt3A_1099 : vector<512x128xi1>
    %or3A_1101 = arith.ori %gt3A_1097, %and3A_1100 : vector<512x128xi1>
    %eq3A_1102 = arith.xori %eq3A_1096, %eq3A_904 : vector<512x128xi1>
    %eq3A_1103 = arith.constant dense<true> : vector<512x128xi1>
    %eq3A_1104 = arith.xori %eq3A_1102, %eq3A_1103 : vector<512x128xi1>
    %eq3A_1105 = arith.xori %or3A_1101, %eq3A_1104 : vector<512x128xi1>
    %eq3A_1106 = arith.constant dense<true> : vector<512x128xi1>
    %eq3A_1107 = arith.xori %eq3A_1105, %eq3A_1106 : vector<512x128xi1>
    %select_n3A_1108 = arith.select %eq3A_1107, %select_n3A_1067, %select_n3A_1079 : vector<512x128xi1>, vector<512x128xf32>
    %select_n3A_1109 = arith.select %eq3A_1107, %select_n3A_1068, %select_n3A_1090 : vector<512x128xi1>, vector<512x128xf32>
    %and3A_1110 = arith.constant 2 : i32
    %and3A_1111 = vector.broadcast %and3A_1110 : i32 to vector<512x128xi32>
    %and3A_1112 = arith.andi %iota3A_0, %and3A_1111 : vector<512x128xi32>
    %eq3A_1113 = arith.constant 0 : i32
    %eq3A_1114 = vector.broadcast %eq3A_1113 : i32 to vector<512x128xi32>
    %eq3A_1115 = arith.cmpi eq, %and3A_1112, %eq3A_1114 : vector<512x128xi32>
    %roll3A_1116 = arith.constant 126 : i32
    %roll3A_1117 = tpu.dynamic_rotate %select_n3A_1108 by %roll3A_1116 dim 1 : vector<512x128xf32>, i32 -> vector<512x128xf32>
    %roll3A_1118 = arith.constant 2 : i32
    %roll3A_1119 = tpu.dynamic_rotate %select_n3A_1108 by %roll3A_1118 dim 1 : vector<512x128xf32>, i32 -> vector<512x128xf32>
    %select_n3A_1120 = arith.select %eq3A_1115, %roll3A_1117, %roll3A_1119 : vector<512x128xi1>, vector<512x128xf32>
    %and3A_1121 = arith.constant 2 : i32
    %and3A_1122 = vector.broadcast %and3A_1121 : i32 to vector<512x128xi32>
    %and3A_1123 = arith.andi %iota3A_0, %and3A_1122 : vector<512x128xi32>
    %eq3A_1124 = arith.constant 0 : i32
    %eq3A_1125 = vector.broadcast %eq3A_1124 : i32 to vector<512x128xi32>
    %eq3A_1126 = arith.cmpi eq, %and3A_1123, %eq3A_1125 : vector<512x128xi32>
    %roll3A_1127 = arith.constant 126 : i32
    %roll3A_1128 = tpu.dynamic_rotate %select_n3A_1109 by %roll3A_1127 dim 1 : vector<512x128xf32>, i32 -> vector<512x128xf32>
    %roll3A_1129 = arith.constant 2 : i32
    %roll3A_1130 = tpu.dynamic_rotate %select_n3A_1109 by %roll3A_1129 dim 1 : vector<512x128xf32>, i32 -> vector<512x128xf32>
    %select_n3A_1131 = arith.select %eq3A_1126, %roll3A_1128, %roll3A_1130 : vector<512x128xi1>, vector<512x128xf32>
    %and3A_1132 = arith.constant 2 : i32
    %and3A_1133 = vector.broadcast %and3A_1132 : i32 to vector<512x128xi32>
    %and3A_1134 = arith.andi %iota3A_0, %and3A_1133 : vector<512x128xi32>
    %eq3A_1135 = arith.constant 0 : i32
    %eq3A_1136 = vector.broadcast %eq3A_1135 : i32 to vector<512x128xi32>
    %eq3A_1137 = arith.cmpi eq, %and3A_1134, %eq3A_1136 : vector<512x128xi32>
    %gt3A_1138 = arith.cmpf ogt, %select_n3A_1108, %select_n3A_1120 : vector<512x128xf32>
    %eq3A_1139 = arith.cmpf oeq, %select_n3A_1108, %select_n3A_1120 : vector<512x128xf32>
    %lt3A_1140 = arith.cmpf olt, %select_n3A_1109, %select_n3A_1131 : vector<512x128xf32>
    %and3A_1141 = arith.andi %eq3A_1139, %lt3A_1140 : vector<512x128xi1>
    %or3A_1142 = arith.ori %gt3A_1138, %and3A_1141 : vector<512x128xi1>
    %eq3A_1143 = arith.xori %eq3A_1137, %eq3A_904 : vector<512x128xi1>
    %eq3A_1144 = arith.constant dense<true> : vector<512x128xi1>
    %eq3A_1145 = arith.xori %eq3A_1143, %eq3A_1144 : vector<512x128xi1>
    %eq3A_1146 = arith.xori %or3A_1142, %eq3A_1145 : vector<512x128xi1>
    %eq3A_1147 = arith.constant dense<true> : vector<512x128xi1>
    %eq3A_1148 = arith.xori %eq3A_1146, %eq3A_1147 : vector<512x128xi1>
    %select_n3A_1149 = arith.select %eq3A_1148, %select_n3A_1108, %select_n3A_1120 : vector<512x128xi1>, vector<512x128xf32>
    %select_n3A_1150 = arith.select %eq3A_1148, %select_n3A_1109, %select_n3A_1131 : vector<512x128xi1>, vector<512x128xf32>
    %and3A_1151 = arith.constant 1 : i32
    %and3A_1152 = vector.broadcast %and3A_1151 : i32 to vector<512x128xi32>
    %and3A_1153 = arith.andi %iota3A_0, %and3A_1152 : vector<512x128xi32>
    %eq3A_1154 = arith.constant 0 : i32
    %eq3A_1155 = vector.broadcast %eq3A_1154 : i32 to vector<512x128xi32>
    %eq3A_1156 = arith.cmpi eq, %and3A_1153, %eq3A_1155 : vector<512x128xi32>
    %roll3A_1157 = arith.constant 127 : i32
    %roll3A_1158 = tpu.dynamic_rotate %select_n3A_1149 by %roll3A_1157 dim 1 : vector<512x128xf32>, i32 -> vector<512x128xf32>
    %roll3A_1159 = arith.constant 1 : i32
    %roll3A_1160 = tpu.dynamic_rotate %select_n3A_1149 by %roll3A_1159 dim 1 : vector<512x128xf32>, i32 -> vector<512x128xf32>
    %select_n3A_1161 = arith.select %eq3A_1156, %roll3A_1158, %roll3A_1160 : vector<512x128xi1>, vector<512x128xf32>
    %and3A_1162 = arith.constant 1 : i32
    %and3A_1163 = vector.broadcast %and3A_1162 : i32 to vector<512x128xi32>
    %and3A_1164 = arith.andi %iota3A_0, %and3A_1163 : vector<512x128xi32>
    %eq3A_1165 = arith.constant 0 : i32
    %eq3A_1166 = vector.broadcast %eq3A_1165 : i32 to vector<512x128xi32>
    %eq3A_1167 = arith.cmpi eq, %and3A_1164, %eq3A_1166 : vector<512x128xi32>
    %roll3A_1168 = arith.constant 127 : i32
    %roll3A_1169 = tpu.dynamic_rotate %select_n3A_1150 by %roll3A_1168 dim 1 : vector<512x128xf32>, i32 -> vector<512x128xf32>
    %roll3A_1170 = arith.constant 1 : i32
    %roll3A_1171 = tpu.dynamic_rotate %select_n3A_1150 by %roll3A_1170 dim 1 : vector<512x128xf32>, i32 -> vector<512x128xf32>
    %select_n3A_1172 = arith.select %eq3A_1167, %roll3A_1169, %roll3A_1171 : vector<512x128xi1>, vector<512x128xf32>
    %and3A_1173 = arith.constant 1 : i32
    %and3A_1174 = vector.broadcast %and3A_1173 : i32 to vector<512x128xi32>
    %and3A_1175 = arith.andi %iota3A_0, %and3A_1174 : vector<512x128xi32>
    %eq3A_1176 = arith.constant 0 : i32
    %eq3A_1177 = vector.broadcast %eq3A_1176 : i32 to vector<512x128xi32>
    %eq3A_1178 = arith.cmpi eq, %and3A_1175, %eq3A_1177 : vector<512x128xi32>
    %gt3A_1179 = arith.cmpf ogt, %select_n3A_1149, %select_n3A_1161 : vector<512x128xf32>
    %eq3A_1180 = arith.cmpf oeq, %select_n3A_1149, %select_n3A_1161 : vector<512x128xf32>
    %lt3A_1181 = arith.cmpf olt, %select_n3A_1150, %select_n3A_1172 : vector<512x128xf32>
    %and3A_1182 = arith.andi %eq3A_1180, %lt3A_1181 : vector<512x128xi1>
    %or3A_1183 = arith.ori %gt3A_1179, %and3A_1182 : vector<512x128xi1>
    %eq3A_1184 = arith.xori %eq3A_1178, %eq3A_904 : vector<512x128xi1>
    %eq3A_1185 = arith.constant dense<true> : vector<512x128xi1>
    %eq3A_1186 = arith.xori %eq3A_1184, %eq3A_1185 : vector<512x128xi1>
    %eq3A_1187 = arith.xori %or3A_1183, %eq3A_1186 : vector<512x128xi1>
    %eq3A_1188 = arith.constant dense<true> : vector<512x128xi1>
    %eq3A_1189 = arith.xori %eq3A_1187, %eq3A_1188 : vector<512x128xi1>
    %select_n3A_1190 = arith.select %eq3A_1189, %select_n3A_1149, %select_n3A_1161 : vector<512x128xi1>, vector<512x128xf32>
    %select_n3A_1191 = arith.select %eq3A_1189, %select_n3A_1150, %select_n3A_1172 : vector<512x128xi1>, vector<512x128xf32>
    %and3A_1192 = arith.constant 2 : i32
    %and3A_1193 = vector.broadcast %and3A_1192 : i32 to vector<512x128xi32>
    %and3A_1194 = arith.andi %iota3A, %and3A_1193 : vector<512x128xi32>
    %eq3A_1195 = arith.constant 0 : i32
    %eq3A_1196 = vector.broadcast %eq3A_1195 : i32 to vector<512x128xi32>
    %eq3A_1197 = arith.cmpi eq, %and3A_1194, %eq3A_1196 : vector<512x128xi32>
    %reshape3A = vector.shape_cast %select_n3A_1190 : vector<512x128xf32> to vector<256x2x1x128xf32>
    %slice3A = vector.extract_strided_slice %reshape3A {offsets = [0, 1, 0, 0], sizes = [256, 1, 1, 128], strides = [1, 1, 1, 1]} : vector<256x2x1x128xf32> to vector<256x1x1x128xf32>
    %slice3A_1198 = vector.extract_strided_slice %reshape3A {offsets = [0, 0, 0, 0], sizes = [256, 1, 1, 128], strides = [1, 1, 1, 1]} : vector<256x2x1x128xf32> to vector<256x1x1x128xf32>
    %concatenate3A = tpu.concatenate %slice3A, %slice3A_1198 in 1 : vector<256x1x1x128xf32>, vector<256x1x1x128xf32> -> vector<256x2x1x128xf32>
    %reshape3A_1199 = vector.shape_cast %concatenate3A : vector<256x2x1x128xf32> to vector<512x128xf32>
    %reshape3A_1200 = vector.shape_cast %select_n3A_1191 : vector<512x128xf32> to vector<256x2x1x128xf32>
    %slice3A_1201 = vector.extract_strided_slice %reshape3A_1200 {offsets = [0, 1, 0, 0], sizes = [256, 1, 1, 128], strides = [1, 1, 1, 1]} : vector<256x2x1x128xf32> to vector<256x1x1x128xf32>
    %slice3A_1202 = vector.extract_strided_slice %reshape3A_1200 {offsets = [0, 0, 0, 0], sizes = [256, 1, 1, 128], strides = [1, 1, 1, 1]} : vector<256x2x1x128xf32> to vector<256x1x1x128xf32>
    %concatenate3A_1203 = tpu.concatenate %slice3A_1201, %slice3A_1202 in 1 : vector<256x1x1x128xf32>, vector<256x1x1x128xf32> -> vector<256x2x1x128xf32>
    %reshape3A_1204 = vector.shape_cast %concatenate3A_1203 : vector<256x2x1x128xf32> to vector<512x128xf32>
    %and3A_1205 = arith.constant 1 : i32
    %and3A_1206 = vector.broadcast %and3A_1205 : i32 to vector<512x128xi32>
    %and3A_1207 = arith.andi %iota3A, %and3A_1206 : vector<512x128xi32>
    %eq3A_1208 = arith.constant 0 : i32
    %eq3A_1209 = vector.broadcast %eq3A_1208 : i32 to vector<512x128xi32>
    %eq3A_1210 = arith.cmpi eq, %and3A_1207, %eq3A_1209 : vector<512x128xi32>
    %gt3A_1211 = arith.cmpf ogt, %select_n3A_1190, %reshape3A_1199 : vector<512x128xf32>
    %eq3A_1212 = arith.cmpf oeq, %select_n3A_1190, %reshape3A_1199 : vector<512x128xf32>
    %lt3A_1213 = arith.cmpf olt, %select_n3A_1191, %reshape3A_1204 : vector<512x128xf32>
    %and3A_1214 = arith.andi %eq3A_1212, %lt3A_1213 : vector<512x128xi1>
    %or3A_1215 = arith.ori %gt3A_1211, %and3A_1214 : vector<512x128xi1>
    %eq3A_1216 = arith.xori %eq3A_1210, %eq3A_1197 : vector<512x128xi1>
    %eq3A_1217 = arith.constant dense<true> : vector<512x128xi1>
    %eq3A_1218 = arith.xori %eq3A_1216, %eq3A_1217 : vector<512x128xi1>
    %eq3A_1219 = arith.xori %or3A_1215, %eq3A_1218 : vector<512x128xi1>
    %eq3A_1220 = arith.constant dense<true> : vector<512x128xi1>
    %eq3A_1221 = arith.xori %eq3A_1219, %eq3A_1220 : vector<512x128xi1>
    %select_n3A_1222 = arith.select %eq3A_1221, %select_n3A_1190, %reshape3A_1199 : vector<512x128xi1>, vector<512x128xf32>
    %select_n3A_1223 = arith.select %eq3A_1221, %select_n3A_1191, %reshape3A_1204 : vector<512x128xi1>, vector<512x128xf32>
    %and3A_1224 = arith.constant 64 : i32
    %and3A_1225 = vector.broadcast %and3A_1224 : i32 to vector<512x128xi32>
    %and3A_1226 = arith.andi %iota3A_0, %and3A_1225 : vector<512x128xi32>
    %eq3A_1227 = arith.constant 0 : i32
    %eq3A_1228 = vector.broadcast %eq3A_1227 : i32 to vector<512x128xi32>
    %eq3A_1229 = arith.cmpi eq, %and3A_1226, %eq3A_1228 : vector<512x128xi32>
    %roll3A_1230 = arith.constant 64 : i32
    %roll3A_1231 = tpu.dynamic_rotate %select_n3A_1222 by %roll3A_1230 dim 1 : vector<512x128xf32>, i32 -> vector<512x128xf32>
    %roll3A_1232 = arith.constant 64 : i32
    %roll3A_1233 = tpu.dynamic_rotate %select_n3A_1222 by %roll3A_1232 dim 1 : vector<512x128xf32>, i32 -> vector<512x128xf32>
    %select_n3A_1234 = arith.select %eq3A_1229, %roll3A_1231, %roll3A_1233 : vector<512x128xi1>, vector<512x128xf32>
    %and3A_1235 = arith.constant 64 : i32
    %and3A_1236 = vector.broadcast %and3A_1235 : i32 to vector<512x128xi32>
    %and3A_1237 = arith.andi %iota3A_0, %and3A_1236 : vector<512x128xi32>
    %eq3A_1238 = arith.constant 0 : i32
    %eq3A_1239 = vector.broadcast %eq3A_1238 : i32 to vector<512x128xi32>
    %eq3A_1240 = arith.cmpi eq, %and3A_1237, %eq3A_1239 : vector<512x128xi32>
    %roll3A_1241 = arith.constant 64 : i32
    %roll3A_1242 = tpu.dynamic_rotate %select_n3A_1223 by %roll3A_1241 dim 1 : vector<512x128xf32>, i32 -> vector<512x128xf32>
    %roll3A_1243 = arith.constant 64 : i32
    %roll3A_1244 = tpu.dynamic_rotate %select_n3A_1223 by %roll3A_1243 dim 1 : vector<512x128xf32>, i32 -> vector<512x128xf32>
    %select_n3A_1245 = arith.select %eq3A_1240, %roll3A_1242, %roll3A_1244 : vector<512x128xi1>, vector<512x128xf32>
    %and3A_1246 = arith.constant 64 : i32
    %and3A_1247 = vector.broadcast %and3A_1246 : i32 to vector<512x128xi32>
    %and3A_1248 = arith.andi %iota3A_0, %and3A_1247 : vector<512x128xi32>
    %eq3A_1249 = arith.constant 0 : i32
    %eq3A_1250 = vector.broadcast %eq3A_1249 : i32 to vector<512x128xi32>
    %eq3A_1251 = arith.cmpi eq, %and3A_1248, %eq3A_1250 : vector<512x128xi32>
    %gt3A_1252 = arith.cmpf ogt, %select_n3A_1222, %select_n3A_1234 : vector<512x128xf32>
    %eq3A_1253 = arith.cmpf oeq, %select_n3A_1222, %select_n3A_1234 : vector<512x128xf32>
    %lt3A_1254 = arith.cmpf olt, %select_n3A_1223, %select_n3A_1245 : vector<512x128xf32>
    %and3A_1255 = arith.andi %eq3A_1253, %lt3A_1254 : vector<512x128xi1>
    %or3A_1256 = arith.ori %gt3A_1252, %and3A_1255 : vector<512x128xi1>
    %eq3A_1257 = arith.xori %eq3A_1251, %eq3A_1197 : vector<512x128xi1>
    %eq3A_1258 = arith.constant dense<true> : vector<512x128xi1>
    %eq3A_1259 = arith.xori %eq3A_1257, %eq3A_1258 : vector<512x128xi1>
    %eq3A_1260 = arith.xori %or3A_1256, %eq3A_1259 : vector<512x128xi1>
    %eq3A_1261 = arith.constant dense<true> : vector<512x128xi1>
    %eq3A_1262 = arith.xori %eq3A_1260, %eq3A_1261 : vector<512x128xi1>
    %select_n3A_1263 = arith.select %eq3A_1262, %select_n3A_1222, %select_n3A_1234 : vector<512x128xi1>, vector<512x128xf32>
    %select_n3A_1264 = arith.select %eq3A_1262, %select_n3A_1223, %select_n3A_1245 : vector<512x128xi1>, vector<512x128xf32>
    %and3A_1265 = arith.constant 32 : i32
    %and3A_1266 = vector.broadcast %and3A_1265 : i32 to vector<512x128xi32>
    %and3A_1267 = arith.andi %iota3A_0, %and3A_1266 : vector<512x128xi32>
    %eq3A_1268 = arith.constant 0 : i32
    %eq3A_1269 = vector.broadcast %eq3A_1268 : i32 to vector<512x128xi32>
    %eq3A_1270 = arith.cmpi eq, %and3A_1267, %eq3A_1269 : vector<512x128xi32>
    %roll3A_1271 = arith.constant 96 : i32
    %roll3A_1272 = tpu.dynamic_rotate %select_n3A_1263 by %roll3A_1271 dim 1 : vector<512x128xf32>, i32 -> vector<512x128xf32>
    %roll3A_1273 = arith.constant 32 : i32
    %roll3A_1274 = tpu.dynamic_rotate %select_n3A_1263 by %roll3A_1273 dim 1 : vector<512x128xf32>, i32 -> vector<512x128xf32>
    %select_n3A_1275 = arith.select %eq3A_1270, %roll3A_1272, %roll3A_1274 : vector<512x128xi1>, vector<512x128xf32>
    %and3A_1276 = arith.constant 32 : i32
    %and3A_1277 = vector.broadcast %and3A_1276 : i32 to vector<512x128xi32>
    %and3A_1278 = arith.andi %iota3A_0, %and3A_1277 : vector<512x128xi32>
    %eq3A_1279 = arith.constant 0 : i32
    %eq3A_1280 = vector.broadcast %eq3A_1279 : i32 to vector<512x128xi32>
    %eq3A_1281 = arith.cmpi eq, %and3A_1278, %eq3A_1280 : vector<512x128xi32>
    %roll3A_1282 = arith.constant 96 : i32
    %roll3A_1283 = tpu.dynamic_rotate %select_n3A_1264 by %roll3A_1282 dim 1 : vector<512x128xf32>, i32 -> vector<512x128xf32>
    %roll3A_1284 = arith.constant 32 : i32
    %roll3A_1285 = tpu.dynamic_rotate %select_n3A_1264 by %roll3A_1284 dim 1 : vector<512x128xf32>, i32 -> vector<512x128xf32>
    %select_n3A_1286 = arith.select %eq3A_1281, %roll3A_1283, %roll3A_1285 : vector<512x128xi1>, vector<512x128xf32>
    %and3A_1287 = arith.constant 32 : i32
    %and3A_1288 = vector.broadcast %and3A_1287 : i32 to vector<512x128xi32>
    %and3A_1289 = arith.andi %iota3A_0, %and3A_1288 : vector<512x128xi32>
    %eq3A_1290 = arith.constant 0 : i32
    %eq3A_1291 = vector.broadcast %eq3A_1290 : i32 to vector<512x128xi32>
    %eq3A_1292 = arith.cmpi eq, %and3A_1289, %eq3A_1291 : vector<512x128xi32>
    %gt3A_1293 = arith.cmpf ogt, %select_n3A_1263, %select_n3A_1275 : vector<512x128xf32>
    %eq3A_1294 = arith.cmpf oeq, %select_n3A_1263, %select_n3A_1275 : vector<512x128xf32>
    %lt3A_1295 = arith.cmpf olt, %select_n3A_1264, %select_n3A_1286 : vector<512x128xf32>
    %and3A_1296 = arith.andi %eq3A_1294, %lt3A_1295 : vector<512x128xi1>
    %or3A_1297 = arith.ori %gt3A_1293, %and3A_1296 : vector<512x128xi1>
    %eq3A_1298 = arith.xori %eq3A_1292, %eq3A_1197 : vector<512x128xi1>
    %eq3A_1299 = arith.constant dense<true> : vector<512x128xi1>
    %eq3A_1300 = arith.xori %eq3A_1298, %eq3A_1299 : vector<512x128xi1>
    %eq3A_1301 = arith.xori %or3A_1297, %eq3A_1300 : vector<512x128xi1>
    %eq3A_1302 = arith.constant dense<true> : vector<512x128xi1>
    %eq3A_1303 = arith.xori %eq3A_1301, %eq3A_1302 : vector<512x128xi1>
    %select_n3A_1304 = arith.select %eq3A_1303, %select_n3A_1263, %select_n3A_1275 : vector<512x128xi1>, vector<512x128xf32>
    %select_n3A_1305 = arith.select %eq3A_1303, %select_n3A_1264, %select_n3A_1286 : vector<512x128xi1>, vector<512x128xf32>
    %and3A_1306 = arith.constant 16 : i32
    %and3A_1307 = vector.broadcast %and3A_1306 : i32 to vector<512x128xi32>
    %and3A_1308 = arith.andi %iota3A_0, %and3A_1307 : vector<512x128xi32>
    %eq3A_1309 = arith.constant 0 : i32
    %eq3A_1310 = vector.broadcast %eq3A_1309 : i32 to vector<512x128xi32>
    %eq3A_1311 = arith.cmpi eq, %and3A_1308, %eq3A_1310 : vector<512x128xi32>
    %roll3A_1312 = arith.constant 112 : i32
    %roll3A_1313 = tpu.dynamic_rotate %select_n3A_1304 by %roll3A_1312 dim 1 : vector<512x128xf32>, i32 -> vector<512x128xf32>
    %roll3A_1314 = arith.constant 16 : i32
    %roll3A_1315 = tpu.dynamic_rotate %select_n3A_1304 by %roll3A_1314 dim 1 : vector<512x128xf32>, i32 -> vector<512x128xf32>
    %select_n3A_1316 = arith.select %eq3A_1311, %roll3A_1313, %roll3A_1315 : vector<512x128xi1>, vector<512x128xf32>
    %and3A_1317 = arith.constant 16 : i32
    %and3A_1318 = vector.broadcast %and3A_1317 : i32 to vector<512x128xi32>
    %and3A_1319 = arith.andi %iota3A_0, %and3A_1318 : vector<512x128xi32>
    %eq3A_1320 = arith.constant 0 : i32
    %eq3A_1321 = vector.broadcast %eq3A_1320 : i32 to vector<512x128xi32>
    %eq3A_1322 = arith.cmpi eq, %and3A_1319, %eq3A_1321 : vector<512x128xi32>
    %roll3A_1323 = arith.constant 112 : i32
    %roll3A_1324 = tpu.dynamic_rotate %select_n3A_1305 by %roll3A_1323 dim 1 : vector<512x128xf32>, i32 -> vector<512x128xf32>
    %roll3A_1325 = arith.constant 16 : i32
    %roll3A_1326 = tpu.dynamic_rotate %select_n3A_1305 by %roll3A_1325 dim 1 : vector<512x128xf32>, i32 -> vector<512x128xf32>
    %select_n3A_1327 = arith.select %eq3A_1322, %roll3A_1324, %roll3A_1326 : vector<512x128xi1>, vector<512x128xf32>
    %and3A_1328 = arith.constant 16 : i32
    %and3A_1329 = vector.broadcast %and3A_1328 : i32 to vector<512x128xi32>
    %and3A_1330 = arith.andi %iota3A_0, %and3A_1329 : vector<512x128xi32>
    %eq3A_1331 = arith.constant 0 : i32
    %eq3A_1332 = vector.broadcast %eq3A_1331 : i32 to vector<512x128xi32>
    %eq3A_1333 = arith.cmpi eq, %and3A_1330, %eq3A_1332 : vector<512x128xi32>
    %gt3A_1334 = arith.cmpf ogt, %select_n3A_1304, %select_n3A_1316 : vector<512x128xf32>
    %eq3A_1335 = arith.cmpf oeq, %select_n3A_1304, %select_n3A_1316 : vector<512x128xf32>
    %lt3A_1336 = arith.cmpf olt, %select_n3A_1305, %select_n3A_1327 : vector<512x128xf32>
    %and3A_1337 = arith.andi %eq3A_1335, %lt3A_1336 : vector<512x128xi1>
    %or3A_1338 = arith.ori %gt3A_1334, %and3A_1337 : vector<512x128xi1>
    %eq3A_1339 = arith.xori %eq3A_1333, %eq3A_1197 : vector<512x128xi1>
    %eq3A_1340 = arith.constant dense<true> : vector<512x128xi1>
    %eq3A_1341 = arith.xori %eq3A_1339, %eq3A_1340 : vector<512x128xi1>
    %eq3A_1342 = arith.xori %or3A_1338, %eq3A_1341 : vector<512x128xi1>
    %eq3A_1343 = arith.constant dense<true> : vector<512x128xi1>
    %eq3A_1344 = arith.xori %eq3A_1342, %eq3A_1343 : vector<512x128xi1>
    %select_n3A_1345 = arith.select %eq3A_1344, %select_n3A_1304, %select_n3A_1316 : vector<512x128xi1>, vector<512x128xf32>
    %select_n3A_1346 = arith.select %eq3A_1344, %select_n3A_1305, %select_n3A_1327 : vector<512x128xi1>, vector<512x128xf32>
    %and3A_1347 = arith.constant 8 : i32
    %and3A_1348 = vector.broadcast %and3A_1347 : i32 to vector<512x128xi32>
    %and3A_1349 = arith.andi %iota3A_0, %and3A_1348 : vector<512x128xi32>
    %eq3A_1350 = arith.constant 0 : i32
    %eq3A_1351 = vector.broadcast %eq3A_1350 : i32 to vector<512x128xi32>
    %eq3A_1352 = arith.cmpi eq, %and3A_1349, %eq3A_1351 : vector<512x128xi32>
    %roll3A_1353 = arith.constant 120 : i32
    %roll3A_1354 = tpu.dynamic_rotate %select_n3A_1345 by %roll3A_1353 dim 1 : vector<512x128xf32>, i32 -> vector<512x128xf32>
    %roll3A_1355 = arith.constant 8 : i32
    %roll3A_1356 = tpu.dynamic_rotate %select_n3A_1345 by %roll3A_1355 dim 1 : vector<512x128xf32>, i32 -> vector<512x128xf32>
    %select_n3A_1357 = arith.select %eq3A_1352, %roll3A_1354, %roll3A_1356 : vector<512x128xi1>, vector<512x128xf32>
    %and3A_1358 = arith.constant 8 : i32
    %and3A_1359 = vector.broadcast %and3A_1358 : i32 to vector<512x128xi32>
    %and3A_1360 = arith.andi %iota3A_0, %and3A_1359 : vector<512x128xi32>
    %eq3A_1361 = arith.constant 0 : i32
    %eq3A_1362 = vector.broadcast %eq3A_1361 : i32 to vector<512x128xi32>
    %eq3A_1363 = arith.cmpi eq, %and3A_1360, %eq3A_1362 : vector<512x128xi32>
    %roll3A_1364 = arith.constant 120 : i32
    %roll3A_1365 = tpu.dynamic_rotate %select_n3A_1346 by %roll3A_1364 dim 1 : vector<512x128xf32>, i32 -> vector<512x128xf32>
    %roll3A_1366 = arith.constant 8 : i32
    %roll3A_1367 = tpu.dynamic_rotate %select_n3A_1346 by %roll3A_1366 dim 1 : vector<512x128xf32>, i32 -> vector<512x128xf32>
    %select_n3A_1368 = arith.select %eq3A_1363, %roll3A_1365, %roll3A_1367 : vector<512x128xi1>, vector<512x128xf32>
    %and3A_1369 = arith.constant 8 : i32
    %and3A_1370 = vector.broadcast %and3A_1369 : i32 to vector<512x128xi32>
    %and3A_1371 = arith.andi %iota3A_0, %and3A_1370 : vector<512x128xi32>
    %eq3A_1372 = arith.constant 0 : i32
    %eq3A_1373 = vector.broadcast %eq3A_1372 : i32 to vector<512x128xi32>
    %eq3A_1374 = arith.cmpi eq, %and3A_1371, %eq3A_1373 : vector<512x128xi32>
    %gt3A_1375 = arith.cmpf ogt, %select_n3A_1345, %select_n3A_1357 : vector<512x128xf32>
    %eq3A_1376 = arith.cmpf oeq, %select_n3A_1345, %select_n3A_1357 : vector<512x128xf32>
    %lt3A_1377 = arith.cmpf olt, %select_n3A_1346, %select_n3A_1368 : vector<512x128xf32>
    %and3A_1378 = arith.andi %eq3A_1376, %lt3A_1377 : vector<512x128xi1>
    %or3A_1379 = arith.ori %gt3A_1375, %and3A_1378 : vector<512x128xi1>
    %eq3A_1380 = arith.xori %eq3A_1374, %eq3A_1197 : vector<512x128xi1>
    %eq3A_1381 = arith.constant dense<true> : vector<512x128xi1>
    %eq3A_1382 = arith.xori %eq3A_1380, %eq3A_1381 : vector<512x128xi1>
    %eq3A_1383 = arith.xori %or3A_1379, %eq3A_1382 : vector<512x128xi1>
    %eq3A_1384 = arith.constant dense<true> : vector<512x128xi1>
    %eq3A_1385 = arith.xori %eq3A_1383, %eq3A_1384 : vector<512x128xi1>
    %select_n3A_1386 = arith.select %eq3A_1385, %select_n3A_1345, %select_n3A_1357 : vector<512x128xi1>, vector<512x128xf32>
    %select_n3A_1387 = arith.select %eq3A_1385, %select_n3A_1346, %select_n3A_1368 : vector<512x128xi1>, vector<512x128xf32>
    %and3A_1388 = arith.constant 4 : i32
    %and3A_1389 = vector.broadcast %and3A_1388 : i32 to vector<512x128xi32>
    %and3A_1390 = arith.andi %iota3A_0, %and3A_1389 : vector<512x128xi32>
    %eq3A_1391 = arith.constant 0 : i32
    %eq3A_1392 = vector.broadcast %eq3A_1391 : i32 to vector<512x128xi32>
    %eq3A_1393 = arith.cmpi eq, %and3A_1390, %eq3A_1392 : vector<512x128xi32>
    %roll3A_1394 = arith.constant 124 : i32
    %roll3A_1395 = tpu.dynamic_rotate %select_n3A_1386 by %roll3A_1394 dim 1 : vector<512x128xf32>, i32 -> vector<512x128xf32>
    %roll3A_1396 = arith.constant 4 : i32
    %roll3A_1397 = tpu.dynamic_rotate %select_n3A_1386 by %roll3A_1396 dim 1 : vector<512x128xf32>, i32 -> vector<512x128xf32>
    %select_n3A_1398 = arith.select %eq3A_1393, %roll3A_1395, %roll3A_1397 : vector<512x128xi1>, vector<512x128xf32>
    %and3A_1399 = arith.constant 4 : i32
    %and3A_1400 = vector.broadcast %and3A_1399 : i32 to vector<512x128xi32>
    %and3A_1401 = arith.andi %iota3A_0, %and3A_1400 : vector<512x128xi32>
    %eq3A_1402 = arith.constant 0 : i32
    %eq3A_1403 = vector.broadcast %eq3A_1402 : i32 to vector<512x128xi32>
    %eq3A_1404 = arith.cmpi eq, %and3A_1401, %eq3A_1403 : vector<512x128xi32>
    %roll3A_1405 = arith.constant 124 : i32
    %roll3A_1406 = tpu.dynamic_rotate %select_n3A_1387 by %roll3A_1405 dim 1 : vector<512x128xf32>, i32 -> vector<512x128xf32>
    %roll3A_1407 = arith.constant 4 : i32
    %roll3A_1408 = tpu.dynamic_rotate %select_n3A_1387 by %roll3A_1407 dim 1 : vector<512x128xf32>, i32 -> vector<512x128xf32>
    %select_n3A_1409 = arith.select %eq3A_1404, %roll3A_1406, %roll3A_1408 : vector<512x128xi1>, vector<512x128xf32>
    %and3A_1410 = arith.constant 4 : i32
    %and3A_1411 = vector.broadcast %and3A_1410 : i32 to vector<512x128xi32>
    %and3A_1412 = arith.andi %iota3A_0, %and3A_1411 : vector<512x128xi32>
    %eq3A_1413 = arith.constant 0 : i32
    %eq3A_1414 = vector.broadcast %eq3A_1413 : i32 to vector<512x128xi32>
    %eq3A_1415 = arith.cmpi eq, %and3A_1412, %eq3A_1414 : vector<512x128xi32>
    %gt3A_1416 = arith.cmpf ogt, %select_n3A_1386, %select_n3A_1398 : vector<512x128xf32>
    %eq3A_1417 = arith.cmpf oeq, %select_n3A_1386, %select_n3A_1398 : vector<512x128xf32>
    %lt3A_1418 = arith.cmpf olt, %select_n3A_1387, %select_n3A_1409 : vector<512x128xf32>
    %and3A_1419 = arith.andi %eq3A_1417, %lt3A_1418 : vector<512x128xi1>
    %or3A_1420 = arith.ori %gt3A_1416, %and3A_1419 : vector<512x128xi1>
    %eq3A_1421 = arith.xori %eq3A_1415, %eq3A_1197 : vector<512x128xi1>
    %eq3A_1422 = arith.constant dense<true> : vector<512x128xi1>
    %eq3A_1423 = arith.xori %eq3A_1421, %eq3A_1422 : vector<512x128xi1>
    %eq3A_1424 = arith.xori %or3A_1420, %eq3A_1423 : vector<512x128xi1>
    %eq3A_1425 = arith.constant dense<true> : vector<512x128xi1>
    %eq3A_1426 = arith.xori %eq3A_1424, %eq3A_1425 : vector<512x128xi1>
    %select_n3A_1427 = arith.select %eq3A_1426, %select_n3A_1386, %select_n3A_1398 : vector<512x128xi1>, vector<512x128xf32>
    %select_n3A_1428 = arith.select %eq3A_1426, %select_n3A_1387, %select_n3A_1409 : vector<512x128xi1>, vector<512x128xf32>
    %and3A_1429 = arith.constant 2 : i32
    %and3A_1430 = vector.broadcast %and3A_1429 : i32 to vector<512x128xi32>
    %and3A_1431 = arith.andi %iota3A_0, %and3A_1430 : vector<512x128xi32>
    %eq3A_1432 = arith.constant 0 : i32
    %eq3A_1433 = vector.broadcast %eq3A_1432 : i32 to vector<512x128xi32>
    %eq3A_1434 = arith.cmpi eq, %and3A_1431, %eq3A_1433 : vector<512x128xi32>
    %roll3A_1435 = arith.constant 126 : i32
    %roll3A_1436 = tpu.dynamic_rotate %select_n3A_1427 by %roll3A_1435 dim 1 : vector<512x128xf32>, i32 -> vector<512x128xf32>
    %roll3A_1437 = arith.constant 2 : i32
    %roll3A_1438 = tpu.dynamic_rotate %select_n3A_1427 by %roll3A_1437 dim 1 : vector<512x128xf32>, i32 -> vector<512x128xf32>
    %select_n3A_1439 = arith.select %eq3A_1434, %roll3A_1436, %roll3A_1438 : vector<512x128xi1>, vector<512x128xf32>
    %and3A_1440 = arith.constant 2 : i32
    %and3A_1441 = vector.broadcast %and3A_1440 : i32 to vector<512x128xi32>
    %and3A_1442 = arith.andi %iota3A_0, %and3A_1441 : vector<512x128xi32>
    %eq3A_1443 = arith.constant 0 : i32
    %eq3A_1444 = vector.broadcast %eq3A_1443 : i32 to vector<512x128xi32>
    %eq3A_1445 = arith.cmpi eq, %and3A_1442, %eq3A_1444 : vector<512x128xi32>
    %roll3A_1446 = arith.constant 126 : i32
    %roll3A_1447 = tpu.dynamic_rotate %select_n3A_1428 by %roll3A_1446 dim 1 : vector<512x128xf32>, i32 -> vector<512x128xf32>
    %roll3A_1448 = arith.constant 2 : i32
    %roll3A_1449 = tpu.dynamic_rotate %select_n3A_1428 by %roll3A_1448 dim 1 : vector<512x128xf32>, i32 -> vector<512x128xf32>
    %select_n3A_1450 = arith.select %eq3A_1445, %roll3A_1447, %roll3A_1449 : vector<512x128xi1>, vector<512x128xf32>
    %and3A_1451 = arith.constant 2 : i32
    %and3A_1452 = vector.broadcast %and3A_1451 : i32 to vector<512x128xi32>
    %and3A_1453 = arith.andi %iota3A_0, %and3A_1452 : vector<512x128xi32>
    %eq3A_1454 = arith.constant 0 : i32
    %eq3A_1455 = vector.broadcast %eq3A_1454 : i32 to vector<512x128xi32>
    %eq3A_1456 = arith.cmpi eq, %and3A_1453, %eq3A_1455 : vector<512x128xi32>
    %gt3A_1457 = arith.cmpf ogt, %select_n3A_1427, %select_n3A_1439 : vector<512x128xf32>
    %eq3A_1458 = arith.cmpf oeq, %select_n3A_1427, %select_n3A_1439 : vector<512x128xf32>
    %lt3A_1459 = arith.cmpf olt, %select_n3A_1428, %select_n3A_1450 : vector<512x128xf32>
    %and3A_1460 = arith.andi %eq3A_1458, %lt3A_1459 : vector<512x128xi1>
    %or3A_1461 = arith.ori %gt3A_1457, %and3A_1460 : vector<512x128xi1>
    %eq3A_1462 = arith.xori %eq3A_1456, %eq3A_1197 : vector<512x128xi1>
    %eq3A_1463 = arith.constant dense<true> : vector<512x128xi1>
    %eq3A_1464 = arith.xori %eq3A_1462, %eq3A_1463 : vector<512x128xi1>
    %eq3A_1465 = arith.xori %or3A_1461, %eq3A_1464 : vector<512x128xi1>
    %eq3A_1466 = arith.constant dense<true> : vector<512x128xi1>
    %eq3A_1467 = arith.xori %eq3A_1465, %eq3A_1466 : vector<512x128xi1>
    %select_n3A_1468 = arith.select %eq3A_1467, %select_n3A_1427, %select_n3A_1439 : vector<512x128xi1>, vector<512x128xf32>
    %select_n3A_1469 = arith.select %eq3A_1467, %select_n3A_1428, %select_n3A_1450 : vector<512x128xi1>, vector<512x128xf32>
    %and3A_1470 = arith.constant 1 : i32
    %and3A_1471 = vector.broadcast %and3A_1470 : i32 to vector<512x128xi32>
    %and3A_1472 = arith.andi %iota3A_0, %and3A_1471 : vector<512x128xi32>
    %eq3A_1473 = arith.constant 0 : i32
    %eq3A_1474 = vector.broadcast %eq3A_1473 : i32 to vector<512x128xi32>
    %eq3A_1475 = arith.cmpi eq, %and3A_1472, %eq3A_1474 : vector<512x128xi32>
    %roll3A_1476 = arith.constant 127 : i32
    %roll3A_1477 = tpu.dynamic_rotate %select_n3A_1468 by %roll3A_1476 dim 1 : vector<512x128xf32>, i32 -> vector<512x128xf32>
    %roll3A_1478 = arith.constant 1 : i32
    %roll3A_1479 = tpu.dynamic_rotate %select_n3A_1468 by %roll3A_1478 dim 1 : vector<512x128xf32>, i32 -> vector<512x128xf32>
    %select_n3A_1480 = arith.select %eq3A_1475, %roll3A_1477, %roll3A_1479 : vector<512x128xi1>, vector<512x128xf32>
    %and3A_1481 = arith.constant 1 : i32
    %and3A_1482 = vector.broadcast %and3A_1481 : i32 to vector<512x128xi32>
    %and3A_1483 = arith.andi %iota3A_0, %and3A_1482 : vector<512x128xi32>
    %eq3A_1484 = arith.constant 0 : i32
    %eq3A_1485 = vector.broadcast %eq3A_1484 : i32 to vector<512x128xi32>
    %eq3A_1486 = arith.cmpi eq, %and3A_1483, %eq3A_1485 : vector<512x128xi32>
    %roll3A_1487 = arith.constant 127 : i32
    %roll3A_1488 = tpu.dynamic_rotate %select_n3A_1469 by %roll3A_1487 dim 1 : vector<512x128xf32>, i32 -> vector<512x128xf32>
    %roll3A_1489 = arith.constant 1 : i32
    %roll3A_1490 = tpu.dynamic_rotate %select_n3A_1469 by %roll3A_1489 dim 1 : vector<512x128xf32>, i32 -> vector<512x128xf32>
    %select_n3A_1491 = arith.select %eq3A_1486, %roll3A_1488, %roll3A_1490 : vector<512x128xi1>, vector<512x128xf32>
    %and3A_1492 = arith.constant 1 : i32
    %and3A_1493 = vector.broadcast %and3A_1492 : i32 to vector<512x128xi32>
    %and3A_1494 = arith.andi %iota3A_0, %and3A_1493 : vector<512x128xi32>
    %eq3A_1495 = arith.constant 0 : i32
    %eq3A_1496 = vector.broadcast %eq3A_1495 : i32 to vector<512x128xi32>
    %eq3A_1497 = arith.cmpi eq, %and3A_1494, %eq3A_1496 : vector<512x128xi32>
    %gt3A_1498 = arith.cmpf ogt, %select_n3A_1468, %select_n3A_1480 : vector<512x128xf32>
    %eq3A_1499 = arith.cmpf oeq, %select_n3A_1468, %select_n3A_1480 : vector<512x128xf32>
    %lt3A_1500 = arith.cmpf olt, %select_n3A_1469, %select_n3A_1491 : vector<512x128xf32>
    %and3A_1501 = arith.andi %eq3A_1499, %lt3A_1500 : vector<512x128xi1>
    %or3A_1502 = arith.ori %gt3A_1498, %and3A_1501 : vector<512x128xi1>
    %eq3A_1503 = arith.xori %eq3A_1497, %eq3A_1197 : vector<512x128xi1>
    %eq3A_1504 = arith.constant dense<true> : vector<512x128xi1>
    %eq3A_1505 = arith.xori %eq3A_1503, %eq3A_1504 : vector<512x128xi1>
    %eq3A_1506 = arith.xori %or3A_1502, %eq3A_1505 : vector<512x128xi1>
    %eq3A_1507 = arith.constant dense<true> : vector<512x128xi1>
    %eq3A_1508 = arith.xori %eq3A_1506, %eq3A_1507 : vector<512x128xi1>
    %select_n3A_1509 = arith.select %eq3A_1508, %select_n3A_1468, %select_n3A_1480 : vector<512x128xi1>, vector<512x128xf32>
    %select_n3A_1510 = arith.select %eq3A_1508, %select_n3A_1469, %select_n3A_1491 : vector<512x128xi1>, vector<512x128xf32>
    %and3A_1511 = arith.constant 4 : i32
    %and3A_1512 = vector.broadcast %and3A_1511 : i32 to vector<512x128xi32>
    %and3A_1513 = arith.andi %iota3A, %and3A_1512 : vector<512x128xi32>
    %eq3A_1514 = arith.constant 0 : i32
    %eq3A_1515 = vector.broadcast %eq3A_1514 : i32 to vector<512x128xi32>
    %eq3A_1516 = arith.cmpi eq, %and3A_1513, %eq3A_1515 : vector<512x128xi32>
    %reshape3A_1517 = vector.shape_cast %select_n3A_1509 : vector<512x128xf32> to vector<128x2x2x128xf32>
    %slice3A_1518 = vector.extract_strided_slice %reshape3A_1517 {offsets = [0, 1, 0, 0], sizes = [128, 1, 2, 128], strides = [1, 1, 1, 1]} : vector<128x2x2x128xf32> to vector<128x1x2x128xf32>
    %slice3A_1519 = vector.extract_strided_slice %reshape3A_1517 {offsets = [0, 0, 0, 0], sizes = [128, 1, 2, 128], strides = [1, 1, 1, 1]} : vector<128x2x2x128xf32> to vector<128x1x2x128xf32>
    %concatenate3A_1520 = tpu.concatenate %slice3A_1518, %slice3A_1519 in 1 : vector<128x1x2x128xf32>, vector<128x1x2x128xf32> -> vector<128x2x2x128xf32>
    %reshape3A_1521 = vector.shape_cast %concatenate3A_1520 : vector<128x2x2x128xf32> to vector<512x128xf32>
    %reshape3A_1522 = vector.shape_cast %select_n3A_1510 : vector<512x128xf32> to vector<128x2x2x128xf32>
    %slice3A_1523 = vector.extract_strided_slice %reshape3A_1522 {offsets = [0, 1, 0, 0], sizes = [128, 1, 2, 128], strides = [1, 1, 1, 1]} : vector<128x2x2x128xf32> to vector<128x1x2x128xf32>
    %slice3A_1524 = vector.extract_strided_slice %reshape3A_1522 {offsets = [0, 0, 0, 0], sizes = [128, 1, 2, 128], strides = [1, 1, 1, 1]} : vector<128x2x2x128xf32> to vector<128x1x2x128xf32>
    %concatenate3A_1525 = tpu.concatenate %slice3A_1523, %slice3A_1524 in 1 : vector<128x1x2x128xf32>, vector<128x1x2x128xf32> -> vector<128x2x2x128xf32>
    %reshape3A_1526 = vector.shape_cast %concatenate3A_1525 : vector<128x2x2x128xf32> to vector<512x128xf32>
    %and3A_1527 = arith.constant 2 : i32
    %and3A_1528 = vector.broadcast %and3A_1527 : i32 to vector<512x128xi32>
    %and3A_1529 = arith.andi %iota3A, %and3A_1528 : vector<512x128xi32>
    %eq3A_1530 = arith.constant 0 : i32
    %eq3A_1531 = vector.broadcast %eq3A_1530 : i32 to vector<512x128xi32>
    %eq3A_1532 = arith.cmpi eq, %and3A_1529, %eq3A_1531 : vector<512x128xi32>
    %gt3A_1533 = arith.cmpf ogt, %select_n3A_1509, %reshape3A_1521 : vector<512x128xf32>
    %eq3A_1534 = arith.cmpf oeq, %select_n3A_1509, %reshape3A_1521 : vector<512x128xf32>
    %lt3A_1535 = arith.cmpf olt, %select_n3A_1510, %reshape3A_1526 : vector<512x128xf32>
    %and3A_1536 = arith.andi %eq3A_1534, %lt3A_1535 : vector<512x128xi1>
    %or3A_1537 = arith.ori %gt3A_1533, %and3A_1536 : vector<512x128xi1>
    %eq3A_1538 = arith.xori %eq3A_1532, %eq3A_1516 : vector<512x128xi1>
    %eq3A_1539 = arith.constant dense<true> : vector<512x128xi1>
    %eq3A_1540 = arith.xori %eq3A_1538, %eq3A_1539 : vector<512x128xi1>
    %eq3A_1541 = arith.xori %or3A_1537, %eq3A_1540 : vector<512x128xi1>
    %eq3A_1542 = arith.constant dense<true> : vector<512x128xi1>
    %eq3A_1543 = arith.xori %eq3A_1541, %eq3A_1542 : vector<512x128xi1>
    %select_n3A_1544 = arith.select %eq3A_1543, %select_n3A_1509, %reshape3A_1521 : vector<512x128xi1>, vector<512x128xf32>
    %select_n3A_1545 = arith.select %eq3A_1543, %select_n3A_1510, %reshape3A_1526 : vector<512x128xi1>, vector<512x128xf32>
    %reshape3A_1546 = vector.shape_cast %select_n3A_1544 : vector<512x128xf32> to vector<256x2x1x128xf32>
    %slice3A_1547 = vector.extract_strided_slice %reshape3A_1546 {offsets = [0, 1, 0, 0], sizes = [256, 1, 1, 128], strides = [1, 1, 1, 1]} : vector<256x2x1x128xf32> to vector<256x1x1x128xf32>
    %slice3A_1548 = vector.extract_strided_slice %reshape3A_1546 {offsets = [0, 0, 0, 0], sizes = [256, 1, 1, 128], strides = [1, 1, 1, 1]} : vector<256x2x1x128xf32> to vector<256x1x1x128xf32>
    %concatenate3A_1549 = tpu.concatenate %slice3A_1547, %slice3A_1548 in 1 : vector<256x1x1x128xf32>, vector<256x1x1x128xf32> -> vector<256x2x1x128xf32>
    %reshape3A_1550 = vector.shape_cast %concatenate3A_1549 : vector<256x2x1x128xf32> to vector<512x128xf32>
    %reshape3A_1551 = vector.shape_cast %select_n3A_1545 : vector<512x128xf32> to vector<256x2x1x128xf32>
    %slice3A_1552 = vector.extract_strided_slice %reshape3A_1551 {offsets = [0, 1, 0, 0], sizes = [256, 1, 1, 128], strides = [1, 1, 1, 1]} : vector<256x2x1x128xf32> to vector<256x1x1x128xf32>
    %slice3A_1553 = vector.extract_strided_slice %reshape3A_1551 {offsets = [0, 0, 0, 0], sizes = [256, 1, 1, 128], strides = [1, 1, 1, 1]} : vector<256x2x1x128xf32> to vector<256x1x1x128xf32>
    %concatenate3A_1554 = tpu.concatenate %slice3A_1552, %slice3A_1553 in 1 : vector<256x1x1x128xf32>, vector<256x1x1x128xf32> -> vector<256x2x1x128xf32>
    %reshape3A_1555 = vector.shape_cast %concatenate3A_1554 : vector<256x2x1x128xf32> to vector<512x128xf32>
    %and3A_1556 = arith.constant 1 : i32
    %and3A_1557 = vector.broadcast %and3A_1556 : i32 to vector<512x128xi32>
    %and3A_1558 = arith.andi %iota3A, %and3A_1557 : vector<512x128xi32>
    %eq3A_1559 = arith.constant 0 : i32
    %eq3A_1560 = vector.broadcast %eq3A_1559 : i32 to vector<512x128xi32>
    %eq3A_1561 = arith.cmpi eq, %and3A_1558, %eq3A_1560 : vector<512x128xi32>
    %gt3A_1562 = arith.cmpf ogt, %select_n3A_1544, %reshape3A_1550 : vector<512x128xf32>
    %eq3A_1563 = arith.cmpf oeq, %select_n3A_1544, %reshape3A_1550 : vector<512x128xf32>
    %lt3A_1564 = arith.cmpf olt, %select_n3A_1545, %reshape3A_1555 : vector<512x128xf32>
    %and3A_1565 = arith.andi %eq3A_1563, %lt3A_1564 : vector<512x128xi1>
    %or3A_1566 = arith.ori %gt3A_1562, %and3A_1565 : vector<512x128xi1>
    %eq3A_1567 = arith.xori %eq3A_1561, %eq3A_1516 : vector<512x128xi1>
    %eq3A_1568 = arith.constant dense<true> : vector<512x128xi1>
    %eq3A_1569 = arith.xori %eq3A_1567, %eq3A_1568 : vector<512x128xi1>
    %eq3A_1570 = arith.xori %or3A_1566, %eq3A_1569 : vector<512x128xi1>
    %eq3A_1571 = arith.constant dense<true> : vector<512x128xi1>
    %eq3A_1572 = arith.xori %eq3A_1570, %eq3A_1571 : vector<512x128xi1>
    %select_n3A_1573 = arith.select %eq3A_1572, %select_n3A_1544, %reshape3A_1550 : vector<512x128xi1>, vector<512x128xf32>
    %select_n3A_1574 = arith.select %eq3A_1572, %select_n3A_1545, %reshape3A_1555 : vector<512x128xi1>, vector<512x128xf32>
    %and3A_1575 = arith.constant 64 : i32
    %and3A_1576 = vector.broadcast %and3A_1575 : i32 to vector<512x128xi32>
    %and3A_1577 = arith.andi %iota3A_0, %and3A_1576 : vector<512x128xi32>
    %eq3A_1578 = arith.constant 0 : i32
    %eq3A_1579 = vector.broadcast %eq3A_1578 : i32 to vector<512x128xi32>
    %eq3A_1580 = arith.cmpi eq, %and3A_1577, %eq3A_1579 : vector<512x128xi32>
    %roll3A_1581 = arith.constant 64 : i32
    %roll3A_1582 = tpu.dynamic_rotate %select_n3A_1573 by %roll3A_1581 dim 1 : vector<512x128xf32>, i32 -> vector<512x128xf32>
    %roll3A_1583 = arith.constant 64 : i32
    %roll3A_1584 = tpu.dynamic_rotate %select_n3A_1573 by %roll3A_1583 dim 1 : vector<512x128xf32>, i32 -> vector<512x128xf32>
    %select_n3A_1585 = arith.select %eq3A_1580, %roll3A_1582, %roll3A_1584 : vector<512x128xi1>, vector<512x128xf32>
    %and3A_1586 = arith.constant 64 : i32
    %and3A_1587 = vector.broadcast %and3A_1586 : i32 to vector<512x128xi32>
    %and3A_1588 = arith.andi %iota3A_0, %and3A_1587 : vector<512x128xi32>
    %eq3A_1589 = arith.constant 0 : i32
    %eq3A_1590 = vector.broadcast %eq3A_1589 : i32 to vector<512x128xi32>
    %eq3A_1591 = arith.cmpi eq, %and3A_1588, %eq3A_1590 : vector<512x128xi32>
    %roll3A_1592 = arith.constant 64 : i32
    %roll3A_1593 = tpu.dynamic_rotate %select_n3A_1574 by %roll3A_1592 dim 1 : vector<512x128xf32>, i32 -> vector<512x128xf32>
    %roll3A_1594 = arith.constant 64 : i32
    %roll3A_1595 = tpu.dynamic_rotate %select_n3A_1574 by %roll3A_1594 dim 1 : vector<512x128xf32>, i32 -> vector<512x128xf32>
    %select_n3A_1596 = arith.select %eq3A_1591, %roll3A_1593, %roll3A_1595 : vector<512x128xi1>, vector<512x128xf32>
    %and3A_1597 = arith.constant 64 : i32
    %and3A_1598 = vector.broadcast %and3A_1597 : i32 to vector<512x128xi32>
    %and3A_1599 = arith.andi %iota3A_0, %and3A_1598 : vector<512x128xi32>
    %eq3A_1600 = arith.constant 0 : i32
    %eq3A_1601 = vector.broadcast %eq3A_1600 : i32 to vector<512x128xi32>
    %eq3A_1602 = arith.cmpi eq, %and3A_1599, %eq3A_1601 : vector<512x128xi32>
    %gt3A_1603 = arith.cmpf ogt, %select_n3A_1573, %select_n3A_1585 : vector<512x128xf32>
    %eq3A_1604 = arith.cmpf oeq, %select_n3A_1573, %select_n3A_1585 : vector<512x128xf32>
    %lt3A_1605 = arith.cmpf olt, %select_n3A_1574, %select_n3A_1596 : vector<512x128xf32>
    %and3A_1606 = arith.andi %eq3A_1604, %lt3A_1605 : vector<512x128xi1>
    %or3A_1607 = arith.ori %gt3A_1603, %and3A_1606 : vector<512x128xi1>
    %eq3A_1608 = arith.xori %eq3A_1602, %eq3A_1516 : vector<512x128xi1>
    %eq3A_1609 = arith.constant dense<true> : vector<512x128xi1>
    %eq3A_1610 = arith.xori %eq3A_1608, %eq3A_1609 : vector<512x128xi1>
    %eq3A_1611 = arith.xori %or3A_1607, %eq3A_1610 : vector<512x128xi1>
    %eq3A_1612 = arith.constant dense<true> : vector<512x128xi1>
    %eq3A_1613 = arith.xori %eq3A_1611, %eq3A_1612 : vector<512x128xi1>
    %select_n3A_1614 = arith.select %eq3A_1613, %select_n3A_1573, %select_n3A_1585 : vector<512x128xi1>, vector<512x128xf32>
    %select_n3A_1615 = arith.select %eq3A_1613, %select_n3A_1574, %select_n3A_1596 : vector<512x128xi1>, vector<512x128xf32>
    %and3A_1616 = arith.constant 32 : i32
    %and3A_1617 = vector.broadcast %and3A_1616 : i32 to vector<512x128xi32>
    %and3A_1618 = arith.andi %iota3A_0, %and3A_1617 : vector<512x128xi32>
    %eq3A_1619 = arith.constant 0 : i32
    %eq3A_1620 = vector.broadcast %eq3A_1619 : i32 to vector<512x128xi32>
    %eq3A_1621 = arith.cmpi eq, %and3A_1618, %eq3A_1620 : vector<512x128xi32>
    %roll3A_1622 = arith.constant 96 : i32
    %roll3A_1623 = tpu.dynamic_rotate %select_n3A_1614 by %roll3A_1622 dim 1 : vector<512x128xf32>, i32 -> vector<512x128xf32>
    %roll3A_1624 = arith.constant 32 : i32
    %roll3A_1625 = tpu.dynamic_rotate %select_n3A_1614 by %roll3A_1624 dim 1 : vector<512x128xf32>, i32 -> vector<512x128xf32>
    %select_n3A_1626 = arith.select %eq3A_1621, %roll3A_1623, %roll3A_1625 : vector<512x128xi1>, vector<512x128xf32>
    %and3A_1627 = arith.constant 32 : i32
    %and3A_1628 = vector.broadcast %and3A_1627 : i32 to vector<512x128xi32>
    %and3A_1629 = arith.andi %iota3A_0, %and3A_1628 : vector<512x128xi32>
    %eq3A_1630 = arith.constant 0 : i32
    %eq3A_1631 = vector.broadcast %eq3A_1630 : i32 to vector<512x128xi32>
    %eq3A_1632 = arith.cmpi eq, %and3A_1629, %eq3A_1631 : vector<512x128xi32>
    %roll3A_1633 = arith.constant 96 : i32
    %roll3A_1634 = tpu.dynamic_rotate %select_n3A_1615 by %roll3A_1633 dim 1 : vector<512x128xf32>, i32 -> vector<512x128xf32>
    %roll3A_1635 = arith.constant 32 : i32
    %roll3A_1636 = tpu.dynamic_rotate %select_n3A_1615 by %roll3A_1635 dim 1 : vector<512x128xf32>, i32 -> vector<512x128xf32>
    %select_n3A_1637 = arith.select %eq3A_1632, %roll3A_1634, %roll3A_1636 : vector<512x128xi1>, vector<512x128xf32>
    %and3A_1638 = arith.constant 32 : i32
    %and3A_1639 = vector.broadcast %and3A_1638 : i32 to vector<512x128xi32>
    %and3A_1640 = arith.andi %iota3A_0, %and3A_1639 : vector<512x128xi32>
    %eq3A_1641 = arith.constant 0 : i32
    %eq3A_1642 = vector.broadcast %eq3A_1641 : i32 to vector<512x128xi32>
    %eq3A_1643 = arith.cmpi eq, %and3A_1640, %eq3A_1642 : vector<512x128xi32>
    %gt3A_1644 = arith.cmpf ogt, %select_n3A_1614, %select_n3A_1626 : vector<512x128xf32>
    %eq3A_1645 = arith.cmpf oeq, %select_n3A_1614, %select_n3A_1626 : vector<512x128xf32>
    %lt3A_1646 = arith.cmpf olt, %select_n3A_1615, %select_n3A_1637 : vector<512x128xf32>
    %and3A_1647 = arith.andi %eq3A_1645, %lt3A_1646 : vector<512x128xi1>
    %or3A_1648 = arith.ori %gt3A_1644, %and3A_1647 : vector<512x128xi1>
    %eq3A_1649 = arith.xori %eq3A_1643, %eq3A_1516 : vector<512x128xi1>
    %eq3A_1650 = arith.constant dense<true> : vector<512x128xi1>
    %eq3A_1651 = arith.xori %eq3A_1649, %eq3A_1650 : vector<512x128xi1>
    %eq3A_1652 = arith.xori %or3A_1648, %eq3A_1651 : vector<512x128xi1>
    %eq3A_1653 = arith.constant dense<true> : vector<512x128xi1>
    %eq3A_1654 = arith.xori %eq3A_1652, %eq3A_1653 : vector<512x128xi1>
    %select_n3A_1655 = arith.select %eq3A_1654, %select_n3A_1614, %select_n3A_1626 : vector<512x128xi1>, vector<512x128xf32>
    %select_n3A_1656 = arith.select %eq3A_1654, %select_n3A_1615, %select_n3A_1637 : vector<512x128xi1>, vector<512x128xf32>
    %and3A_1657 = arith.constant 16 : i32
    %and3A_1658 = vector.broadcast %and3A_1657 : i32 to vector<512x128xi32>
    %and3A_1659 = arith.andi %iota3A_0, %and3A_1658 : vector<512x128xi32>
    %eq3A_1660 = arith.constant 0 : i32
    %eq3A_1661 = vector.broadcast %eq3A_1660 : i32 to vector<512x128xi32>
    %eq3A_1662 = arith.cmpi eq, %and3A_1659, %eq3A_1661 : vector<512x128xi32>
    %roll3A_1663 = arith.constant 112 : i32
    %roll3A_1664 = tpu.dynamic_rotate %select_n3A_1655 by %roll3A_1663 dim 1 : vector<512x128xf32>, i32 -> vector<512x128xf32>
    %roll3A_1665 = arith.constant 16 : i32
    %roll3A_1666 = tpu.dynamic_rotate %select_n3A_1655 by %roll3A_1665 dim 1 : vector<512x128xf32>, i32 -> vector<512x128xf32>
    %select_n3A_1667 = arith.select %eq3A_1662, %roll3A_1664, %roll3A_1666 : vector<512x128xi1>, vector<512x128xf32>
    %and3A_1668 = arith.constant 16 : i32
    %and3A_1669 = vector.broadcast %and3A_1668 : i32 to vector<512x128xi32>
    %and3A_1670 = arith.andi %iota3A_0, %and3A_1669 : vector<512x128xi32>
    %eq3A_1671 = arith.constant 0 : i32
    %eq3A_1672 = vector.broadcast %eq3A_1671 : i32 to vector<512x128xi32>
    %eq3A_1673 = arith.cmpi eq, %and3A_1670, %eq3A_1672 : vector<512x128xi32>
    %roll3A_1674 = arith.constant 112 : i32
    %roll3A_1675 = tpu.dynamic_rotate %select_n3A_1656 by %roll3A_1674 dim 1 : vector<512x128xf32>, i32 -> vector<512x128xf32>
    %roll3A_1676 = arith.constant 16 : i32
    %roll3A_1677 = tpu.dynamic_rotate %select_n3A_1656 by %roll3A_1676 dim 1 : vector<512x128xf32>, i32 -> vector<512x128xf32>
    %select_n3A_1678 = arith.select %eq3A_1673, %roll3A_1675, %roll3A_1677 : vector<512x128xi1>, vector<512x128xf32>
    %and3A_1679 = arith.constant 16 : i32
    %and3A_1680 = vector.broadcast %and3A_1679 : i32 to vector<512x128xi32>
    %and3A_1681 = arith.andi %iota3A_0, %and3A_1680 : vector<512x128xi32>
    %eq3A_1682 = arith.constant 0 : i32
    %eq3A_1683 = vector.broadcast %eq3A_1682 : i32 to vector<512x128xi32>
    %eq3A_1684 = arith.cmpi eq, %and3A_1681, %eq3A_1683 : vector<512x128xi32>
    %gt3A_1685 = arith.cmpf ogt, %select_n3A_1655, %select_n3A_1667 : vector<512x128xf32>
    %eq3A_1686 = arith.cmpf oeq, %select_n3A_1655, %select_n3A_1667 : vector<512x128xf32>
    %lt3A_1687 = arith.cmpf olt, %select_n3A_1656, %select_n3A_1678 : vector<512x128xf32>
    %and3A_1688 = arith.andi %eq3A_1686, %lt3A_1687 : vector<512x128xi1>
    %or3A_1689 = arith.ori %gt3A_1685, %and3A_1688 : vector<512x128xi1>
    %eq3A_1690 = arith.xori %eq3A_1684, %eq3A_1516 : vector<512x128xi1>
    %eq3A_1691 = arith.constant dense<true> : vector<512x128xi1>
    %eq3A_1692 = arith.xori %eq3A_1690, %eq3A_1691 : vector<512x128xi1>
    %eq3A_1693 = arith.xori %or3A_1689, %eq3A_1692 : vector<512x128xi1>
    %eq3A_1694 = arith.constant dense<true> : vector<512x128xi1>
    %eq3A_1695 = arith.xori %eq3A_1693, %eq3A_1694 : vector<512x128xi1>
    %select_n3A_1696 = arith.select %eq3A_1695, %select_n3A_1655, %select_n3A_1667 : vector<512x128xi1>, vector<512x128xf32>
    %select_n3A_1697 = arith.select %eq3A_1695, %select_n3A_1656, %select_n3A_1678 : vector<512x128xi1>, vector<512x128xf32>
    %and3A_1698 = arith.constant 8 : i32
    %and3A_1699 = vector.broadcast %and3A_1698 : i32 to vector<512x128xi32>
    %and3A_1700 = arith.andi %iota3A_0, %and3A_1699 : vector<512x128xi32>
    %eq3A_1701 = arith.constant 0 : i32
    %eq3A_1702 = vector.broadcast %eq3A_1701 : i32 to vector<512x128xi32>
    %eq3A_1703 = arith.cmpi eq, %and3A_1700, %eq3A_1702 : vector<512x128xi32>
    %roll3A_1704 = arith.constant 120 : i32
    %roll3A_1705 = tpu.dynamic_rotate %select_n3A_1696 by %roll3A_1704 dim 1 : vector<512x128xf32>, i32 -> vector<512x128xf32>
    %roll3A_1706 = arith.constant 8 : i32
    %roll3A_1707 = tpu.dynamic_rotate %select_n3A_1696 by %roll3A_1706 dim 1 : vector<512x128xf32>, i32 -> vector<512x128xf32>
    %select_n3A_1708 = arith.select %eq3A_1703, %roll3A_1705, %roll3A_1707 : vector<512x128xi1>, vector<512x128xf32>
    %and3A_1709 = arith.constant 8 : i32
    %and3A_1710 = vector.broadcast %and3A_1709 : i32 to vector<512x128xi32>
    %and3A_1711 = arith.andi %iota3A_0, %and3A_1710 : vector<512x128xi32>
    %eq3A_1712 = arith.constant 0 : i32
    %eq3A_1713 = vector.broadcast %eq3A_1712 : i32 to vector<512x128xi32>
    %eq3A_1714 = arith.cmpi eq, %and3A_1711, %eq3A_1713 : vector<512x128xi32>
    %roll3A_1715 = arith.constant 120 : i32
    %roll3A_1716 = tpu.dynamic_rotate %select_n3A_1697 by %roll3A_1715 dim 1 : vector<512x128xf32>, i32 -> vector<512x128xf32>
    %roll3A_1717 = arith.constant 8 : i32
    %roll3A_1718 = tpu.dynamic_rotate %select_n3A_1697 by %roll3A_1717 dim 1 : vector<512x128xf32>, i32 -> vector<512x128xf32>
    %select_n3A_1719 = arith.select %eq3A_1714, %roll3A_1716, %roll3A_1718 : vector<512x128xi1>, vector<512x128xf32>
    %and3A_1720 = arith.constant 8 : i32
    %and3A_1721 = vector.broadcast %and3A_1720 : i32 to vector<512x128xi32>
    %and3A_1722 = arith.andi %iota3A_0, %and3A_1721 : vector<512x128xi32>
    %eq3A_1723 = arith.constant 0 : i32
    %eq3A_1724 = vector.broadcast %eq3A_1723 : i32 to vector<512x128xi32>
    %eq3A_1725 = arith.cmpi eq, %and3A_1722, %eq3A_1724 : vector<512x128xi32>
    %gt3A_1726 = arith.cmpf ogt, %select_n3A_1696, %select_n3A_1708 : vector<512x128xf32>
    %eq3A_1727 = arith.cmpf oeq, %select_n3A_1696, %select_n3A_1708 : vector<512x128xf32>
    %lt3A_1728 = arith.cmpf olt, %select_n3A_1697, %select_n3A_1719 : vector<512x128xf32>
    %and3A_1729 = arith.andi %eq3A_1727, %lt3A_1728 : vector<512x128xi1>
    %or3A_1730 = arith.ori %gt3A_1726, %and3A_1729 : vector<512x128xi1>
    %eq3A_1731 = arith.xori %eq3A_1725, %eq3A_1516 : vector<512x128xi1>
    %eq3A_1732 = arith.constant dense<true> : vector<512x128xi1>
    %eq3A_1733 = arith.xori %eq3A_1731, %eq3A_1732 : vector<512x128xi1>
    %eq3A_1734 = arith.xori %or3A_1730, %eq3A_1733 : vector<512x128xi1>
    %eq3A_1735 = arith.constant dense<true> : vector<512x128xi1>
    %eq3A_1736 = arith.xori %eq3A_1734, %eq3A_1735 : vector<512x128xi1>
    %select_n3A_1737 = arith.select %eq3A_1736, %select_n3A_1696, %select_n3A_1708 : vector<512x128xi1>, vector<512x128xf32>
    %select_n3A_1738 = arith.select %eq3A_1736, %select_n3A_1697, %select_n3A_1719 : vector<512x128xi1>, vector<512x128xf32>
    %and3A_1739 = arith.constant 4 : i32
    %and3A_1740 = vector.broadcast %and3A_1739 : i32 to vector<512x128xi32>
    %and3A_1741 = arith.andi %iota3A_0, %and3A_1740 : vector<512x128xi32>
    %eq3A_1742 = arith.constant 0 : i32
    %eq3A_1743 = vector.broadcast %eq3A_1742 : i32 to vector<512x128xi32>
    %eq3A_1744 = arith.cmpi eq, %and3A_1741, %eq3A_1743 : vector<512x128xi32>
    %roll3A_1745 = arith.constant 124 : i32
    %roll3A_1746 = tpu.dynamic_rotate %select_n3A_1737 by %roll3A_1745 dim 1 : vector<512x128xf32>, i32 -> vector<512x128xf32>
    %roll3A_1747 = arith.constant 4 : i32
    %roll3A_1748 = tpu.dynamic_rotate %select_n3A_1737 by %roll3A_1747 dim 1 : vector<512x128xf32>, i32 -> vector<512x128xf32>
    %select_n3A_1749 = arith.select %eq3A_1744, %roll3A_1746, %roll3A_1748 : vector<512x128xi1>, vector<512x128xf32>
    %and3A_1750 = arith.constant 4 : i32
    %and3A_1751 = vector.broadcast %and3A_1750 : i32 to vector<512x128xi32>
    %and3A_1752 = arith.andi %iota3A_0, %and3A_1751 : vector<512x128xi32>
    %eq3A_1753 = arith.constant 0 : i32
    %eq3A_1754 = vector.broadcast %eq3A_1753 : i32 to vector<512x128xi32>
    %eq3A_1755 = arith.cmpi eq, %and3A_1752, %eq3A_1754 : vector<512x128xi32>
    %roll3A_1756 = arith.constant 124 : i32
    %roll3A_1757 = tpu.dynamic_rotate %select_n3A_1738 by %roll3A_1756 dim 1 : vector<512x128xf32>, i32 -> vector<512x128xf32>
    %roll3A_1758 = arith.constant 4 : i32
    %roll3A_1759 = tpu.dynamic_rotate %select_n3A_1738 by %roll3A_1758 dim 1 : vector<512x128xf32>, i32 -> vector<512x128xf32>
    %select_n3A_1760 = arith.select %eq3A_1755, %roll3A_1757, %roll3A_1759 : vector<512x128xi1>, vector<512x128xf32>
    %and3A_1761 = arith.constant 4 : i32
    %and3A_1762 = vector.broadcast %and3A_1761 : i32 to vector<512x128xi32>
    %and3A_1763 = arith.andi %iota3A_0, %and3A_1762 : vector<512x128xi32>
    %eq3A_1764 = arith.constant 0 : i32
    %eq3A_1765 = vector.broadcast %eq3A_1764 : i32 to vector<512x128xi32>
    %eq3A_1766 = arith.cmpi eq, %and3A_1763, %eq3A_1765 : vector<512x128xi32>
    %gt3A_1767 = arith.cmpf ogt, %select_n3A_1737, %select_n3A_1749 : vector<512x128xf32>
    %eq3A_1768 = arith.cmpf oeq, %select_n3A_1737, %select_n3A_1749 : vector<512x128xf32>
    %lt3A_1769 = arith.cmpf olt, %select_n3A_1738, %select_n3A_1760 : vector<512x128xf32>
    %and3A_1770 = arith.andi %eq3A_1768, %lt3A_1769 : vector<512x128xi1>
    %or3A_1771 = arith.ori %gt3A_1767, %and3A_1770 : vector<512x128xi1>
    %eq3A_1772 = arith.xori %eq3A_1766, %eq3A_1516 : vector<512x128xi1>
    %eq3A_1773 = arith.constant dense<true> : vector<512x128xi1>
    %eq3A_1774 = arith.xori %eq3A_1772, %eq3A_1773 : vector<512x128xi1>
    %eq3A_1775 = arith.xori %or3A_1771, %eq3A_1774 : vector<512x128xi1>
    %eq3A_1776 = arith.constant dense<true> : vector<512x128xi1>
    %eq3A_1777 = arith.xori %eq3A_1775, %eq3A_1776 : vector<512x128xi1>
    %select_n3A_1778 = arith.select %eq3A_1777, %select_n3A_1737, %select_n3A_1749 : vector<512x128xi1>, vector<512x128xf32>
    %select_n3A_1779 = arith.select %eq3A_1777, %select_n3A_1738, %select_n3A_1760 : vector<512x128xi1>, vector<512x128xf32>
    %and3A_1780 = arith.constant 2 : i32
    %and3A_1781 = vector.broadcast %and3A_1780 : i32 to vector<512x128xi32>
    %and3A_1782 = arith.andi %iota3A_0, %and3A_1781 : vector<512x128xi32>
    %eq3A_1783 = arith.constant 0 : i32
    %eq3A_1784 = vector.broadcast %eq3A_1783 : i32 to vector<512x128xi32>
    %eq3A_1785 = arith.cmpi eq, %and3A_1782, %eq3A_1784 : vector<512x128xi32>
    %roll3A_1786 = arith.constant 126 : i32
    %roll3A_1787 = tpu.dynamic_rotate %select_n3A_1778 by %roll3A_1786 dim 1 : vector<512x128xf32>, i32 -> vector<512x128xf32>
    %roll3A_1788 = arith.constant 2 : i32
    %roll3A_1789 = tpu.dynamic_rotate %select_n3A_1778 by %roll3A_1788 dim 1 : vector<512x128xf32>, i32 -> vector<512x128xf32>
    %select_n3A_1790 = arith.select %eq3A_1785, %roll3A_1787, %roll3A_1789 : vector<512x128xi1>, vector<512x128xf32>
    %and3A_1791 = arith.constant 2 : i32
    %and3A_1792 = vector.broadcast %and3A_1791 : i32 to vector<512x128xi32>
    %and3A_1793 = arith.andi %iota3A_0, %and3A_1792 : vector<512x128xi32>
    %eq3A_1794 = arith.constant 0 : i32
    %eq3A_1795 = vector.broadcast %eq3A_1794 : i32 to vector<512x128xi32>
    %eq3A_1796 = arith.cmpi eq, %and3A_1793, %eq3A_1795 : vector<512x128xi32>
    %roll3A_1797 = arith.constant 126 : i32
    %roll3A_1798 = tpu.dynamic_rotate %select_n3A_1779 by %roll3A_1797 dim 1 : vector<512x128xf32>, i32 -> vector<512x128xf32>
    %roll3A_1799 = arith.constant 2 : i32
    %roll3A_1800 = tpu.dynamic_rotate %select_n3A_1779 by %roll3A_1799 dim 1 : vector<512x128xf32>, i32 -> vector<512x128xf32>
    %select_n3A_1801 = arith.select %eq3A_1796, %roll3A_1798, %roll3A_1800 : vector<512x128xi1>, vector<512x128xf32>
    %and3A_1802 = arith.constant 2 : i32
    %and3A_1803 = vector.broadcast %and3A_1802 : i32 to vector<512x128xi32>
    %and3A_1804 = arith.andi %iota3A_0, %and3A_1803 : vector<512x128xi32>
    %eq3A_1805 = arith.constant 0 : i32
    %eq3A_1806 = vector.broadcast %eq3A_1805 : i32 to vector<512x128xi32>
    %eq3A_1807 = arith.cmpi eq, %and3A_1804, %eq3A_1806 : vector<512x128xi32>
    %gt3A_1808 = arith.cmpf ogt, %select_n3A_1778, %select_n3A_1790 : vector<512x128xf32>
    %eq3A_1809 = arith.cmpf oeq, %select_n3A_1778, %select_n3A_1790 : vector<512x128xf32>
    %lt3A_1810 = arith.cmpf olt, %select_n3A_1779, %select_n3A_1801 : vector<512x128xf32>
    %and3A_1811 = arith.andi %eq3A_1809, %lt3A_1810 : vector<512x128xi1>
    %or3A_1812 = arith.ori %gt3A_1808, %and3A_1811 : vector<512x128xi1>
    %eq3A_1813 = arith.xori %eq3A_1807, %eq3A_1516 : vector<512x128xi1>
    %eq3A_1814 = arith.constant dense<true> : vector<512x128xi1>
    %eq3A_1815 = arith.xori %eq3A_1813, %eq3A_1814 : vector<512x128xi1>
    %eq3A_1816 = arith.xori %or3A_1812, %eq3A_1815 : vector<512x128xi1>
    %eq3A_1817 = arith.constant dense<true> : vector<512x128xi1>
    %eq3A_1818 = arith.xori %eq3A_1816, %eq3A_1817 : vector<512x128xi1>
    %select_n3A_1819 = arith.select %eq3A_1818, %select_n3A_1778, %select_n3A_1790 : vector<512x128xi1>, vector<512x128xf32>
    %select_n3A_1820 = arith.select %eq3A_1818, %select_n3A_1779, %select_n3A_1801 : vector<512x128xi1>, vector<512x128xf32>
    %and3A_1821 = arith.constant 1 : i32
    %and3A_1822 = vector.broadcast %and3A_1821 : i32 to vector<512x128xi32>
    %and3A_1823 = arith.andi %iota3A_0, %and3A_1822 : vector<512x128xi32>
    %eq3A_1824 = arith.constant 0 : i32
    %eq3A_1825 = vector.broadcast %eq3A_1824 : i32 to vector<512x128xi32>
    %eq3A_1826 = arith.cmpi eq, %and3A_1823, %eq3A_1825 : vector<512x128xi32>
    %roll3A_1827 = arith.constant 127 : i32
    %roll3A_1828 = tpu.dynamic_rotate %select_n3A_1819 by %roll3A_1827 dim 1 : vector<512x128xf32>, i32 -> vector<512x128xf32>
    %roll3A_1829 = arith.constant 1 : i32
    %roll3A_1830 = tpu.dynamic_rotate %select_n3A_1819 by %roll3A_1829 dim 1 : vector<512x128xf32>, i32 -> vector<512x128xf32>
    %select_n3A_1831 = arith.select %eq3A_1826, %roll3A_1828, %roll3A_1830 : vector<512x128xi1>, vector<512x128xf32>
    %and3A_1832 = arith.constant 1 : i32
    %and3A_1833 = vector.broadcast %and3A_1832 : i32 to vector<512x128xi32>
    %and3A_1834 = arith.andi %iota3A_0, %and3A_1833 : vector<512x128xi32>
    %eq3A_1835 = arith.constant 0 : i32
    %eq3A_1836 = vector.broadcast %eq3A_1835 : i32 to vector<512x128xi32>
    %eq3A_1837 = arith.cmpi eq, %and3A_1834, %eq3A_1836 : vector<512x128xi32>
    %roll3A_1838 = arith.constant 127 : i32
    %roll3A_1839 = tpu.dynamic_rotate %select_n3A_1820 by %roll3A_1838 dim 1 : vector<512x128xf32>, i32 -> vector<512x128xf32>
    %roll3A_1840 = arith.constant 1 : i32
    %roll3A_1841 = tpu.dynamic_rotate %select_n3A_1820 by %roll3A_1840 dim 1 : vector<512x128xf32>, i32 -> vector<512x128xf32>
    %select_n3A_1842 = arith.select %eq3A_1837, %roll3A_1839, %roll3A_1841 : vector<512x128xi1>, vector<512x128xf32>
    %and3A_1843 = arith.constant 1 : i32
    %and3A_1844 = vector.broadcast %and3A_1843 : i32 to vector<512x128xi32>
    %and3A_1845 = arith.andi %iota3A_0, %and3A_1844 : vector<512x128xi32>
    %eq3A_1846 = arith.constant 0 : i32
    %eq3A_1847 = vector.broadcast %eq3A_1846 : i32 to vector<512x128xi32>
    %eq3A_1848 = arith.cmpi eq, %and3A_1845, %eq3A_1847 : vector<512x128xi32>
    %gt3A_1849 = arith.cmpf ogt, %select_n3A_1819, %select_n3A_1831 : vector<512x128xf32>
    %eq3A_1850 = arith.cmpf oeq, %select_n3A_1819, %select_n3A_1831 : vector<512x128xf32>
    %lt3A_1851 = arith.cmpf olt, %select_n3A_1820, %select_n3A_1842 : vector<512x128xf32>
    %and3A_1852 = arith.andi %eq3A_1850, %lt3A_1851 : vector<512x128xi1>
    %or3A_1853 = arith.ori %gt3A_1849, %and3A_1852 : vector<512x128xi1>
    %eq3A_1854 = arith.xori %eq3A_1848, %eq3A_1516 : vector<512x128xi1>
    %eq3A_1855 = arith.constant dense<true> : vector<512x128xi1>
    %eq3A_1856 = arith.xori %eq3A_1854, %eq3A_1855 : vector<512x128xi1>
    %eq3A_1857 = arith.xori %or3A_1853, %eq3A_1856 : vector<512x128xi1>
    %eq3A_1858 = arith.constant dense<true> : vector<512x128xi1>
    %eq3A_1859 = arith.xori %eq3A_1857, %eq3A_1858 : vector<512x128xi1>
    %select_n3A_1860 = arith.select %eq3A_1859, %select_n3A_1819, %select_n3A_1831 : vector<512x128xi1>, vector<512x128xf32>
    %select_n3A_1861 = arith.select %eq3A_1859, %select_n3A_1820, %select_n3A_1842 : vector<512x128xi1>, vector<512x128xf32>
    %and3A_1862 = arith.constant 8 : i32
    %and3A_1863 = vector.broadcast %and3A_1862 : i32 to vector<512x128xi32>
    %and3A_1864 = arith.andi %iota3A, %and3A_1863 : vector<512x128xi32>
    %eq3A_1865 = arith.constant 0 : i32
    %eq3A_1866 = vector.broadcast %eq3A_1865 : i32 to vector<512x128xi32>
    %eq3A_1867 = arith.cmpi eq, %and3A_1864, %eq3A_1866 : vector<512x128xi32>
    %reshape3A_1868 = vector.shape_cast %select_n3A_1860 : vector<512x128xf32> to vector<64x2x4x128xf32>
    %slice3A_1869 = vector.extract_strided_slice %reshape3A_1868 {offsets = [0, 1, 0, 0], sizes = [64, 1, 4, 128], strides = [1, 1, 1, 1]} : vector<64x2x4x128xf32> to vector<64x1x4x128xf32>
    %slice3A_1870 = vector.extract_strided_slice %reshape3A_1868 {offsets = [0, 0, 0, 0], sizes = [64, 1, 4, 128], strides = [1, 1, 1, 1]} : vector<64x2x4x128xf32> to vector<64x1x4x128xf32>
    %concatenate3A_1871 = tpu.concatenate %slice3A_1869, %slice3A_1870 in 1 : vector<64x1x4x128xf32>, vector<64x1x4x128xf32> -> vector<64x2x4x128xf32>
    %reshape3A_1872 = vector.shape_cast %concatenate3A_1871 : vector<64x2x4x128xf32> to vector<512x128xf32>
    %reshape3A_1873 = vector.shape_cast %select_n3A_1861 : vector<512x128xf32> to vector<64x2x4x128xf32>
    %slice3A_1874 = vector.extract_strided_slice %reshape3A_1873 {offsets = [0, 1, 0, 0], sizes = [64, 1, 4, 128], strides = [1, 1, 1, 1]} : vector<64x2x4x128xf32> to vector<64x1x4x128xf32>
    %slice3A_1875 = vector.extract_strided_slice %reshape3A_1873 {offsets = [0, 0, 0, 0], sizes = [64, 1, 4, 128], strides = [1, 1, 1, 1]} : vector<64x2x4x128xf32> to vector<64x1x4x128xf32>
    %concatenate3A_1876 = tpu.concatenate %slice3A_1874, %slice3A_1875 in 1 : vector<64x1x4x128xf32>, vector<64x1x4x128xf32> -> vector<64x2x4x128xf32>
    %reshape3A_1877 = vector.shape_cast %concatenate3A_1876 : vector<64x2x4x128xf32> to vector<512x128xf32>
    %and3A_1878 = arith.constant 4 : i32
    %and3A_1879 = vector.broadcast %and3A_1878 : i32 to vector<512x128xi32>
    %and3A_1880 = arith.andi %iota3A, %and3A_1879 : vector<512x128xi32>
    %eq3A_1881 = arith.constant 0 : i32
    %eq3A_1882 = vector.broadcast %eq3A_1881 : i32 to vector<512x128xi32>
    %eq3A_1883 = arith.cmpi eq, %and3A_1880, %eq3A_1882 : vector<512x128xi32>
    %gt3A_1884 = arith.cmpf ogt, %select_n3A_1860, %reshape3A_1872 : vector<512x128xf32>
    %eq3A_1885 = arith.cmpf oeq, %select_n3A_1860, %reshape3A_1872 : vector<512x128xf32>
    %lt3A_1886 = arith.cmpf olt, %select_n3A_1861, %reshape3A_1877 : vector<512x128xf32>
    %and3A_1887 = arith.andi %eq3A_1885, %lt3A_1886 : vector<512x128xi1>
    %or3A_1888 = arith.ori %gt3A_1884, %and3A_1887 : vector<512x128xi1>
    %eq3A_1889 = arith.xori %eq3A_1883, %eq3A_1867 : vector<512x128xi1>
    %eq3A_1890 = arith.constant dense<true> : vector<512x128xi1>
    %eq3A_1891 = arith.xori %eq3A_1889, %eq3A_1890 : vector<512x128xi1>
    %eq3A_1892 = arith.xori %or3A_1888, %eq3A_1891 : vector<512x128xi1>
    %eq3A_1893 = arith.constant dense<true> : vector<512x128xi1>
    %eq3A_1894 = arith.xori %eq3A_1892, %eq3A_1893 : vector<512x128xi1>
    %select_n3A_1895 = arith.select %eq3A_1894, %select_n3A_1860, %reshape3A_1872 : vector<512x128xi1>, vector<512x128xf32>
    %select_n3A_1896 = arith.select %eq3A_1894, %select_n3A_1861, %reshape3A_1877 : vector<512x128xi1>, vector<512x128xf32>
    %reshape3A_1897 = vector.shape_cast %select_n3A_1895 : vector<512x128xf32> to vector<128x2x2x128xf32>
    %slice3A_1898 = vector.extract_strided_slice %reshape3A_1897 {offsets = [0, 1, 0, 0], sizes = [128, 1, 2, 128], strides = [1, 1, 1, 1]} : vector<128x2x2x128xf32> to vector<128x1x2x128xf32>
    %slice3A_1899 = vector.extract_strided_slice %reshape3A_1897 {offsets = [0, 0, 0, 0], sizes = [128, 1, 2, 128], strides = [1, 1, 1, 1]} : vector<128x2x2x128xf32> to vector<128x1x2x128xf32>
    %concatenate3A_1900 = tpu.concatenate %slice3A_1898, %slice3A_1899 in 1 : vector<128x1x2x128xf32>, vector<128x1x2x128xf32> -> vector<128x2x2x128xf32>
    %reshape3A_1901 = vector.shape_cast %concatenate3A_1900 : vector<128x2x2x128xf32> to vector<512x128xf32>
    %reshape3A_1902 = vector.shape_cast %select_n3A_1896 : vector<512x128xf32> to vector<128x2x2x128xf32>
    %slice3A_1903 = vector.extract_strided_slice %reshape3A_1902 {offsets = [0, 1, 0, 0], sizes = [128, 1, 2, 128], strides = [1, 1, 1, 1]} : vector<128x2x2x128xf32> to vector<128x1x2x128xf32>
    %slice3A_1904 = vector.extract_strided_slice %reshape3A_1902 {offsets = [0, 0, 0, 0], sizes = [128, 1, 2, 128], strides = [1, 1, 1, 1]} : vector<128x2x2x128xf32> to vector<128x1x2x128xf32>
    %concatenate3A_1905 = tpu.concatenate %slice3A_1903, %slice3A_1904 in 1 : vector<128x1x2x128xf32>, vector<128x1x2x128xf32> -> vector<128x2x2x128xf32>
    %reshape3A_1906 = vector.shape_cast %concatenate3A_1905 : vector<128x2x2x128xf32> to vector<512x128xf32>
    %and3A_1907 = arith.constant 2 : i32
    %and3A_1908 = vector.broadcast %and3A_1907 : i32 to vector<512x128xi32>
    %and3A_1909 = arith.andi %iota3A, %and3A_1908 : vector<512x128xi32>
    %eq3A_1910 = arith.constant 0 : i32
    %eq3A_1911 = vector.broadcast %eq3A_1910 : i32 to vector<512x128xi32>
    %eq3A_1912 = arith.cmpi eq, %and3A_1909, %eq3A_1911 : vector<512x128xi32>
    %gt3A_1913 = arith.cmpf ogt, %select_n3A_1895, %reshape3A_1901 : vector<512x128xf32>
    %eq3A_1914 = arith.cmpf oeq, %select_n3A_1895, %reshape3A_1901 : vector<512x128xf32>
    %lt3A_1915 = arith.cmpf olt, %select_n3A_1896, %reshape3A_1906 : vector<512x128xf32>
    %and3A_1916 = arith.andi %eq3A_1914, %lt3A_1915 : vector<512x128xi1>
    %or3A_1917 = arith.ori %gt3A_1913, %and3A_1916 : vector<512x128xi1>
    %eq3A_1918 = arith.xori %eq3A_1912, %eq3A_1867 : vector<512x128xi1>
    %eq3A_1919 = arith.constant dense<true> : vector<512x128xi1>
    %eq3A_1920 = arith.xori %eq3A_1918, %eq3A_1919 : vector<512x128xi1>
    %eq3A_1921 = arith.xori %or3A_1917, %eq3A_1920 : vector<512x128xi1>
    %eq3A_1922 = arith.constant dense<true> : vector<512x128xi1>
    %eq3A_1923 = arith.xori %eq3A_1921, %eq3A_1922 : vector<512x128xi1>
    %select_n3A_1924 = arith.select %eq3A_1923, %select_n3A_1895, %reshape3A_1901 : vector<512x128xi1>, vector<512x128xf32>
    %select_n3A_1925 = arith.select %eq3A_1923, %select_n3A_1896, %reshape3A_1906 : vector<512x128xi1>, vector<512x128xf32>
    %reshape3A_1926 = vector.shape_cast %select_n3A_1924 : vector<512x128xf32> to vector<256x2x1x128xf32>
    %slice3A_1927 = vector.extract_strided_slice %reshape3A_1926 {offsets = [0, 1, 0, 0], sizes = [256, 1, 1, 128], strides = [1, 1, 1, 1]} : vector<256x2x1x128xf32> to vector<256x1x1x128xf32>
    %slice3A_1928 = vector.extract_strided_slice %reshape3A_1926 {offsets = [0, 0, 0, 0], sizes = [256, 1, 1, 128], strides = [1, 1, 1, 1]} : vector<256x2x1x128xf32> to vector<256x1x1x128xf32>
    %concatenate3A_1929 = tpu.concatenate %slice3A_1927, %slice3A_1928 in 1 : vector<256x1x1x128xf32>, vector<256x1x1x128xf32> -> vector<256x2x1x128xf32>
    %reshape3A_1930 = vector.shape_cast %concatenate3A_1929 : vector<256x2x1x128xf32> to vector<512x128xf32>
    %reshape3A_1931 = vector.shape_cast %select_n3A_1925 : vector<512x128xf32> to vector<256x2x1x128xf32>
    %slice3A_1932 = vector.extract_strided_slice %reshape3A_1931 {offsets = [0, 1, 0, 0], sizes = [256, 1, 1, 128], strides = [1, 1, 1, 1]} : vector<256x2x1x128xf32> to vector<256x1x1x128xf32>
    %slice3A_1933 = vector.extract_strided_slice %reshape3A_1931 {offsets = [0, 0, 0, 0], sizes = [256, 1, 1, 128], strides = [1, 1, 1, 1]} : vector<256x2x1x128xf32> to vector<256x1x1x128xf32>
    %concatenate3A_1934 = tpu.concatenate %slice3A_1932, %slice3A_1933 in 1 : vector<256x1x1x128xf32>, vector<256x1x1x128xf32> -> vector<256x2x1x128xf32>
    %reshape3A_1935 = vector.shape_cast %concatenate3A_1934 : vector<256x2x1x128xf32> to vector<512x128xf32>
    %and3A_1936 = arith.constant 1 : i32
    %and3A_1937 = vector.broadcast %and3A_1936 : i32 to vector<512x128xi32>
    %and3A_1938 = arith.andi %iota3A, %and3A_1937 : vector<512x128xi32>
    %eq3A_1939 = arith.constant 0 : i32
    %eq3A_1940 = vector.broadcast %eq3A_1939 : i32 to vector<512x128xi32>
    %eq3A_1941 = arith.cmpi eq, %and3A_1938, %eq3A_1940 : vector<512x128xi32>
    %gt3A_1942 = arith.cmpf ogt, %select_n3A_1924, %reshape3A_1930 : vector<512x128xf32>
    %eq3A_1943 = arith.cmpf oeq, %select_n3A_1924, %reshape3A_1930 : vector<512x128xf32>
    %lt3A_1944 = arith.cmpf olt, %select_n3A_1925, %reshape3A_1935 : vector<512x128xf32>
    %and3A_1945 = arith.andi %eq3A_1943, %lt3A_1944 : vector<512x128xi1>
    %or3A_1946 = arith.ori %gt3A_1942, %and3A_1945 : vector<512x128xi1>
    %eq3A_1947 = arith.xori %eq3A_1941, %eq3A_1867 : vector<512x128xi1>
    %eq3A_1948 = arith.constant dense<true> : vector<512x128xi1>
    %eq3A_1949 = arith.xori %eq3A_1947, %eq3A_1948 : vector<512x128xi1>
    %eq3A_1950 = arith.xori %or3A_1946, %eq3A_1949 : vector<512x128xi1>
    %eq3A_1951 = arith.constant dense<true> : vector<512x128xi1>
    %eq3A_1952 = arith.xori %eq3A_1950, %eq3A_1951 : vector<512x128xi1>
    %select_n3A_1953 = arith.select %eq3A_1952, %select_n3A_1924, %reshape3A_1930 : vector<512x128xi1>, vector<512x128xf32>
    %select_n3A_1954 = arith.select %eq3A_1952, %select_n3A_1925, %reshape3A_1935 : vector<512x128xi1>, vector<512x128xf32>
    %and3A_1955 = arith.constant 64 : i32
    %and3A_1956 = vector.broadcast %and3A_1955 : i32 to vector<512x128xi32>
    %and3A_1957 = arith.andi %iota3A_0, %and3A_1956 : vector<512x128xi32>
    %eq3A_1958 = arith.constant 0 : i32
    %eq3A_1959 = vector.broadcast %eq3A_1958 : i32 to vector<512x128xi32>
    %eq3A_1960 = arith.cmpi eq, %and3A_1957, %eq3A_1959 : vector<512x128xi32>
    %roll3A_1961 = arith.constant 64 : i32
    %roll3A_1962 = tpu.dynamic_rotate %select_n3A_1953 by %roll3A_1961 dim 1 : vector<512x128xf32>, i32 -> vector<512x128xf32>
    %roll3A_1963 = arith.constant 64 : i32
    %roll3A_1964 = tpu.dynamic_rotate %select_n3A_1953 by %roll3A_1963 dim 1 : vector<512x128xf32>, i32 -> vector<512x128xf32>
    %select_n3A_1965 = arith.select %eq3A_1960, %roll3A_1962, %roll3A_1964 : vector<512x128xi1>, vector<512x128xf32>
    %and3A_1966 = arith.constant 64 : i32
    %and3A_1967 = vector.broadcast %and3A_1966 : i32 to vector<512x128xi32>
    %and3A_1968 = arith.andi %iota3A_0, %and3A_1967 : vector<512x128xi32>
    %eq3A_1969 = arith.constant 0 : i32
    %eq3A_1970 = vector.broadcast %eq3A_1969 : i32 to vector<512x128xi32>
    %eq3A_1971 = arith.cmpi eq, %and3A_1968, %eq3A_1970 : vector<512x128xi32>
    %roll3A_1972 = arith.constant 64 : i32
    %roll3A_1973 = tpu.dynamic_rotate %select_n3A_1954 by %roll3A_1972 dim 1 : vector<512x128xf32>, i32 -> vector<512x128xf32>
    %roll3A_1974 = arith.constant 64 : i32
    %roll3A_1975 = tpu.dynamic_rotate %select_n3A_1954 by %roll3A_1974 dim 1 : vector<512x128xf32>, i32 -> vector<512x128xf32>
    %select_n3A_1976 = arith.select %eq3A_1971, %roll3A_1973, %roll3A_1975 : vector<512x128xi1>, vector<512x128xf32>
    %and3A_1977 = arith.constant 64 : i32
    %and3A_1978 = vector.broadcast %and3A_1977 : i32 to vector<512x128xi32>
    %and3A_1979 = arith.andi %iota3A_0, %and3A_1978 : vector<512x128xi32>
    %eq3A_1980 = arith.constant 0 : i32
    %eq3A_1981 = vector.broadcast %eq3A_1980 : i32 to vector<512x128xi32>
    %eq3A_1982 = arith.cmpi eq, %and3A_1979, %eq3A_1981 : vector<512x128xi32>
    %gt3A_1983 = arith.cmpf ogt, %select_n3A_1953, %select_n3A_1965 : vector<512x128xf32>
    %eq3A_1984 = arith.cmpf oeq, %select_n3A_1953, %select_n3A_1965 : vector<512x128xf32>
    %lt3A_1985 = arith.cmpf olt, %select_n3A_1954, %select_n3A_1976 : vector<512x128xf32>
    %and3A_1986 = arith.andi %eq3A_1984, %lt3A_1985 : vector<512x128xi1>
    %or3A_1987 = arith.ori %gt3A_1983, %and3A_1986 : vector<512x128xi1>
    %eq3A_1988 = arith.xori %eq3A_1982, %eq3A_1867 : vector<512x128xi1>
    %eq3A_1989 = arith.constant dense<true> : vector<512x128xi1>
    %eq3A_1990 = arith.xori %eq3A_1988, %eq3A_1989 : vector<512x128xi1>
    %eq3A_1991 = arith.xori %or3A_1987, %eq3A_1990 : vector<512x128xi1>
    %eq3A_1992 = arith.constant dense<true> : vector<512x128xi1>
    %eq3A_1993 = arith.xori %eq3A_1991, %eq3A_1992 : vector<512x128xi1>
    %select_n3A_1994 = arith.select %eq3A_1993, %select_n3A_1953, %select_n3A_1965 : vector<512x128xi1>, vector<512x128xf32>
    %select_n3A_1995 = arith.select %eq3A_1993, %select_n3A_1954, %select_n3A_1976 : vector<512x128xi1>, vector<512x128xf32>
    %and3A_1996 = arith.constant 32 : i32
    %and3A_1997 = vector.broadcast %and3A_1996 : i32 to vector<512x128xi32>
    %and3A_1998 = arith.andi %iota3A_0, %and3A_1997 : vector<512x128xi32>
    %eq3A_1999 = arith.constant 0 : i32
    %eq3A_2000 = vector.broadcast %eq3A_1999 : i32 to vector<512x128xi32>
    %eq3A_2001 = arith.cmpi eq, %and3A_1998, %eq3A_2000 : vector<512x128xi32>
    %roll3A_2002 = arith.constant 96 : i32
    %roll3A_2003 = tpu.dynamic_rotate %select_n3A_1994 by %roll3A_2002 dim 1 : vector<512x128xf32>, i32 -> vector<512x128xf32>
    %roll3A_2004 = arith.constant 32 : i32
    %roll3A_2005 = tpu.dynamic_rotate %select_n3A_1994 by %roll3A_2004 dim 1 : vector<512x128xf32>, i32 -> vector<512x128xf32>
    %select_n3A_2006 = arith.select %eq3A_2001, %roll3A_2003, %roll3A_2005 : vector<512x128xi1>, vector<512x128xf32>
    %and3A_2007 = arith.constant 32 : i32
    %and3A_2008 = vector.broadcast %and3A_2007 : i32 to vector<512x128xi32>
    %and3A_2009 = arith.andi %iota3A_0, %and3A_2008 : vector<512x128xi32>
    %eq3A_2010 = arith.constant 0 : i32
    %eq3A_2011 = vector.broadcast %eq3A_2010 : i32 to vector<512x128xi32>
    %eq3A_2012 = arith.cmpi eq, %and3A_2009, %eq3A_2011 : vector<512x128xi32>
    %roll3A_2013 = arith.constant 96 : i32
    %roll3A_2014 = tpu.dynamic_rotate %select_n3A_1995 by %roll3A_2013 dim 1 : vector<512x128xf32>, i32 -> vector<512x128xf32>
    %roll3A_2015 = arith.constant 32 : i32
    %roll3A_2016 = tpu.dynamic_rotate %select_n3A_1995 by %roll3A_2015 dim 1 : vector<512x128xf32>, i32 -> vector<512x128xf32>
    %select_n3A_2017 = arith.select %eq3A_2012, %roll3A_2014, %roll3A_2016 : vector<512x128xi1>, vector<512x128xf32>
    %and3A_2018 = arith.constant 32 : i32
    %and3A_2019 = vector.broadcast %and3A_2018 : i32 to vector<512x128xi32>
    %and3A_2020 = arith.andi %iota3A_0, %and3A_2019 : vector<512x128xi32>
    %eq3A_2021 = arith.constant 0 : i32
    %eq3A_2022 = vector.broadcast %eq3A_2021 : i32 to vector<512x128xi32>
    %eq3A_2023 = arith.cmpi eq, %and3A_2020, %eq3A_2022 : vector<512x128xi32>
    %gt3A_2024 = arith.cmpf ogt, %select_n3A_1994, %select_n3A_2006 : vector<512x128xf32>
    %eq3A_2025 = arith.cmpf oeq, %select_n3A_1994, %select_n3A_2006 : vector<512x128xf32>
    %lt3A_2026 = arith.cmpf olt, %select_n3A_1995, %select_n3A_2017 : vector<512x128xf32>
    %and3A_2027 = arith.andi %eq3A_2025, %lt3A_2026 : vector<512x128xi1>
    %or3A_2028 = arith.ori %gt3A_2024, %and3A_2027 : vector<512x128xi1>
    %eq3A_2029 = arith.xori %eq3A_2023, %eq3A_1867 : vector<512x128xi1>
    %eq3A_2030 = arith.constant dense<true> : vector<512x128xi1>
    %eq3A_2031 = arith.xori %eq3A_2029, %eq3A_2030 : vector<512x128xi1>
    %eq3A_2032 = arith.xori %or3A_2028, %eq3A_2031 : vector<512x128xi1>
    %eq3A_2033 = arith.constant dense<true> : vector<512x128xi1>
    %eq3A_2034 = arith.xori %eq3A_2032, %eq3A_2033 : vector<512x128xi1>
    %select_n3A_2035 = arith.select %eq3A_2034, %select_n3A_1994, %select_n3A_2006 : vector<512x128xi1>, vector<512x128xf32>
    %select_n3A_2036 = arith.select %eq3A_2034, %select_n3A_1995, %select_n3A_2017 : vector<512x128xi1>, vector<512x128xf32>
    %and3A_2037 = arith.constant 16 : i32
    %and3A_2038 = vector.broadcast %and3A_2037 : i32 to vector<512x128xi32>
    %and3A_2039 = arith.andi %iota3A_0, %and3A_2038 : vector<512x128xi32>
    %eq3A_2040 = arith.constant 0 : i32
    %eq3A_2041 = vector.broadcast %eq3A_2040 : i32 to vector<512x128xi32>
    %eq3A_2042 = arith.cmpi eq, %and3A_2039, %eq3A_2041 : vector<512x128xi32>
    %roll3A_2043 = arith.constant 112 : i32
    %roll3A_2044 = tpu.dynamic_rotate %select_n3A_2035 by %roll3A_2043 dim 1 : vector<512x128xf32>, i32 -> vector<512x128xf32>
    %roll3A_2045 = arith.constant 16 : i32
    %roll3A_2046 = tpu.dynamic_rotate %select_n3A_2035 by %roll3A_2045 dim 1 : vector<512x128xf32>, i32 -> vector<512x128xf32>
    %select_n3A_2047 = arith.select %eq3A_2042, %roll3A_2044, %roll3A_2046 : vector<512x128xi1>, vector<512x128xf32>
    %and3A_2048 = arith.constant 16 : i32
    %and3A_2049 = vector.broadcast %and3A_2048 : i32 to vector<512x128xi32>
    %and3A_2050 = arith.andi %iota3A_0, %and3A_2049 : vector<512x128xi32>
    %eq3A_2051 = arith.constant 0 : i32
    %eq3A_2052 = vector.broadcast %eq3A_2051 : i32 to vector<512x128xi32>
    %eq3A_2053 = arith.cmpi eq, %and3A_2050, %eq3A_2052 : vector<512x128xi32>
    %roll3A_2054 = arith.constant 112 : i32
    %roll3A_2055 = tpu.dynamic_rotate %select_n3A_2036 by %roll3A_2054 dim 1 : vector<512x128xf32>, i32 -> vector<512x128xf32>
    %roll3A_2056 = arith.constant 16 : i32
    %roll3A_2057 = tpu.dynamic_rotate %select_n3A_2036 by %roll3A_2056 dim 1 : vector<512x128xf32>, i32 -> vector<512x128xf32>
    %select_n3A_2058 = arith.select %eq3A_2053, %roll3A_2055, %roll3A_2057 : vector<512x128xi1>, vector<512x128xf32>
    %and3A_2059 = arith.constant 16 : i32
    %and3A_2060 = vector.broadcast %and3A_2059 : i32 to vector<512x128xi32>
    %and3A_2061 = arith.andi %iota3A_0, %and3A_2060 : vector<512x128xi32>
    %eq3A_2062 = arith.constant 0 : i32
    %eq3A_2063 = vector.broadcast %eq3A_2062 : i32 to vector<512x128xi32>
    %eq3A_2064 = arith.cmpi eq, %and3A_2061, %eq3A_2063 : vector<512x128xi32>
    %gt3A_2065 = arith.cmpf ogt, %select_n3A_2035, %select_n3A_2047 : vector<512x128xf32>
    %eq3A_2066 = arith.cmpf oeq, %select_n3A_2035, %select_n3A_2047 : vector<512x128xf32>
    %lt3A_2067 = arith.cmpf olt, %select_n3A_2036, %select_n3A_2058 : vector<512x128xf32>
    %and3A_2068 = arith.andi %eq3A_2066, %lt3A_2067 : vector<512x128xi1>
    %or3A_2069 = arith.ori %gt3A_2065, %and3A_2068 : vector<512x128xi1>
    %eq3A_2070 = arith.xori %eq3A_2064, %eq3A_1867 : vector<512x128xi1>
    %eq3A_2071 = arith.constant dense<true> : vector<512x128xi1>
    %eq3A_2072 = arith.xori %eq3A_2070, %eq3A_2071 : vector<512x128xi1>
    %eq3A_2073 = arith.xori %or3A_2069, %eq3A_2072 : vector<512x128xi1>
    %eq3A_2074 = arith.constant dense<true> : vector<512x128xi1>
    %eq3A_2075 = arith.xori %eq3A_2073, %eq3A_2074 : vector<512x128xi1>
    %select_n3A_2076 = arith.select %eq3A_2075, %select_n3A_2035, %select_n3A_2047 : vector<512x128xi1>, vector<512x128xf32>
    %select_n3A_2077 = arith.select %eq3A_2075, %select_n3A_2036, %select_n3A_2058 : vector<512x128xi1>, vector<512x128xf32>
    %and3A_2078 = arith.constant 8 : i32
    %and3A_2079 = vector.broadcast %and3A_2078 : i32 to vector<512x128xi32>
    %and3A_2080 = arith.andi %iota3A_0, %and3A_2079 : vector<512x128xi32>
    %eq3A_2081 = arith.constant 0 : i32
    %eq3A_2082 = vector.broadcast %eq3A_2081 : i32 to vector<512x128xi32>
    %eq3A_2083 = arith.cmpi eq, %and3A_2080, %eq3A_2082 : vector<512x128xi32>
    %roll3A_2084 = arith.constant 120 : i32
    %roll3A_2085 = tpu.dynamic_rotate %select_n3A_2076 by %roll3A_2084 dim 1 : vector<512x128xf32>, i32 -> vector<512x128xf32>
    %roll3A_2086 = arith.constant 8 : i32
    %roll3A_2087 = tpu.dynamic_rotate %select_n3A_2076 by %roll3A_2086 dim 1 : vector<512x128xf32>, i32 -> vector<512x128xf32>
    %select_n3A_2088 = arith.select %eq3A_2083, %roll3A_2085, %roll3A_2087 : vector<512x128xi1>, vector<512x128xf32>
    %and3A_2089 = arith.constant 8 : i32
    %and3A_2090 = vector.broadcast %and3A_2089 : i32 to vector<512x128xi32>
    %and3A_2091 = arith.andi %iota3A_0, %and3A_2090 : vector<512x128xi32>
    %eq3A_2092 = arith.constant 0 : i32
    %eq3A_2093 = vector.broadcast %eq3A_2092 : i32 to vector<512x128xi32>
    %eq3A_2094 = arith.cmpi eq, %and3A_2091, %eq3A_2093 : vector<512x128xi32>
    %roll3A_2095 = arith.constant 120 : i32
    %roll3A_2096 = tpu.dynamic_rotate %select_n3A_2077 by %roll3A_2095 dim 1 : vector<512x128xf32>, i32 -> vector<512x128xf32>
    %roll3A_2097 = arith.constant 8 : i32
    %roll3A_2098 = tpu.dynamic_rotate %select_n3A_2077 by %roll3A_2097 dim 1 : vector<512x128xf32>, i32 -> vector<512x128xf32>
    %select_n3A_2099 = arith.select %eq3A_2094, %roll3A_2096, %roll3A_2098 : vector<512x128xi1>, vector<512x128xf32>
    %and3A_2100 = arith.constant 8 : i32
    %and3A_2101 = vector.broadcast %and3A_2100 : i32 to vector<512x128xi32>
    %and3A_2102 = arith.andi %iota3A_0, %and3A_2101 : vector<512x128xi32>
    %eq3A_2103 = arith.constant 0 : i32
    %eq3A_2104 = vector.broadcast %eq3A_2103 : i32 to vector<512x128xi32>
    %eq3A_2105 = arith.cmpi eq, %and3A_2102, %eq3A_2104 : vector<512x128xi32>
    %gt3A_2106 = arith.cmpf ogt, %select_n3A_2076, %select_n3A_2088 : vector<512x128xf32>
    %eq3A_2107 = arith.cmpf oeq, %select_n3A_2076, %select_n3A_2088 : vector<512x128xf32>
    %lt3A_2108 = arith.cmpf olt, %select_n3A_2077, %select_n3A_2099 : vector<512x128xf32>
    %and3A_2109 = arith.andi %eq3A_2107, %lt3A_2108 : vector<512x128xi1>
    %or3A_2110 = arith.ori %gt3A_2106, %and3A_2109 : vector<512x128xi1>
    %eq3A_2111 = arith.xori %eq3A_2105, %eq3A_1867 : vector<512x128xi1>
    %eq3A_2112 = arith.constant dense<true> : vector<512x128xi1>
    %eq3A_2113 = arith.xori %eq3A_2111, %eq3A_2112 : vector<512x128xi1>
    %eq3A_2114 = arith.xori %or3A_2110, %eq3A_2113 : vector<512x128xi1>
    %eq3A_2115 = arith.constant dense<true> : vector<512x128xi1>
    %eq3A_2116 = arith.xori %eq3A_2114, %eq3A_2115 : vector<512x128xi1>
    %select_n3A_2117 = arith.select %eq3A_2116, %select_n3A_2076, %select_n3A_2088 : vector<512x128xi1>, vector<512x128xf32>
    %select_n3A_2118 = arith.select %eq3A_2116, %select_n3A_2077, %select_n3A_2099 : vector<512x128xi1>, vector<512x128xf32>
    %and3A_2119 = arith.constant 4 : i32
    %and3A_2120 = vector.broadcast %and3A_2119 : i32 to vector<512x128xi32>
    %and3A_2121 = arith.andi %iota3A_0, %and3A_2120 : vector<512x128xi32>
    %eq3A_2122 = arith.constant 0 : i32
    %eq3A_2123 = vector.broadcast %eq3A_2122 : i32 to vector<512x128xi32>
    %eq3A_2124 = arith.cmpi eq, %and3A_2121, %eq3A_2123 : vector<512x128xi32>
    %roll3A_2125 = arith.constant 124 : i32
    %roll3A_2126 = tpu.dynamic_rotate %select_n3A_2117 by %roll3A_2125 dim 1 : vector<512x128xf32>, i32 -> vector<512x128xf32>
    %roll3A_2127 = arith.constant 4 : i32
    %roll3A_2128 = tpu.dynamic_rotate %select_n3A_2117 by %roll3A_2127 dim 1 : vector<512x128xf32>, i32 -> vector<512x128xf32>
    %select_n3A_2129 = arith.select %eq3A_2124, %roll3A_2126, %roll3A_2128 : vector<512x128xi1>, vector<512x128xf32>
    %and3A_2130 = arith.constant 4 : i32
    %and3A_2131 = vector.broadcast %and3A_2130 : i32 to vector<512x128xi32>
    %and3A_2132 = arith.andi %iota3A_0, %and3A_2131 : vector<512x128xi32>
    %eq3A_2133 = arith.constant 0 : i32
    %eq3A_2134 = vector.broadcast %eq3A_2133 : i32 to vector<512x128xi32>
    %eq3A_2135 = arith.cmpi eq, %and3A_2132, %eq3A_2134 : vector<512x128xi32>
    %roll3A_2136 = arith.constant 124 : i32
    %roll3A_2137 = tpu.dynamic_rotate %select_n3A_2118 by %roll3A_2136 dim 1 : vector<512x128xf32>, i32 -> vector<512x128xf32>
    %roll3A_2138 = arith.constant 4 : i32
    %roll3A_2139 = tpu.dynamic_rotate %select_n3A_2118 by %roll3A_2138 dim 1 : vector<512x128xf32>, i32 -> vector<512x128xf32>
    %select_n3A_2140 = arith.select %eq3A_2135, %roll3A_2137, %roll3A_2139 : vector<512x128xi1>, vector<512x128xf32>
    %and3A_2141 = arith.constant 4 : i32
    %and3A_2142 = vector.broadcast %and3A_2141 : i32 to vector<512x128xi32>
    %and3A_2143 = arith.andi %iota3A_0, %and3A_2142 : vector<512x128xi32>
    %eq3A_2144 = arith.constant 0 : i32
    %eq3A_2145 = vector.broadcast %eq3A_2144 : i32 to vector<512x128xi32>
    %eq3A_2146 = arith.cmpi eq, %and3A_2143, %eq3A_2145 : vector<512x128xi32>
    %gt3A_2147 = arith.cmpf ogt, %select_n3A_2117, %select_n3A_2129 : vector<512x128xf32>
    %eq3A_2148 = arith.cmpf oeq, %select_n3A_2117, %select_n3A_2129 : vector<512x128xf32>
    %lt3A_2149 = arith.cmpf olt, %select_n3A_2118, %select_n3A_2140 : vector<512x128xf32>
    %and3A_2150 = arith.andi %eq3A_2148, %lt3A_2149 : vector<512x128xi1>
    %or3A_2151 = arith.ori %gt3A_2147, %and3A_2150 : vector<512x128xi1>
    %eq3A_2152 = arith.xori %eq3A_2146, %eq3A_1867 : vector<512x128xi1>
    %eq3A_2153 = arith.constant dense<true> : vector<512x128xi1>
    %eq3A_2154 = arith.xori %eq3A_2152, %eq3A_2153 : vector<512x128xi1>
    %eq3A_2155 = arith.xori %or3A_2151, %eq3A_2154 : vector<512x128xi1>
    %eq3A_2156 = arith.constant dense<true> : vector<512x128xi1>
    %eq3A_2157 = arith.xori %eq3A_2155, %eq3A_2156 : vector<512x128xi1>
    %select_n3A_2158 = arith.select %eq3A_2157, %select_n3A_2117, %select_n3A_2129 : vector<512x128xi1>, vector<512x128xf32>
    %select_n3A_2159 = arith.select %eq3A_2157, %select_n3A_2118, %select_n3A_2140 : vector<512x128xi1>, vector<512x128xf32>
    %and3A_2160 = arith.constant 2 : i32
    %and3A_2161 = vector.broadcast %and3A_2160 : i32 to vector<512x128xi32>
    %and3A_2162 = arith.andi %iota3A_0, %and3A_2161 : vector<512x128xi32>
    %eq3A_2163 = arith.constant 0 : i32
    %eq3A_2164 = vector.broadcast %eq3A_2163 : i32 to vector<512x128xi32>
    %eq3A_2165 = arith.cmpi eq, %and3A_2162, %eq3A_2164 : vector<512x128xi32>
    %roll3A_2166 = arith.constant 126 : i32
    %roll3A_2167 = tpu.dynamic_rotate %select_n3A_2158 by %roll3A_2166 dim 1 : vector<512x128xf32>, i32 -> vector<512x128xf32>
    %roll3A_2168 = arith.constant 2 : i32
    %roll3A_2169 = tpu.dynamic_rotate %select_n3A_2158 by %roll3A_2168 dim 1 : vector<512x128xf32>, i32 -> vector<512x128xf32>
    %select_n3A_2170 = arith.select %eq3A_2165, %roll3A_2167, %roll3A_2169 : vector<512x128xi1>, vector<512x128xf32>
    %and3A_2171 = arith.constant 2 : i32
    %and3A_2172 = vector.broadcast %and3A_2171 : i32 to vector<512x128xi32>
    %and3A_2173 = arith.andi %iota3A_0, %and3A_2172 : vector<512x128xi32>
    %eq3A_2174 = arith.constant 0 : i32
    %eq3A_2175 = vector.broadcast %eq3A_2174 : i32 to vector<512x128xi32>
    %eq3A_2176 = arith.cmpi eq, %and3A_2173, %eq3A_2175 : vector<512x128xi32>
    %roll3A_2177 = arith.constant 126 : i32
    %roll3A_2178 = tpu.dynamic_rotate %select_n3A_2159 by %roll3A_2177 dim 1 : vector<512x128xf32>, i32 -> vector<512x128xf32>
    %roll3A_2179 = arith.constant 2 : i32
    %roll3A_2180 = tpu.dynamic_rotate %select_n3A_2159 by %roll3A_2179 dim 1 : vector<512x128xf32>, i32 -> vector<512x128xf32>
    %select_n3A_2181 = arith.select %eq3A_2176, %roll3A_2178, %roll3A_2180 : vector<512x128xi1>, vector<512x128xf32>
    %and3A_2182 = arith.constant 2 : i32
    %and3A_2183 = vector.broadcast %and3A_2182 : i32 to vector<512x128xi32>
    %and3A_2184 = arith.andi %iota3A_0, %and3A_2183 : vector<512x128xi32>
    %eq3A_2185 = arith.constant 0 : i32
    %eq3A_2186 = vector.broadcast %eq3A_2185 : i32 to vector<512x128xi32>
    %eq3A_2187 = arith.cmpi eq, %and3A_2184, %eq3A_2186 : vector<512x128xi32>
    %gt3A_2188 = arith.cmpf ogt, %select_n3A_2158, %select_n3A_2170 : vector<512x128xf32>
    %eq3A_2189 = arith.cmpf oeq, %select_n3A_2158, %select_n3A_2170 : vector<512x128xf32>
    %lt3A_2190 = arith.cmpf olt, %select_n3A_2159, %select_n3A_2181 : vector<512x128xf32>
    %and3A_2191 = arith.andi %eq3A_2189, %lt3A_2190 : vector<512x128xi1>
    %or3A_2192 = arith.ori %gt3A_2188, %and3A_2191 : vector<512x128xi1>
    %eq3A_2193 = arith.xori %eq3A_2187, %eq3A_1867 : vector<512x128xi1>
    %eq3A_2194 = arith.constant dense<true> : vector<512x128xi1>
    %eq3A_2195 = arith.xori %eq3A_2193, %eq3A_2194 : vector<512x128xi1>
    %eq3A_2196 = arith.xori %or3A_2192, %eq3A_2195 : vector<512x128xi1>
    %eq3A_2197 = arith.constant dense<true> : vector<512x128xi1>
    %eq3A_2198 = arith.xori %eq3A_2196, %eq3A_2197 : vector<512x128xi1>
    %select_n3A_2199 = arith.select %eq3A_2198, %select_n3A_2158, %select_n3A_2170 : vector<512x128xi1>, vector<512x128xf32>
    %select_n3A_2200 = arith.select %eq3A_2198, %select_n3A_2159, %select_n3A_2181 : vector<512x128xi1>, vector<512x128xf32>
    %and3A_2201 = arith.constant 1 : i32
    %and3A_2202 = vector.broadcast %and3A_2201 : i32 to vector<512x128xi32>
    %and3A_2203 = arith.andi %iota3A_0, %and3A_2202 : vector<512x128xi32>
    %eq3A_2204 = arith.constant 0 : i32
    %eq3A_2205 = vector.broadcast %eq3A_2204 : i32 to vector<512x128xi32>
    %eq3A_2206 = arith.cmpi eq, %and3A_2203, %eq3A_2205 : vector<512x128xi32>
    %roll3A_2207 = arith.constant 127 : i32
    %roll3A_2208 = tpu.dynamic_rotate %select_n3A_2199 by %roll3A_2207 dim 1 : vector<512x128xf32>, i32 -> vector<512x128xf32>
    %roll3A_2209 = arith.constant 1 : i32
    %roll3A_2210 = tpu.dynamic_rotate %select_n3A_2199 by %roll3A_2209 dim 1 : vector<512x128xf32>, i32 -> vector<512x128xf32>
    %select_n3A_2211 = arith.select %eq3A_2206, %roll3A_2208, %roll3A_2210 : vector<512x128xi1>, vector<512x128xf32>
    %and3A_2212 = arith.constant 1 : i32
    %and3A_2213 = vector.broadcast %and3A_2212 : i32 to vector<512x128xi32>
    %and3A_2214 = arith.andi %iota3A_0, %and3A_2213 : vector<512x128xi32>
    %eq3A_2215 = arith.constant 0 : i32
    %eq3A_2216 = vector.broadcast %eq3A_2215 : i32 to vector<512x128xi32>
    %eq3A_2217 = arith.cmpi eq, %and3A_2214, %eq3A_2216 : vector<512x128xi32>
    %roll3A_2218 = arith.constant 127 : i32
    %roll3A_2219 = tpu.dynamic_rotate %select_n3A_2200 by %roll3A_2218 dim 1 : vector<512x128xf32>, i32 -> vector<512x128xf32>
    %roll3A_2220 = arith.constant 1 : i32
    %roll3A_2221 = tpu.dynamic_rotate %select_n3A_2200 by %roll3A_2220 dim 1 : vector<512x128xf32>, i32 -> vector<512x128xf32>
    %select_n3A_2222 = arith.select %eq3A_2217, %roll3A_2219, %roll3A_2221 : vector<512x128xi1>, vector<512x128xf32>
    %and3A_2223 = arith.constant 1 : i32
    %and3A_2224 = vector.broadcast %and3A_2223 : i32 to vector<512x128xi32>
    %and3A_2225 = arith.andi %iota3A_0, %and3A_2224 : vector<512x128xi32>
    %eq3A_2226 = arith.constant 0 : i32
    %eq3A_2227 = vector.broadcast %eq3A_2226 : i32 to vector<512x128xi32>
    %eq3A_2228 = arith.cmpi eq, %and3A_2225, %eq3A_2227 : vector<512x128xi32>
    %gt3A_2229 = arith.cmpf ogt, %select_n3A_2199, %select_n3A_2211 : vector<512x128xf32>
    %eq3A_2230 = arith.cmpf oeq, %select_n3A_2199, %select_n3A_2211 : vector<512x128xf32>
    %lt3A_2231 = arith.cmpf olt, %select_n3A_2200, %select_n3A_2222 : vector<512x128xf32>
    %and3A_2232 = arith.andi %eq3A_2230, %lt3A_2231 : vector<512x128xi1>
    %or3A_2233 = arith.ori %gt3A_2229, %and3A_2232 : vector<512x128xi1>
    %eq3A_2234 = arith.xori %eq3A_2228, %eq3A_1867 : vector<512x128xi1>
    %eq3A_2235 = arith.constant dense<true> : vector<512x128xi1>
    %eq3A_2236 = arith.xori %eq3A_2234, %eq3A_2235 : vector<512x128xi1>
    %eq3A_2237 = arith.xori %or3A_2233, %eq3A_2236 : vector<512x128xi1>
    %eq3A_2238 = arith.constant dense<true> : vector<512x128xi1>
    %eq3A_2239 = arith.xori %eq3A_2237, %eq3A_2238 : vector<512x128xi1>
    %select_n3A_2240 = arith.select %eq3A_2239, %select_n3A_2199, %select_n3A_2211 : vector<512x128xi1>, vector<512x128xf32>
    %select_n3A_2241 = arith.select %eq3A_2239, %select_n3A_2200, %select_n3A_2222 : vector<512x128xi1>, vector<512x128xf32>
    %and3A_2242 = arith.constant 16 : i32
    %and3A_2243 = vector.broadcast %and3A_2242 : i32 to vector<512x128xi32>
    %and3A_2244 = arith.andi %iota3A, %and3A_2243 : vector<512x128xi32>
    %eq3A_2245 = arith.constant 0 : i32
    %eq3A_2246 = vector.broadcast %eq3A_2245 : i32 to vector<512x128xi32>
    %eq3A_2247 = arith.cmpi eq, %and3A_2244, %eq3A_2246 : vector<512x128xi32>
    %reshape3A_2248 = vector.shape_cast %select_n3A_2240 : vector<512x128xf32> to vector<32x2x8x128xf32>
    %slice3A_2249 = vector.extract_strided_slice %reshape3A_2248 {offsets = [0, 1, 0, 0], sizes = [32, 1, 8, 128], strides = [1, 1, 1, 1]} : vector<32x2x8x128xf32> to vector<32x1x8x128xf32>
    %slice3A_2250 = vector.extract_strided_slice %reshape3A_2248 {offsets = [0, 0, 0, 0], sizes = [32, 1, 8, 128], strides = [1, 1, 1, 1]} : vector<32x2x8x128xf32> to vector<32x1x8x128xf32>
    %concatenate3A_2251 = tpu.concatenate %slice3A_2249, %slice3A_2250 in 1 : vector<32x1x8x128xf32>, vector<32x1x8x128xf32> -> vector<32x2x8x128xf32>
    %reshape3A_2252 = vector.shape_cast %concatenate3A_2251 : vector<32x2x8x128xf32> to vector<512x128xf32>
    %reshape3A_2253 = vector.shape_cast %select_n3A_2241 : vector<512x128xf32> to vector<32x2x8x128xf32>
    %slice3A_2254 = vector.extract_strided_slice %reshape3A_2253 {offsets = [0, 1, 0, 0], sizes = [32, 1, 8, 128], strides = [1, 1, 1, 1]} : vector<32x2x8x128xf32> to vector<32x1x8x128xf32>
    %slice3A_2255 = vector.extract_strided_slice %reshape3A_2253 {offsets = [0, 0, 0, 0], sizes = [32, 1, 8, 128], strides = [1, 1, 1, 1]} : vector<32x2x8x128xf32> to vector<32x1x8x128xf32>
    %concatenate3A_2256 = tpu.concatenate %slice3A_2254, %slice3A_2255 in 1 : vector<32x1x8x128xf32>, vector<32x1x8x128xf32> -> vector<32x2x8x128xf32>
    %reshape3A_2257 = vector.shape_cast %concatenate3A_2256 : vector<32x2x8x128xf32> to vector<512x128xf32>
    %and3A_2258 = arith.constant 8 : i32
    %and3A_2259 = vector.broadcast %and3A_2258 : i32 to vector<512x128xi32>
    %and3A_2260 = arith.andi %iota3A, %and3A_2259 : vector<512x128xi32>
    %eq3A_2261 = arith.constant 0 : i32
    %eq3A_2262 = vector.broadcast %eq3A_2261 : i32 to vector<512x128xi32>
    %eq3A_2263 = arith.cmpi eq, %and3A_2260, %eq3A_2262 : vector<512x128xi32>
    %gt3A_2264 = arith.cmpf ogt, %select_n3A_2240, %reshape3A_2252 : vector<512x128xf32>
    %eq3A_2265 = arith.cmpf oeq, %select_n3A_2240, %reshape3A_2252 : vector<512x128xf32>
    %lt3A_2266 = arith.cmpf olt, %select_n3A_2241, %reshape3A_2257 : vector<512x128xf32>
    %and3A_2267 = arith.andi %eq3A_2265, %lt3A_2266 : vector<512x128xi1>
    %or3A_2268 = arith.ori %gt3A_2264, %and3A_2267 : vector<512x128xi1>
    %eq3A_2269 = arith.xori %eq3A_2263, %eq3A_2247 : vector<512x128xi1>
    %eq3A_2270 = arith.constant dense<true> : vector<512x128xi1>
    %eq3A_2271 = arith.xori %eq3A_2269, %eq3A_2270 : vector<512x128xi1>
    %eq3A_2272 = arith.xori %or3A_2268, %eq3A_2271 : vector<512x128xi1>
    %eq3A_2273 = arith.constant dense<true> : vector<512x128xi1>
    %eq3A_2274 = arith.xori %eq3A_2272, %eq3A_2273 : vector<512x128xi1>
    %select_n3A_2275 = arith.select %eq3A_2274, %select_n3A_2240, %reshape3A_2252 : vector<512x128xi1>, vector<512x128xf32>
    %select_n3A_2276 = arith.select %eq3A_2274, %select_n3A_2241, %reshape3A_2257 : vector<512x128xi1>, vector<512x128xf32>
    %reshape3A_2277 = vector.shape_cast %select_n3A_2275 : vector<512x128xf32> to vector<64x2x4x128xf32>
    %slice3A_2278 = vector.extract_strided_slice %reshape3A_2277 {offsets = [0, 1, 0, 0], sizes = [64, 1, 4, 128], strides = [1, 1, 1, 1]} : vector<64x2x4x128xf32> to vector<64x1x4x128xf32>
    %slice3A_2279 = vector.extract_strided_slice %reshape3A_2277 {offsets = [0, 0, 0, 0], sizes = [64, 1, 4, 128], strides = [1, 1, 1, 1]} : vector<64x2x4x128xf32> to vector<64x1x4x128xf32>
    %concatenate3A_2280 = tpu.concatenate %slice3A_2278, %slice3A_2279 in 1 : vector<64x1x4x128xf32>, vector<64x1x4x128xf32> -> vector<64x2x4x128xf32>
    %reshape3A_2281 = vector.shape_cast %concatenate3A_2280 : vector<64x2x4x128xf32> to vector<512x128xf32>
    %reshape3A_2282 = vector.shape_cast %select_n3A_2276 : vector<512x128xf32> to vector<64x2x4x128xf32>
    %slice3A_2283 = vector.extract_strided_slice %reshape3A_2282 {offsets = [0, 1, 0, 0], sizes = [64, 1, 4, 128], strides = [1, 1, 1, 1]} : vector<64x2x4x128xf32> to vector<64x1x4x128xf32>
    %slice3A_2284 = vector.extract_strided_slice %reshape3A_2282 {offsets = [0, 0, 0, 0], sizes = [64, 1, 4, 128], strides = [1, 1, 1, 1]} : vector<64x2x4x128xf32> to vector<64x1x4x128xf32>
    %concatenate3A_2285 = tpu.concatenate %slice3A_2283, %slice3A_2284 in 1 : vector<64x1x4x128xf32>, vector<64x1x4x128xf32> -> vector<64x2x4x128xf32>
    %reshape3A_2286 = vector.shape_cast %concatenate3A_2285 : vector<64x2x4x128xf32> to vector<512x128xf32>
    %and3A_2287 = arith.constant 4 : i32
    %and3A_2288 = vector.broadcast %and3A_2287 : i32 to vector<512x128xi32>
    %and3A_2289 = arith.andi %iota3A, %and3A_2288 : vector<512x128xi32>
    %eq3A_2290 = arith.constant 0 : i32
    %eq3A_2291 = vector.broadcast %eq3A_2290 : i32 to vector<512x128xi32>
    %eq3A_2292 = arith.cmpi eq, %and3A_2289, %eq3A_2291 : vector<512x128xi32>
    %gt3A_2293 = arith.cmpf ogt, %select_n3A_2275, %reshape3A_2281 : vector<512x128xf32>
    %eq3A_2294 = arith.cmpf oeq, %select_n3A_2275, %reshape3A_2281 : vector<512x128xf32>
    %lt3A_2295 = arith.cmpf olt, %select_n3A_2276, %reshape3A_2286 : vector<512x128xf32>
    %and3A_2296 = arith.andi %eq3A_2294, %lt3A_2295 : vector<512x128xi1>
    %or3A_2297 = arith.ori %gt3A_2293, %and3A_2296 : vector<512x128xi1>
    %eq3A_2298 = arith.xori %eq3A_2292, %eq3A_2247 : vector<512x128xi1>
    %eq3A_2299 = arith.constant dense<true> : vector<512x128xi1>
    %eq3A_2300 = arith.xori %eq3A_2298, %eq3A_2299 : vector<512x128xi1>
    %eq3A_2301 = arith.xori %or3A_2297, %eq3A_2300 : vector<512x128xi1>
    %eq3A_2302 = arith.constant dense<true> : vector<512x128xi1>
    %eq3A_2303 = arith.xori %eq3A_2301, %eq3A_2302 : vector<512x128xi1>
    %select_n3A_2304 = arith.select %eq3A_2303, %select_n3A_2275, %reshape3A_2281 : vector<512x128xi1>, vector<512x128xf32>
    %select_n3A_2305 = arith.select %eq3A_2303, %select_n3A_2276, %reshape3A_2286 : vector<512x128xi1>, vector<512x128xf32>
    %reshape3A_2306 = vector.shape_cast %select_n3A_2304 : vector<512x128xf32> to vector<128x2x2x128xf32>
    %slice3A_2307 = vector.extract_strided_slice %reshape3A_2306 {offsets = [0, 1, 0, 0], sizes = [128, 1, 2, 128], strides = [1, 1, 1, 1]} : vector<128x2x2x128xf32> to vector<128x1x2x128xf32>
    %slice3A_2308 = vector.extract_strided_slice %reshape3A_2306 {offsets = [0, 0, 0, 0], sizes = [128, 1, 2, 128], strides = [1, 1, 1, 1]} : vector<128x2x2x128xf32> to vector<128x1x2x128xf32>
    %concatenate3A_2309 = tpu.concatenate %slice3A_2307, %slice3A_2308 in 1 : vector<128x1x2x128xf32>, vector<128x1x2x128xf32> -> vector<128x2x2x128xf32>
    %reshape3A_2310 = vector.shape_cast %concatenate3A_2309 : vector<128x2x2x128xf32> to vector<512x128xf32>
    %reshape3A_2311 = vector.shape_cast %select_n3A_2305 : vector<512x128xf32> to vector<128x2x2x128xf32>
    %slice3A_2312 = vector.extract_strided_slice %reshape3A_2311 {offsets = [0, 1, 0, 0], sizes = [128, 1, 2, 128], strides = [1, 1, 1, 1]} : vector<128x2x2x128xf32> to vector<128x1x2x128xf32>
    %slice3A_2313 = vector.extract_strided_slice %reshape3A_2311 {offsets = [0, 0, 0, 0], sizes = [128, 1, 2, 128], strides = [1, 1, 1, 1]} : vector<128x2x2x128xf32> to vector<128x1x2x128xf32>
    %concatenate3A_2314 = tpu.concatenate %slice3A_2312, %slice3A_2313 in 1 : vector<128x1x2x128xf32>, vector<128x1x2x128xf32> -> vector<128x2x2x128xf32>
    %reshape3A_2315 = vector.shape_cast %concatenate3A_2314 : vector<128x2x2x128xf32> to vector<512x128xf32>
    %and3A_2316 = arith.constant 2 : i32
    %and3A_2317 = vector.broadcast %and3A_2316 : i32 to vector<512x128xi32>
    %and3A_2318 = arith.andi %iota3A, %and3A_2317 : vector<512x128xi32>
    %eq3A_2319 = arith.constant 0 : i32
    %eq3A_2320 = vector.broadcast %eq3A_2319 : i32 to vector<512x128xi32>
    %eq3A_2321 = arith.cmpi eq, %and3A_2318, %eq3A_2320 : vector<512x128xi32>
    %gt3A_2322 = arith.cmpf ogt, %select_n3A_2304, %reshape3A_2310 : vector<512x128xf32>
    %eq3A_2323 = arith.cmpf oeq, %select_n3A_2304, %reshape3A_2310 : vector<512x128xf32>
    %lt3A_2324 = arith.cmpf olt, %select_n3A_2305, %reshape3A_2315 : vector<512x128xf32>
    %and3A_2325 = arith.andi %eq3A_2323, %lt3A_2324 : vector<512x128xi1>
    %or3A_2326 = arith.ori %gt3A_2322, %and3A_2325 : vector<512x128xi1>
    %eq3A_2327 = arith.xori %eq3A_2321, %eq3A_2247 : vector<512x128xi1>
    %eq3A_2328 = arith.constant dense<true> : vector<512x128xi1>
    %eq3A_2329 = arith.xori %eq3A_2327, %eq3A_2328 : vector<512x128xi1>
    %eq3A_2330 = arith.xori %or3A_2326, %eq3A_2329 : vector<512x128xi1>
    %eq3A_2331 = arith.constant dense<true> : vector<512x128xi1>
    %eq3A_2332 = arith.xori %eq3A_2330, %eq3A_2331 : vector<512x128xi1>
    %select_n3A_2333 = arith.select %eq3A_2332, %select_n3A_2304, %reshape3A_2310 : vector<512x128xi1>, vector<512x128xf32>
    %select_n3A_2334 = arith.select %eq3A_2332, %select_n3A_2305, %reshape3A_2315 : vector<512x128xi1>, vector<512x128xf32>
    %reshape3A_2335 = vector.shape_cast %select_n3A_2333 : vector<512x128xf32> to vector<256x2x1x128xf32>
    %slice3A_2336 = vector.extract_strided_slice %reshape3A_2335 {offsets = [0, 1, 0, 0], sizes = [256, 1, 1, 128], strides = [1, 1, 1, 1]} : vector<256x2x1x128xf32> to vector<256x1x1x128xf32>
    %slice3A_2337 = vector.extract_strided_slice %reshape3A_2335 {offsets = [0, 0, 0, 0], sizes = [256, 1, 1, 128], strides = [1, 1, 1, 1]} : vector<256x2x1x128xf32> to vector<256x1x1x128xf32>
    %concatenate3A_2338 = tpu.concatenate %slice3A_2336, %slice3A_2337 in 1 : vector<256x1x1x128xf32>, vector<256x1x1x128xf32> -> vector<256x2x1x128xf32>
    %reshape3A_2339 = vector.shape_cast %concatenate3A_2338 : vector<256x2x1x128xf32> to vector<512x128xf32>
    %reshape3A_2340 = vector.shape_cast %select_n3A_2334 : vector<512x128xf32> to vector<256x2x1x128xf32>
    %slice3A_2341 = vector.extract_strided_slice %reshape3A_2340 {offsets = [0, 1, 0, 0], sizes = [256, 1, 1, 128], strides = [1, 1, 1, 1]} : vector<256x2x1x128xf32> to vector<256x1x1x128xf32>
    %slice3A_2342 = vector.extract_strided_slice %reshape3A_2340 {offsets = [0, 0, 0, 0], sizes = [256, 1, 1, 128], strides = [1, 1, 1, 1]} : vector<256x2x1x128xf32> to vector<256x1x1x128xf32>
    %concatenate3A_2343 = tpu.concatenate %slice3A_2341, %slice3A_2342 in 1 : vector<256x1x1x128xf32>, vector<256x1x1x128xf32> -> vector<256x2x1x128xf32>
    %reshape3A_2344 = vector.shape_cast %concatenate3A_2343 : vector<256x2x1x128xf32> to vector<512x128xf32>
    %and3A_2345 = arith.constant 1 : i32
    %and3A_2346 = vector.broadcast %and3A_2345 : i32 to vector<512x128xi32>
    %and3A_2347 = arith.andi %iota3A, %and3A_2346 : vector<512x128xi32>
    %eq3A_2348 = arith.constant 0 : i32
    %eq3A_2349 = vector.broadcast %eq3A_2348 : i32 to vector<512x128xi32>
    %eq3A_2350 = arith.cmpi eq, %and3A_2347, %eq3A_2349 : vector<512x128xi32>
    %gt3A_2351 = arith.cmpf ogt, %select_n3A_2333, %reshape3A_2339 : vector<512x128xf32>
    %eq3A_2352 = arith.cmpf oeq, %select_n3A_2333, %reshape3A_2339 : vector<512x128xf32>
    %lt3A_2353 = arith.cmpf olt, %select_n3A_2334, %reshape3A_2344 : vector<512x128xf32>
    %and3A_2354 = arith.andi %eq3A_2352, %lt3A_2353 : vector<512x128xi1>
    %or3A_2355 = arith.ori %gt3A_2351, %and3A_2354 : vector<512x128xi1>
    %eq3A_2356 = arith.xori %eq3A_2350, %eq3A_2247 : vector<512x128xi1>
    %eq3A_2357 = arith.constant dense<true> : vector<512x128xi1>
    %eq3A_2358 = arith.xori %eq3A_2356, %eq3A_2357 : vector<512x128xi1>
    %eq3A_2359 = arith.xori %or3A_2355, %eq3A_2358 : vector<512x128xi1>
    %eq3A_2360 = arith.constant dense<true> : vector<512x128xi1>
    %eq3A_2361 = arith.xori %eq3A_2359, %eq3A_2360 : vector<512x128xi1>
    %select_n3A_2362 = arith.select %eq3A_2361, %select_n3A_2333, %reshape3A_2339 : vector<512x128xi1>, vector<512x128xf32>
    %select_n3A_2363 = arith.select %eq3A_2361, %select_n3A_2334, %reshape3A_2344 : vector<512x128xi1>, vector<512x128xf32>
    %and3A_2364 = arith.constant 64 : i32
    %and3A_2365 = vector.broadcast %and3A_2364 : i32 to vector<512x128xi32>
    %and3A_2366 = arith.andi %iota3A_0, %and3A_2365 : vector<512x128xi32>
    %eq3A_2367 = arith.constant 0 : i32
    %eq3A_2368 = vector.broadcast %eq3A_2367 : i32 to vector<512x128xi32>
    %eq3A_2369 = arith.cmpi eq, %and3A_2366, %eq3A_2368 : vector<512x128xi32>
    %roll3A_2370 = arith.constant 64 : i32
    %roll3A_2371 = tpu.dynamic_rotate %select_n3A_2362 by %roll3A_2370 dim 1 : vector<512x128xf32>, i32 -> vector<512x128xf32>
    %roll3A_2372 = arith.constant 64 : i32
    %roll3A_2373 = tpu.dynamic_rotate %select_n3A_2362 by %roll3A_2372 dim 1 : vector<512x128xf32>, i32 -> vector<512x128xf32>
    %select_n3A_2374 = arith.select %eq3A_2369, %roll3A_2371, %roll3A_2373 : vector<512x128xi1>, vector<512x128xf32>
    %and3A_2375 = arith.constant 64 : i32
    %and3A_2376 = vector.broadcast %and3A_2375 : i32 to vector<512x128xi32>
    %and3A_2377 = arith.andi %iota3A_0, %and3A_2376 : vector<512x128xi32>
    %eq3A_2378 = arith.constant 0 : i32
    %eq3A_2379 = vector.broadcast %eq3A_2378 : i32 to vector<512x128xi32>
    %eq3A_2380 = arith.cmpi eq, %and3A_2377, %eq3A_2379 : vector<512x128xi32>
    %roll3A_2381 = arith.constant 64 : i32
    %roll3A_2382 = tpu.dynamic_rotate %select_n3A_2363 by %roll3A_2381 dim 1 : vector<512x128xf32>, i32 -> vector<512x128xf32>
    %roll3A_2383 = arith.constant 64 : i32
    %roll3A_2384 = tpu.dynamic_rotate %select_n3A_2363 by %roll3A_2383 dim 1 : vector<512x128xf32>, i32 -> vector<512x128xf32>
    %select_n3A_2385 = arith.select %eq3A_2380, %roll3A_2382, %roll3A_2384 : vector<512x128xi1>, vector<512x128xf32>
    %and3A_2386 = arith.constant 64 : i32
    %and3A_2387 = vector.broadcast %and3A_2386 : i32 to vector<512x128xi32>
    %and3A_2388 = arith.andi %iota3A_0, %and3A_2387 : vector<512x128xi32>
    %eq3A_2389 = arith.constant 0 : i32
    %eq3A_2390 = vector.broadcast %eq3A_2389 : i32 to vector<512x128xi32>
    %eq3A_2391 = arith.cmpi eq, %and3A_2388, %eq3A_2390 : vector<512x128xi32>
    %gt3A_2392 = arith.cmpf ogt, %select_n3A_2362, %select_n3A_2374 : vector<512x128xf32>
    %eq3A_2393 = arith.cmpf oeq, %select_n3A_2362, %select_n3A_2374 : vector<512x128xf32>
    %lt3A_2394 = arith.cmpf olt, %select_n3A_2363, %select_n3A_2385 : vector<512x128xf32>
    %and3A_2395 = arith.andi %eq3A_2393, %lt3A_2394 : vector<512x128xi1>
    %or3A_2396 = arith.ori %gt3A_2392, %and3A_2395 : vector<512x128xi1>
    %eq3A_2397 = arith.xori %eq3A_2391, %eq3A_2247 : vector<512x128xi1>
    %eq3A_2398 = arith.constant dense<true> : vector<512x128xi1>
    %eq3A_2399 = arith.xori %eq3A_2397, %eq3A_2398 : vector<512x128xi1>
    %eq3A_2400 = arith.xori %or3A_2396, %eq3A_2399 : vector<512x128xi1>
    %eq3A_2401 = arith.constant dense<true> : vector<512x128xi1>
    %eq3A_2402 = arith.xori %eq3A_2400, %eq3A_2401 : vector<512x128xi1>
    %select_n3A_2403 = arith.select %eq3A_2402, %select_n3A_2362, %select_n3A_2374 : vector<512x128xi1>, vector<512x128xf32>
    %select_n3A_2404 = arith.select %eq3A_2402, %select_n3A_2363, %select_n3A_2385 : vector<512x128xi1>, vector<512x128xf32>
    %and3A_2405 = arith.constant 32 : i32
    %and3A_2406 = vector.broadcast %and3A_2405 : i32 to vector<512x128xi32>
    %and3A_2407 = arith.andi %iota3A_0, %and3A_2406 : vector<512x128xi32>
    %eq3A_2408 = arith.constant 0 : i32
    %eq3A_2409 = vector.broadcast %eq3A_2408 : i32 to vector<512x128xi32>
    %eq3A_2410 = arith.cmpi eq, %and3A_2407, %eq3A_2409 : vector<512x128xi32>
    %roll3A_2411 = arith.constant 96 : i32
    %roll3A_2412 = tpu.dynamic_rotate %select_n3A_2403 by %roll3A_2411 dim 1 : vector<512x128xf32>, i32 -> vector<512x128xf32>
    %roll3A_2413 = arith.constant 32 : i32
    %roll3A_2414 = tpu.dynamic_rotate %select_n3A_2403 by %roll3A_2413 dim 1 : vector<512x128xf32>, i32 -> vector<512x128xf32>
    %select_n3A_2415 = arith.select %eq3A_2410, %roll3A_2412, %roll3A_2414 : vector<512x128xi1>, vector<512x128xf32>
    %and3A_2416 = arith.constant 32 : i32
    %and3A_2417 = vector.broadcast %and3A_2416 : i32 to vector<512x128xi32>
    %and3A_2418 = arith.andi %iota3A_0, %and3A_2417 : vector<512x128xi32>
    %eq3A_2419 = arith.constant 0 : i32
    %eq3A_2420 = vector.broadcast %eq3A_2419 : i32 to vector<512x128xi32>
    %eq3A_2421 = arith.cmpi eq, %and3A_2418, %eq3A_2420 : vector<512x128xi32>
    %roll3A_2422 = arith.constant 96 : i32
    %roll3A_2423 = tpu.dynamic_rotate %select_n3A_2404 by %roll3A_2422 dim 1 : vector<512x128xf32>, i32 -> vector<512x128xf32>
    %roll3A_2424 = arith.constant 32 : i32
    %roll3A_2425 = tpu.dynamic_rotate %select_n3A_2404 by %roll3A_2424 dim 1 : vector<512x128xf32>, i32 -> vector<512x128xf32>
    %select_n3A_2426 = arith.select %eq3A_2421, %roll3A_2423, %roll3A_2425 : vector<512x128xi1>, vector<512x128xf32>
    %and3A_2427 = arith.constant 32 : i32
    %and3A_2428 = vector.broadcast %and3A_2427 : i32 to vector<512x128xi32>
    %and3A_2429 = arith.andi %iota3A_0, %and3A_2428 : vector<512x128xi32>
    %eq3A_2430 = arith.constant 0 : i32
    %eq3A_2431 = vector.broadcast %eq3A_2430 : i32 to vector<512x128xi32>
    %eq3A_2432 = arith.cmpi eq, %and3A_2429, %eq3A_2431 : vector<512x128xi32>
    %gt3A_2433 = arith.cmpf ogt, %select_n3A_2403, %select_n3A_2415 : vector<512x128xf32>
    %eq3A_2434 = arith.cmpf oeq, %select_n3A_2403, %select_n3A_2415 : vector<512x128xf32>
    %lt3A_2435 = arith.cmpf olt, %select_n3A_2404, %select_n3A_2426 : vector<512x128xf32>
    %and3A_2436 = arith.andi %eq3A_2434, %lt3A_2435 : vector<512x128xi1>
    %or3A_2437 = arith.ori %gt3A_2433, %and3A_2436 : vector<512x128xi1>
    %eq3A_2438 = arith.xori %eq3A_2432, %eq3A_2247 : vector<512x128xi1>
    %eq3A_2439 = arith.constant dense<true> : vector<512x128xi1>
    %eq3A_2440 = arith.xori %eq3A_2438, %eq3A_2439 : vector<512x128xi1>
    %eq3A_2441 = arith.xori %or3A_2437, %eq3A_2440 : vector<512x128xi1>
    %eq3A_2442 = arith.constant dense<true> : vector<512x128xi1>
    %eq3A_2443 = arith.xori %eq3A_2441, %eq3A_2442 : vector<512x128xi1>
    %select_n3A_2444 = arith.select %eq3A_2443, %select_n3A_2403, %select_n3A_2415 : vector<512x128xi1>, vector<512x128xf32>
    %select_n3A_2445 = arith.select %eq3A_2443, %select_n3A_2404, %select_n3A_2426 : vector<512x128xi1>, vector<512x128xf32>
    %and3A_2446 = arith.constant 16 : i32
    %and3A_2447 = vector.broadcast %and3A_2446 : i32 to vector<512x128xi32>
    %and3A_2448 = arith.andi %iota3A_0, %and3A_2447 : vector<512x128xi32>
    %eq3A_2449 = arith.constant 0 : i32
    %eq3A_2450 = vector.broadcast %eq3A_2449 : i32 to vector<512x128xi32>
    %eq3A_2451 = arith.cmpi eq, %and3A_2448, %eq3A_2450 : vector<512x128xi32>
    %roll3A_2452 = arith.constant 112 : i32
    %roll3A_2453 = tpu.dynamic_rotate %select_n3A_2444 by %roll3A_2452 dim 1 : vector<512x128xf32>, i32 -> vector<512x128xf32>
    %roll3A_2454 = arith.constant 16 : i32
    %roll3A_2455 = tpu.dynamic_rotate %select_n3A_2444 by %roll3A_2454 dim 1 : vector<512x128xf32>, i32 -> vector<512x128xf32>
    %select_n3A_2456 = arith.select %eq3A_2451, %roll3A_2453, %roll3A_2455 : vector<512x128xi1>, vector<512x128xf32>
    %and3A_2457 = arith.constant 16 : i32
    %and3A_2458 = vector.broadcast %and3A_2457 : i32 to vector<512x128xi32>
    %and3A_2459 = arith.andi %iota3A_0, %and3A_2458 : vector<512x128xi32>
    %eq3A_2460 = arith.constant 0 : i32
    %eq3A_2461 = vector.broadcast %eq3A_2460 : i32 to vector<512x128xi32>
    %eq3A_2462 = arith.cmpi eq, %and3A_2459, %eq3A_2461 : vector<512x128xi32>
    %roll3A_2463 = arith.constant 112 : i32
    %roll3A_2464 = tpu.dynamic_rotate %select_n3A_2445 by %roll3A_2463 dim 1 : vector<512x128xf32>, i32 -> vector<512x128xf32>
    %roll3A_2465 = arith.constant 16 : i32
    %roll3A_2466 = tpu.dynamic_rotate %select_n3A_2445 by %roll3A_2465 dim 1 : vector<512x128xf32>, i32 -> vector<512x128xf32>
    %select_n3A_2467 = arith.select %eq3A_2462, %roll3A_2464, %roll3A_2466 : vector<512x128xi1>, vector<512x128xf32>
    %and3A_2468 = arith.constant 16 : i32
    %and3A_2469 = vector.broadcast %and3A_2468 : i32 to vector<512x128xi32>
    %and3A_2470 = arith.andi %iota3A_0, %and3A_2469 : vector<512x128xi32>
    %eq3A_2471 = arith.constant 0 : i32
    %eq3A_2472 = vector.broadcast %eq3A_2471 : i32 to vector<512x128xi32>
    %eq3A_2473 = arith.cmpi eq, %and3A_2470, %eq3A_2472 : vector<512x128xi32>
    %gt3A_2474 = arith.cmpf ogt, %select_n3A_2444, %select_n3A_2456 : vector<512x128xf32>
    %eq3A_2475 = arith.cmpf oeq, %select_n3A_2444, %select_n3A_2456 : vector<512x128xf32>
    %lt3A_2476 = arith.cmpf olt, %select_n3A_2445, %select_n3A_2467 : vector<512x128xf32>
    %and3A_2477 = arith.andi %eq3A_2475, %lt3A_2476 : vector<512x128xi1>
    %or3A_2478 = arith.ori %gt3A_2474, %and3A_2477 : vector<512x128xi1>
    %eq3A_2479 = arith.xori %eq3A_2473, %eq3A_2247 : vector<512x128xi1>
    %eq3A_2480 = arith.constant dense<true> : vector<512x128xi1>
    %eq3A_2481 = arith.xori %eq3A_2479, %eq3A_2480 : vector<512x128xi1>
    %eq3A_2482 = arith.xori %or3A_2478, %eq3A_2481 : vector<512x128xi1>
    %eq3A_2483 = arith.constant dense<true> : vector<512x128xi1>
    %eq3A_2484 = arith.xori %eq3A_2482, %eq3A_2483 : vector<512x128xi1>
    %select_n3A_2485 = arith.select %eq3A_2484, %select_n3A_2444, %select_n3A_2456 : vector<512x128xi1>, vector<512x128xf32>
    %select_n3A_2486 = arith.select %eq3A_2484, %select_n3A_2445, %select_n3A_2467 : vector<512x128xi1>, vector<512x128xf32>
    %and3A_2487 = arith.constant 8 : i32
    %and3A_2488 = vector.broadcast %and3A_2487 : i32 to vector<512x128xi32>
    %and3A_2489 = arith.andi %iota3A_0, %and3A_2488 : vector<512x128xi32>
    %eq3A_2490 = arith.constant 0 : i32
    %eq3A_2491 = vector.broadcast %eq3A_2490 : i32 to vector<512x128xi32>
    %eq3A_2492 = arith.cmpi eq, %and3A_2489, %eq3A_2491 : vector<512x128xi32>
    %roll3A_2493 = arith.constant 120 : i32
    %roll3A_2494 = tpu.dynamic_rotate %select_n3A_2485 by %roll3A_2493 dim 1 : vector<512x128xf32>, i32 -> vector<512x128xf32>
    %roll3A_2495 = arith.constant 8 : i32
    %roll3A_2496 = tpu.dynamic_rotate %select_n3A_2485 by %roll3A_2495 dim 1 : vector<512x128xf32>, i32 -> vector<512x128xf32>
    %select_n3A_2497 = arith.select %eq3A_2492, %roll3A_2494, %roll3A_2496 : vector<512x128xi1>, vector<512x128xf32>
    %and3A_2498 = arith.constant 8 : i32
    %and3A_2499 = vector.broadcast %and3A_2498 : i32 to vector<512x128xi32>
    %and3A_2500 = arith.andi %iota3A_0, %and3A_2499 : vector<512x128xi32>
    %eq3A_2501 = arith.constant 0 : i32
    %eq3A_2502 = vector.broadcast %eq3A_2501 : i32 to vector<512x128xi32>
    %eq3A_2503 = arith.cmpi eq, %and3A_2500, %eq3A_2502 : vector<512x128xi32>
    %roll3A_2504 = arith.constant 120 : i32
    %roll3A_2505 = tpu.dynamic_rotate %select_n3A_2486 by %roll3A_2504 dim 1 : vector<512x128xf32>, i32 -> vector<512x128xf32>
    %roll3A_2506 = arith.constant 8 : i32
    %roll3A_2507 = tpu.dynamic_rotate %select_n3A_2486 by %roll3A_2506 dim 1 : vector<512x128xf32>, i32 -> vector<512x128xf32>
    %select_n3A_2508 = arith.select %eq3A_2503, %roll3A_2505, %roll3A_2507 : vector<512x128xi1>, vector<512x128xf32>
    %and3A_2509 = arith.constant 8 : i32
    %and3A_2510 = vector.broadcast %and3A_2509 : i32 to vector<512x128xi32>
    %and3A_2511 = arith.andi %iota3A_0, %and3A_2510 : vector<512x128xi32>
    %eq3A_2512 = arith.constant 0 : i32
    %eq3A_2513 = vector.broadcast %eq3A_2512 : i32 to vector<512x128xi32>
    %eq3A_2514 = arith.cmpi eq, %and3A_2511, %eq3A_2513 : vector<512x128xi32>
    %gt3A_2515 = arith.cmpf ogt, %select_n3A_2485, %select_n3A_2497 : vector<512x128xf32>
    %eq3A_2516 = arith.cmpf oeq, %select_n3A_2485, %select_n3A_2497 : vector<512x128xf32>
    %lt3A_2517 = arith.cmpf olt, %select_n3A_2486, %select_n3A_2508 : vector<512x128xf32>
    %and3A_2518 = arith.andi %eq3A_2516, %lt3A_2517 : vector<512x128xi1>
    %or3A_2519 = arith.ori %gt3A_2515, %and3A_2518 : vector<512x128xi1>
    %eq3A_2520 = arith.xori %eq3A_2514, %eq3A_2247 : vector<512x128xi1>
    %eq3A_2521 = arith.constant dense<true> : vector<512x128xi1>
    %eq3A_2522 = arith.xori %eq3A_2520, %eq3A_2521 : vector<512x128xi1>
    %eq3A_2523 = arith.xori %or3A_2519, %eq3A_2522 : vector<512x128xi1>
    %eq3A_2524 = arith.constant dense<true> : vector<512x128xi1>
    %eq3A_2525 = arith.xori %eq3A_2523, %eq3A_2524 : vector<512x128xi1>
    %select_n3A_2526 = arith.select %eq3A_2525, %select_n3A_2485, %select_n3A_2497 : vector<512x128xi1>, vector<512x128xf32>
    %select_n3A_2527 = arith.select %eq3A_2525, %select_n3A_2486, %select_n3A_2508 : vector<512x128xi1>, vector<512x128xf32>
    %and3A_2528 = arith.constant 4 : i32
    %and3A_2529 = vector.broadcast %and3A_2528 : i32 to vector<512x128xi32>
    %and3A_2530 = arith.andi %iota3A_0, %and3A_2529 : vector<512x128xi32>
    %eq3A_2531 = arith.constant 0 : i32
    %eq3A_2532 = vector.broadcast %eq3A_2531 : i32 to vector<512x128xi32>
    %eq3A_2533 = arith.cmpi eq, %and3A_2530, %eq3A_2532 : vector<512x128xi32>
    %roll3A_2534 = arith.constant 124 : i32
    %roll3A_2535 = tpu.dynamic_rotate %select_n3A_2526 by %roll3A_2534 dim 1 : vector<512x128xf32>, i32 -> vector<512x128xf32>
    %roll3A_2536 = arith.constant 4 : i32
    %roll3A_2537 = tpu.dynamic_rotate %select_n3A_2526 by %roll3A_2536 dim 1 : vector<512x128xf32>, i32 -> vector<512x128xf32>
    %select_n3A_2538 = arith.select %eq3A_2533, %roll3A_2535, %roll3A_2537 : vector<512x128xi1>, vector<512x128xf32>
    %and3A_2539 = arith.constant 4 : i32
    %and3A_2540 = vector.broadcast %and3A_2539 : i32 to vector<512x128xi32>
    %and3A_2541 = arith.andi %iota3A_0, %and3A_2540 : vector<512x128xi32>
    %eq3A_2542 = arith.constant 0 : i32
    %eq3A_2543 = vector.broadcast %eq3A_2542 : i32 to vector<512x128xi32>
    %eq3A_2544 = arith.cmpi eq, %and3A_2541, %eq3A_2543 : vector<512x128xi32>
    %roll3A_2545 = arith.constant 124 : i32
    %roll3A_2546 = tpu.dynamic_rotate %select_n3A_2527 by %roll3A_2545 dim 1 : vector<512x128xf32>, i32 -> vector<512x128xf32>
    %roll3A_2547 = arith.constant 4 : i32
    %roll3A_2548 = tpu.dynamic_rotate %select_n3A_2527 by %roll3A_2547 dim 1 : vector<512x128xf32>, i32 -> vector<512x128xf32>
    %select_n3A_2549 = arith.select %eq3A_2544, %roll3A_2546, %roll3A_2548 : vector<512x128xi1>, vector<512x128xf32>
    %and3A_2550 = arith.constant 4 : i32
    %and3A_2551 = vector.broadcast %and3A_2550 : i32 to vector<512x128xi32>
    %and3A_2552 = arith.andi %iota3A_0, %and3A_2551 : vector<512x128xi32>
    %eq3A_2553 = arith.constant 0 : i32
    %eq3A_2554 = vector.broadcast %eq3A_2553 : i32 to vector<512x128xi32>
    %eq3A_2555 = arith.cmpi eq, %and3A_2552, %eq3A_2554 : vector<512x128xi32>
    %gt3A_2556 = arith.cmpf ogt, %select_n3A_2526, %select_n3A_2538 : vector<512x128xf32>
    %eq3A_2557 = arith.cmpf oeq, %select_n3A_2526, %select_n3A_2538 : vector<512x128xf32>
    %lt3A_2558 = arith.cmpf olt, %select_n3A_2527, %select_n3A_2549 : vector<512x128xf32>
    %and3A_2559 = arith.andi %eq3A_2557, %lt3A_2558 : vector<512x128xi1>
    %or3A_2560 = arith.ori %gt3A_2556, %and3A_2559 : vector<512x128xi1>
    %eq3A_2561 = arith.xori %eq3A_2555, %eq3A_2247 : vector<512x128xi1>
    %eq3A_2562 = arith.constant dense<true> : vector<512x128xi1>
    %eq3A_2563 = arith.xori %eq3A_2561, %eq3A_2562 : vector<512x128xi1>
    %eq3A_2564 = arith.xori %or3A_2560, %eq3A_2563 : vector<512x128xi1>
    %eq3A_2565 = arith.constant dense<true> : vector<512x128xi1>
    %eq3A_2566 = arith.xori %eq3A_2564, %eq3A_2565 : vector<512x128xi1>
    %select_n3A_2567 = arith.select %eq3A_2566, %select_n3A_2526, %select_n3A_2538 : vector<512x128xi1>, vector<512x128xf32>
    %select_n3A_2568 = arith.select %eq3A_2566, %select_n3A_2527, %select_n3A_2549 : vector<512x128xi1>, vector<512x128xf32>
    %and3A_2569 = arith.constant 2 : i32
    %and3A_2570 = vector.broadcast %and3A_2569 : i32 to vector<512x128xi32>
    %and3A_2571 = arith.andi %iota3A_0, %and3A_2570 : vector<512x128xi32>
    %eq3A_2572 = arith.constant 0 : i32
    %eq3A_2573 = vector.broadcast %eq3A_2572 : i32 to vector<512x128xi32>
    %eq3A_2574 = arith.cmpi eq, %and3A_2571, %eq3A_2573 : vector<512x128xi32>
    %roll3A_2575 = arith.constant 126 : i32
    %roll3A_2576 = tpu.dynamic_rotate %select_n3A_2567 by %roll3A_2575 dim 1 : vector<512x128xf32>, i32 -> vector<512x128xf32>
    %roll3A_2577 = arith.constant 2 : i32
    %roll3A_2578 = tpu.dynamic_rotate %select_n3A_2567 by %roll3A_2577 dim 1 : vector<512x128xf32>, i32 -> vector<512x128xf32>
    %select_n3A_2579 = arith.select %eq3A_2574, %roll3A_2576, %roll3A_2578 : vector<512x128xi1>, vector<512x128xf32>
    %and3A_2580 = arith.constant 2 : i32
    %and3A_2581 = vector.broadcast %and3A_2580 : i32 to vector<512x128xi32>
    %and3A_2582 = arith.andi %iota3A_0, %and3A_2581 : vector<512x128xi32>
    %eq3A_2583 = arith.constant 0 : i32
    %eq3A_2584 = vector.broadcast %eq3A_2583 : i32 to vector<512x128xi32>
    %eq3A_2585 = arith.cmpi eq, %and3A_2582, %eq3A_2584 : vector<512x128xi32>
    %roll3A_2586 = arith.constant 126 : i32
    %roll3A_2587 = tpu.dynamic_rotate %select_n3A_2568 by %roll3A_2586 dim 1 : vector<512x128xf32>, i32 -> vector<512x128xf32>
    %roll3A_2588 = arith.constant 2 : i32
    %roll3A_2589 = tpu.dynamic_rotate %select_n3A_2568 by %roll3A_2588 dim 1 : vector<512x128xf32>, i32 -> vector<512x128xf32>
    %select_n3A_2590 = arith.select %eq3A_2585, %roll3A_2587, %roll3A_2589 : vector<512x128xi1>, vector<512x128xf32>
    %and3A_2591 = arith.constant 2 : i32
    %and3A_2592 = vector.broadcast %and3A_2591 : i32 to vector<512x128xi32>
    %and3A_2593 = arith.andi %iota3A_0, %and3A_2592 : vector<512x128xi32>
    %eq3A_2594 = arith.constant 0 : i32
    %eq3A_2595 = vector.broadcast %eq3A_2594 : i32 to vector<512x128xi32>
    %eq3A_2596 = arith.cmpi eq, %and3A_2593, %eq3A_2595 : vector<512x128xi32>
    %gt3A_2597 = arith.cmpf ogt, %select_n3A_2567, %select_n3A_2579 : vector<512x128xf32>
    %eq3A_2598 = arith.cmpf oeq, %select_n3A_2567, %select_n3A_2579 : vector<512x128xf32>
    %lt3A_2599 = arith.cmpf olt, %select_n3A_2568, %select_n3A_2590 : vector<512x128xf32>
    %and3A_2600 = arith.andi %eq3A_2598, %lt3A_2599 : vector<512x128xi1>
    %or3A_2601 = arith.ori %gt3A_2597, %and3A_2600 : vector<512x128xi1>
    %eq3A_2602 = arith.xori %eq3A_2596, %eq3A_2247 : vector<512x128xi1>
    %eq3A_2603 = arith.constant dense<true> : vector<512x128xi1>
    %eq3A_2604 = arith.xori %eq3A_2602, %eq3A_2603 : vector<512x128xi1>
    %eq3A_2605 = arith.xori %or3A_2601, %eq3A_2604 : vector<512x128xi1>
    %eq3A_2606 = arith.constant dense<true> : vector<512x128xi1>
    %eq3A_2607 = arith.xori %eq3A_2605, %eq3A_2606 : vector<512x128xi1>
    %select_n3A_2608 = arith.select %eq3A_2607, %select_n3A_2567, %select_n3A_2579 : vector<512x128xi1>, vector<512x128xf32>
    %select_n3A_2609 = arith.select %eq3A_2607, %select_n3A_2568, %select_n3A_2590 : vector<512x128xi1>, vector<512x128xf32>
    %and3A_2610 = arith.constant 1 : i32
    %and3A_2611 = vector.broadcast %and3A_2610 : i32 to vector<512x128xi32>
    %and3A_2612 = arith.andi %iota3A_0, %and3A_2611 : vector<512x128xi32>
    %eq3A_2613 = arith.constant 0 : i32
    %eq3A_2614 = vector.broadcast %eq3A_2613 : i32 to vector<512x128xi32>
    %eq3A_2615 = arith.cmpi eq, %and3A_2612, %eq3A_2614 : vector<512x128xi32>
    %roll3A_2616 = arith.constant 127 : i32
    %roll3A_2617 = tpu.dynamic_rotate %select_n3A_2608 by %roll3A_2616 dim 1 : vector<512x128xf32>, i32 -> vector<512x128xf32>
    %roll3A_2618 = arith.constant 1 : i32
    %roll3A_2619 = tpu.dynamic_rotate %select_n3A_2608 by %roll3A_2618 dim 1 : vector<512x128xf32>, i32 -> vector<512x128xf32>
    %select_n3A_2620 = arith.select %eq3A_2615, %roll3A_2617, %roll3A_2619 : vector<512x128xi1>, vector<512x128xf32>
    %and3A_2621 = arith.constant 1 : i32
    %and3A_2622 = vector.broadcast %and3A_2621 : i32 to vector<512x128xi32>
    %and3A_2623 = arith.andi %iota3A_0, %and3A_2622 : vector<512x128xi32>
    %eq3A_2624 = arith.constant 0 : i32
    %eq3A_2625 = vector.broadcast %eq3A_2624 : i32 to vector<512x128xi32>
    %eq3A_2626 = arith.cmpi eq, %and3A_2623, %eq3A_2625 : vector<512x128xi32>
    %roll3A_2627 = arith.constant 127 : i32
    %roll3A_2628 = tpu.dynamic_rotate %select_n3A_2609 by %roll3A_2627 dim 1 : vector<512x128xf32>, i32 -> vector<512x128xf32>
    %roll3A_2629 = arith.constant 1 : i32
    %roll3A_2630 = tpu.dynamic_rotate %select_n3A_2609 by %roll3A_2629 dim 1 : vector<512x128xf32>, i32 -> vector<512x128xf32>
    %select_n3A_2631 = arith.select %eq3A_2626, %roll3A_2628, %roll3A_2630 : vector<512x128xi1>, vector<512x128xf32>
    %and3A_2632 = arith.constant 1 : i32
    %and3A_2633 = vector.broadcast %and3A_2632 : i32 to vector<512x128xi32>
    %and3A_2634 = arith.andi %iota3A_0, %and3A_2633 : vector<512x128xi32>
    %eq3A_2635 = arith.constant 0 : i32
    %eq3A_2636 = vector.broadcast %eq3A_2635 : i32 to vector<512x128xi32>
    %eq3A_2637 = arith.cmpi eq, %and3A_2634, %eq3A_2636 : vector<512x128xi32>
    %gt3A_2638 = arith.cmpf ogt, %select_n3A_2608, %select_n3A_2620 : vector<512x128xf32>
    %eq3A_2639 = arith.cmpf oeq, %select_n3A_2608, %select_n3A_2620 : vector<512x128xf32>
    %lt3A_2640 = arith.cmpf olt, %select_n3A_2609, %select_n3A_2631 : vector<512x128xf32>
    %and3A_2641 = arith.andi %eq3A_2639, %lt3A_2640 : vector<512x128xi1>
    %or3A_2642 = arith.ori %gt3A_2638, %and3A_2641 : vector<512x128xi1>
    %eq3A_2643 = arith.xori %eq3A_2637, %eq3A_2247 : vector<512x128xi1>
    %eq3A_2644 = arith.constant dense<true> : vector<512x128xi1>
    %eq3A_2645 = arith.xori %eq3A_2643, %eq3A_2644 : vector<512x128xi1>
    %eq3A_2646 = arith.xori %or3A_2642, %eq3A_2645 : vector<512x128xi1>
    %eq3A_2647 = arith.constant dense<true> : vector<512x128xi1>
    %eq3A_2648 = arith.xori %eq3A_2646, %eq3A_2647 : vector<512x128xi1>
    %select_n3A_2649 = arith.select %eq3A_2648, %select_n3A_2608, %select_n3A_2620 : vector<512x128xi1>, vector<512x128xf32>
    %select_n3A_2650 = arith.select %eq3A_2648, %select_n3A_2609, %select_n3A_2631 : vector<512x128xi1>, vector<512x128xf32>
    %and3A_2651 = arith.constant 32 : i32
    %and3A_2652 = vector.broadcast %and3A_2651 : i32 to vector<512x128xi32>
    %and3A_2653 = arith.andi %iota3A, %and3A_2652 : vector<512x128xi32>
    %eq3A_2654 = arith.constant 0 : i32
    %eq3A_2655 = vector.broadcast %eq3A_2654 : i32 to vector<512x128xi32>
    %eq3A_2656 = arith.cmpi eq, %and3A_2653, %eq3A_2655 : vector<512x128xi32>
    %reshape3A_2657 = vector.shape_cast %select_n3A_2649 : vector<512x128xf32> to vector<16x2x16x128xf32>
    %slice3A_2658 = vector.extract_strided_slice %reshape3A_2657 {offsets = [0, 1, 0, 0], sizes = [16, 1, 16, 128], strides = [1, 1, 1, 1]} : vector<16x2x16x128xf32> to vector<16x1x16x128xf32>
    %slice3A_2659 = vector.extract_strided_slice %reshape3A_2657 {offsets = [0, 0, 0, 0], sizes = [16, 1, 16, 128], strides = [1, 1, 1, 1]} : vector<16x2x16x128xf32> to vector<16x1x16x128xf32>
    %concatenate3A_2660 = tpu.concatenate %slice3A_2658, %slice3A_2659 in 1 : vector<16x1x16x128xf32>, vector<16x1x16x128xf32> -> vector<16x2x16x128xf32>
    %reshape3A_2661 = vector.shape_cast %concatenate3A_2660 : vector<16x2x16x128xf32> to vector<512x128xf32>
    %reshape3A_2662 = vector.shape_cast %select_n3A_2650 : vector<512x128xf32> to vector<16x2x16x128xf32>
    %slice3A_2663 = vector.extract_strided_slice %reshape3A_2662 {offsets = [0, 1, 0, 0], sizes = [16, 1, 16, 128], strides = [1, 1, 1, 1]} : vector<16x2x16x128xf32> to vector<16x1x16x128xf32>
    %slice3A_2664 = vector.extract_strided_slice %reshape3A_2662 {offsets = [0, 0, 0, 0], sizes = [16, 1, 16, 128], strides = [1, 1, 1, 1]} : vector<16x2x16x128xf32> to vector<16x1x16x128xf32>
    %concatenate3A_2665 = tpu.concatenate %slice3A_2663, %slice3A_2664 in 1 : vector<16x1x16x128xf32>, vector<16x1x16x128xf32> -> vector<16x2x16x128xf32>
    %reshape3A_2666 = vector.shape_cast %concatenate3A_2665 : vector<16x2x16x128xf32> to vector<512x128xf32>
    %and3A_2667 = arith.constant 16 : i32
    %and3A_2668 = vector.broadcast %and3A_2667 : i32 to vector<512x128xi32>
    %and3A_2669 = arith.andi %iota3A, %and3A_2668 : vector<512x128xi32>
    %eq3A_2670 = arith.constant 0 : i32
    %eq3A_2671 = vector.broadcast %eq3A_2670 : i32 to vector<512x128xi32>
    %eq3A_2672 = arith.cmpi eq, %and3A_2669, %eq3A_2671 : vector<512x128xi32>
    %gt3A_2673 = arith.cmpf ogt, %select_n3A_2649, %reshape3A_2661 : vector<512x128xf32>
    %eq3A_2674 = arith.cmpf oeq, %select_n3A_2649, %reshape3A_2661 : vector<512x128xf32>
    %lt3A_2675 = arith.cmpf olt, %select_n3A_2650, %reshape3A_2666 : vector<512x128xf32>
    %and3A_2676 = arith.andi %eq3A_2674, %lt3A_2675 : vector<512x128xi1>
    %or3A_2677 = arith.ori %gt3A_2673, %and3A_2676 : vector<512x128xi1>
    %eq3A_2678 = arith.xori %eq3A_2672, %eq3A_2656 : vector<512x128xi1>
    %eq3A_2679 = arith.constant dense<true> : vector<512x128xi1>
    %eq3A_2680 = arith.xori %eq3A_2678, %eq3A_2679 : vector<512x128xi1>
    %eq3A_2681 = arith.xori %or3A_2677, %eq3A_2680 : vector<512x128xi1>
    %eq3A_2682 = arith.constant dense<true> : vector<512x128xi1>
    %eq3A_2683 = arith.xori %eq3A_2681, %eq3A_2682 : vector<512x128xi1>
    %select_n3A_2684 = arith.select %eq3A_2683, %select_n3A_2649, %reshape3A_2661 : vector<512x128xi1>, vector<512x128xf32>
    %select_n3A_2685 = arith.select %eq3A_2683, %select_n3A_2650, %reshape3A_2666 : vector<512x128xi1>, vector<512x128xf32>
    %reshape3A_2686 = vector.shape_cast %select_n3A_2684 : vector<512x128xf32> to vector<32x2x8x128xf32>
    %slice3A_2687 = vector.extract_strided_slice %reshape3A_2686 {offsets = [0, 1, 0, 0], sizes = [32, 1, 8, 128], strides = [1, 1, 1, 1]} : vector<32x2x8x128xf32> to vector<32x1x8x128xf32>
    %slice3A_2688 = vector.extract_strided_slice %reshape3A_2686 {offsets = [0, 0, 0, 0], sizes = [32, 1, 8, 128], strides = [1, 1, 1, 1]} : vector<32x2x8x128xf32> to vector<32x1x8x128xf32>
    %concatenate3A_2689 = tpu.concatenate %slice3A_2687, %slice3A_2688 in 1 : vector<32x1x8x128xf32>, vector<32x1x8x128xf32> -> vector<32x2x8x128xf32>
    %reshape3A_2690 = vector.shape_cast %concatenate3A_2689 : vector<32x2x8x128xf32> to vector<512x128xf32>
    %reshape3A_2691 = vector.shape_cast %select_n3A_2685 : vector<512x128xf32> to vector<32x2x8x128xf32>
    %slice3A_2692 = vector.extract_strided_slice %reshape3A_2691 {offsets = [0, 1, 0, 0], sizes = [32, 1, 8, 128], strides = [1, 1, 1, 1]} : vector<32x2x8x128xf32> to vector<32x1x8x128xf32>
    %slice3A_2693 = vector.extract_strided_slice %reshape3A_2691 {offsets = [0, 0, 0, 0], sizes = [32, 1, 8, 128], strides = [1, 1, 1, 1]} : vector<32x2x8x128xf32> to vector<32x1x8x128xf32>
    %concatenate3A_2694 = tpu.concatenate %slice3A_2692, %slice3A_2693 in 1 : vector<32x1x8x128xf32>, vector<32x1x8x128xf32> -> vector<32x2x8x128xf32>
    %reshape3A_2695 = vector.shape_cast %concatenate3A_2694 : vector<32x2x8x128xf32> to vector<512x128xf32>
    %and3A_2696 = arith.constant 8 : i32
    %and3A_2697 = vector.broadcast %and3A_2696 : i32 to vector<512x128xi32>
    %and3A_2698 = arith.andi %iota3A, %and3A_2697 : vector<512x128xi32>
    %eq3A_2699 = arith.constant 0 : i32
    %eq3A_2700 = vector.broadcast %eq3A_2699 : i32 to vector<512x128xi32>
    %eq3A_2701 = arith.cmpi eq, %and3A_2698, %eq3A_2700 : vector<512x128xi32>
    %gt3A_2702 = arith.cmpf ogt, %select_n3A_2684, %reshape3A_2690 : vector<512x128xf32>
    %eq3A_2703 = arith.cmpf oeq, %select_n3A_2684, %reshape3A_2690 : vector<512x128xf32>
    %lt3A_2704 = arith.cmpf olt, %select_n3A_2685, %reshape3A_2695 : vector<512x128xf32>
    %and3A_2705 = arith.andi %eq3A_2703, %lt3A_2704 : vector<512x128xi1>
    %or3A_2706 = arith.ori %gt3A_2702, %and3A_2705 : vector<512x128xi1>
    %eq3A_2707 = arith.xori %eq3A_2701, %eq3A_2656 : vector<512x128xi1>
    %eq3A_2708 = arith.constant dense<true> : vector<512x128xi1>
    %eq3A_2709 = arith.xori %eq3A_2707, %eq3A_2708 : vector<512x128xi1>
    %eq3A_2710 = arith.xori %or3A_2706, %eq3A_2709 : vector<512x128xi1>
    %eq3A_2711 = arith.constant dense<true> : vector<512x128xi1>
    %eq3A_2712 = arith.xori %eq3A_2710, %eq3A_2711 : vector<512x128xi1>
    %select_n3A_2713 = arith.select %eq3A_2712, %select_n3A_2684, %reshape3A_2690 : vector<512x128xi1>, vector<512x128xf32>
    %select_n3A_2714 = arith.select %eq3A_2712, %select_n3A_2685, %reshape3A_2695 : vector<512x128xi1>, vector<512x128xf32>
    %reshape3A_2715 = vector.shape_cast %select_n3A_2713 : vector<512x128xf32> to vector<64x2x4x128xf32>
    %slice3A_2716 = vector.extract_strided_slice %reshape3A_2715 {offsets = [0, 1, 0, 0], sizes = [64, 1, 4, 128], strides = [1, 1, 1, 1]} : vector<64x2x4x128xf32> to vector<64x1x4x128xf32>
    %slice3A_2717 = vector.extract_strided_slice %reshape3A_2715 {offsets = [0, 0, 0, 0], sizes = [64, 1, 4, 128], strides = [1, 1, 1, 1]} : vector<64x2x4x128xf32> to vector<64x1x4x128xf32>
    %concatenate3A_2718 = tpu.concatenate %slice3A_2716, %slice3A_2717 in 1 : vector<64x1x4x128xf32>, vector<64x1x4x128xf32> -> vector<64x2x4x128xf32>
    %reshape3A_2719 = vector.shape_cast %concatenate3A_2718 : vector<64x2x4x128xf32> to vector<512x128xf32>
    %reshape3A_2720 = vector.shape_cast %select_n3A_2714 : vector<512x128xf32> to vector<64x2x4x128xf32>
    %slice3A_2721 = vector.extract_strided_slice %reshape3A_2720 {offsets = [0, 1, 0, 0], sizes = [64, 1, 4, 128], strides = [1, 1, 1, 1]} : vector<64x2x4x128xf32> to vector<64x1x4x128xf32>
    %slice3A_2722 = vector.extract_strided_slice %reshape3A_2720 {offsets = [0, 0, 0, 0], sizes = [64, 1, 4, 128], strides = [1, 1, 1, 1]} : vector<64x2x4x128xf32> to vector<64x1x4x128xf32>
    %concatenate3A_2723 = tpu.concatenate %slice3A_2721, %slice3A_2722 in 1 : vector<64x1x4x128xf32>, vector<64x1x4x128xf32> -> vector<64x2x4x128xf32>
    %reshape3A_2724 = vector.shape_cast %concatenate3A_2723 : vector<64x2x4x128xf32> to vector<512x128xf32>
    %and3A_2725 = arith.constant 4 : i32
    %and3A_2726 = vector.broadcast %and3A_2725 : i32 to vector<512x128xi32>
    %and3A_2727 = arith.andi %iota3A, %and3A_2726 : vector<512x128xi32>
    %eq3A_2728 = arith.constant 0 : i32
    %eq3A_2729 = vector.broadcast %eq3A_2728 : i32 to vector<512x128xi32>
    %eq3A_2730 = arith.cmpi eq, %and3A_2727, %eq3A_2729 : vector<512x128xi32>
    %gt3A_2731 = arith.cmpf ogt, %select_n3A_2713, %reshape3A_2719 : vector<512x128xf32>
    %eq3A_2732 = arith.cmpf oeq, %select_n3A_2713, %reshape3A_2719 : vector<512x128xf32>
    %lt3A_2733 = arith.cmpf olt, %select_n3A_2714, %reshape3A_2724 : vector<512x128xf32>
    %and3A_2734 = arith.andi %eq3A_2732, %lt3A_2733 : vector<512x128xi1>
    %or3A_2735 = arith.ori %gt3A_2731, %and3A_2734 : vector<512x128xi1>
    %eq3A_2736 = arith.xori %eq3A_2730, %eq3A_2656 : vector<512x128xi1>
    %eq3A_2737 = arith.constant dense<true> : vector<512x128xi1>
    %eq3A_2738 = arith.xori %eq3A_2736, %eq3A_2737 : vector<512x128xi1>
    %eq3A_2739 = arith.xori %or3A_2735, %eq3A_2738 : vector<512x128xi1>
    %eq3A_2740 = arith.constant dense<true> : vector<512x128xi1>
    %eq3A_2741 = arith.xori %eq3A_2739, %eq3A_2740 : vector<512x128xi1>
    %select_n3A_2742 = arith.select %eq3A_2741, %select_n3A_2713, %reshape3A_2719 : vector<512x128xi1>, vector<512x128xf32>
    %select_n3A_2743 = arith.select %eq3A_2741, %select_n3A_2714, %reshape3A_2724 : vector<512x128xi1>, vector<512x128xf32>
    %reshape3A_2744 = vector.shape_cast %select_n3A_2742 : vector<512x128xf32> to vector<128x2x2x128xf32>
    %slice3A_2745 = vector.extract_strided_slice %reshape3A_2744 {offsets = [0, 1, 0, 0], sizes = [128, 1, 2, 128], strides = [1, 1, 1, 1]} : vector<128x2x2x128xf32> to vector<128x1x2x128xf32>
    %slice3A_2746 = vector.extract_strided_slice %reshape3A_2744 {offsets = [0, 0, 0, 0], sizes = [128, 1, 2, 128], strides = [1, 1, 1, 1]} : vector<128x2x2x128xf32> to vector<128x1x2x128xf32>
    %concatenate3A_2747 = tpu.concatenate %slice3A_2745, %slice3A_2746 in 1 : vector<128x1x2x128xf32>, vector<128x1x2x128xf32> -> vector<128x2x2x128xf32>
    %reshape3A_2748 = vector.shape_cast %concatenate3A_2747 : vector<128x2x2x128xf32> to vector<512x128xf32>
    %reshape3A_2749 = vector.shape_cast %select_n3A_2743 : vector<512x128xf32> to vector<128x2x2x128xf32>
    %slice3A_2750 = vector.extract_strided_slice %reshape3A_2749 {offsets = [0, 1, 0, 0], sizes = [128, 1, 2, 128], strides = [1, 1, 1, 1]} : vector<128x2x2x128xf32> to vector<128x1x2x128xf32>
    %slice3A_2751 = vector.extract_strided_slice %reshape3A_2749 {offsets = [0, 0, 0, 0], sizes = [128, 1, 2, 128], strides = [1, 1, 1, 1]} : vector<128x2x2x128xf32> to vector<128x1x2x128xf32>
    %concatenate3A_2752 = tpu.concatenate %slice3A_2750, %slice3A_2751 in 1 : vector<128x1x2x128xf32>, vector<128x1x2x128xf32> -> vector<128x2x2x128xf32>
    %reshape3A_2753 = vector.shape_cast %concatenate3A_2752 : vector<128x2x2x128xf32> to vector<512x128xf32>
    %and3A_2754 = arith.constant 2 : i32
    %and3A_2755 = vector.broadcast %and3A_2754 : i32 to vector<512x128xi32>
    %and3A_2756 = arith.andi %iota3A, %and3A_2755 : vector<512x128xi32>
    %eq3A_2757 = arith.constant 0 : i32
    %eq3A_2758 = vector.broadcast %eq3A_2757 : i32 to vector<512x128xi32>
    %eq3A_2759 = arith.cmpi eq, %and3A_2756, %eq3A_2758 : vector<512x128xi32>
    %gt3A_2760 = arith.cmpf ogt, %select_n3A_2742, %reshape3A_2748 : vector<512x128xf32>
    %eq3A_2761 = arith.cmpf oeq, %select_n3A_2742, %reshape3A_2748 : vector<512x128xf32>
    %lt3A_2762 = arith.cmpf olt, %select_n3A_2743, %reshape3A_2753 : vector<512x128xf32>
    %and3A_2763 = arith.andi %eq3A_2761, %lt3A_2762 : vector<512x128xi1>
    %or3A_2764 = arith.ori %gt3A_2760, %and3A_2763 : vector<512x128xi1>
    %eq3A_2765 = arith.xori %eq3A_2759, %eq3A_2656 : vector<512x128xi1>
    %eq3A_2766 = arith.constant dense<true> : vector<512x128xi1>
    %eq3A_2767 = arith.xori %eq3A_2765, %eq3A_2766 : vector<512x128xi1>
    %eq3A_2768 = arith.xori %or3A_2764, %eq3A_2767 : vector<512x128xi1>
    %eq3A_2769 = arith.constant dense<true> : vector<512x128xi1>
    %eq3A_2770 = arith.xori %eq3A_2768, %eq3A_2769 : vector<512x128xi1>
    %select_n3A_2771 = arith.select %eq3A_2770, %select_n3A_2742, %reshape3A_2748 : vector<512x128xi1>, vector<512x128xf32>
    %select_n3A_2772 = arith.select %eq3A_2770, %select_n3A_2743, %reshape3A_2753 : vector<512x128xi1>, vector<512x128xf32>
    %reshape3A_2773 = vector.shape_cast %select_n3A_2771 : vector<512x128xf32> to vector<256x2x1x128xf32>
    %slice3A_2774 = vector.extract_strided_slice %reshape3A_2773 {offsets = [0, 1, 0, 0], sizes = [256, 1, 1, 128], strides = [1, 1, 1, 1]} : vector<256x2x1x128xf32> to vector<256x1x1x128xf32>
    %slice3A_2775 = vector.extract_strided_slice %reshape3A_2773 {offsets = [0, 0, 0, 0], sizes = [256, 1, 1, 128], strides = [1, 1, 1, 1]} : vector<256x2x1x128xf32> to vector<256x1x1x128xf32>
    %concatenate3A_2776 = tpu.concatenate %slice3A_2774, %slice3A_2775 in 1 : vector<256x1x1x128xf32>, vector<256x1x1x128xf32> -> vector<256x2x1x128xf32>
    %reshape3A_2777 = vector.shape_cast %concatenate3A_2776 : vector<256x2x1x128xf32> to vector<512x128xf32>
    %reshape3A_2778 = vector.shape_cast %select_n3A_2772 : vector<512x128xf32> to vector<256x2x1x128xf32>
    %slice3A_2779 = vector.extract_strided_slice %reshape3A_2778 {offsets = [0, 1, 0, 0], sizes = [256, 1, 1, 128], strides = [1, 1, 1, 1]} : vector<256x2x1x128xf32> to vector<256x1x1x128xf32>
    %slice3A_2780 = vector.extract_strided_slice %reshape3A_2778 {offsets = [0, 0, 0, 0], sizes = [256, 1, 1, 128], strides = [1, 1, 1, 1]} : vector<256x2x1x128xf32> to vector<256x1x1x128xf32>
    %concatenate3A_2781 = tpu.concatenate %slice3A_2779, %slice3A_2780 in 1 : vector<256x1x1x128xf32>, vector<256x1x1x128xf32> -> vector<256x2x1x128xf32>
    %reshape3A_2782 = vector.shape_cast %concatenate3A_2781 : vector<256x2x1x128xf32> to vector<512x128xf32>
    %and3A_2783 = arith.constant 1 : i32
    %and3A_2784 = vector.broadcast %and3A_2783 : i32 to vector<512x128xi32>
    %and3A_2785 = arith.andi %iota3A, %and3A_2784 : vector<512x128xi32>
    %eq3A_2786 = arith.constant 0 : i32
    %eq3A_2787 = vector.broadcast %eq3A_2786 : i32 to vector<512x128xi32>
    %eq3A_2788 = arith.cmpi eq, %and3A_2785, %eq3A_2787 : vector<512x128xi32>
    %gt3A_2789 = arith.cmpf ogt, %select_n3A_2771, %reshape3A_2777 : vector<512x128xf32>
    %eq3A_2790 = arith.cmpf oeq, %select_n3A_2771, %reshape3A_2777 : vector<512x128xf32>
    %lt3A_2791 = arith.cmpf olt, %select_n3A_2772, %reshape3A_2782 : vector<512x128xf32>
    %and3A_2792 = arith.andi %eq3A_2790, %lt3A_2791 : vector<512x128xi1>
    %or3A_2793 = arith.ori %gt3A_2789, %and3A_2792 : vector<512x128xi1>
    %eq3A_2794 = arith.xori %eq3A_2788, %eq3A_2656 : vector<512x128xi1>
    %eq3A_2795 = arith.constant dense<true> : vector<512x128xi1>
    %eq3A_2796 = arith.xori %eq3A_2794, %eq3A_2795 : vector<512x128xi1>
    %eq3A_2797 = arith.xori %or3A_2793, %eq3A_2796 : vector<512x128xi1>
    %eq3A_2798 = arith.constant dense<true> : vector<512x128xi1>
    %eq3A_2799 = arith.xori %eq3A_2797, %eq3A_2798 : vector<512x128xi1>
    %select_n3A_2800 = arith.select %eq3A_2799, %select_n3A_2771, %reshape3A_2777 : vector<512x128xi1>, vector<512x128xf32>
    %select_n3A_2801 = arith.select %eq3A_2799, %select_n3A_2772, %reshape3A_2782 : vector<512x128xi1>, vector<512x128xf32>
    %and3A_2802 = arith.constant 64 : i32
    %and3A_2803 = vector.broadcast %and3A_2802 : i32 to vector<512x128xi32>
    %and3A_2804 = arith.andi %iota3A_0, %and3A_2803 : vector<512x128xi32>
    %eq3A_2805 = arith.constant 0 : i32
    %eq3A_2806 = vector.broadcast %eq3A_2805 : i32 to vector<512x128xi32>
    %eq3A_2807 = arith.cmpi eq, %and3A_2804, %eq3A_2806 : vector<512x128xi32>
    %roll3A_2808 = arith.constant 64 : i32
    %roll3A_2809 = tpu.dynamic_rotate %select_n3A_2800 by %roll3A_2808 dim 1 : vector<512x128xf32>, i32 -> vector<512x128xf32>
    %roll3A_2810 = arith.constant 64 : i32
    %roll3A_2811 = tpu.dynamic_rotate %select_n3A_2800 by %roll3A_2810 dim 1 : vector<512x128xf32>, i32 -> vector<512x128xf32>
    %select_n3A_2812 = arith.select %eq3A_2807, %roll3A_2809, %roll3A_2811 : vector<512x128xi1>, vector<512x128xf32>
    %and3A_2813 = arith.constant 64 : i32
    %and3A_2814 = vector.broadcast %and3A_2813 : i32 to vector<512x128xi32>
    %and3A_2815 = arith.andi %iota3A_0, %and3A_2814 : vector<512x128xi32>
    %eq3A_2816 = arith.constant 0 : i32
    %eq3A_2817 = vector.broadcast %eq3A_2816 : i32 to vector<512x128xi32>
    %eq3A_2818 = arith.cmpi eq, %and3A_2815, %eq3A_2817 : vector<512x128xi32>
    %roll3A_2819 = arith.constant 64 : i32
    %roll3A_2820 = tpu.dynamic_rotate %select_n3A_2801 by %roll3A_2819 dim 1 : vector<512x128xf32>, i32 -> vector<512x128xf32>
    %roll3A_2821 = arith.constant 64 : i32
    %roll3A_2822 = tpu.dynamic_rotate %select_n3A_2801 by %roll3A_2821 dim 1 : vector<512x128xf32>, i32 -> vector<512x128xf32>
    %select_n3A_2823 = arith.select %eq3A_2818, %roll3A_2820, %roll3A_2822 : vector<512x128xi1>, vector<512x128xf32>
    %and3A_2824 = arith.constant 64 : i32
    %and3A_2825 = vector.broadcast %and3A_2824 : i32 to vector<512x128xi32>
    %and3A_2826 = arith.andi %iota3A_0, %and3A_2825 : vector<512x128xi32>
    %eq3A_2827 = arith.constant 0 : i32
    %eq3A_2828 = vector.broadcast %eq3A_2827 : i32 to vector<512x128xi32>
    %eq3A_2829 = arith.cmpi eq, %and3A_2826, %eq3A_2828 : vector<512x128xi32>
    %gt3A_2830 = arith.cmpf ogt, %select_n3A_2800, %select_n3A_2812 : vector<512x128xf32>
    %eq3A_2831 = arith.cmpf oeq, %select_n3A_2800, %select_n3A_2812 : vector<512x128xf32>
    %lt3A_2832 = arith.cmpf olt, %select_n3A_2801, %select_n3A_2823 : vector<512x128xf32>
    %and3A_2833 = arith.andi %eq3A_2831, %lt3A_2832 : vector<512x128xi1>
    %or3A_2834 = arith.ori %gt3A_2830, %and3A_2833 : vector<512x128xi1>
    %eq3A_2835 = arith.xori %eq3A_2829, %eq3A_2656 : vector<512x128xi1>
    %eq3A_2836 = arith.constant dense<true> : vector<512x128xi1>
    %eq3A_2837 = arith.xori %eq3A_2835, %eq3A_2836 : vector<512x128xi1>
    %eq3A_2838 = arith.xori %or3A_2834, %eq3A_2837 : vector<512x128xi1>
    %eq3A_2839 = arith.constant dense<true> : vector<512x128xi1>
    %eq3A_2840 = arith.xori %eq3A_2838, %eq3A_2839 : vector<512x128xi1>
    %select_n3A_2841 = arith.select %eq3A_2840, %select_n3A_2800, %select_n3A_2812 : vector<512x128xi1>, vector<512x128xf32>
    %select_n3A_2842 = arith.select %eq3A_2840, %select_n3A_2801, %select_n3A_2823 : vector<512x128xi1>, vector<512x128xf32>
    %and3A_2843 = arith.constant 32 : i32
    %and3A_2844 = vector.broadcast %and3A_2843 : i32 to vector<512x128xi32>
    %and3A_2845 = arith.andi %iota3A_0, %and3A_2844 : vector<512x128xi32>
    %eq3A_2846 = arith.constant 0 : i32
    %eq3A_2847 = vector.broadcast %eq3A_2846 : i32 to vector<512x128xi32>
    %eq3A_2848 = arith.cmpi eq, %and3A_2845, %eq3A_2847 : vector<512x128xi32>
    %roll3A_2849 = arith.constant 96 : i32
    %roll3A_2850 = tpu.dynamic_rotate %select_n3A_2841 by %roll3A_2849 dim 1 : vector<512x128xf32>, i32 -> vector<512x128xf32>
    %roll3A_2851 = arith.constant 32 : i32
    %roll3A_2852 = tpu.dynamic_rotate %select_n3A_2841 by %roll3A_2851 dim 1 : vector<512x128xf32>, i32 -> vector<512x128xf32>
    %select_n3A_2853 = arith.select %eq3A_2848, %roll3A_2850, %roll3A_2852 : vector<512x128xi1>, vector<512x128xf32>
    %and3A_2854 = arith.constant 32 : i32
    %and3A_2855 = vector.broadcast %and3A_2854 : i32 to vector<512x128xi32>
    %and3A_2856 = arith.andi %iota3A_0, %and3A_2855 : vector<512x128xi32>
    %eq3A_2857 = arith.constant 0 : i32
    %eq3A_2858 = vector.broadcast %eq3A_2857 : i32 to vector<512x128xi32>
    %eq3A_2859 = arith.cmpi eq, %and3A_2856, %eq3A_2858 : vector<512x128xi32>
    %roll3A_2860 = arith.constant 96 : i32
    %roll3A_2861 = tpu.dynamic_rotate %select_n3A_2842 by %roll3A_2860 dim 1 : vector<512x128xf32>, i32 -> vector<512x128xf32>
    %roll3A_2862 = arith.constant 32 : i32
    %roll3A_2863 = tpu.dynamic_rotate %select_n3A_2842 by %roll3A_2862 dim 1 : vector<512x128xf32>, i32 -> vector<512x128xf32>
    %select_n3A_2864 = arith.select %eq3A_2859, %roll3A_2861, %roll3A_2863 : vector<512x128xi1>, vector<512x128xf32>
    %and3A_2865 = arith.constant 32 : i32
    %and3A_2866 = vector.broadcast %and3A_2865 : i32 to vector<512x128xi32>
    %and3A_2867 = arith.andi %iota3A_0, %and3A_2866 : vector<512x128xi32>
    %eq3A_2868 = arith.constant 0 : i32
    %eq3A_2869 = vector.broadcast %eq3A_2868 : i32 to vector<512x128xi32>
    %eq3A_2870 = arith.cmpi eq, %and3A_2867, %eq3A_2869 : vector<512x128xi32>
    %gt3A_2871 = arith.cmpf ogt, %select_n3A_2841, %select_n3A_2853 : vector<512x128xf32>
    %eq3A_2872 = arith.cmpf oeq, %select_n3A_2841, %select_n3A_2853 : vector<512x128xf32>
    %lt3A_2873 = arith.cmpf olt, %select_n3A_2842, %select_n3A_2864 : vector<512x128xf32>
    %and3A_2874 = arith.andi %eq3A_2872, %lt3A_2873 : vector<512x128xi1>
    %or3A_2875 = arith.ori %gt3A_2871, %and3A_2874 : vector<512x128xi1>
    %eq3A_2876 = arith.xori %eq3A_2870, %eq3A_2656 : vector<512x128xi1>
    %eq3A_2877 = arith.constant dense<true> : vector<512x128xi1>
    %eq3A_2878 = arith.xori %eq3A_2876, %eq3A_2877 : vector<512x128xi1>
    %eq3A_2879 = arith.xori %or3A_2875, %eq3A_2878 : vector<512x128xi1>
    %eq3A_2880 = arith.constant dense<true> : vector<512x128xi1>
    %eq3A_2881 = arith.xori %eq3A_2879, %eq3A_2880 : vector<512x128xi1>
    %select_n3A_2882 = arith.select %eq3A_2881, %select_n3A_2841, %select_n3A_2853 : vector<512x128xi1>, vector<512x128xf32>
    %select_n3A_2883 = arith.select %eq3A_2881, %select_n3A_2842, %select_n3A_2864 : vector<512x128xi1>, vector<512x128xf32>
    %and3A_2884 = arith.constant 16 : i32
    %and3A_2885 = vector.broadcast %and3A_2884 : i32 to vector<512x128xi32>
    %and3A_2886 = arith.andi %iota3A_0, %and3A_2885 : vector<512x128xi32>
    %eq3A_2887 = arith.constant 0 : i32
    %eq3A_2888 = vector.broadcast %eq3A_2887 : i32 to vector<512x128xi32>
    %eq3A_2889 = arith.cmpi eq, %and3A_2886, %eq3A_2888 : vector<512x128xi32>
    %roll3A_2890 = arith.constant 112 : i32
    %roll3A_2891 = tpu.dynamic_rotate %select_n3A_2882 by %roll3A_2890 dim 1 : vector<512x128xf32>, i32 -> vector<512x128xf32>
    %roll3A_2892 = arith.constant 16 : i32
    %roll3A_2893 = tpu.dynamic_rotate %select_n3A_2882 by %roll3A_2892 dim 1 : vector<512x128xf32>, i32 -> vector<512x128xf32>
    %select_n3A_2894 = arith.select %eq3A_2889, %roll3A_2891, %roll3A_2893 : vector<512x128xi1>, vector<512x128xf32>
    %and3A_2895 = arith.constant 16 : i32
    %and3A_2896 = vector.broadcast %and3A_2895 : i32 to vector<512x128xi32>
    %and3A_2897 = arith.andi %iota3A_0, %and3A_2896 : vector<512x128xi32>
    %eq3A_2898 = arith.constant 0 : i32
    %eq3A_2899 = vector.broadcast %eq3A_2898 : i32 to vector<512x128xi32>
    %eq3A_2900 = arith.cmpi eq, %and3A_2897, %eq3A_2899 : vector<512x128xi32>
    %roll3A_2901 = arith.constant 112 : i32
    %roll3A_2902 = tpu.dynamic_rotate %select_n3A_2883 by %roll3A_2901 dim 1 : vector<512x128xf32>, i32 -> vector<512x128xf32>
    %roll3A_2903 = arith.constant 16 : i32
    %roll3A_2904 = tpu.dynamic_rotate %select_n3A_2883 by %roll3A_2903 dim 1 : vector<512x128xf32>, i32 -> vector<512x128xf32>
    %select_n3A_2905 = arith.select %eq3A_2900, %roll3A_2902, %roll3A_2904 : vector<512x128xi1>, vector<512x128xf32>
    %and3A_2906 = arith.constant 16 : i32
    %and3A_2907 = vector.broadcast %and3A_2906 : i32 to vector<512x128xi32>
    %and3A_2908 = arith.andi %iota3A_0, %and3A_2907 : vector<512x128xi32>
    %eq3A_2909 = arith.constant 0 : i32
    %eq3A_2910 = vector.broadcast %eq3A_2909 : i32 to vector<512x128xi32>
    %eq3A_2911 = arith.cmpi eq, %and3A_2908, %eq3A_2910 : vector<512x128xi32>
    %gt3A_2912 = arith.cmpf ogt, %select_n3A_2882, %select_n3A_2894 : vector<512x128xf32>
    %eq3A_2913 = arith.cmpf oeq, %select_n3A_2882, %select_n3A_2894 : vector<512x128xf32>
    %lt3A_2914 = arith.cmpf olt, %select_n3A_2883, %select_n3A_2905 : vector<512x128xf32>
    %and3A_2915 = arith.andi %eq3A_2913, %lt3A_2914 : vector<512x128xi1>
    %or3A_2916 = arith.ori %gt3A_2912, %and3A_2915 : vector<512x128xi1>
    %eq3A_2917 = arith.xori %eq3A_2911, %eq3A_2656 : vector<512x128xi1>
    %eq3A_2918 = arith.constant dense<true> : vector<512x128xi1>
    %eq3A_2919 = arith.xori %eq3A_2917, %eq3A_2918 : vector<512x128xi1>
    %eq3A_2920 = arith.xori %or3A_2916, %eq3A_2919 : vector<512x128xi1>
    %eq3A_2921 = arith.constant dense<true> : vector<512x128xi1>
    %eq3A_2922 = arith.xori %eq3A_2920, %eq3A_2921 : vector<512x128xi1>
    %select_n3A_2923 = arith.select %eq3A_2922, %select_n3A_2882, %select_n3A_2894 : vector<512x128xi1>, vector<512x128xf32>
    %select_n3A_2924 = arith.select %eq3A_2922, %select_n3A_2883, %select_n3A_2905 : vector<512x128xi1>, vector<512x128xf32>
    %and3A_2925 = arith.constant 8 : i32
    %and3A_2926 = vector.broadcast %and3A_2925 : i32 to vector<512x128xi32>
    %and3A_2927 = arith.andi %iota3A_0, %and3A_2926 : vector<512x128xi32>
    %eq3A_2928 = arith.constant 0 : i32
    %eq3A_2929 = vector.broadcast %eq3A_2928 : i32 to vector<512x128xi32>
    %eq3A_2930 = arith.cmpi eq, %and3A_2927, %eq3A_2929 : vector<512x128xi32>
    %roll3A_2931 = arith.constant 120 : i32
    %roll3A_2932 = tpu.dynamic_rotate %select_n3A_2923 by %roll3A_2931 dim 1 : vector<512x128xf32>, i32 -> vector<512x128xf32>
    %roll3A_2933 = arith.constant 8 : i32
    %roll3A_2934 = tpu.dynamic_rotate %select_n3A_2923 by %roll3A_2933 dim 1 : vector<512x128xf32>, i32 -> vector<512x128xf32>
    %select_n3A_2935 = arith.select %eq3A_2930, %roll3A_2932, %roll3A_2934 : vector<512x128xi1>, vector<512x128xf32>
    %and3A_2936 = arith.constant 8 : i32
    %and3A_2937 = vector.broadcast %and3A_2936 : i32 to vector<512x128xi32>
    %and3A_2938 = arith.andi %iota3A_0, %and3A_2937 : vector<512x128xi32>
    %eq3A_2939 = arith.constant 0 : i32
    %eq3A_2940 = vector.broadcast %eq3A_2939 : i32 to vector<512x128xi32>
    %eq3A_2941 = arith.cmpi eq, %and3A_2938, %eq3A_2940 : vector<512x128xi32>
    %roll3A_2942 = arith.constant 120 : i32
    %roll3A_2943 = tpu.dynamic_rotate %select_n3A_2924 by %roll3A_2942 dim 1 : vector<512x128xf32>, i32 -> vector<512x128xf32>
    %roll3A_2944 = arith.constant 8 : i32
    %roll3A_2945 = tpu.dynamic_rotate %select_n3A_2924 by %roll3A_2944 dim 1 : vector<512x128xf32>, i32 -> vector<512x128xf32>
    %select_n3A_2946 = arith.select %eq3A_2941, %roll3A_2943, %roll3A_2945 : vector<512x128xi1>, vector<512x128xf32>
    %and3A_2947 = arith.constant 8 : i32
    %and3A_2948 = vector.broadcast %and3A_2947 : i32 to vector<512x128xi32>
    %and3A_2949 = arith.andi %iota3A_0, %and3A_2948 : vector<512x128xi32>
    %eq3A_2950 = arith.constant 0 : i32
    %eq3A_2951 = vector.broadcast %eq3A_2950 : i32 to vector<512x128xi32>
    %eq3A_2952 = arith.cmpi eq, %and3A_2949, %eq3A_2951 : vector<512x128xi32>
    %gt3A_2953 = arith.cmpf ogt, %select_n3A_2923, %select_n3A_2935 : vector<512x128xf32>
    %eq3A_2954 = arith.cmpf oeq, %select_n3A_2923, %select_n3A_2935 : vector<512x128xf32>
    %lt3A_2955 = arith.cmpf olt, %select_n3A_2924, %select_n3A_2946 : vector<512x128xf32>
    %and3A_2956 = arith.andi %eq3A_2954, %lt3A_2955 : vector<512x128xi1>
    %or3A_2957 = arith.ori %gt3A_2953, %and3A_2956 : vector<512x128xi1>
    %eq3A_2958 = arith.xori %eq3A_2952, %eq3A_2656 : vector<512x128xi1>
    %eq3A_2959 = arith.constant dense<true> : vector<512x128xi1>
    %eq3A_2960 = arith.xori %eq3A_2958, %eq3A_2959 : vector<512x128xi1>
    %eq3A_2961 = arith.xori %or3A_2957, %eq3A_2960 : vector<512x128xi1>
    %eq3A_2962 = arith.constant dense<true> : vector<512x128xi1>
    %eq3A_2963 = arith.xori %eq3A_2961, %eq3A_2962 : vector<512x128xi1>
    %select_n3A_2964 = arith.select %eq3A_2963, %select_n3A_2923, %select_n3A_2935 : vector<512x128xi1>, vector<512x128xf32>
    %select_n3A_2965 = arith.select %eq3A_2963, %select_n3A_2924, %select_n3A_2946 : vector<512x128xi1>, vector<512x128xf32>
    %and3A_2966 = arith.constant 4 : i32
    %and3A_2967 = vector.broadcast %and3A_2966 : i32 to vector<512x128xi32>
    %and3A_2968 = arith.andi %iota3A_0, %and3A_2967 : vector<512x128xi32>
    %eq3A_2969 = arith.constant 0 : i32
    %eq3A_2970 = vector.broadcast %eq3A_2969 : i32 to vector<512x128xi32>
    %eq3A_2971 = arith.cmpi eq, %and3A_2968, %eq3A_2970 : vector<512x128xi32>
    %roll3A_2972 = arith.constant 124 : i32
    %roll3A_2973 = tpu.dynamic_rotate %select_n3A_2964 by %roll3A_2972 dim 1 : vector<512x128xf32>, i32 -> vector<512x128xf32>
    %roll3A_2974 = arith.constant 4 : i32
    %roll3A_2975 = tpu.dynamic_rotate %select_n3A_2964 by %roll3A_2974 dim 1 : vector<512x128xf32>, i32 -> vector<512x128xf32>
    %select_n3A_2976 = arith.select %eq3A_2971, %roll3A_2973, %roll3A_2975 : vector<512x128xi1>, vector<512x128xf32>
    %and3A_2977 = arith.constant 4 : i32
    %and3A_2978 = vector.broadcast %and3A_2977 : i32 to vector<512x128xi32>
    %and3A_2979 = arith.andi %iota3A_0, %and3A_2978 : vector<512x128xi32>
    %eq3A_2980 = arith.constant 0 : i32
    %eq3A_2981 = vector.broadcast %eq3A_2980 : i32 to vector<512x128xi32>
    %eq3A_2982 = arith.cmpi eq, %and3A_2979, %eq3A_2981 : vector<512x128xi32>
    %roll3A_2983 = arith.constant 124 : i32
    %roll3A_2984 = tpu.dynamic_rotate %select_n3A_2965 by %roll3A_2983 dim 1 : vector<512x128xf32>, i32 -> vector<512x128xf32>
    %roll3A_2985 = arith.constant 4 : i32
    %roll3A_2986 = tpu.dynamic_rotate %select_n3A_2965 by %roll3A_2985 dim 1 : vector<512x128xf32>, i32 -> vector<512x128xf32>
    %select_n3A_2987 = arith.select %eq3A_2982, %roll3A_2984, %roll3A_2986 : vector<512x128xi1>, vector<512x128xf32>
    %and3A_2988 = arith.constant 4 : i32
    %and3A_2989 = vector.broadcast %and3A_2988 : i32 to vector<512x128xi32>
    %and3A_2990 = arith.andi %iota3A_0, %and3A_2989 : vector<512x128xi32>
    %eq3A_2991 = arith.constant 0 : i32
    %eq3A_2992 = vector.broadcast %eq3A_2991 : i32 to vector<512x128xi32>
    %eq3A_2993 = arith.cmpi eq, %and3A_2990, %eq3A_2992 : vector<512x128xi32>
    %gt3A_2994 = arith.cmpf ogt, %select_n3A_2964, %select_n3A_2976 : vector<512x128xf32>
    %eq3A_2995 = arith.cmpf oeq, %select_n3A_2964, %select_n3A_2976 : vector<512x128xf32>
    %lt3A_2996 = arith.cmpf olt, %select_n3A_2965, %select_n3A_2987 : vector<512x128xf32>
    %and3A_2997 = arith.andi %eq3A_2995, %lt3A_2996 : vector<512x128xi1>
    %or3A_2998 = arith.ori %gt3A_2994, %and3A_2997 : vector<512x128xi1>
    %eq3A_2999 = arith.xori %eq3A_2993, %eq3A_2656 : vector<512x128xi1>
    %eq3A_3000 = arith.constant dense<true> : vector<512x128xi1>
    %eq3A_3001 = arith.xori %eq3A_2999, %eq3A_3000 : vector<512x128xi1>
    %eq3A_3002 = arith.xori %or3A_2998, %eq3A_3001 : vector<512x128xi1>
    %eq3A_3003 = arith.constant dense<true> : vector<512x128xi1>
    %eq3A_3004 = arith.xori %eq3A_3002, %eq3A_3003 : vector<512x128xi1>
    %select_n3A_3005 = arith.select %eq3A_3004, %select_n3A_2964, %select_n3A_2976 : vector<512x128xi1>, vector<512x128xf32>
    %select_n3A_3006 = arith.select %eq3A_3004, %select_n3A_2965, %select_n3A_2987 : vector<512x128xi1>, vector<512x128xf32>
    %and3A_3007 = arith.constant 2 : i32
    %and3A_3008 = vector.broadcast %and3A_3007 : i32 to vector<512x128xi32>
    %and3A_3009 = arith.andi %iota3A_0, %and3A_3008 : vector<512x128xi32>
    %eq3A_3010 = arith.constant 0 : i32
    %eq3A_3011 = vector.broadcast %eq3A_3010 : i32 to vector<512x128xi32>
    %eq3A_3012 = arith.cmpi eq, %and3A_3009, %eq3A_3011 : vector<512x128xi32>
    %roll3A_3013 = arith.constant 126 : i32
    %roll3A_3014 = tpu.dynamic_rotate %select_n3A_3005 by %roll3A_3013 dim 1 : vector<512x128xf32>, i32 -> vector<512x128xf32>
    %roll3A_3015 = arith.constant 2 : i32
    %roll3A_3016 = tpu.dynamic_rotate %select_n3A_3005 by %roll3A_3015 dim 1 : vector<512x128xf32>, i32 -> vector<512x128xf32>
    %select_n3A_3017 = arith.select %eq3A_3012, %roll3A_3014, %roll3A_3016 : vector<512x128xi1>, vector<512x128xf32>
    %and3A_3018 = arith.constant 2 : i32
    %and3A_3019 = vector.broadcast %and3A_3018 : i32 to vector<512x128xi32>
    %and3A_3020 = arith.andi %iota3A_0, %and3A_3019 : vector<512x128xi32>
    %eq3A_3021 = arith.constant 0 : i32
    %eq3A_3022 = vector.broadcast %eq3A_3021 : i32 to vector<512x128xi32>
    %eq3A_3023 = arith.cmpi eq, %and3A_3020, %eq3A_3022 : vector<512x128xi32>
    %roll3A_3024 = arith.constant 126 : i32
    %roll3A_3025 = tpu.dynamic_rotate %select_n3A_3006 by %roll3A_3024 dim 1 : vector<512x128xf32>, i32 -> vector<512x128xf32>
    %roll3A_3026 = arith.constant 2 : i32
    %roll3A_3027 = tpu.dynamic_rotate %select_n3A_3006 by %roll3A_3026 dim 1 : vector<512x128xf32>, i32 -> vector<512x128xf32>
    %select_n3A_3028 = arith.select %eq3A_3023, %roll3A_3025, %roll3A_3027 : vector<512x128xi1>, vector<512x128xf32>
    %and3A_3029 = arith.constant 2 : i32
    %and3A_3030 = vector.broadcast %and3A_3029 : i32 to vector<512x128xi32>
    %and3A_3031 = arith.andi %iota3A_0, %and3A_3030 : vector<512x128xi32>
    %eq3A_3032 = arith.constant 0 : i32
    %eq3A_3033 = vector.broadcast %eq3A_3032 : i32 to vector<512x128xi32>
    %eq3A_3034 = arith.cmpi eq, %and3A_3031, %eq3A_3033 : vector<512x128xi32>
    %gt3A_3035 = arith.cmpf ogt, %select_n3A_3005, %select_n3A_3017 : vector<512x128xf32>
    %eq3A_3036 = arith.cmpf oeq, %select_n3A_3005, %select_n3A_3017 : vector<512x128xf32>
    %lt3A_3037 = arith.cmpf olt, %select_n3A_3006, %select_n3A_3028 : vector<512x128xf32>
    %and3A_3038 = arith.andi %eq3A_3036, %lt3A_3037 : vector<512x128xi1>
    %or3A_3039 = arith.ori %gt3A_3035, %and3A_3038 : vector<512x128xi1>
    %eq3A_3040 = arith.xori %eq3A_3034, %eq3A_2656 : vector<512x128xi1>
    %eq3A_3041 = arith.constant dense<true> : vector<512x128xi1>
    %eq3A_3042 = arith.xori %eq3A_3040, %eq3A_3041 : vector<512x128xi1>
    %eq3A_3043 = arith.xori %or3A_3039, %eq3A_3042 : vector<512x128xi1>
    %eq3A_3044 = arith.constant dense<true> : vector<512x128xi1>
    %eq3A_3045 = arith.xori %eq3A_3043, %eq3A_3044 : vector<512x128xi1>
    %select_n3A_3046 = arith.select %eq3A_3045, %select_n3A_3005, %select_n3A_3017 : vector<512x128xi1>, vector<512x128xf32>
    %select_n3A_3047 = arith.select %eq3A_3045, %select_n3A_3006, %select_n3A_3028 : vector<512x128xi1>, vector<512x128xf32>
    %and3A_3048 = arith.constant 1 : i32
    %and3A_3049 = vector.broadcast %and3A_3048 : i32 to vector<512x128xi32>
    %and3A_3050 = arith.andi %iota3A_0, %and3A_3049 : vector<512x128xi32>
    %eq3A_3051 = arith.constant 0 : i32
    %eq3A_3052 = vector.broadcast %eq3A_3051 : i32 to vector<512x128xi32>
    %eq3A_3053 = arith.cmpi eq, %and3A_3050, %eq3A_3052 : vector<512x128xi32>
    %roll3A_3054 = arith.constant 127 : i32
    %roll3A_3055 = tpu.dynamic_rotate %select_n3A_3046 by %roll3A_3054 dim 1 : vector<512x128xf32>, i32 -> vector<512x128xf32>
    %roll3A_3056 = arith.constant 1 : i32
    %roll3A_3057 = tpu.dynamic_rotate %select_n3A_3046 by %roll3A_3056 dim 1 : vector<512x128xf32>, i32 -> vector<512x128xf32>
    %select_n3A_3058 = arith.select %eq3A_3053, %roll3A_3055, %roll3A_3057 : vector<512x128xi1>, vector<512x128xf32>
    %and3A_3059 = arith.constant 1 : i32
    %and3A_3060 = vector.broadcast %and3A_3059 : i32 to vector<512x128xi32>
    %and3A_3061 = arith.andi %iota3A_0, %and3A_3060 : vector<512x128xi32>
    %eq3A_3062 = arith.constant 0 : i32
    %eq3A_3063 = vector.broadcast %eq3A_3062 : i32 to vector<512x128xi32>
    %eq3A_3064 = arith.cmpi eq, %and3A_3061, %eq3A_3063 : vector<512x128xi32>
    %roll3A_3065 = arith.constant 127 : i32
    %roll3A_3066 = tpu.dynamic_rotate %select_n3A_3047 by %roll3A_3065 dim 1 : vector<512x128xf32>, i32 -> vector<512x128xf32>
    %roll3A_3067 = arith.constant 1 : i32
    %roll3A_3068 = tpu.dynamic_rotate %select_n3A_3047 by %roll3A_3067 dim 1 : vector<512x128xf32>, i32 -> vector<512x128xf32>
    %select_n3A_3069 = arith.select %eq3A_3064, %roll3A_3066, %roll3A_3068 : vector<512x128xi1>, vector<512x128xf32>
    %and3A_3070 = arith.constant 1 : i32
    %and3A_3071 = vector.broadcast %and3A_3070 : i32 to vector<512x128xi32>
    %and3A_3072 = arith.andi %iota3A_0, %and3A_3071 : vector<512x128xi32>
    %eq3A_3073 = arith.constant 0 : i32
    %eq3A_3074 = vector.broadcast %eq3A_3073 : i32 to vector<512x128xi32>
    %eq3A_3075 = arith.cmpi eq, %and3A_3072, %eq3A_3074 : vector<512x128xi32>
    %gt3A_3076 = arith.cmpf ogt, %select_n3A_3046, %select_n3A_3058 : vector<512x128xf32>
    %eq3A_3077 = arith.cmpf oeq, %select_n3A_3046, %select_n3A_3058 : vector<512x128xf32>
    %lt3A_3078 = arith.cmpf olt, %select_n3A_3047, %select_n3A_3069 : vector<512x128xf32>
    %and3A_3079 = arith.andi %eq3A_3077, %lt3A_3078 : vector<512x128xi1>
    %or3A_3080 = arith.ori %gt3A_3076, %and3A_3079 : vector<512x128xi1>
    %eq3A_3081 = arith.xori %eq3A_3075, %eq3A_2656 : vector<512x128xi1>
    %eq3A_3082 = arith.constant dense<true> : vector<512x128xi1>
    %eq3A_3083 = arith.xori %eq3A_3081, %eq3A_3082 : vector<512x128xi1>
    %eq3A_3084 = arith.xori %or3A_3080, %eq3A_3083 : vector<512x128xi1>
    %eq3A_3085 = arith.constant dense<true> : vector<512x128xi1>
    %eq3A_3086 = arith.xori %eq3A_3084, %eq3A_3085 : vector<512x128xi1>
    %select_n3A_3087 = arith.select %eq3A_3086, %select_n3A_3046, %select_n3A_3058 : vector<512x128xi1>, vector<512x128xf32>
    %select_n3A_3088 = arith.select %eq3A_3086, %select_n3A_3047, %select_n3A_3069 : vector<512x128xi1>, vector<512x128xf32>
    %and3A_3089 = arith.constant 64 : i32
    %and3A_3090 = vector.broadcast %and3A_3089 : i32 to vector<512x128xi32>
    %and3A_3091 = arith.andi %iota3A, %and3A_3090 : vector<512x128xi32>
    %eq3A_3092 = arith.constant 0 : i32
    %eq3A_3093 = vector.broadcast %eq3A_3092 : i32 to vector<512x128xi32>
    %eq3A_3094 = arith.cmpi eq, %and3A_3091, %eq3A_3093 : vector<512x128xi32>
    %reshape3A_3095 = vector.shape_cast %select_n3A_3087 : vector<512x128xf32> to vector<8x2x32x128xf32>
    %slice3A_3096 = vector.extract_strided_slice %reshape3A_3095 {offsets = [0, 1, 0, 0], sizes = [8, 1, 32, 128], strides = [1, 1, 1, 1]} : vector<8x2x32x128xf32> to vector<8x1x32x128xf32>
    %slice3A_3097 = vector.extract_strided_slice %reshape3A_3095 {offsets = [0, 0, 0, 0], sizes = [8, 1, 32, 128], strides = [1, 1, 1, 1]} : vector<8x2x32x128xf32> to vector<8x1x32x128xf32>
    %concatenate3A_3098 = tpu.concatenate %slice3A_3096, %slice3A_3097 in 1 : vector<8x1x32x128xf32>, vector<8x1x32x128xf32> -> vector<8x2x32x128xf32>
    %reshape3A_3099 = vector.shape_cast %concatenate3A_3098 : vector<8x2x32x128xf32> to vector<512x128xf32>
    %reshape3A_3100 = vector.shape_cast %select_n3A_3088 : vector<512x128xf32> to vector<8x2x32x128xf32>
    %slice3A_3101 = vector.extract_strided_slice %reshape3A_3100 {offsets = [0, 1, 0, 0], sizes = [8, 1, 32, 128], strides = [1, 1, 1, 1]} : vector<8x2x32x128xf32> to vector<8x1x32x128xf32>
    %slice3A_3102 = vector.extract_strided_slice %reshape3A_3100 {offsets = [0, 0, 0, 0], sizes = [8, 1, 32, 128], strides = [1, 1, 1, 1]} : vector<8x2x32x128xf32> to vector<8x1x32x128xf32>
    %concatenate3A_3103 = tpu.concatenate %slice3A_3101, %slice3A_3102 in 1 : vector<8x1x32x128xf32>, vector<8x1x32x128xf32> -> vector<8x2x32x128xf32>
    %reshape3A_3104 = vector.shape_cast %concatenate3A_3103 : vector<8x2x32x128xf32> to vector<512x128xf32>
    %and3A_3105 = arith.constant 32 : i32
    %and3A_3106 = vector.broadcast %and3A_3105 : i32 to vector<512x128xi32>
    %and3A_3107 = arith.andi %iota3A, %and3A_3106 : vector<512x128xi32>
    %eq3A_3108 = arith.constant 0 : i32
    %eq3A_3109 = vector.broadcast %eq3A_3108 : i32 to vector<512x128xi32>
    %eq3A_3110 = arith.cmpi eq, %and3A_3107, %eq3A_3109 : vector<512x128xi32>
    %gt3A_3111 = arith.cmpf ogt, %select_n3A_3087, %reshape3A_3099 : vector<512x128xf32>
    %eq3A_3112 = arith.cmpf oeq, %select_n3A_3087, %reshape3A_3099 : vector<512x128xf32>
    %lt3A_3113 = arith.cmpf olt, %select_n3A_3088, %reshape3A_3104 : vector<512x128xf32>
    %and3A_3114 = arith.andi %eq3A_3112, %lt3A_3113 : vector<512x128xi1>
    %or3A_3115 = arith.ori %gt3A_3111, %and3A_3114 : vector<512x128xi1>
    %eq3A_3116 = arith.xori %eq3A_3110, %eq3A_3094 : vector<512x128xi1>
    %eq3A_3117 = arith.constant dense<true> : vector<512x128xi1>
    %eq3A_3118 = arith.xori %eq3A_3116, %eq3A_3117 : vector<512x128xi1>
    %eq3A_3119 = arith.xori %or3A_3115, %eq3A_3118 : vector<512x128xi1>
    %eq3A_3120 = arith.constant dense<true> : vector<512x128xi1>
    %eq3A_3121 = arith.xori %eq3A_3119, %eq3A_3120 : vector<512x128xi1>
    %select_n3A_3122 = arith.select %eq3A_3121, %select_n3A_3087, %reshape3A_3099 : vector<512x128xi1>, vector<512x128xf32>
    %select_n3A_3123 = arith.select %eq3A_3121, %select_n3A_3088, %reshape3A_3104 : vector<512x128xi1>, vector<512x128xf32>
    %reshape3A_3124 = vector.shape_cast %select_n3A_3122 : vector<512x128xf32> to vector<16x2x16x128xf32>
    %slice3A_3125 = vector.extract_strided_slice %reshape3A_3124 {offsets = [0, 1, 0, 0], sizes = [16, 1, 16, 128], strides = [1, 1, 1, 1]} : vector<16x2x16x128xf32> to vector<16x1x16x128xf32>
    %slice3A_3126 = vector.extract_strided_slice %reshape3A_3124 {offsets = [0, 0, 0, 0], sizes = [16, 1, 16, 128], strides = [1, 1, 1, 1]} : vector<16x2x16x128xf32> to vector<16x1x16x128xf32>
    %concatenate3A_3127 = tpu.concatenate %slice3A_3125, %slice3A_3126 in 1 : vector<16x1x16x128xf32>, vector<16x1x16x128xf32> -> vector<16x2x16x128xf32>
    %reshape3A_3128 = vector.shape_cast %concatenate3A_3127 : vector<16x2x16x128xf32> to vector<512x128xf32>
    %reshape3A_3129 = vector.shape_cast %select_n3A_3123 : vector<512x128xf32> to vector<16x2x16x128xf32>
    %slice3A_3130 = vector.extract_strided_slice %reshape3A_3129 {offsets = [0, 1, 0, 0], sizes = [16, 1, 16, 128], strides = [1, 1, 1, 1]} : vector<16x2x16x128xf32> to vector<16x1x16x128xf32>
    %slice3A_3131 = vector.extract_strided_slice %reshape3A_3129 {offsets = [0, 0, 0, 0], sizes = [16, 1, 16, 128], strides = [1, 1, 1, 1]} : vector<16x2x16x128xf32> to vector<16x1x16x128xf32>
    %concatenate3A_3132 = tpu.concatenate %slice3A_3130, %slice3A_3131 in 1 : vector<16x1x16x128xf32>, vector<16x1x16x128xf32> -> vector<16x2x16x128xf32>
    %reshape3A_3133 = vector.shape_cast %concatenate3A_3132 : vector<16x2x16x128xf32> to vector<512x128xf32>
    %and3A_3134 = arith.constant 16 : i32
    %and3A_3135 = vector.broadcast %and3A_3134 : i32 to vector<512x128xi32>
    %and3A_3136 = arith.andi %iota3A, %and3A_3135 : vector<512x128xi32>
    %eq3A_3137 = arith.constant 0 : i32
    %eq3A_3138 = vector.broadcast %eq3A_3137 : i32 to vector<512x128xi32>
    %eq3A_3139 = arith.cmpi eq, %and3A_3136, %eq3A_3138 : vector<512x128xi32>
    %gt3A_3140 = arith.cmpf ogt, %select_n3A_3122, %reshape3A_3128 : vector<512x128xf32>
    %eq3A_3141 = arith.cmpf oeq, %select_n3A_3122, %reshape3A_3128 : vector<512x128xf32>
    %lt3A_3142 = arith.cmpf olt, %select_n3A_3123, %reshape3A_3133 : vector<512x128xf32>
    %and3A_3143 = arith.andi %eq3A_3141, %lt3A_3142 : vector<512x128xi1>
    %or3A_3144 = arith.ori %gt3A_3140, %and3A_3143 : vector<512x128xi1>
    %eq3A_3145 = arith.xori %eq3A_3139, %eq3A_3094 : vector<512x128xi1>
    %eq3A_3146 = arith.constant dense<true> : vector<512x128xi1>
    %eq3A_3147 = arith.xori %eq3A_3145, %eq3A_3146 : vector<512x128xi1>
    %eq3A_3148 = arith.xori %or3A_3144, %eq3A_3147 : vector<512x128xi1>
    %eq3A_3149 = arith.constant dense<true> : vector<512x128xi1>
    %eq3A_3150 = arith.xori %eq3A_3148, %eq3A_3149 : vector<512x128xi1>
    %select_n3A_3151 = arith.select %eq3A_3150, %select_n3A_3122, %reshape3A_3128 : vector<512x128xi1>, vector<512x128xf32>
    %select_n3A_3152 = arith.select %eq3A_3150, %select_n3A_3123, %reshape3A_3133 : vector<512x128xi1>, vector<512x128xf32>
    %reshape3A_3153 = vector.shape_cast %select_n3A_3151 : vector<512x128xf32> to vector<32x2x8x128xf32>
    %slice3A_3154 = vector.extract_strided_slice %reshape3A_3153 {offsets = [0, 1, 0, 0], sizes = [32, 1, 8, 128], strides = [1, 1, 1, 1]} : vector<32x2x8x128xf32> to vector<32x1x8x128xf32>
    %slice3A_3155 = vector.extract_strided_slice %reshape3A_3153 {offsets = [0, 0, 0, 0], sizes = [32, 1, 8, 128], strides = [1, 1, 1, 1]} : vector<32x2x8x128xf32> to vector<32x1x8x128xf32>
    %concatenate3A_3156 = tpu.concatenate %slice3A_3154, %slice3A_3155 in 1 : vector<32x1x8x128xf32>, vector<32x1x8x128xf32> -> vector<32x2x8x128xf32>
    %reshape3A_3157 = vector.shape_cast %concatenate3A_3156 : vector<32x2x8x128xf32> to vector<512x128xf32>
    %reshape3A_3158 = vector.shape_cast %select_n3A_3152 : vector<512x128xf32> to vector<32x2x8x128xf32>
    %slice3A_3159 = vector.extract_strided_slice %reshape3A_3158 {offsets = [0, 1, 0, 0], sizes = [32, 1, 8, 128], strides = [1, 1, 1, 1]} : vector<32x2x8x128xf32> to vector<32x1x8x128xf32>
    %slice3A_3160 = vector.extract_strided_slice %reshape3A_3158 {offsets = [0, 0, 0, 0], sizes = [32, 1, 8, 128], strides = [1, 1, 1, 1]} : vector<32x2x8x128xf32> to vector<32x1x8x128xf32>
    %concatenate3A_3161 = tpu.concatenate %slice3A_3159, %slice3A_3160 in 1 : vector<32x1x8x128xf32>, vector<32x1x8x128xf32> -> vector<32x2x8x128xf32>
    %reshape3A_3162 = vector.shape_cast %concatenate3A_3161 : vector<32x2x8x128xf32> to vector<512x128xf32>
    %and3A_3163 = arith.constant 8 : i32
    %and3A_3164 = vector.broadcast %and3A_3163 : i32 to vector<512x128xi32>
    %and3A_3165 = arith.andi %iota3A, %and3A_3164 : vector<512x128xi32>
    %eq3A_3166 = arith.constant 0 : i32
    %eq3A_3167 = vector.broadcast %eq3A_3166 : i32 to vector<512x128xi32>
    %eq3A_3168 = arith.cmpi eq, %and3A_3165, %eq3A_3167 : vector<512x128xi32>
    %gt3A_3169 = arith.cmpf ogt, %select_n3A_3151, %reshape3A_3157 : vector<512x128xf32>
    %eq3A_3170 = arith.cmpf oeq, %select_n3A_3151, %reshape3A_3157 : vector<512x128xf32>
    %lt3A_3171 = arith.cmpf olt, %select_n3A_3152, %reshape3A_3162 : vector<512x128xf32>
    %and3A_3172 = arith.andi %eq3A_3170, %lt3A_3171 : vector<512x128xi1>
    %or3A_3173 = arith.ori %gt3A_3169, %and3A_3172 : vector<512x128xi1>
    %eq3A_3174 = arith.xori %eq3A_3168, %eq3A_3094 : vector<512x128xi1>
    %eq3A_3175 = arith.constant dense<true> : vector<512x128xi1>
    %eq3A_3176 = arith.xori %eq3A_3174, %eq3A_3175 : vector<512x128xi1>
    %eq3A_3177 = arith.xori %or3A_3173, %eq3A_3176 : vector<512x128xi1>
    %eq3A_3178 = arith.constant dense<true> : vector<512x128xi1>
    %eq3A_3179 = arith.xori %eq3A_3177, %eq3A_3178 : vector<512x128xi1>
    %select_n3A_3180 = arith.select %eq3A_3179, %select_n3A_3151, %reshape3A_3157 : vector<512x128xi1>, vector<512x128xf32>
    %select_n3A_3181 = arith.select %eq3A_3179, %select_n3A_3152, %reshape3A_3162 : vector<512x128xi1>, vector<512x128xf32>
    %reshape3A_3182 = vector.shape_cast %select_n3A_3180 : vector<512x128xf32> to vector<64x2x4x128xf32>
    %slice3A_3183 = vector.extract_strided_slice %reshape3A_3182 {offsets = [0, 1, 0, 0], sizes = [64, 1, 4, 128], strides = [1, 1, 1, 1]} : vector<64x2x4x128xf32> to vector<64x1x4x128xf32>
    %slice3A_3184 = vector.extract_strided_slice %reshape3A_3182 {offsets = [0, 0, 0, 0], sizes = [64, 1, 4, 128], strides = [1, 1, 1, 1]} : vector<64x2x4x128xf32> to vector<64x1x4x128xf32>
    %concatenate3A_3185 = tpu.concatenate %slice3A_3183, %slice3A_3184 in 1 : vector<64x1x4x128xf32>, vector<64x1x4x128xf32> -> vector<64x2x4x128xf32>
    %reshape3A_3186 = vector.shape_cast %concatenate3A_3185 : vector<64x2x4x128xf32> to vector<512x128xf32>
    %reshape3A_3187 = vector.shape_cast %select_n3A_3181 : vector<512x128xf32> to vector<64x2x4x128xf32>
    %slice3A_3188 = vector.extract_strided_slice %reshape3A_3187 {offsets = [0, 1, 0, 0], sizes = [64, 1, 4, 128], strides = [1, 1, 1, 1]} : vector<64x2x4x128xf32> to vector<64x1x4x128xf32>
    %slice3A_3189 = vector.extract_strided_slice %reshape3A_3187 {offsets = [0, 0, 0, 0], sizes = [64, 1, 4, 128], strides = [1, 1, 1, 1]} : vector<64x2x4x128xf32> to vector<64x1x4x128xf32>
    %concatenate3A_3190 = tpu.concatenate %slice3A_3188, %slice3A_3189 in 1 : vector<64x1x4x128xf32>, vector<64x1x4x128xf32> -> vector<64x2x4x128xf32>
    %reshape3A_3191 = vector.shape_cast %concatenate3A_3190 : vector<64x2x4x128xf32> to vector<512x128xf32>
    %and3A_3192 = arith.constant 4 : i32
    %and3A_3193 = vector.broadcast %and3A_3192 : i32 to vector<512x128xi32>
    %and3A_3194 = arith.andi %iota3A, %and3A_3193 : vector<512x128xi32>
    %eq3A_3195 = arith.constant 0 : i32
    %eq3A_3196 = vector.broadcast %eq3A_3195 : i32 to vector<512x128xi32>
    %eq3A_3197 = arith.cmpi eq, %and3A_3194, %eq3A_3196 : vector<512x128xi32>
    %gt3A_3198 = arith.cmpf ogt, %select_n3A_3180, %reshape3A_3186 : vector<512x128xf32>
    %eq3A_3199 = arith.cmpf oeq, %select_n3A_3180, %reshape3A_3186 : vector<512x128xf32>
    %lt3A_3200 = arith.cmpf olt, %select_n3A_3181, %reshape3A_3191 : vector<512x128xf32>
    %and3A_3201 = arith.andi %eq3A_3199, %lt3A_3200 : vector<512x128xi1>
    %or3A_3202 = arith.ori %gt3A_3198, %and3A_3201 : vector<512x128xi1>
    %eq3A_3203 = arith.xori %eq3A_3197, %eq3A_3094 : vector<512x128xi1>
    %eq3A_3204 = arith.constant dense<true> : vector<512x128xi1>
    %eq3A_3205 = arith.xori %eq3A_3203, %eq3A_3204 : vector<512x128xi1>
    %eq3A_3206 = arith.xori %or3A_3202, %eq3A_3205 : vector<512x128xi1>
    %eq3A_3207 = arith.constant dense<true> : vector<512x128xi1>
    %eq3A_3208 = arith.xori %eq3A_3206, %eq3A_3207 : vector<512x128xi1>
    %select_n3A_3209 = arith.select %eq3A_3208, %select_n3A_3180, %reshape3A_3186 : vector<512x128xi1>, vector<512x128xf32>
    %select_n3A_3210 = arith.select %eq3A_3208, %select_n3A_3181, %reshape3A_3191 : vector<512x128xi1>, vector<512x128xf32>
    %reshape3A_3211 = vector.shape_cast %select_n3A_3209 : vector<512x128xf32> to vector<128x2x2x128xf32>
    %slice3A_3212 = vector.extract_strided_slice %reshape3A_3211 {offsets = [0, 1, 0, 0], sizes = [128, 1, 2, 128], strides = [1, 1, 1, 1]} : vector<128x2x2x128xf32> to vector<128x1x2x128xf32>
    %slice3A_3213 = vector.extract_strided_slice %reshape3A_3211 {offsets = [0, 0, 0, 0], sizes = [128, 1, 2, 128], strides = [1, 1, 1, 1]} : vector<128x2x2x128xf32> to vector<128x1x2x128xf32>
    %concatenate3A_3214 = tpu.concatenate %slice3A_3212, %slice3A_3213 in 1 : vector<128x1x2x128xf32>, vector<128x1x2x128xf32> -> vector<128x2x2x128xf32>
    %reshape3A_3215 = vector.shape_cast %concatenate3A_3214 : vector<128x2x2x128xf32> to vector<512x128xf32>
    %reshape3A_3216 = vector.shape_cast %select_n3A_3210 : vector<512x128xf32> to vector<128x2x2x128xf32>
    %slice3A_3217 = vector.extract_strided_slice %reshape3A_3216 {offsets = [0, 1, 0, 0], sizes = [128, 1, 2, 128], strides = [1, 1, 1, 1]} : vector<128x2x2x128xf32> to vector<128x1x2x128xf32>
    %slice3A_3218 = vector.extract_strided_slice %reshape3A_3216 {offsets = [0, 0, 0, 0], sizes = [128, 1, 2, 128], strides = [1, 1, 1, 1]} : vector<128x2x2x128xf32> to vector<128x1x2x128xf32>
    %concatenate3A_3219 = tpu.concatenate %slice3A_3217, %slice3A_3218 in 1 : vector<128x1x2x128xf32>, vector<128x1x2x128xf32> -> vector<128x2x2x128xf32>
    %reshape3A_3220 = vector.shape_cast %concatenate3A_3219 : vector<128x2x2x128xf32> to vector<512x128xf32>
    %and3A_3221 = arith.constant 2 : i32
    %and3A_3222 = vector.broadcast %and3A_3221 : i32 to vector<512x128xi32>
    %and3A_3223 = arith.andi %iota3A, %and3A_3222 : vector<512x128xi32>
    %eq3A_3224 = arith.constant 0 : i32
    %eq3A_3225 = vector.broadcast %eq3A_3224 : i32 to vector<512x128xi32>
    %eq3A_3226 = arith.cmpi eq, %and3A_3223, %eq3A_3225 : vector<512x128xi32>
    %gt3A_3227 = arith.cmpf ogt, %select_n3A_3209, %reshape3A_3215 : vector<512x128xf32>
    %eq3A_3228 = arith.cmpf oeq, %select_n3A_3209, %reshape3A_3215 : vector<512x128xf32>
    %lt3A_3229 = arith.cmpf olt, %select_n3A_3210, %reshape3A_3220 : vector<512x128xf32>
    %and3A_3230 = arith.andi %eq3A_3228, %lt3A_3229 : vector<512x128xi1>
    %or3A_3231 = arith.ori %gt3A_3227, %and3A_3230 : vector<512x128xi1>
    %eq3A_3232 = arith.xori %eq3A_3226, %eq3A_3094 : vector<512x128xi1>
    %eq3A_3233 = arith.constant dense<true> : vector<512x128xi1>
    %eq3A_3234 = arith.xori %eq3A_3232, %eq3A_3233 : vector<512x128xi1>
    %eq3A_3235 = arith.xori %or3A_3231, %eq3A_3234 : vector<512x128xi1>
    %eq3A_3236 = arith.constant dense<true> : vector<512x128xi1>
    %eq3A_3237 = arith.xori %eq3A_3235, %eq3A_3236 : vector<512x128xi1>
    %select_n3A_3238 = arith.select %eq3A_3237, %select_n3A_3209, %reshape3A_3215 : vector<512x128xi1>, vector<512x128xf32>
    %select_n3A_3239 = arith.select %eq3A_3237, %select_n3A_3210, %reshape3A_3220 : vector<512x128xi1>, vector<512x128xf32>
    %reshape3A_3240 = vector.shape_cast %select_n3A_3238 : vector<512x128xf32> to vector<256x2x1x128xf32>
    %slice3A_3241 = vector.extract_strided_slice %reshape3A_3240 {offsets = [0, 1, 0, 0], sizes = [256, 1, 1, 128], strides = [1, 1, 1, 1]} : vector<256x2x1x128xf32> to vector<256x1x1x128xf32>
    %slice3A_3242 = vector.extract_strided_slice %reshape3A_3240 {offsets = [0, 0, 0, 0], sizes = [256, 1, 1, 128], strides = [1, 1, 1, 1]} : vector<256x2x1x128xf32> to vector<256x1x1x128xf32>
    %concatenate3A_3243 = tpu.concatenate %slice3A_3241, %slice3A_3242 in 1 : vector<256x1x1x128xf32>, vector<256x1x1x128xf32> -> vector<256x2x1x128xf32>
    %reshape3A_3244 = vector.shape_cast %concatenate3A_3243 : vector<256x2x1x128xf32> to vector<512x128xf32>
    %reshape3A_3245 = vector.shape_cast %select_n3A_3239 : vector<512x128xf32> to vector<256x2x1x128xf32>
    %slice3A_3246 = vector.extract_strided_slice %reshape3A_3245 {offsets = [0, 1, 0, 0], sizes = [256, 1, 1, 128], strides = [1, 1, 1, 1]} : vector<256x2x1x128xf32> to vector<256x1x1x128xf32>
    %slice3A_3247 = vector.extract_strided_slice %reshape3A_3245 {offsets = [0, 0, 0, 0], sizes = [256, 1, 1, 128], strides = [1, 1, 1, 1]} : vector<256x2x1x128xf32> to vector<256x1x1x128xf32>
    %concatenate3A_3248 = tpu.concatenate %slice3A_3246, %slice3A_3247 in 1 : vector<256x1x1x128xf32>, vector<256x1x1x128xf32> -> vector<256x2x1x128xf32>
    %reshape3A_3249 = vector.shape_cast %concatenate3A_3248 : vector<256x2x1x128xf32> to vector<512x128xf32>
    %and3A_3250 = arith.constant 1 : i32
    %and3A_3251 = vector.broadcast %and3A_3250 : i32 to vector<512x128xi32>
    %and3A_3252 = arith.andi %iota3A, %and3A_3251 : vector<512x128xi32>
    %eq3A_3253 = arith.constant 0 : i32
    %eq3A_3254 = vector.broadcast %eq3A_3253 : i32 to vector<512x128xi32>
    %eq3A_3255 = arith.cmpi eq, %and3A_3252, %eq3A_3254 : vector<512x128xi32>
    %gt3A_3256 = arith.cmpf ogt, %select_n3A_3238, %reshape3A_3244 : vector<512x128xf32>
    %eq3A_3257 = arith.cmpf oeq, %select_n3A_3238, %reshape3A_3244 : vector<512x128xf32>
    %lt3A_3258 = arith.cmpf olt, %select_n3A_3239, %reshape3A_3249 : vector<512x128xf32>
    %and3A_3259 = arith.andi %eq3A_3257, %lt3A_3258 : vector<512x128xi1>
    %or3A_3260 = arith.ori %gt3A_3256, %and3A_3259 : vector<512x128xi1>
    %eq3A_3261 = arith.xori %eq3A_3255, %eq3A_3094 : vector<512x128xi1>
    %eq3A_3262 = arith.constant dense<true> : vector<512x128xi1>
    %eq3A_3263 = arith.xori %eq3A_3261, %eq3A_3262 : vector<512x128xi1>
    %eq3A_3264 = arith.xori %or3A_3260, %eq3A_3263 : vector<512x128xi1>
    %eq3A_3265 = arith.constant dense<true> : vector<512x128xi1>
    %eq3A_3266 = arith.xori %eq3A_3264, %eq3A_3265 : vector<512x128xi1>
    %select_n3A_3267 = arith.select %eq3A_3266, %select_n3A_3238, %reshape3A_3244 : vector<512x128xi1>, vector<512x128xf32>
    %select_n3A_3268 = arith.select %eq3A_3266, %select_n3A_3239, %reshape3A_3249 : vector<512x128xi1>, vector<512x128xf32>
    %and3A_3269 = arith.constant 64 : i32
    %and3A_3270 = vector.broadcast %and3A_3269 : i32 to vector<512x128xi32>
    %and3A_3271 = arith.andi %iota3A_0, %and3A_3270 : vector<512x128xi32>
    %eq3A_3272 = arith.constant 0 : i32
    %eq3A_3273 = vector.broadcast %eq3A_3272 : i32 to vector<512x128xi32>
    %eq3A_3274 = arith.cmpi eq, %and3A_3271, %eq3A_3273 : vector<512x128xi32>
    %roll3A_3275 = arith.constant 64 : i32
    %roll3A_3276 = tpu.dynamic_rotate %select_n3A_3267 by %roll3A_3275 dim 1 : vector<512x128xf32>, i32 -> vector<512x128xf32>
    %roll3A_3277 = arith.constant 64 : i32
    %roll3A_3278 = tpu.dynamic_rotate %select_n3A_3267 by %roll3A_3277 dim 1 : vector<512x128xf32>, i32 -> vector<512x128xf32>
    %select_n3A_3279 = arith.select %eq3A_3274, %roll3A_3276, %roll3A_3278 : vector<512x128xi1>, vector<512x128xf32>
    %and3A_3280 = arith.constant 64 : i32
    %and3A_3281 = vector.broadcast %and3A_3280 : i32 to vector<512x128xi32>
    %and3A_3282 = arith.andi %iota3A_0, %and3A_3281 : vector<512x128xi32>
    %eq3A_3283 = arith.constant 0 : i32
    %eq3A_3284 = vector.broadcast %eq3A_3283 : i32 to vector<512x128xi32>
    %eq3A_3285 = arith.cmpi eq, %and3A_3282, %eq3A_3284 : vector<512x128xi32>
    %roll3A_3286 = arith.constant 64 : i32
    %roll3A_3287 = tpu.dynamic_rotate %select_n3A_3268 by %roll3A_3286 dim 1 : vector<512x128xf32>, i32 -> vector<512x128xf32>
    %roll3A_3288 = arith.constant 64 : i32
    %roll3A_3289 = tpu.dynamic_rotate %select_n3A_3268 by %roll3A_3288 dim 1 : vector<512x128xf32>, i32 -> vector<512x128xf32>
    %select_n3A_3290 = arith.select %eq3A_3285, %roll3A_3287, %roll3A_3289 : vector<512x128xi1>, vector<512x128xf32>
    %and3A_3291 = arith.constant 64 : i32
    %and3A_3292 = vector.broadcast %and3A_3291 : i32 to vector<512x128xi32>
    %and3A_3293 = arith.andi %iota3A_0, %and3A_3292 : vector<512x128xi32>
    %eq3A_3294 = arith.constant 0 : i32
    %eq3A_3295 = vector.broadcast %eq3A_3294 : i32 to vector<512x128xi32>
    %eq3A_3296 = arith.cmpi eq, %and3A_3293, %eq3A_3295 : vector<512x128xi32>
    %gt3A_3297 = arith.cmpf ogt, %select_n3A_3267, %select_n3A_3279 : vector<512x128xf32>
    %eq3A_3298 = arith.cmpf oeq, %select_n3A_3267, %select_n3A_3279 : vector<512x128xf32>
    %lt3A_3299 = arith.cmpf olt, %select_n3A_3268, %select_n3A_3290 : vector<512x128xf32>
    %and3A_3300 = arith.andi %eq3A_3298, %lt3A_3299 : vector<512x128xi1>
    %or3A_3301 = arith.ori %gt3A_3297, %and3A_3300 : vector<512x128xi1>
    %eq3A_3302 = arith.xori %eq3A_3296, %eq3A_3094 : vector<512x128xi1>
    %eq3A_3303 = arith.constant dense<true> : vector<512x128xi1>
    %eq3A_3304 = arith.xori %eq3A_3302, %eq3A_3303 : vector<512x128xi1>
    %eq3A_3305 = arith.xori %or3A_3301, %eq3A_3304 : vector<512x128xi1>
    %eq3A_3306 = arith.constant dense<true> : vector<512x128xi1>
    %eq3A_3307 = arith.xori %eq3A_3305, %eq3A_3306 : vector<512x128xi1>
    %select_n3A_3308 = arith.select %eq3A_3307, %select_n3A_3267, %select_n3A_3279 : vector<512x128xi1>, vector<512x128xf32>
    %select_n3A_3309 = arith.select %eq3A_3307, %select_n3A_3268, %select_n3A_3290 : vector<512x128xi1>, vector<512x128xf32>
    %and3A_3310 = arith.constant 32 : i32
    %and3A_3311 = vector.broadcast %and3A_3310 : i32 to vector<512x128xi32>
    %and3A_3312 = arith.andi %iota3A_0, %and3A_3311 : vector<512x128xi32>
    %eq3A_3313 = arith.constant 0 : i32
    %eq3A_3314 = vector.broadcast %eq3A_3313 : i32 to vector<512x128xi32>
    %eq3A_3315 = arith.cmpi eq, %and3A_3312, %eq3A_3314 : vector<512x128xi32>
    %roll3A_3316 = arith.constant 96 : i32
    %roll3A_3317 = tpu.dynamic_rotate %select_n3A_3308 by %roll3A_3316 dim 1 : vector<512x128xf32>, i32 -> vector<512x128xf32>
    %roll3A_3318 = arith.constant 32 : i32
    %roll3A_3319 = tpu.dynamic_rotate %select_n3A_3308 by %roll3A_3318 dim 1 : vector<512x128xf32>, i32 -> vector<512x128xf32>
    %select_n3A_3320 = arith.select %eq3A_3315, %roll3A_3317, %roll3A_3319 : vector<512x128xi1>, vector<512x128xf32>
    %and3A_3321 = arith.constant 32 : i32
    %and3A_3322 = vector.broadcast %and3A_3321 : i32 to vector<512x128xi32>
    %and3A_3323 = arith.andi %iota3A_0, %and3A_3322 : vector<512x128xi32>
    %eq3A_3324 = arith.constant 0 : i32
    %eq3A_3325 = vector.broadcast %eq3A_3324 : i32 to vector<512x128xi32>
    %eq3A_3326 = arith.cmpi eq, %and3A_3323, %eq3A_3325 : vector<512x128xi32>
    %roll3A_3327 = arith.constant 96 : i32
    %roll3A_3328 = tpu.dynamic_rotate %select_n3A_3309 by %roll3A_3327 dim 1 : vector<512x128xf32>, i32 -> vector<512x128xf32>
    %roll3A_3329 = arith.constant 32 : i32
    %roll3A_3330 = tpu.dynamic_rotate %select_n3A_3309 by %roll3A_3329 dim 1 : vector<512x128xf32>, i32 -> vector<512x128xf32>
    %select_n3A_3331 = arith.select %eq3A_3326, %roll3A_3328, %roll3A_3330 : vector<512x128xi1>, vector<512x128xf32>
    %and3A_3332 = arith.constant 32 : i32
    %and3A_3333 = vector.broadcast %and3A_3332 : i32 to vector<512x128xi32>
    %and3A_3334 = arith.andi %iota3A_0, %and3A_3333 : vector<512x128xi32>
    %eq3A_3335 = arith.constant 0 : i32
    %eq3A_3336 = vector.broadcast %eq3A_3335 : i32 to vector<512x128xi32>
    %eq3A_3337 = arith.cmpi eq, %and3A_3334, %eq3A_3336 : vector<512x128xi32>
    %gt3A_3338 = arith.cmpf ogt, %select_n3A_3308, %select_n3A_3320 : vector<512x128xf32>
    %eq3A_3339 = arith.cmpf oeq, %select_n3A_3308, %select_n3A_3320 : vector<512x128xf32>
    %lt3A_3340 = arith.cmpf olt, %select_n3A_3309, %select_n3A_3331 : vector<512x128xf32>
    %and3A_3341 = arith.andi %eq3A_3339, %lt3A_3340 : vector<512x128xi1>
    %or3A_3342 = arith.ori %gt3A_3338, %and3A_3341 : vector<512x128xi1>
    %eq3A_3343 = arith.xori %eq3A_3337, %eq3A_3094 : vector<512x128xi1>
    %eq3A_3344 = arith.constant dense<true> : vector<512x128xi1>
    %eq3A_3345 = arith.xori %eq3A_3343, %eq3A_3344 : vector<512x128xi1>
    %eq3A_3346 = arith.xori %or3A_3342, %eq3A_3345 : vector<512x128xi1>
    %eq3A_3347 = arith.constant dense<true> : vector<512x128xi1>
    %eq3A_3348 = arith.xori %eq3A_3346, %eq3A_3347 : vector<512x128xi1>
    %select_n3A_3349 = arith.select %eq3A_3348, %select_n3A_3308, %select_n3A_3320 : vector<512x128xi1>, vector<512x128xf32>
    %select_n3A_3350 = arith.select %eq3A_3348, %select_n3A_3309, %select_n3A_3331 : vector<512x128xi1>, vector<512x128xf32>
    %and3A_3351 = arith.constant 16 : i32
    %and3A_3352 = vector.broadcast %and3A_3351 : i32 to vector<512x128xi32>
    %and3A_3353 = arith.andi %iota3A_0, %and3A_3352 : vector<512x128xi32>
    %eq3A_3354 = arith.constant 0 : i32
    %eq3A_3355 = vector.broadcast %eq3A_3354 : i32 to vector<512x128xi32>
    %eq3A_3356 = arith.cmpi eq, %and3A_3353, %eq3A_3355 : vector<512x128xi32>
    %roll3A_3357 = arith.constant 112 : i32
    %roll3A_3358 = tpu.dynamic_rotate %select_n3A_3349 by %roll3A_3357 dim 1 : vector<512x128xf32>, i32 -> vector<512x128xf32>
    %roll3A_3359 = arith.constant 16 : i32
    %roll3A_3360 = tpu.dynamic_rotate %select_n3A_3349 by %roll3A_3359 dim 1 : vector<512x128xf32>, i32 -> vector<512x128xf32>
    %select_n3A_3361 = arith.select %eq3A_3356, %roll3A_3358, %roll3A_3360 : vector<512x128xi1>, vector<512x128xf32>
    %and3A_3362 = arith.constant 16 : i32
    %and3A_3363 = vector.broadcast %and3A_3362 : i32 to vector<512x128xi32>
    %and3A_3364 = arith.andi %iota3A_0, %and3A_3363 : vector<512x128xi32>
    %eq3A_3365 = arith.constant 0 : i32
    %eq3A_3366 = vector.broadcast %eq3A_3365 : i32 to vector<512x128xi32>
    %eq3A_3367 = arith.cmpi eq, %and3A_3364, %eq3A_3366 : vector<512x128xi32>
    %roll3A_3368 = arith.constant 112 : i32
    %roll3A_3369 = tpu.dynamic_rotate %select_n3A_3350 by %roll3A_3368 dim 1 : vector<512x128xf32>, i32 -> vector<512x128xf32>
    %roll3A_3370 = arith.constant 16 : i32
    %roll3A_3371 = tpu.dynamic_rotate %select_n3A_3350 by %roll3A_3370 dim 1 : vector<512x128xf32>, i32 -> vector<512x128xf32>
    %select_n3A_3372 = arith.select %eq3A_3367, %roll3A_3369, %roll3A_3371 : vector<512x128xi1>, vector<512x128xf32>
    %and3A_3373 = arith.constant 16 : i32
    %and3A_3374 = vector.broadcast %and3A_3373 : i32 to vector<512x128xi32>
    %and3A_3375 = arith.andi %iota3A_0, %and3A_3374 : vector<512x128xi32>
    %eq3A_3376 = arith.constant 0 : i32
    %eq3A_3377 = vector.broadcast %eq3A_3376 : i32 to vector<512x128xi32>
    %eq3A_3378 = arith.cmpi eq, %and3A_3375, %eq3A_3377 : vector<512x128xi32>
    %gt3A_3379 = arith.cmpf ogt, %select_n3A_3349, %select_n3A_3361 : vector<512x128xf32>
    %eq3A_3380 = arith.cmpf oeq, %select_n3A_3349, %select_n3A_3361 : vector<512x128xf32>
    %lt3A_3381 = arith.cmpf olt, %select_n3A_3350, %select_n3A_3372 : vector<512x128xf32>
    %and3A_3382 = arith.andi %eq3A_3380, %lt3A_3381 : vector<512x128xi1>
    %or3A_3383 = arith.ori %gt3A_3379, %and3A_3382 : vector<512x128xi1>
    %eq3A_3384 = arith.xori %eq3A_3378, %eq3A_3094 : vector<512x128xi1>
    %eq3A_3385 = arith.constant dense<true> : vector<512x128xi1>
    %eq3A_3386 = arith.xori %eq3A_3384, %eq3A_3385 : vector<512x128xi1>
    %eq3A_3387 = arith.xori %or3A_3383, %eq3A_3386 : vector<512x128xi1>
    %eq3A_3388 = arith.constant dense<true> : vector<512x128xi1>
    %eq3A_3389 = arith.xori %eq3A_3387, %eq3A_3388 : vector<512x128xi1>
    %select_n3A_3390 = arith.select %eq3A_3389, %select_n3A_3349, %select_n3A_3361 : vector<512x128xi1>, vector<512x128xf32>
    %select_n3A_3391 = arith.select %eq3A_3389, %select_n3A_3350, %select_n3A_3372 : vector<512x128xi1>, vector<512x128xf32>
    %and3A_3392 = arith.constant 8 : i32
    %and3A_3393 = vector.broadcast %and3A_3392 : i32 to vector<512x128xi32>
    %and3A_3394 = arith.andi %iota3A_0, %and3A_3393 : vector<512x128xi32>
    %eq3A_3395 = arith.constant 0 : i32
    %eq3A_3396 = vector.broadcast %eq3A_3395 : i32 to vector<512x128xi32>
    %eq3A_3397 = arith.cmpi eq, %and3A_3394, %eq3A_3396 : vector<512x128xi32>
    %roll3A_3398 = arith.constant 120 : i32
    %roll3A_3399 = tpu.dynamic_rotate %select_n3A_3390 by %roll3A_3398 dim 1 : vector<512x128xf32>, i32 -> vector<512x128xf32>
    %roll3A_3400 = arith.constant 8 : i32
    %roll3A_3401 = tpu.dynamic_rotate %select_n3A_3390 by %roll3A_3400 dim 1 : vector<512x128xf32>, i32 -> vector<512x128xf32>
    %select_n3A_3402 = arith.select %eq3A_3397, %roll3A_3399, %roll3A_3401 : vector<512x128xi1>, vector<512x128xf32>
    %and3A_3403 = arith.constant 8 : i32
    %and3A_3404 = vector.broadcast %and3A_3403 : i32 to vector<512x128xi32>
    %and3A_3405 = arith.andi %iota3A_0, %and3A_3404 : vector<512x128xi32>
    %eq3A_3406 = arith.constant 0 : i32
    %eq3A_3407 = vector.broadcast %eq3A_3406 : i32 to vector<512x128xi32>
    %eq3A_3408 = arith.cmpi eq, %and3A_3405, %eq3A_3407 : vector<512x128xi32>
    %roll3A_3409 = arith.constant 120 : i32
    %roll3A_3410 = tpu.dynamic_rotate %select_n3A_3391 by %roll3A_3409 dim 1 : vector<512x128xf32>, i32 -> vector<512x128xf32>
    %roll3A_3411 = arith.constant 8 : i32
    %roll3A_3412 = tpu.dynamic_rotate %select_n3A_3391 by %roll3A_3411 dim 1 : vector<512x128xf32>, i32 -> vector<512x128xf32>
    %select_n3A_3413 = arith.select %eq3A_3408, %roll3A_3410, %roll3A_3412 : vector<512x128xi1>, vector<512x128xf32>
    %and3A_3414 = arith.constant 8 : i32
    %and3A_3415 = vector.broadcast %and3A_3414 : i32 to vector<512x128xi32>
    %and3A_3416 = arith.andi %iota3A_0, %and3A_3415 : vector<512x128xi32>
    %eq3A_3417 = arith.constant 0 : i32
    %eq3A_3418 = vector.broadcast %eq3A_3417 : i32 to vector<512x128xi32>
    %eq3A_3419 = arith.cmpi eq, %and3A_3416, %eq3A_3418 : vector<512x128xi32>
    %gt3A_3420 = arith.cmpf ogt, %select_n3A_3390, %select_n3A_3402 : vector<512x128xf32>
    %eq3A_3421 = arith.cmpf oeq, %select_n3A_3390, %select_n3A_3402 : vector<512x128xf32>
    %lt3A_3422 = arith.cmpf olt, %select_n3A_3391, %select_n3A_3413 : vector<512x128xf32>
    %and3A_3423 = arith.andi %eq3A_3421, %lt3A_3422 : vector<512x128xi1>
    %or3A_3424 = arith.ori %gt3A_3420, %and3A_3423 : vector<512x128xi1>
    %eq3A_3425 = arith.xori %eq3A_3419, %eq3A_3094 : vector<512x128xi1>
    %eq3A_3426 = arith.constant dense<true> : vector<512x128xi1>
    %eq3A_3427 = arith.xori %eq3A_3425, %eq3A_3426 : vector<512x128xi1>
    %eq3A_3428 = arith.xori %or3A_3424, %eq3A_3427 : vector<512x128xi1>
    %eq3A_3429 = arith.constant dense<true> : vector<512x128xi1>
    %eq3A_3430 = arith.xori %eq3A_3428, %eq3A_3429 : vector<512x128xi1>
    %select_n3A_3431 = arith.select %eq3A_3430, %select_n3A_3390, %select_n3A_3402 : vector<512x128xi1>, vector<512x128xf32>
    %select_n3A_3432 = arith.select %eq3A_3430, %select_n3A_3391, %select_n3A_3413 : vector<512x128xi1>, vector<512x128xf32>
    %and3A_3433 = arith.constant 4 : i32
    %and3A_3434 = vector.broadcast %and3A_3433 : i32 to vector<512x128xi32>
    %and3A_3435 = arith.andi %iota3A_0, %and3A_3434 : vector<512x128xi32>
    %eq3A_3436 = arith.constant 0 : i32
    %eq3A_3437 = vector.broadcast %eq3A_3436 : i32 to vector<512x128xi32>
    %eq3A_3438 = arith.cmpi eq, %and3A_3435, %eq3A_3437 : vector<512x128xi32>
    %roll3A_3439 = arith.constant 124 : i32
    %roll3A_3440 = tpu.dynamic_rotate %select_n3A_3431 by %roll3A_3439 dim 1 : vector<512x128xf32>, i32 -> vector<512x128xf32>
    %roll3A_3441 = arith.constant 4 : i32
    %roll3A_3442 = tpu.dynamic_rotate %select_n3A_3431 by %roll3A_3441 dim 1 : vector<512x128xf32>, i32 -> vector<512x128xf32>
    %select_n3A_3443 = arith.select %eq3A_3438, %roll3A_3440, %roll3A_3442 : vector<512x128xi1>, vector<512x128xf32>
    %and3A_3444 = arith.constant 4 : i32
    %and3A_3445 = vector.broadcast %and3A_3444 : i32 to vector<512x128xi32>
    %and3A_3446 = arith.andi %iota3A_0, %and3A_3445 : vector<512x128xi32>
    %eq3A_3447 = arith.constant 0 : i32
    %eq3A_3448 = vector.broadcast %eq3A_3447 : i32 to vector<512x128xi32>
    %eq3A_3449 = arith.cmpi eq, %and3A_3446, %eq3A_3448 : vector<512x128xi32>
    %roll3A_3450 = arith.constant 124 : i32
    %roll3A_3451 = tpu.dynamic_rotate %select_n3A_3432 by %roll3A_3450 dim 1 : vector<512x128xf32>, i32 -> vector<512x128xf32>
    %roll3A_3452 = arith.constant 4 : i32
    %roll3A_3453 = tpu.dynamic_rotate %select_n3A_3432 by %roll3A_3452 dim 1 : vector<512x128xf32>, i32 -> vector<512x128xf32>
    %select_n3A_3454 = arith.select %eq3A_3449, %roll3A_3451, %roll3A_3453 : vector<512x128xi1>, vector<512x128xf32>
    %and3A_3455 = arith.constant 4 : i32
    %and3A_3456 = vector.broadcast %and3A_3455 : i32 to vector<512x128xi32>
    %and3A_3457 = arith.andi %iota3A_0, %and3A_3456 : vector<512x128xi32>
    %eq3A_3458 = arith.constant 0 : i32
    %eq3A_3459 = vector.broadcast %eq3A_3458 : i32 to vector<512x128xi32>
    %eq3A_3460 = arith.cmpi eq, %and3A_3457, %eq3A_3459 : vector<512x128xi32>
    %gt3A_3461 = arith.cmpf ogt, %select_n3A_3431, %select_n3A_3443 : vector<512x128xf32>
    %eq3A_3462 = arith.cmpf oeq, %select_n3A_3431, %select_n3A_3443 : vector<512x128xf32>
    %lt3A_3463 = arith.cmpf olt, %select_n3A_3432, %select_n3A_3454 : vector<512x128xf32>
    %and3A_3464 = arith.andi %eq3A_3462, %lt3A_3463 : vector<512x128xi1>
    %or3A_3465 = arith.ori %gt3A_3461, %and3A_3464 : vector<512x128xi1>
    %eq3A_3466 = arith.xori %eq3A_3460, %eq3A_3094 : vector<512x128xi1>
    %eq3A_3467 = arith.constant dense<true> : vector<512x128xi1>
    %eq3A_3468 = arith.xori %eq3A_3466, %eq3A_3467 : vector<512x128xi1>
    %eq3A_3469 = arith.xori %or3A_3465, %eq3A_3468 : vector<512x128xi1>
    %eq3A_3470 = arith.constant dense<true> : vector<512x128xi1>
    %eq3A_3471 = arith.xori %eq3A_3469, %eq3A_3470 : vector<512x128xi1>
    %select_n3A_3472 = arith.select %eq3A_3471, %select_n3A_3431, %select_n3A_3443 : vector<512x128xi1>, vector<512x128xf32>
    %select_n3A_3473 = arith.select %eq3A_3471, %select_n3A_3432, %select_n3A_3454 : vector<512x128xi1>, vector<512x128xf32>
    %and3A_3474 = arith.constant 2 : i32
    %and3A_3475 = vector.broadcast %and3A_3474 : i32 to vector<512x128xi32>
    %and3A_3476 = arith.andi %iota3A_0, %and3A_3475 : vector<512x128xi32>
    %eq3A_3477 = arith.constant 0 : i32
    %eq3A_3478 = vector.broadcast %eq3A_3477 : i32 to vector<512x128xi32>
    %eq3A_3479 = arith.cmpi eq, %and3A_3476, %eq3A_3478 : vector<512x128xi32>
    %roll3A_3480 = arith.constant 126 : i32
    %roll3A_3481 = tpu.dynamic_rotate %select_n3A_3472 by %roll3A_3480 dim 1 : vector<512x128xf32>, i32 -> vector<512x128xf32>
    %roll3A_3482 = arith.constant 2 : i32
    %roll3A_3483 = tpu.dynamic_rotate %select_n3A_3472 by %roll3A_3482 dim 1 : vector<512x128xf32>, i32 -> vector<512x128xf32>
    %select_n3A_3484 = arith.select %eq3A_3479, %roll3A_3481, %roll3A_3483 : vector<512x128xi1>, vector<512x128xf32>
    %and3A_3485 = arith.constant 2 : i32
    %and3A_3486 = vector.broadcast %and3A_3485 : i32 to vector<512x128xi32>
    %and3A_3487 = arith.andi %iota3A_0, %and3A_3486 : vector<512x128xi32>
    %eq3A_3488 = arith.constant 0 : i32
    %eq3A_3489 = vector.broadcast %eq3A_3488 : i32 to vector<512x128xi32>
    %eq3A_3490 = arith.cmpi eq, %and3A_3487, %eq3A_3489 : vector<512x128xi32>
    %roll3A_3491 = arith.constant 126 : i32
    %roll3A_3492 = tpu.dynamic_rotate %select_n3A_3473 by %roll3A_3491 dim 1 : vector<512x128xf32>, i32 -> vector<512x128xf32>
    %roll3A_3493 = arith.constant 2 : i32
    %roll3A_3494 = tpu.dynamic_rotate %select_n3A_3473 by %roll3A_3493 dim 1 : vector<512x128xf32>, i32 -> vector<512x128xf32>
    %select_n3A_3495 = arith.select %eq3A_3490, %roll3A_3492, %roll3A_3494 : vector<512x128xi1>, vector<512x128xf32>
    %and3A_3496 = arith.constant 2 : i32
    %and3A_3497 = vector.broadcast %and3A_3496 : i32 to vector<512x128xi32>
    %and3A_3498 = arith.andi %iota3A_0, %and3A_3497 : vector<512x128xi32>
    %eq3A_3499 = arith.constant 0 : i32
    %eq3A_3500 = vector.broadcast %eq3A_3499 : i32 to vector<512x128xi32>
    %eq3A_3501 = arith.cmpi eq, %and3A_3498, %eq3A_3500 : vector<512x128xi32>
    %gt3A_3502 = arith.cmpf ogt, %select_n3A_3472, %select_n3A_3484 : vector<512x128xf32>
    %eq3A_3503 = arith.cmpf oeq, %select_n3A_3472, %select_n3A_3484 : vector<512x128xf32>
    %lt3A_3504 = arith.cmpf olt, %select_n3A_3473, %select_n3A_3495 : vector<512x128xf32>
    %and3A_3505 = arith.andi %eq3A_3503, %lt3A_3504 : vector<512x128xi1>
    %or3A_3506 = arith.ori %gt3A_3502, %and3A_3505 : vector<512x128xi1>
    %eq3A_3507 = arith.xori %eq3A_3501, %eq3A_3094 : vector<512x128xi1>
    %eq3A_3508 = arith.constant dense<true> : vector<512x128xi1>
    %eq3A_3509 = arith.xori %eq3A_3507, %eq3A_3508 : vector<512x128xi1>
    %eq3A_3510 = arith.xori %or3A_3506, %eq3A_3509 : vector<512x128xi1>
    %eq3A_3511 = arith.constant dense<true> : vector<512x128xi1>
    %eq3A_3512 = arith.xori %eq3A_3510, %eq3A_3511 : vector<512x128xi1>
    %select_n3A_3513 = arith.select %eq3A_3512, %select_n3A_3472, %select_n3A_3484 : vector<512x128xi1>, vector<512x128xf32>
    %select_n3A_3514 = arith.select %eq3A_3512, %select_n3A_3473, %select_n3A_3495 : vector<512x128xi1>, vector<512x128xf32>
    %and3A_3515 = arith.constant 1 : i32
    %and3A_3516 = vector.broadcast %and3A_3515 : i32 to vector<512x128xi32>
    %and3A_3517 = arith.andi %iota3A_0, %and3A_3516 : vector<512x128xi32>
    %eq3A_3518 = arith.constant 0 : i32
    %eq3A_3519 = vector.broadcast %eq3A_3518 : i32 to vector<512x128xi32>
    %eq3A_3520 = arith.cmpi eq, %and3A_3517, %eq3A_3519 : vector<512x128xi32>
    %roll3A_3521 = arith.constant 127 : i32
    %roll3A_3522 = tpu.dynamic_rotate %select_n3A_3513 by %roll3A_3521 dim 1 : vector<512x128xf32>, i32 -> vector<512x128xf32>
    %roll3A_3523 = arith.constant 1 : i32
    %roll3A_3524 = tpu.dynamic_rotate %select_n3A_3513 by %roll3A_3523 dim 1 : vector<512x128xf32>, i32 -> vector<512x128xf32>
    %select_n3A_3525 = arith.select %eq3A_3520, %roll3A_3522, %roll3A_3524 : vector<512x128xi1>, vector<512x128xf32>
    %and3A_3526 = arith.constant 1 : i32
    %and3A_3527 = vector.broadcast %and3A_3526 : i32 to vector<512x128xi32>
    %and3A_3528 = arith.andi %iota3A_0, %and3A_3527 : vector<512x128xi32>
    %eq3A_3529 = arith.constant 0 : i32
    %eq3A_3530 = vector.broadcast %eq3A_3529 : i32 to vector<512x128xi32>
    %eq3A_3531 = arith.cmpi eq, %and3A_3528, %eq3A_3530 : vector<512x128xi32>
    %roll3A_3532 = arith.constant 127 : i32
    %roll3A_3533 = tpu.dynamic_rotate %select_n3A_3514 by %roll3A_3532 dim 1 : vector<512x128xf32>, i32 -> vector<512x128xf32>
    %roll3A_3534 = arith.constant 1 : i32
    %roll3A_3535 = tpu.dynamic_rotate %select_n3A_3514 by %roll3A_3534 dim 1 : vector<512x128xf32>, i32 -> vector<512x128xf32>
    %select_n3A_3536 = arith.select %eq3A_3531, %roll3A_3533, %roll3A_3535 : vector<512x128xi1>, vector<512x128xf32>
    %and3A_3537 = arith.constant 1 : i32
    %and3A_3538 = vector.broadcast %and3A_3537 : i32 to vector<512x128xi32>
    %and3A_3539 = arith.andi %iota3A_0, %and3A_3538 : vector<512x128xi32>
    %eq3A_3540 = arith.constant 0 : i32
    %eq3A_3541 = vector.broadcast %eq3A_3540 : i32 to vector<512x128xi32>
    %eq3A_3542 = arith.cmpi eq, %and3A_3539, %eq3A_3541 : vector<512x128xi32>
    %gt3A_3543 = arith.cmpf ogt, %select_n3A_3513, %select_n3A_3525 : vector<512x128xf32>
    %eq3A_3544 = arith.cmpf oeq, %select_n3A_3513, %select_n3A_3525 : vector<512x128xf32>
    %lt3A_3545 = arith.cmpf olt, %select_n3A_3514, %select_n3A_3536 : vector<512x128xf32>
    %and3A_3546 = arith.andi %eq3A_3544, %lt3A_3545 : vector<512x128xi1>
    %or3A_3547 = arith.ori %gt3A_3543, %and3A_3546 : vector<512x128xi1>
    %eq3A_3548 = arith.xori %eq3A_3542, %eq3A_3094 : vector<512x128xi1>
    %eq3A_3549 = arith.constant dense<true> : vector<512x128xi1>
    %eq3A_3550 = arith.xori %eq3A_3548, %eq3A_3549 : vector<512x128xi1>
    %eq3A_3551 = arith.xori %or3A_3547, %eq3A_3550 : vector<512x128xi1>
    %eq3A_3552 = arith.constant dense<true> : vector<512x128xi1>
    %eq3A_3553 = arith.xori %eq3A_3551, %eq3A_3552 : vector<512x128xi1>
    %select_n3A_3554 = arith.select %eq3A_3553, %select_n3A_3513, %select_n3A_3525 : vector<512x128xi1>, vector<512x128xf32>
    %select_n3A_3555 = arith.select %eq3A_3553, %select_n3A_3514, %select_n3A_3536 : vector<512x128xi1>, vector<512x128xf32>
    %and3A_3556 = arith.constant 128 : i32
    %and3A_3557 = vector.broadcast %and3A_3556 : i32 to vector<512x128xi32>
    %and3A_3558 = arith.andi %iota3A, %and3A_3557 : vector<512x128xi32>
    %eq3A_3559 = arith.constant 0 : i32
    %eq3A_3560 = vector.broadcast %eq3A_3559 : i32 to vector<512x128xi32>
    %eq3A_3561 = arith.cmpi eq, %and3A_3558, %eq3A_3560 : vector<512x128xi32>
    %reshape3A_3562 = vector.shape_cast %select_n3A_3554 : vector<512x128xf32> to vector<4x2x64x128xf32>
    %slice3A_3563 = vector.extract_strided_slice %reshape3A_3562 {offsets = [0, 1, 0, 0], sizes = [4, 1, 64, 128], strides = [1, 1, 1, 1]} : vector<4x2x64x128xf32> to vector<4x1x64x128xf32>
    %slice3A_3564 = vector.extract_strided_slice %reshape3A_3562 {offsets = [0, 0, 0, 0], sizes = [4, 1, 64, 128], strides = [1, 1, 1, 1]} : vector<4x2x64x128xf32> to vector<4x1x64x128xf32>
    %concatenate3A_3565 = tpu.concatenate %slice3A_3563, %slice3A_3564 in 1 : vector<4x1x64x128xf32>, vector<4x1x64x128xf32> -> vector<4x2x64x128xf32>
    %reshape3A_3566 = vector.shape_cast %concatenate3A_3565 : vector<4x2x64x128xf32> to vector<512x128xf32>
    %reshape3A_3567 = vector.shape_cast %select_n3A_3555 : vector<512x128xf32> to vector<4x2x64x128xf32>
    %slice3A_3568 = vector.extract_strided_slice %reshape3A_3567 {offsets = [0, 1, 0, 0], sizes = [4, 1, 64, 128], strides = [1, 1, 1, 1]} : vector<4x2x64x128xf32> to vector<4x1x64x128xf32>
    %slice3A_3569 = vector.extract_strided_slice %reshape3A_3567 {offsets = [0, 0, 0, 0], sizes = [4, 1, 64, 128], strides = [1, 1, 1, 1]} : vector<4x2x64x128xf32> to vector<4x1x64x128xf32>
    %concatenate3A_3570 = tpu.concatenate %slice3A_3568, %slice3A_3569 in 1 : vector<4x1x64x128xf32>, vector<4x1x64x128xf32> -> vector<4x2x64x128xf32>
    %reshape3A_3571 = vector.shape_cast %concatenate3A_3570 : vector<4x2x64x128xf32> to vector<512x128xf32>
    %and3A_3572 = arith.constant 64 : i32
    %and3A_3573 = vector.broadcast %and3A_3572 : i32 to vector<512x128xi32>
    %and3A_3574 = arith.andi %iota3A, %and3A_3573 : vector<512x128xi32>
    %eq3A_3575 = arith.constant 0 : i32
    %eq3A_3576 = vector.broadcast %eq3A_3575 : i32 to vector<512x128xi32>
    %eq3A_3577 = arith.cmpi eq, %and3A_3574, %eq3A_3576 : vector<512x128xi32>
    %gt3A_3578 = arith.cmpf ogt, %select_n3A_3554, %reshape3A_3566 : vector<512x128xf32>
    %eq3A_3579 = arith.cmpf oeq, %select_n3A_3554, %reshape3A_3566 : vector<512x128xf32>
    %lt3A_3580 = arith.cmpf olt, %select_n3A_3555, %reshape3A_3571 : vector<512x128xf32>
    %and3A_3581 = arith.andi %eq3A_3579, %lt3A_3580 : vector<512x128xi1>
    %or3A_3582 = arith.ori %gt3A_3578, %and3A_3581 : vector<512x128xi1>
    %eq3A_3583 = arith.xori %eq3A_3577, %eq3A_3561 : vector<512x128xi1>
    %eq3A_3584 = arith.constant dense<true> : vector<512x128xi1>
    %eq3A_3585 = arith.xori %eq3A_3583, %eq3A_3584 : vector<512x128xi1>
    %eq3A_3586 = arith.xori %or3A_3582, %eq3A_3585 : vector<512x128xi1>
    %eq3A_3587 = arith.constant dense<true> : vector<512x128xi1>
    %eq3A_3588 = arith.xori %eq3A_3586, %eq3A_3587 : vector<512x128xi1>
    %select_n3A_3589 = arith.select %eq3A_3588, %select_n3A_3554, %reshape3A_3566 : vector<512x128xi1>, vector<512x128xf32>
    %select_n3A_3590 = arith.select %eq3A_3588, %select_n3A_3555, %reshape3A_3571 : vector<512x128xi1>, vector<512x128xf32>
    %reshape3A_3591 = vector.shape_cast %select_n3A_3589 : vector<512x128xf32> to vector<8x2x32x128xf32>
    %slice3A_3592 = vector.extract_strided_slice %reshape3A_3591 {offsets = [0, 1, 0, 0], sizes = [8, 1, 32, 128], strides = [1, 1, 1, 1]} : vector<8x2x32x128xf32> to vector<8x1x32x128xf32>
    %slice3A_3593 = vector.extract_strided_slice %reshape3A_3591 {offsets = [0, 0, 0, 0], sizes = [8, 1, 32, 128], strides = [1, 1, 1, 1]} : vector<8x2x32x128xf32> to vector<8x1x32x128xf32>
    %concatenate3A_3594 = tpu.concatenate %slice3A_3592, %slice3A_3593 in 1 : vector<8x1x32x128xf32>, vector<8x1x32x128xf32> -> vector<8x2x32x128xf32>
    %reshape3A_3595 = vector.shape_cast %concatenate3A_3594 : vector<8x2x32x128xf32> to vector<512x128xf32>
    %reshape3A_3596 = vector.shape_cast %select_n3A_3590 : vector<512x128xf32> to vector<8x2x32x128xf32>
    %slice3A_3597 = vector.extract_strided_slice %reshape3A_3596 {offsets = [0, 1, 0, 0], sizes = [8, 1, 32, 128], strides = [1, 1, 1, 1]} : vector<8x2x32x128xf32> to vector<8x1x32x128xf32>
    %slice3A_3598 = vector.extract_strided_slice %reshape3A_3596 {offsets = [0, 0, 0, 0], sizes = [8, 1, 32, 128], strides = [1, 1, 1, 1]} : vector<8x2x32x128xf32> to vector<8x1x32x128xf32>
    %concatenate3A_3599 = tpu.concatenate %slice3A_3597, %slice3A_3598 in 1 : vector<8x1x32x128xf32>, vector<8x1x32x128xf32> -> vector<8x2x32x128xf32>
    %reshape3A_3600 = vector.shape_cast %concatenate3A_3599 : vector<8x2x32x128xf32> to vector<512x128xf32>
    %and3A_3601 = arith.constant 32 : i32
    %and3A_3602 = vector.broadcast %and3A_3601 : i32 to vector<512x128xi32>
    %and3A_3603 = arith.andi %iota3A, %and3A_3602 : vector<512x128xi32>
    %eq3A_3604 = arith.constant 0 : i32
    %eq3A_3605 = vector.broadcast %eq3A_3604 : i32 to vector<512x128xi32>
    %eq3A_3606 = arith.cmpi eq, %and3A_3603, %eq3A_3605 : vector<512x128xi32>
    %gt3A_3607 = arith.cmpf ogt, %select_n3A_3589, %reshape3A_3595 : vector<512x128xf32>
    %eq3A_3608 = arith.cmpf oeq, %select_n3A_3589, %reshape3A_3595 : vector<512x128xf32>
    %lt3A_3609 = arith.cmpf olt, %select_n3A_3590, %reshape3A_3600 : vector<512x128xf32>
    %and3A_3610 = arith.andi %eq3A_3608, %lt3A_3609 : vector<512x128xi1>
    %or3A_3611 = arith.ori %gt3A_3607, %and3A_3610 : vector<512x128xi1>
    %eq3A_3612 = arith.xori %eq3A_3606, %eq3A_3561 : vector<512x128xi1>
    %eq3A_3613 = arith.constant dense<true> : vector<512x128xi1>
    %eq3A_3614 = arith.xori %eq3A_3612, %eq3A_3613 : vector<512x128xi1>
    %eq3A_3615 = arith.xori %or3A_3611, %eq3A_3614 : vector<512x128xi1>
    %eq3A_3616 = arith.constant dense<true> : vector<512x128xi1>
    %eq3A_3617 = arith.xori %eq3A_3615, %eq3A_3616 : vector<512x128xi1>
    %select_n3A_3618 = arith.select %eq3A_3617, %select_n3A_3589, %reshape3A_3595 : vector<512x128xi1>, vector<512x128xf32>
    %select_n3A_3619 = arith.select %eq3A_3617, %select_n3A_3590, %reshape3A_3600 : vector<512x128xi1>, vector<512x128xf32>
    %reshape3A_3620 = vector.shape_cast %select_n3A_3618 : vector<512x128xf32> to vector<16x2x16x128xf32>
    %slice3A_3621 = vector.extract_strided_slice %reshape3A_3620 {offsets = [0, 1, 0, 0], sizes = [16, 1, 16, 128], strides = [1, 1, 1, 1]} : vector<16x2x16x128xf32> to vector<16x1x16x128xf32>
    %slice3A_3622 = vector.extract_strided_slice %reshape3A_3620 {offsets = [0, 0, 0, 0], sizes = [16, 1, 16, 128], strides = [1, 1, 1, 1]} : vector<16x2x16x128xf32> to vector<16x1x16x128xf32>
    %concatenate3A_3623 = tpu.concatenate %slice3A_3621, %slice3A_3622 in 1 : vector<16x1x16x128xf32>, vector<16x1x16x128xf32> -> vector<16x2x16x128xf32>
    %reshape3A_3624 = vector.shape_cast %concatenate3A_3623 : vector<16x2x16x128xf32> to vector<512x128xf32>
    %reshape3A_3625 = vector.shape_cast %select_n3A_3619 : vector<512x128xf32> to vector<16x2x16x128xf32>
    %slice3A_3626 = vector.extract_strided_slice %reshape3A_3625 {offsets = [0, 1, 0, 0], sizes = [16, 1, 16, 128], strides = [1, 1, 1, 1]} : vector<16x2x16x128xf32> to vector<16x1x16x128xf32>
    %slice3A_3627 = vector.extract_strided_slice %reshape3A_3625 {offsets = [0, 0, 0, 0], sizes = [16, 1, 16, 128], strides = [1, 1, 1, 1]} : vector<16x2x16x128xf32> to vector<16x1x16x128xf32>
    %concatenate3A_3628 = tpu.concatenate %slice3A_3626, %slice3A_3627 in 1 : vector<16x1x16x128xf32>, vector<16x1x16x128xf32> -> vector<16x2x16x128xf32>
    %reshape3A_3629 = vector.shape_cast %concatenate3A_3628 : vector<16x2x16x128xf32> to vector<512x128xf32>
    %and3A_3630 = arith.constant 16 : i32
    %and3A_3631 = vector.broadcast %and3A_3630 : i32 to vector<512x128xi32>
    %and3A_3632 = arith.andi %iota3A, %and3A_3631 : vector<512x128xi32>
    %eq3A_3633 = arith.constant 0 : i32
    %eq3A_3634 = vector.broadcast %eq3A_3633 : i32 to vector<512x128xi32>
    %eq3A_3635 = arith.cmpi eq, %and3A_3632, %eq3A_3634 : vector<512x128xi32>
    %gt3A_3636 = arith.cmpf ogt, %select_n3A_3618, %reshape3A_3624 : vector<512x128xf32>
    %eq3A_3637 = arith.cmpf oeq, %select_n3A_3618, %reshape3A_3624 : vector<512x128xf32>
    %lt3A_3638 = arith.cmpf olt, %select_n3A_3619, %reshape3A_3629 : vector<512x128xf32>
    %and3A_3639 = arith.andi %eq3A_3637, %lt3A_3638 : vector<512x128xi1>
    %or3A_3640 = arith.ori %gt3A_3636, %and3A_3639 : vector<512x128xi1>
    %eq3A_3641 = arith.xori %eq3A_3635, %eq3A_3561 : vector<512x128xi1>
    %eq3A_3642 = arith.constant dense<true> : vector<512x128xi1>
    %eq3A_3643 = arith.xori %eq3A_3641, %eq3A_3642 : vector<512x128xi1>
    %eq3A_3644 = arith.xori %or3A_3640, %eq3A_3643 : vector<512x128xi1>
    %eq3A_3645 = arith.constant dense<true> : vector<512x128xi1>
    %eq3A_3646 = arith.xori %eq3A_3644, %eq3A_3645 : vector<512x128xi1>
    %select_n3A_3647 = arith.select %eq3A_3646, %select_n3A_3618, %reshape3A_3624 : vector<512x128xi1>, vector<512x128xf32>
    %select_n3A_3648 = arith.select %eq3A_3646, %select_n3A_3619, %reshape3A_3629 : vector<512x128xi1>, vector<512x128xf32>
    %reshape3A_3649 = vector.shape_cast %select_n3A_3647 : vector<512x128xf32> to vector<32x2x8x128xf32>
    %slice3A_3650 = vector.extract_strided_slice %reshape3A_3649 {offsets = [0, 1, 0, 0], sizes = [32, 1, 8, 128], strides = [1, 1, 1, 1]} : vector<32x2x8x128xf32> to vector<32x1x8x128xf32>
    %slice3A_3651 = vector.extract_strided_slice %reshape3A_3649 {offsets = [0, 0, 0, 0], sizes = [32, 1, 8, 128], strides = [1, 1, 1, 1]} : vector<32x2x8x128xf32> to vector<32x1x8x128xf32>
    %concatenate3A_3652 = tpu.concatenate %slice3A_3650, %slice3A_3651 in 1 : vector<32x1x8x128xf32>, vector<32x1x8x128xf32> -> vector<32x2x8x128xf32>
    %reshape3A_3653 = vector.shape_cast %concatenate3A_3652 : vector<32x2x8x128xf32> to vector<512x128xf32>
    %reshape3A_3654 = vector.shape_cast %select_n3A_3648 : vector<512x128xf32> to vector<32x2x8x128xf32>
    %slice3A_3655 = vector.extract_strided_slice %reshape3A_3654 {offsets = [0, 1, 0, 0], sizes = [32, 1, 8, 128], strides = [1, 1, 1, 1]} : vector<32x2x8x128xf32> to vector<32x1x8x128xf32>
    %slice3A_3656 = vector.extract_strided_slice %reshape3A_3654 {offsets = [0, 0, 0, 0], sizes = [32, 1, 8, 128], strides = [1, 1, 1, 1]} : vector<32x2x8x128xf32> to vector<32x1x8x128xf32>
    %concatenate3A_3657 = tpu.concatenate %slice3A_3655, %slice3A_3656 in 1 : vector<32x1x8x128xf32>, vector<32x1x8x128xf32> -> vector<32x2x8x128xf32>
    %reshape3A_3658 = vector.shape_cast %concatenate3A_3657 : vector<32x2x8x128xf32> to vector<512x128xf32>
    %and3A_3659 = arith.constant 8 : i32
    %and3A_3660 = vector.broadcast %and3A_3659 : i32 to vector<512x128xi32>
    %and3A_3661 = arith.andi %iota3A, %and3A_3660 : vector<512x128xi32>
    %eq3A_3662 = arith.constant 0 : i32
    %eq3A_3663 = vector.broadcast %eq3A_3662 : i32 to vector<512x128xi32>
    %eq3A_3664 = arith.cmpi eq, %and3A_3661, %eq3A_3663 : vector<512x128xi32>
    %gt3A_3665 = arith.cmpf ogt, %select_n3A_3647, %reshape3A_3653 : vector<512x128xf32>
    %eq3A_3666 = arith.cmpf oeq, %select_n3A_3647, %reshape3A_3653 : vector<512x128xf32>
    %lt3A_3667 = arith.cmpf olt, %select_n3A_3648, %reshape3A_3658 : vector<512x128xf32>
    %and3A_3668 = arith.andi %eq3A_3666, %lt3A_3667 : vector<512x128xi1>
    %or3A_3669 = arith.ori %gt3A_3665, %and3A_3668 : vector<512x128xi1>
    %eq3A_3670 = arith.xori %eq3A_3664, %eq3A_3561 : vector<512x128xi1>
    %eq3A_3671 = arith.constant dense<true> : vector<512x128xi1>
    %eq3A_3672 = arith.xori %eq3A_3670, %eq3A_3671 : vector<512x128xi1>
    %eq3A_3673 = arith.xori %or3A_3669, %eq3A_3672 : vector<512x128xi1>
    %eq3A_3674 = arith.constant dense<true> : vector<512x128xi1>
    %eq3A_3675 = arith.xori %eq3A_3673, %eq3A_3674 : vector<512x128xi1>
    %select_n3A_3676 = arith.select %eq3A_3675, %select_n3A_3647, %reshape3A_3653 : vector<512x128xi1>, vector<512x128xf32>
    %select_n3A_3677 = arith.select %eq3A_3675, %select_n3A_3648, %reshape3A_3658 : vector<512x128xi1>, vector<512x128xf32>
    %reshape3A_3678 = vector.shape_cast %select_n3A_3676 : vector<512x128xf32> to vector<64x2x4x128xf32>
    %slice3A_3679 = vector.extract_strided_slice %reshape3A_3678 {offsets = [0, 1, 0, 0], sizes = [64, 1, 4, 128], strides = [1, 1, 1, 1]} : vector<64x2x4x128xf32> to vector<64x1x4x128xf32>
    %slice3A_3680 = vector.extract_strided_slice %reshape3A_3678 {offsets = [0, 0, 0, 0], sizes = [64, 1, 4, 128], strides = [1, 1, 1, 1]} : vector<64x2x4x128xf32> to vector<64x1x4x128xf32>
    %concatenate3A_3681 = tpu.concatenate %slice3A_3679, %slice3A_3680 in 1 : vector<64x1x4x128xf32>, vector<64x1x4x128xf32> -> vector<64x2x4x128xf32>
    %reshape3A_3682 = vector.shape_cast %concatenate3A_3681 : vector<64x2x4x128xf32> to vector<512x128xf32>
    %reshape3A_3683 = vector.shape_cast %select_n3A_3677 : vector<512x128xf32> to vector<64x2x4x128xf32>
    %slice3A_3684 = vector.extract_strided_slice %reshape3A_3683 {offsets = [0, 1, 0, 0], sizes = [64, 1, 4, 128], strides = [1, 1, 1, 1]} : vector<64x2x4x128xf32> to vector<64x1x4x128xf32>
    %slice3A_3685 = vector.extract_strided_slice %reshape3A_3683 {offsets = [0, 0, 0, 0], sizes = [64, 1, 4, 128], strides = [1, 1, 1, 1]} : vector<64x2x4x128xf32> to vector<64x1x4x128xf32>
    %concatenate3A_3686 = tpu.concatenate %slice3A_3684, %slice3A_3685 in 1 : vector<64x1x4x128xf32>, vector<64x1x4x128xf32> -> vector<64x2x4x128xf32>
    %reshape3A_3687 = vector.shape_cast %concatenate3A_3686 : vector<64x2x4x128xf32> to vector<512x128xf32>
    %and3A_3688 = arith.constant 4 : i32
    %and3A_3689 = vector.broadcast %and3A_3688 : i32 to vector<512x128xi32>
    %and3A_3690 = arith.andi %iota3A, %and3A_3689 : vector<512x128xi32>
    %eq3A_3691 = arith.constant 0 : i32
    %eq3A_3692 = vector.broadcast %eq3A_3691 : i32 to vector<512x128xi32>
    %eq3A_3693 = arith.cmpi eq, %and3A_3690, %eq3A_3692 : vector<512x128xi32>
    %gt3A_3694 = arith.cmpf ogt, %select_n3A_3676, %reshape3A_3682 : vector<512x128xf32>
    %eq3A_3695 = arith.cmpf oeq, %select_n3A_3676, %reshape3A_3682 : vector<512x128xf32>
    %lt3A_3696 = arith.cmpf olt, %select_n3A_3677, %reshape3A_3687 : vector<512x128xf32>
    %and3A_3697 = arith.andi %eq3A_3695, %lt3A_3696 : vector<512x128xi1>
    %or3A_3698 = arith.ori %gt3A_3694, %and3A_3697 : vector<512x128xi1>
    %eq3A_3699 = arith.xori %eq3A_3693, %eq3A_3561 : vector<512x128xi1>
    %eq3A_3700 = arith.constant dense<true> : vector<512x128xi1>
    %eq3A_3701 = arith.xori %eq3A_3699, %eq3A_3700 : vector<512x128xi1>
    %eq3A_3702 = arith.xori %or3A_3698, %eq3A_3701 : vector<512x128xi1>
    %eq3A_3703 = arith.constant dense<true> : vector<512x128xi1>
    %eq3A_3704 = arith.xori %eq3A_3702, %eq3A_3703 : vector<512x128xi1>
    %select_n3A_3705 = arith.select %eq3A_3704, %select_n3A_3676, %reshape3A_3682 : vector<512x128xi1>, vector<512x128xf32>
    %select_n3A_3706 = arith.select %eq3A_3704, %select_n3A_3677, %reshape3A_3687 : vector<512x128xi1>, vector<512x128xf32>
    %reshape3A_3707 = vector.shape_cast %select_n3A_3705 : vector<512x128xf32> to vector<128x2x2x128xf32>
    %slice3A_3708 = vector.extract_strided_slice %reshape3A_3707 {offsets = [0, 1, 0, 0], sizes = [128, 1, 2, 128], strides = [1, 1, 1, 1]} : vector<128x2x2x128xf32> to vector<128x1x2x128xf32>
    %slice3A_3709 = vector.extract_strided_slice %reshape3A_3707 {offsets = [0, 0, 0, 0], sizes = [128, 1, 2, 128], strides = [1, 1, 1, 1]} : vector<128x2x2x128xf32> to vector<128x1x2x128xf32>
    %concatenate3A_3710 = tpu.concatenate %slice3A_3708, %slice3A_3709 in 1 : vector<128x1x2x128xf32>, vector<128x1x2x128xf32> -> vector<128x2x2x128xf32>
    %reshape3A_3711 = vector.shape_cast %concatenate3A_3710 : vector<128x2x2x128xf32> to vector<512x128xf32>
    %reshape3A_3712 = vector.shape_cast %select_n3A_3706 : vector<512x128xf32> to vector<128x2x2x128xf32>
    %slice3A_3713 = vector.extract_strided_slice %reshape3A_3712 {offsets = [0, 1, 0, 0], sizes = [128, 1, 2, 128], strides = [1, 1, 1, 1]} : vector<128x2x2x128xf32> to vector<128x1x2x128xf32>
    %slice3A_3714 = vector.extract_strided_slice %reshape3A_3712 {offsets = [0, 0, 0, 0], sizes = [128, 1, 2, 128], strides = [1, 1, 1, 1]} : vector<128x2x2x128xf32> to vector<128x1x2x128xf32>
    %concatenate3A_3715 = tpu.concatenate %slice3A_3713, %slice3A_3714 in 1 : vector<128x1x2x128xf32>, vector<128x1x2x128xf32> -> vector<128x2x2x128xf32>
    %reshape3A_3716 = vector.shape_cast %concatenate3A_3715 : vector<128x2x2x128xf32> to vector<512x128xf32>
    %and3A_3717 = arith.constant 2 : i32
    %and3A_3718 = vector.broadcast %and3A_3717 : i32 to vector<512x128xi32>
    %and3A_3719 = arith.andi %iota3A, %and3A_3718 : vector<512x128xi32>
    %eq3A_3720 = arith.constant 0 : i32
    %eq3A_3721 = vector.broadcast %eq3A_3720 : i32 to vector<512x128xi32>
    %eq3A_3722 = arith.cmpi eq, %and3A_3719, %eq3A_3721 : vector<512x128xi32>
    %gt3A_3723 = arith.cmpf ogt, %select_n3A_3705, %reshape3A_3711 : vector<512x128xf32>
    %eq3A_3724 = arith.cmpf oeq, %select_n3A_3705, %reshape3A_3711 : vector<512x128xf32>
    %lt3A_3725 = arith.cmpf olt, %select_n3A_3706, %reshape3A_3716 : vector<512x128xf32>
    %and3A_3726 = arith.andi %eq3A_3724, %lt3A_3725 : vector<512x128xi1>
    %or3A_3727 = arith.ori %gt3A_3723, %and3A_3726 : vector<512x128xi1>
    %eq3A_3728 = arith.xori %eq3A_3722, %eq3A_3561 : vector<512x128xi1>
    %eq3A_3729 = arith.constant dense<true> : vector<512x128xi1>
    %eq3A_3730 = arith.xori %eq3A_3728, %eq3A_3729 : vector<512x128xi1>
    %eq3A_3731 = arith.xori %or3A_3727, %eq3A_3730 : vector<512x128xi1>
    %eq3A_3732 = arith.constant dense<true> : vector<512x128xi1>
    %eq3A_3733 = arith.xori %eq3A_3731, %eq3A_3732 : vector<512x128xi1>
    %select_n3A_3734 = arith.select %eq3A_3733, %select_n3A_3705, %reshape3A_3711 : vector<512x128xi1>, vector<512x128xf32>
    %select_n3A_3735 = arith.select %eq3A_3733, %select_n3A_3706, %reshape3A_3716 : vector<512x128xi1>, vector<512x128xf32>
    %reshape3A_3736 = vector.shape_cast %select_n3A_3734 : vector<512x128xf32> to vector<256x2x1x128xf32>
    %slice3A_3737 = vector.extract_strided_slice %reshape3A_3736 {offsets = [0, 1, 0, 0], sizes = [256, 1, 1, 128], strides = [1, 1, 1, 1]} : vector<256x2x1x128xf32> to vector<256x1x1x128xf32>
    %slice3A_3738 = vector.extract_strided_slice %reshape3A_3736 {offsets = [0, 0, 0, 0], sizes = [256, 1, 1, 128], strides = [1, 1, 1, 1]} : vector<256x2x1x128xf32> to vector<256x1x1x128xf32>
    %concatenate3A_3739 = tpu.concatenate %slice3A_3737, %slice3A_3738 in 1 : vector<256x1x1x128xf32>, vector<256x1x1x128xf32> -> vector<256x2x1x128xf32>
    %reshape3A_3740 = vector.shape_cast %concatenate3A_3739 : vector<256x2x1x128xf32> to vector<512x128xf32>
    %reshape3A_3741 = vector.shape_cast %select_n3A_3735 : vector<512x128xf32> to vector<256x2x1x128xf32>
    %slice3A_3742 = vector.extract_strided_slice %reshape3A_3741 {offsets = [0, 1, 0, 0], sizes = [256, 1, 1, 128], strides = [1, 1, 1, 1]} : vector<256x2x1x128xf32> to vector<256x1x1x128xf32>
    %slice3A_3743 = vector.extract_strided_slice %reshape3A_3741 {offsets = [0, 0, 0, 0], sizes = [256, 1, 1, 128], strides = [1, 1, 1, 1]} : vector<256x2x1x128xf32> to vector<256x1x1x128xf32>
    %concatenate3A_3744 = tpu.concatenate %slice3A_3742, %slice3A_3743 in 1 : vector<256x1x1x128xf32>, vector<256x1x1x128xf32> -> vector<256x2x1x128xf32>
    %reshape3A_3745 = vector.shape_cast %concatenate3A_3744 : vector<256x2x1x128xf32> to vector<512x128xf32>
    %and3A_3746 = arith.constant 1 : i32
    %and3A_3747 = vector.broadcast %and3A_3746 : i32 to vector<512x128xi32>
    %and3A_3748 = arith.andi %iota3A, %and3A_3747 : vector<512x128xi32>
    %eq3A_3749 = arith.constant 0 : i32
    %eq3A_3750 = vector.broadcast %eq3A_3749 : i32 to vector<512x128xi32>
    %eq3A_3751 = arith.cmpi eq, %and3A_3748, %eq3A_3750 : vector<512x128xi32>
    %gt3A_3752 = arith.cmpf ogt, %select_n3A_3734, %reshape3A_3740 : vector<512x128xf32>
    %eq3A_3753 = arith.cmpf oeq, %select_n3A_3734, %reshape3A_3740 : vector<512x128xf32>
    %lt3A_3754 = arith.cmpf olt, %select_n3A_3735, %reshape3A_3745 : vector<512x128xf32>
    %and3A_3755 = arith.andi %eq3A_3753, %lt3A_3754 : vector<512x128xi1>
    %or3A_3756 = arith.ori %gt3A_3752, %and3A_3755 : vector<512x128xi1>
    %eq3A_3757 = arith.xori %eq3A_3751, %eq3A_3561 : vector<512x128xi1>
    %eq3A_3758 = arith.constant dense<true> : vector<512x128xi1>
    %eq3A_3759 = arith.xori %eq3A_3757, %eq3A_3758 : vector<512x128xi1>
    %eq3A_3760 = arith.xori %or3A_3756, %eq3A_3759 : vector<512x128xi1>
    %eq3A_3761 = arith.constant dense<true> : vector<512x128xi1>
    %eq3A_3762 = arith.xori %eq3A_3760, %eq3A_3761 : vector<512x128xi1>
    %select_n3A_3763 = arith.select %eq3A_3762, %select_n3A_3734, %reshape3A_3740 : vector<512x128xi1>, vector<512x128xf32>
    %select_n3A_3764 = arith.select %eq3A_3762, %select_n3A_3735, %reshape3A_3745 : vector<512x128xi1>, vector<512x128xf32>
    %and3A_3765 = arith.constant 64 : i32
    %and3A_3766 = vector.broadcast %and3A_3765 : i32 to vector<512x128xi32>
    %and3A_3767 = arith.andi %iota3A_0, %and3A_3766 : vector<512x128xi32>
    %eq3A_3768 = arith.constant 0 : i32
    %eq3A_3769 = vector.broadcast %eq3A_3768 : i32 to vector<512x128xi32>
    %eq3A_3770 = arith.cmpi eq, %and3A_3767, %eq3A_3769 : vector<512x128xi32>
    %roll3A_3771 = arith.constant 64 : i32
    %roll3A_3772 = tpu.dynamic_rotate %select_n3A_3763 by %roll3A_3771 dim 1 : vector<512x128xf32>, i32 -> vector<512x128xf32>
    %roll3A_3773 = arith.constant 64 : i32
    %roll3A_3774 = tpu.dynamic_rotate %select_n3A_3763 by %roll3A_3773 dim 1 : vector<512x128xf32>, i32 -> vector<512x128xf32>
    %select_n3A_3775 = arith.select %eq3A_3770, %roll3A_3772, %roll3A_3774 : vector<512x128xi1>, vector<512x128xf32>
    %and3A_3776 = arith.constant 64 : i32
    %and3A_3777 = vector.broadcast %and3A_3776 : i32 to vector<512x128xi32>
    %and3A_3778 = arith.andi %iota3A_0, %and3A_3777 : vector<512x128xi32>
    %eq3A_3779 = arith.constant 0 : i32
    %eq3A_3780 = vector.broadcast %eq3A_3779 : i32 to vector<512x128xi32>
    %eq3A_3781 = arith.cmpi eq, %and3A_3778, %eq3A_3780 : vector<512x128xi32>
    %roll3A_3782 = arith.constant 64 : i32
    %roll3A_3783 = tpu.dynamic_rotate %select_n3A_3764 by %roll3A_3782 dim 1 : vector<512x128xf32>, i32 -> vector<512x128xf32>
    %roll3A_3784 = arith.constant 64 : i32
    %roll3A_3785 = tpu.dynamic_rotate %select_n3A_3764 by %roll3A_3784 dim 1 : vector<512x128xf32>, i32 -> vector<512x128xf32>
    %select_n3A_3786 = arith.select %eq3A_3781, %roll3A_3783, %roll3A_3785 : vector<512x128xi1>, vector<512x128xf32>
    %and3A_3787 = arith.constant 64 : i32
    %and3A_3788 = vector.broadcast %and3A_3787 : i32 to vector<512x128xi32>
    %and3A_3789 = arith.andi %iota3A_0, %and3A_3788 : vector<512x128xi32>
    %eq3A_3790 = arith.constant 0 : i32
    %eq3A_3791 = vector.broadcast %eq3A_3790 : i32 to vector<512x128xi32>
    %eq3A_3792 = arith.cmpi eq, %and3A_3789, %eq3A_3791 : vector<512x128xi32>
    %gt3A_3793 = arith.cmpf ogt, %select_n3A_3763, %select_n3A_3775 : vector<512x128xf32>
    %eq3A_3794 = arith.cmpf oeq, %select_n3A_3763, %select_n3A_3775 : vector<512x128xf32>
    %lt3A_3795 = arith.cmpf olt, %select_n3A_3764, %select_n3A_3786 : vector<512x128xf32>
    %and3A_3796 = arith.andi %eq3A_3794, %lt3A_3795 : vector<512x128xi1>
    %or3A_3797 = arith.ori %gt3A_3793, %and3A_3796 : vector<512x128xi1>
    %eq3A_3798 = arith.xori %eq3A_3792, %eq3A_3561 : vector<512x128xi1>
    %eq3A_3799 = arith.constant dense<true> : vector<512x128xi1>
    %eq3A_3800 = arith.xori %eq3A_3798, %eq3A_3799 : vector<512x128xi1>
    %eq3A_3801 = arith.xori %or3A_3797, %eq3A_3800 : vector<512x128xi1>
    %eq3A_3802 = arith.constant dense<true> : vector<512x128xi1>
    %eq3A_3803 = arith.xori %eq3A_3801, %eq3A_3802 : vector<512x128xi1>
    %select_n3A_3804 = arith.select %eq3A_3803, %select_n3A_3763, %select_n3A_3775 : vector<512x128xi1>, vector<512x128xf32>
    %select_n3A_3805 = arith.select %eq3A_3803, %select_n3A_3764, %select_n3A_3786 : vector<512x128xi1>, vector<512x128xf32>
    %and3A_3806 = arith.constant 32 : i32
    %and3A_3807 = vector.broadcast %and3A_3806 : i32 to vector<512x128xi32>
    %and3A_3808 = arith.andi %iota3A_0, %and3A_3807 : vector<512x128xi32>
    %eq3A_3809 = arith.constant 0 : i32
    %eq3A_3810 = vector.broadcast %eq3A_3809 : i32 to vector<512x128xi32>
    %eq3A_3811 = arith.cmpi eq, %and3A_3808, %eq3A_3810 : vector<512x128xi32>
    %roll3A_3812 = arith.constant 96 : i32
    %roll3A_3813 = tpu.dynamic_rotate %select_n3A_3804 by %roll3A_3812 dim 1 : vector<512x128xf32>, i32 -> vector<512x128xf32>
    %roll3A_3814 = arith.constant 32 : i32
    %roll3A_3815 = tpu.dynamic_rotate %select_n3A_3804 by %roll3A_3814 dim 1 : vector<512x128xf32>, i32 -> vector<512x128xf32>
    %select_n3A_3816 = arith.select %eq3A_3811, %roll3A_3813, %roll3A_3815 : vector<512x128xi1>, vector<512x128xf32>
    %and3A_3817 = arith.constant 32 : i32
    %and3A_3818 = vector.broadcast %and3A_3817 : i32 to vector<512x128xi32>
    %and3A_3819 = arith.andi %iota3A_0, %and3A_3818 : vector<512x128xi32>
    %eq3A_3820 = arith.constant 0 : i32
    %eq3A_3821 = vector.broadcast %eq3A_3820 : i32 to vector<512x128xi32>
    %eq3A_3822 = arith.cmpi eq, %and3A_3819, %eq3A_3821 : vector<512x128xi32>
    %roll3A_3823 = arith.constant 96 : i32
    %roll3A_3824 = tpu.dynamic_rotate %select_n3A_3805 by %roll3A_3823 dim 1 : vector<512x128xf32>, i32 -> vector<512x128xf32>
    %roll3A_3825 = arith.constant 32 : i32
    %roll3A_3826 = tpu.dynamic_rotate %select_n3A_3805 by %roll3A_3825 dim 1 : vector<512x128xf32>, i32 -> vector<512x128xf32>
    %select_n3A_3827 = arith.select %eq3A_3822, %roll3A_3824, %roll3A_3826 : vector<512x128xi1>, vector<512x128xf32>
    %and3A_3828 = arith.constant 32 : i32
    %and3A_3829 = vector.broadcast %and3A_3828 : i32 to vector<512x128xi32>
    %and3A_3830 = arith.andi %iota3A_0, %and3A_3829 : vector<512x128xi32>
    %eq3A_3831 = arith.constant 0 : i32
    %eq3A_3832 = vector.broadcast %eq3A_3831 : i32 to vector<512x128xi32>
    %eq3A_3833 = arith.cmpi eq, %and3A_3830, %eq3A_3832 : vector<512x128xi32>
    %gt3A_3834 = arith.cmpf ogt, %select_n3A_3804, %select_n3A_3816 : vector<512x128xf32>
    %eq3A_3835 = arith.cmpf oeq, %select_n3A_3804, %select_n3A_3816 : vector<512x128xf32>
    %lt3A_3836 = arith.cmpf olt, %select_n3A_3805, %select_n3A_3827 : vector<512x128xf32>
    %and3A_3837 = arith.andi %eq3A_3835, %lt3A_3836 : vector<512x128xi1>
    %or3A_3838 = arith.ori %gt3A_3834, %and3A_3837 : vector<512x128xi1>
    %eq3A_3839 = arith.xori %eq3A_3833, %eq3A_3561 : vector<512x128xi1>
    %eq3A_3840 = arith.constant dense<true> : vector<512x128xi1>
    %eq3A_3841 = arith.xori %eq3A_3839, %eq3A_3840 : vector<512x128xi1>
    %eq3A_3842 = arith.xori %or3A_3838, %eq3A_3841 : vector<512x128xi1>
    %eq3A_3843 = arith.constant dense<true> : vector<512x128xi1>
    %eq3A_3844 = arith.xori %eq3A_3842, %eq3A_3843 : vector<512x128xi1>
    %select_n3A_3845 = arith.select %eq3A_3844, %select_n3A_3804, %select_n3A_3816 : vector<512x128xi1>, vector<512x128xf32>
    %select_n3A_3846 = arith.select %eq3A_3844, %select_n3A_3805, %select_n3A_3827 : vector<512x128xi1>, vector<512x128xf32>
    %and3A_3847 = arith.constant 16 : i32
    %and3A_3848 = vector.broadcast %and3A_3847 : i32 to vector<512x128xi32>
    %and3A_3849 = arith.andi %iota3A_0, %and3A_3848 : vector<512x128xi32>
    %eq3A_3850 = arith.constant 0 : i32
    %eq3A_3851 = vector.broadcast %eq3A_3850 : i32 to vector<512x128xi32>
    %eq3A_3852 = arith.cmpi eq, %and3A_3849, %eq3A_3851 : vector<512x128xi32>
    %roll3A_3853 = arith.constant 112 : i32
    %roll3A_3854 = tpu.dynamic_rotate %select_n3A_3845 by %roll3A_3853 dim 1 : vector<512x128xf32>, i32 -> vector<512x128xf32>
    %roll3A_3855 = arith.constant 16 : i32
    %roll3A_3856 = tpu.dynamic_rotate %select_n3A_3845 by %roll3A_3855 dim 1 : vector<512x128xf32>, i32 -> vector<512x128xf32>
    %select_n3A_3857 = arith.select %eq3A_3852, %roll3A_3854, %roll3A_3856 : vector<512x128xi1>, vector<512x128xf32>
    %and3A_3858 = arith.constant 16 : i32
    %and3A_3859 = vector.broadcast %and3A_3858 : i32 to vector<512x128xi32>
    %and3A_3860 = arith.andi %iota3A_0, %and3A_3859 : vector<512x128xi32>
    %eq3A_3861 = arith.constant 0 : i32
    %eq3A_3862 = vector.broadcast %eq3A_3861 : i32 to vector<512x128xi32>
    %eq3A_3863 = arith.cmpi eq, %and3A_3860, %eq3A_3862 : vector<512x128xi32>
    %roll3A_3864 = arith.constant 112 : i32
    %roll3A_3865 = tpu.dynamic_rotate %select_n3A_3846 by %roll3A_3864 dim 1 : vector<512x128xf32>, i32 -> vector<512x128xf32>
    %roll3A_3866 = arith.constant 16 : i32
    %roll3A_3867 = tpu.dynamic_rotate %select_n3A_3846 by %roll3A_3866 dim 1 : vector<512x128xf32>, i32 -> vector<512x128xf32>
    %select_n3A_3868 = arith.select %eq3A_3863, %roll3A_3865, %roll3A_3867 : vector<512x128xi1>, vector<512x128xf32>
    %and3A_3869 = arith.constant 16 : i32
    %and3A_3870 = vector.broadcast %and3A_3869 : i32 to vector<512x128xi32>
    %and3A_3871 = arith.andi %iota3A_0, %and3A_3870 : vector<512x128xi32>
    %eq3A_3872 = arith.constant 0 : i32
    %eq3A_3873 = vector.broadcast %eq3A_3872 : i32 to vector<512x128xi32>
    %eq3A_3874 = arith.cmpi eq, %and3A_3871, %eq3A_3873 : vector<512x128xi32>
    %gt3A_3875 = arith.cmpf ogt, %select_n3A_3845, %select_n3A_3857 : vector<512x128xf32>
    %eq3A_3876 = arith.cmpf oeq, %select_n3A_3845, %select_n3A_3857 : vector<512x128xf32>
    %lt3A_3877 = arith.cmpf olt, %select_n3A_3846, %select_n3A_3868 : vector<512x128xf32>
    %and3A_3878 = arith.andi %eq3A_3876, %lt3A_3877 : vector<512x128xi1>
    %or3A_3879 = arith.ori %gt3A_3875, %and3A_3878 : vector<512x128xi1>
    %eq3A_3880 = arith.xori %eq3A_3874, %eq3A_3561 : vector<512x128xi1>
    %eq3A_3881 = arith.constant dense<true> : vector<512x128xi1>
    %eq3A_3882 = arith.xori %eq3A_3880, %eq3A_3881 : vector<512x128xi1>
    %eq3A_3883 = arith.xori %or3A_3879, %eq3A_3882 : vector<512x128xi1>
    %eq3A_3884 = arith.constant dense<true> : vector<512x128xi1>
    %eq3A_3885 = arith.xori %eq3A_3883, %eq3A_3884 : vector<512x128xi1>
    %select_n3A_3886 = arith.select %eq3A_3885, %select_n3A_3845, %select_n3A_3857 : vector<512x128xi1>, vector<512x128xf32>
    %select_n3A_3887 = arith.select %eq3A_3885, %select_n3A_3846, %select_n3A_3868 : vector<512x128xi1>, vector<512x128xf32>
    %and3A_3888 = arith.constant 8 : i32
    %and3A_3889 = vector.broadcast %and3A_3888 : i32 to vector<512x128xi32>
    %and3A_3890 = arith.andi %iota3A_0, %and3A_3889 : vector<512x128xi32>
    %eq3A_3891 = arith.constant 0 : i32
    %eq3A_3892 = vector.broadcast %eq3A_3891 : i32 to vector<512x128xi32>
    %eq3A_3893 = arith.cmpi eq, %and3A_3890, %eq3A_3892 : vector<512x128xi32>
    %roll3A_3894 = arith.constant 120 : i32
    %roll3A_3895 = tpu.dynamic_rotate %select_n3A_3886 by %roll3A_3894 dim 1 : vector<512x128xf32>, i32 -> vector<512x128xf32>
    %roll3A_3896 = arith.constant 8 : i32
    %roll3A_3897 = tpu.dynamic_rotate %select_n3A_3886 by %roll3A_3896 dim 1 : vector<512x128xf32>, i32 -> vector<512x128xf32>
    %select_n3A_3898 = arith.select %eq3A_3893, %roll3A_3895, %roll3A_3897 : vector<512x128xi1>, vector<512x128xf32>
    %and3A_3899 = arith.constant 8 : i32
    %and3A_3900 = vector.broadcast %and3A_3899 : i32 to vector<512x128xi32>
    %and3A_3901 = arith.andi %iota3A_0, %and3A_3900 : vector<512x128xi32>
    %eq3A_3902 = arith.constant 0 : i32
    %eq3A_3903 = vector.broadcast %eq3A_3902 : i32 to vector<512x128xi32>
    %eq3A_3904 = arith.cmpi eq, %and3A_3901, %eq3A_3903 : vector<512x128xi32>
    %roll3A_3905 = arith.constant 120 : i32
    %roll3A_3906 = tpu.dynamic_rotate %select_n3A_3887 by %roll3A_3905 dim 1 : vector<512x128xf32>, i32 -> vector<512x128xf32>
    %roll3A_3907 = arith.constant 8 : i32
    %roll3A_3908 = tpu.dynamic_rotate %select_n3A_3887 by %roll3A_3907 dim 1 : vector<512x128xf32>, i32 -> vector<512x128xf32>
    %select_n3A_3909 = arith.select %eq3A_3904, %roll3A_3906, %roll3A_3908 : vector<512x128xi1>, vector<512x128xf32>
    %and3A_3910 = arith.constant 8 : i32
    %and3A_3911 = vector.broadcast %and3A_3910 : i32 to vector<512x128xi32>
    %and3A_3912 = arith.andi %iota3A_0, %and3A_3911 : vector<512x128xi32>
    %eq3A_3913 = arith.constant 0 : i32
    %eq3A_3914 = vector.broadcast %eq3A_3913 : i32 to vector<512x128xi32>
    %eq3A_3915 = arith.cmpi eq, %and3A_3912, %eq3A_3914 : vector<512x128xi32>
    %gt3A_3916 = arith.cmpf ogt, %select_n3A_3886, %select_n3A_3898 : vector<512x128xf32>
    %eq3A_3917 = arith.cmpf oeq, %select_n3A_3886, %select_n3A_3898 : vector<512x128xf32>
    %lt3A_3918 = arith.cmpf olt, %select_n3A_3887, %select_n3A_3909 : vector<512x128xf32>
    %and3A_3919 = arith.andi %eq3A_3917, %lt3A_3918 : vector<512x128xi1>
    %or3A_3920 = arith.ori %gt3A_3916, %and3A_3919 : vector<512x128xi1>
    %eq3A_3921 = arith.xori %eq3A_3915, %eq3A_3561 : vector<512x128xi1>
    %eq3A_3922 = arith.constant dense<true> : vector<512x128xi1>
    %eq3A_3923 = arith.xori %eq3A_3921, %eq3A_3922 : vector<512x128xi1>
    %eq3A_3924 = arith.xori %or3A_3920, %eq3A_3923 : vector<512x128xi1>
    %eq3A_3925 = arith.constant dense<true> : vector<512x128xi1>
    %eq3A_3926 = arith.xori %eq3A_3924, %eq3A_3925 : vector<512x128xi1>
    %select_n3A_3927 = arith.select %eq3A_3926, %select_n3A_3886, %select_n3A_3898 : vector<512x128xi1>, vector<512x128xf32>
    %select_n3A_3928 = arith.select %eq3A_3926, %select_n3A_3887, %select_n3A_3909 : vector<512x128xi1>, vector<512x128xf32>
    %and3A_3929 = arith.constant 4 : i32
    %and3A_3930 = vector.broadcast %and3A_3929 : i32 to vector<512x128xi32>
    %and3A_3931 = arith.andi %iota3A_0, %and3A_3930 : vector<512x128xi32>
    %eq3A_3932 = arith.constant 0 : i32
    %eq3A_3933 = vector.broadcast %eq3A_3932 : i32 to vector<512x128xi32>
    %eq3A_3934 = arith.cmpi eq, %and3A_3931, %eq3A_3933 : vector<512x128xi32>
    %roll3A_3935 = arith.constant 124 : i32
    %roll3A_3936 = tpu.dynamic_rotate %select_n3A_3927 by %roll3A_3935 dim 1 : vector<512x128xf32>, i32 -> vector<512x128xf32>
    %roll3A_3937 = arith.constant 4 : i32
    %roll3A_3938 = tpu.dynamic_rotate %select_n3A_3927 by %roll3A_3937 dim 1 : vector<512x128xf32>, i32 -> vector<512x128xf32>
    %select_n3A_3939 = arith.select %eq3A_3934, %roll3A_3936, %roll3A_3938 : vector<512x128xi1>, vector<512x128xf32>
    %and3A_3940 = arith.constant 4 : i32
    %and3A_3941 = vector.broadcast %and3A_3940 : i32 to vector<512x128xi32>
    %and3A_3942 = arith.andi %iota3A_0, %and3A_3941 : vector<512x128xi32>
    %eq3A_3943 = arith.constant 0 : i32
    %eq3A_3944 = vector.broadcast %eq3A_3943 : i32 to vector<512x128xi32>
    %eq3A_3945 = arith.cmpi eq, %and3A_3942, %eq3A_3944 : vector<512x128xi32>
    %roll3A_3946 = arith.constant 124 : i32
    %roll3A_3947 = tpu.dynamic_rotate %select_n3A_3928 by %roll3A_3946 dim 1 : vector<512x128xf32>, i32 -> vector<512x128xf32>
    %roll3A_3948 = arith.constant 4 : i32
    %roll3A_3949 = tpu.dynamic_rotate %select_n3A_3928 by %roll3A_3948 dim 1 : vector<512x128xf32>, i32 -> vector<512x128xf32>
    %select_n3A_3950 = arith.select %eq3A_3945, %roll3A_3947, %roll3A_3949 : vector<512x128xi1>, vector<512x128xf32>
    %and3A_3951 = arith.constant 4 : i32
    %and3A_3952 = vector.broadcast %and3A_3951 : i32 to vector<512x128xi32>
    %and3A_3953 = arith.andi %iota3A_0, %and3A_3952 : vector<512x128xi32>
    %eq3A_3954 = arith.constant 0 : i32
    %eq3A_3955 = vector.broadcast %eq3A_3954 : i32 to vector<512x128xi32>
    %eq3A_3956 = arith.cmpi eq, %and3A_3953, %eq3A_3955 : vector<512x128xi32>
    %gt3A_3957 = arith.cmpf ogt, %select_n3A_3927, %select_n3A_3939 : vector<512x128xf32>
    %eq3A_3958 = arith.cmpf oeq, %select_n3A_3927, %select_n3A_3939 : vector<512x128xf32>
    %lt3A_3959 = arith.cmpf olt, %select_n3A_3928, %select_n3A_3950 : vector<512x128xf32>
    %and3A_3960 = arith.andi %eq3A_3958, %lt3A_3959 : vector<512x128xi1>
    %or3A_3961 = arith.ori %gt3A_3957, %and3A_3960 : vector<512x128xi1>
    %eq3A_3962 = arith.xori %eq3A_3956, %eq3A_3561 : vector<512x128xi1>
    %eq3A_3963 = arith.constant dense<true> : vector<512x128xi1>
    %eq3A_3964 = arith.xori %eq3A_3962, %eq3A_3963 : vector<512x128xi1>
    %eq3A_3965 = arith.xori %or3A_3961, %eq3A_3964 : vector<512x128xi1>
    %eq3A_3966 = arith.constant dense<true> : vector<512x128xi1>
    %eq3A_3967 = arith.xori %eq3A_3965, %eq3A_3966 : vector<512x128xi1>
    %select_n3A_3968 = arith.select %eq3A_3967, %select_n3A_3927, %select_n3A_3939 : vector<512x128xi1>, vector<512x128xf32>
    %select_n3A_3969 = arith.select %eq3A_3967, %select_n3A_3928, %select_n3A_3950 : vector<512x128xi1>, vector<512x128xf32>
    %and3A_3970 = arith.constant 2 : i32
    %and3A_3971 = vector.broadcast %and3A_3970 : i32 to vector<512x128xi32>
    %and3A_3972 = arith.andi %iota3A_0, %and3A_3971 : vector<512x128xi32>
    %eq3A_3973 = arith.constant 0 : i32
    %eq3A_3974 = vector.broadcast %eq3A_3973 : i32 to vector<512x128xi32>
    %eq3A_3975 = arith.cmpi eq, %and3A_3972, %eq3A_3974 : vector<512x128xi32>
    %roll3A_3976 = arith.constant 126 : i32
    %roll3A_3977 = tpu.dynamic_rotate %select_n3A_3968 by %roll3A_3976 dim 1 : vector<512x128xf32>, i32 -> vector<512x128xf32>
    %roll3A_3978 = arith.constant 2 : i32
    %roll3A_3979 = tpu.dynamic_rotate %select_n3A_3968 by %roll3A_3978 dim 1 : vector<512x128xf32>, i32 -> vector<512x128xf32>
    %select_n3A_3980 = arith.select %eq3A_3975, %roll3A_3977, %roll3A_3979 : vector<512x128xi1>, vector<512x128xf32>
    %and3A_3981 = arith.constant 2 : i32
    %and3A_3982 = vector.broadcast %and3A_3981 : i32 to vector<512x128xi32>
    %and3A_3983 = arith.andi %iota3A_0, %and3A_3982 : vector<512x128xi32>
    %eq3A_3984 = arith.constant 0 : i32
    %eq3A_3985 = vector.broadcast %eq3A_3984 : i32 to vector<512x128xi32>
    %eq3A_3986 = arith.cmpi eq, %and3A_3983, %eq3A_3985 : vector<512x128xi32>
    %roll3A_3987 = arith.constant 126 : i32
    %roll3A_3988 = tpu.dynamic_rotate %select_n3A_3969 by %roll3A_3987 dim 1 : vector<512x128xf32>, i32 -> vector<512x128xf32>
    %roll3A_3989 = arith.constant 2 : i32
    %roll3A_3990 = tpu.dynamic_rotate %select_n3A_3969 by %roll3A_3989 dim 1 : vector<512x128xf32>, i32 -> vector<512x128xf32>
    %select_n3A_3991 = arith.select %eq3A_3986, %roll3A_3988, %roll3A_3990 : vector<512x128xi1>, vector<512x128xf32>
    %and3A_3992 = arith.constant 2 : i32
    %and3A_3993 = vector.broadcast %and3A_3992 : i32 to vector<512x128xi32>
    %and3A_3994 = arith.andi %iota3A_0, %and3A_3993 : vector<512x128xi32>
    %eq3A_3995 = arith.constant 0 : i32
    %eq3A_3996 = vector.broadcast %eq3A_3995 : i32 to vector<512x128xi32>
    %eq3A_3997 = arith.cmpi eq, %and3A_3994, %eq3A_3996 : vector<512x128xi32>
    %gt3A_3998 = arith.cmpf ogt, %select_n3A_3968, %select_n3A_3980 : vector<512x128xf32>
    %eq3A_3999 = arith.cmpf oeq, %select_n3A_3968, %select_n3A_3980 : vector<512x128xf32>
    %lt3A_4000 = arith.cmpf olt, %select_n3A_3969, %select_n3A_3991 : vector<512x128xf32>
    %and3A_4001 = arith.andi %eq3A_3999, %lt3A_4000 : vector<512x128xi1>
    %or3A_4002 = arith.ori %gt3A_3998, %and3A_4001 : vector<512x128xi1>
    %eq3A_4003 = arith.xori %eq3A_3997, %eq3A_3561 : vector<512x128xi1>
    %eq3A_4004 = arith.constant dense<true> : vector<512x128xi1>
    %eq3A_4005 = arith.xori %eq3A_4003, %eq3A_4004 : vector<512x128xi1>
    %eq3A_4006 = arith.xori %or3A_4002, %eq3A_4005 : vector<512x128xi1>
    %eq3A_4007 = arith.constant dense<true> : vector<512x128xi1>
    %eq3A_4008 = arith.xori %eq3A_4006, %eq3A_4007 : vector<512x128xi1>
    %select_n3A_4009 = arith.select %eq3A_4008, %select_n3A_3968, %select_n3A_3980 : vector<512x128xi1>, vector<512x128xf32>
    %select_n3A_4010 = arith.select %eq3A_4008, %select_n3A_3969, %select_n3A_3991 : vector<512x128xi1>, vector<512x128xf32>
    %and3A_4011 = arith.constant 1 : i32
    %and3A_4012 = vector.broadcast %and3A_4011 : i32 to vector<512x128xi32>
    %and3A_4013 = arith.andi %iota3A_0, %and3A_4012 : vector<512x128xi32>
    %eq3A_4014 = arith.constant 0 : i32
    %eq3A_4015 = vector.broadcast %eq3A_4014 : i32 to vector<512x128xi32>
    %eq3A_4016 = arith.cmpi eq, %and3A_4013, %eq3A_4015 : vector<512x128xi32>
    %roll3A_4017 = arith.constant 127 : i32
    %roll3A_4018 = tpu.dynamic_rotate %select_n3A_4009 by %roll3A_4017 dim 1 : vector<512x128xf32>, i32 -> vector<512x128xf32>
    %roll3A_4019 = arith.constant 1 : i32
    %roll3A_4020 = tpu.dynamic_rotate %select_n3A_4009 by %roll3A_4019 dim 1 : vector<512x128xf32>, i32 -> vector<512x128xf32>
    %select_n3A_4021 = arith.select %eq3A_4016, %roll3A_4018, %roll3A_4020 : vector<512x128xi1>, vector<512x128xf32>
    %and3A_4022 = arith.constant 1 : i32
    %and3A_4023 = vector.broadcast %and3A_4022 : i32 to vector<512x128xi32>
    %and3A_4024 = arith.andi %iota3A_0, %and3A_4023 : vector<512x128xi32>
    %eq3A_4025 = arith.constant 0 : i32
    %eq3A_4026 = vector.broadcast %eq3A_4025 : i32 to vector<512x128xi32>
    %eq3A_4027 = arith.cmpi eq, %and3A_4024, %eq3A_4026 : vector<512x128xi32>
    %roll3A_4028 = arith.constant 127 : i32
    %roll3A_4029 = tpu.dynamic_rotate %select_n3A_4010 by %roll3A_4028 dim 1 : vector<512x128xf32>, i32 -> vector<512x128xf32>
    %roll3A_4030 = arith.constant 1 : i32
    %roll3A_4031 = tpu.dynamic_rotate %select_n3A_4010 by %roll3A_4030 dim 1 : vector<512x128xf32>, i32 -> vector<512x128xf32>
    %select_n3A_4032 = arith.select %eq3A_4027, %roll3A_4029, %roll3A_4031 : vector<512x128xi1>, vector<512x128xf32>
    %and3A_4033 = arith.constant 1 : i32
    %and3A_4034 = vector.broadcast %and3A_4033 : i32 to vector<512x128xi32>
    %and3A_4035 = arith.andi %iota3A_0, %and3A_4034 : vector<512x128xi32>
    %eq3A_4036 = arith.constant 0 : i32
    %eq3A_4037 = vector.broadcast %eq3A_4036 : i32 to vector<512x128xi32>
    %eq3A_4038 = arith.cmpi eq, %and3A_4035, %eq3A_4037 : vector<512x128xi32>
    %gt3A_4039 = arith.cmpf ogt, %select_n3A_4009, %select_n3A_4021 : vector<512x128xf32>
    %eq3A_4040 = arith.cmpf oeq, %select_n3A_4009, %select_n3A_4021 : vector<512x128xf32>
    %lt3A_4041 = arith.cmpf olt, %select_n3A_4010, %select_n3A_4032 : vector<512x128xf32>
    %and3A_4042 = arith.andi %eq3A_4040, %lt3A_4041 : vector<512x128xi1>
    %or3A_4043 = arith.ori %gt3A_4039, %and3A_4042 : vector<512x128xi1>
    %eq3A_4044 = arith.xori %eq3A_4038, %eq3A_3561 : vector<512x128xi1>
    %eq3A_4045 = arith.constant dense<true> : vector<512x128xi1>
    %eq3A_4046 = arith.xori %eq3A_4044, %eq3A_4045 : vector<512x128xi1>
    %eq3A_4047 = arith.xori %or3A_4043, %eq3A_4046 : vector<512x128xi1>
    %eq3A_4048 = arith.constant dense<true> : vector<512x128xi1>
    %eq3A_4049 = arith.xori %eq3A_4047, %eq3A_4048 : vector<512x128xi1>
    %select_n3A_4050 = arith.select %eq3A_4049, %select_n3A_4009, %select_n3A_4021 : vector<512x128xi1>, vector<512x128xf32>
    %select_n3A_4051 = arith.select %eq3A_4049, %select_n3A_4010, %select_n3A_4032 : vector<512x128xi1>, vector<512x128xf32>
    %and3A_4052 = arith.constant 256 : i32
    %and3A_4053 = vector.broadcast %and3A_4052 : i32 to vector<512x128xi32>
    %and3A_4054 = arith.andi %iota3A, %and3A_4053 : vector<512x128xi32>
    %eq3A_4055 = arith.constant 0 : i32
    %eq3A_4056 = vector.broadcast %eq3A_4055 : i32 to vector<512x128xi32>
    %eq3A_4057 = arith.cmpi eq, %and3A_4054, %eq3A_4056 : vector<512x128xi32>
    %reshape3A_4058 = vector.shape_cast %select_n3A_4050 : vector<512x128xf32> to vector<2x2x128x128xf32>
    %slice3A_4059 = vector.extract_strided_slice %reshape3A_4058 {offsets = [0, 1, 0, 0], sizes = [2, 1, 128, 128], strides = [1, 1, 1, 1]} : vector<2x2x128x128xf32> to vector<2x1x128x128xf32>
    %slice3A_4060 = vector.extract_strided_slice %reshape3A_4058 {offsets = [0, 0, 0, 0], sizes = [2, 1, 128, 128], strides = [1, 1, 1, 1]} : vector<2x2x128x128xf32> to vector<2x1x128x128xf32>
    %concatenate3A_4061 = tpu.concatenate %slice3A_4059, %slice3A_4060 in 1 : vector<2x1x128x128xf32>, vector<2x1x128x128xf32> -> vector<2x2x128x128xf32>
    %reshape3A_4062 = vector.shape_cast %concatenate3A_4061 : vector<2x2x128x128xf32> to vector<512x128xf32>
    %reshape3A_4063 = vector.shape_cast %select_n3A_4051 : vector<512x128xf32> to vector<2x2x128x128xf32>
    %slice3A_4064 = vector.extract_strided_slice %reshape3A_4063 {offsets = [0, 1, 0, 0], sizes = [2, 1, 128, 128], strides = [1, 1, 1, 1]} : vector<2x2x128x128xf32> to vector<2x1x128x128xf32>
    %slice3A_4065 = vector.extract_strided_slice %reshape3A_4063 {offsets = [0, 0, 0, 0], sizes = [2, 1, 128, 128], strides = [1, 1, 1, 1]} : vector<2x2x128x128xf32> to vector<2x1x128x128xf32>
    %concatenate3A_4066 = tpu.concatenate %slice3A_4064, %slice3A_4065 in 1 : vector<2x1x128x128xf32>, vector<2x1x128x128xf32> -> vector<2x2x128x128xf32>
    %reshape3A_4067 = vector.shape_cast %concatenate3A_4066 : vector<2x2x128x128xf32> to vector<512x128xf32>
    %and3A_4068 = arith.constant 128 : i32
    %and3A_4069 = vector.broadcast %and3A_4068 : i32 to vector<512x128xi32>
    %and3A_4070 = arith.andi %iota3A, %and3A_4069 : vector<512x128xi32>
    %eq3A_4071 = arith.constant 0 : i32
    %eq3A_4072 = vector.broadcast %eq3A_4071 : i32 to vector<512x128xi32>
    %eq3A_4073 = arith.cmpi eq, %and3A_4070, %eq3A_4072 : vector<512x128xi32>
    %gt3A_4074 = arith.cmpf ogt, %select_n3A_4050, %reshape3A_4062 : vector<512x128xf32>
    %eq3A_4075 = arith.cmpf oeq, %select_n3A_4050, %reshape3A_4062 : vector<512x128xf32>
    %lt3A_4076 = arith.cmpf olt, %select_n3A_4051, %reshape3A_4067 : vector<512x128xf32>
    %and3A_4077 = arith.andi %eq3A_4075, %lt3A_4076 : vector<512x128xi1>
    %or3A_4078 = arith.ori %gt3A_4074, %and3A_4077 : vector<512x128xi1>
    %eq3A_4079 = arith.xori %eq3A_4073, %eq3A_4057 : vector<512x128xi1>
    %eq3A_4080 = arith.constant dense<true> : vector<512x128xi1>
    %eq3A_4081 = arith.xori %eq3A_4079, %eq3A_4080 : vector<512x128xi1>
    %eq3A_4082 = arith.xori %or3A_4078, %eq3A_4081 : vector<512x128xi1>
    %eq3A_4083 = arith.constant dense<true> : vector<512x128xi1>
    %eq3A_4084 = arith.xori %eq3A_4082, %eq3A_4083 : vector<512x128xi1>
    %select_n3A_4085 = arith.select %eq3A_4084, %select_n3A_4050, %reshape3A_4062 : vector<512x128xi1>, vector<512x128xf32>
    %select_n3A_4086 = arith.select %eq3A_4084, %select_n3A_4051, %reshape3A_4067 : vector<512x128xi1>, vector<512x128xf32>
    %reshape3A_4087 = vector.shape_cast %select_n3A_4085 : vector<512x128xf32> to vector<4x2x64x128xf32>
    %slice3A_4088 = vector.extract_strided_slice %reshape3A_4087 {offsets = [0, 1, 0, 0], sizes = [4, 1, 64, 128], strides = [1, 1, 1, 1]} : vector<4x2x64x128xf32> to vector<4x1x64x128xf32>
    %slice3A_4089 = vector.extract_strided_slice %reshape3A_4087 {offsets = [0, 0, 0, 0], sizes = [4, 1, 64, 128], strides = [1, 1, 1, 1]} : vector<4x2x64x128xf32> to vector<4x1x64x128xf32>
    %concatenate3A_4090 = tpu.concatenate %slice3A_4088, %slice3A_4089 in 1 : vector<4x1x64x128xf32>, vector<4x1x64x128xf32> -> vector<4x2x64x128xf32>
    %reshape3A_4091 = vector.shape_cast %concatenate3A_4090 : vector<4x2x64x128xf32> to vector<512x128xf32>
    %reshape3A_4092 = vector.shape_cast %select_n3A_4086 : vector<512x128xf32> to vector<4x2x64x128xf32>
    %slice3A_4093 = vector.extract_strided_slice %reshape3A_4092 {offsets = [0, 1, 0, 0], sizes = [4, 1, 64, 128], strides = [1, 1, 1, 1]} : vector<4x2x64x128xf32> to vector<4x1x64x128xf32>
    %slice3A_4094 = vector.extract_strided_slice %reshape3A_4092 {offsets = [0, 0, 0, 0], sizes = [4, 1, 64, 128], strides = [1, 1, 1, 1]} : vector<4x2x64x128xf32> to vector<4x1x64x128xf32>
    %concatenate3A_4095 = tpu.concatenate %slice3A_4093, %slice3A_4094 in 1 : vector<4x1x64x128xf32>, vector<4x1x64x128xf32> -> vector<4x2x64x128xf32>
    %reshape3A_4096 = vector.shape_cast %concatenate3A_4095 : vector<4x2x64x128xf32> to vector<512x128xf32>
    %and3A_4097 = arith.constant 64 : i32
    %and3A_4098 = vector.broadcast %and3A_4097 : i32 to vector<512x128xi32>
    %and3A_4099 = arith.andi %iota3A, %and3A_4098 : vector<512x128xi32>
    %eq3A_4100 = arith.constant 0 : i32
    %eq3A_4101 = vector.broadcast %eq3A_4100 : i32 to vector<512x128xi32>
    %eq3A_4102 = arith.cmpi eq, %and3A_4099, %eq3A_4101 : vector<512x128xi32>
    %gt3A_4103 = arith.cmpf ogt, %select_n3A_4085, %reshape3A_4091 : vector<512x128xf32>
    %eq3A_4104 = arith.cmpf oeq, %select_n3A_4085, %reshape3A_4091 : vector<512x128xf32>
    %lt3A_4105 = arith.cmpf olt, %select_n3A_4086, %reshape3A_4096 : vector<512x128xf32>
    %and3A_4106 = arith.andi %eq3A_4104, %lt3A_4105 : vector<512x128xi1>
    %or3A_4107 = arith.ori %gt3A_4103, %and3A_4106 : vector<512x128xi1>
    %eq3A_4108 = arith.xori %eq3A_4102, %eq3A_4057 : vector<512x128xi1>
    %eq3A_4109 = arith.constant dense<true> : vector<512x128xi1>
    %eq3A_4110 = arith.xori %eq3A_4108, %eq3A_4109 : vector<512x128xi1>
    %eq3A_4111 = arith.xori %or3A_4107, %eq3A_4110 : vector<512x128xi1>
    %eq3A_4112 = arith.constant dense<true> : vector<512x128xi1>
    %eq3A_4113 = arith.xori %eq3A_4111, %eq3A_4112 : vector<512x128xi1>
    %select_n3A_4114 = arith.select %eq3A_4113, %select_n3A_4085, %reshape3A_4091 : vector<512x128xi1>, vector<512x128xf32>
    %select_n3A_4115 = arith.select %eq3A_4113, %select_n3A_4086, %reshape3A_4096 : vector<512x128xi1>, vector<512x128xf32>
    %reshape3A_4116 = vector.shape_cast %select_n3A_4114 : vector<512x128xf32> to vector<8x2x32x128xf32>
    %slice3A_4117 = vector.extract_strided_slice %reshape3A_4116 {offsets = [0, 1, 0, 0], sizes = [8, 1, 32, 128], strides = [1, 1, 1, 1]} : vector<8x2x32x128xf32> to vector<8x1x32x128xf32>
    %slice3A_4118 = vector.extract_strided_slice %reshape3A_4116 {offsets = [0, 0, 0, 0], sizes = [8, 1, 32, 128], strides = [1, 1, 1, 1]} : vector<8x2x32x128xf32> to vector<8x1x32x128xf32>
    %concatenate3A_4119 = tpu.concatenate %slice3A_4117, %slice3A_4118 in 1 : vector<8x1x32x128xf32>, vector<8x1x32x128xf32> -> vector<8x2x32x128xf32>
    %reshape3A_4120 = vector.shape_cast %concatenate3A_4119 : vector<8x2x32x128xf32> to vector<512x128xf32>
    %reshape3A_4121 = vector.shape_cast %select_n3A_4115 : vector<512x128xf32> to vector<8x2x32x128xf32>
    %slice3A_4122 = vector.extract_strided_slice %reshape3A_4121 {offsets = [0, 1, 0, 0], sizes = [8, 1, 32, 128], strides = [1, 1, 1, 1]} : vector<8x2x32x128xf32> to vector<8x1x32x128xf32>
    %slice3A_4123 = vector.extract_strided_slice %reshape3A_4121 {offsets = [0, 0, 0, 0], sizes = [8, 1, 32, 128], strides = [1, 1, 1, 1]} : vector<8x2x32x128xf32> to vector<8x1x32x128xf32>
    %concatenate3A_4124 = tpu.concatenate %slice3A_4122, %slice3A_4123 in 1 : vector<8x1x32x128xf32>, vector<8x1x32x128xf32> -> vector<8x2x32x128xf32>
    %reshape3A_4125 = vector.shape_cast %concatenate3A_4124 : vector<8x2x32x128xf32> to vector<512x128xf32>
    %and3A_4126 = arith.constant 32 : i32
    %and3A_4127 = vector.broadcast %and3A_4126 : i32 to vector<512x128xi32>
    %and3A_4128 = arith.andi %iota3A, %and3A_4127 : vector<512x128xi32>
    %eq3A_4129 = arith.constant 0 : i32
    %eq3A_4130 = vector.broadcast %eq3A_4129 : i32 to vector<512x128xi32>
    %eq3A_4131 = arith.cmpi eq, %and3A_4128, %eq3A_4130 : vector<512x128xi32>
    %gt3A_4132 = arith.cmpf ogt, %select_n3A_4114, %reshape3A_4120 : vector<512x128xf32>
    %eq3A_4133 = arith.cmpf oeq, %select_n3A_4114, %reshape3A_4120 : vector<512x128xf32>
    %lt3A_4134 = arith.cmpf olt, %select_n3A_4115, %reshape3A_4125 : vector<512x128xf32>
    %and3A_4135 = arith.andi %eq3A_4133, %lt3A_4134 : vector<512x128xi1>
    %or3A_4136 = arith.ori %gt3A_4132, %and3A_4135 : vector<512x128xi1>
    %eq3A_4137 = arith.xori %eq3A_4131, %eq3A_4057 : vector<512x128xi1>
    %eq3A_4138 = arith.constant dense<true> : vector<512x128xi1>
    %eq3A_4139 = arith.xori %eq3A_4137, %eq3A_4138 : vector<512x128xi1>
    %eq3A_4140 = arith.xori %or3A_4136, %eq3A_4139 : vector<512x128xi1>
    %eq3A_4141 = arith.constant dense<true> : vector<512x128xi1>
    %eq3A_4142 = arith.xori %eq3A_4140, %eq3A_4141 : vector<512x128xi1>
    %select_n3A_4143 = arith.select %eq3A_4142, %select_n3A_4114, %reshape3A_4120 : vector<512x128xi1>, vector<512x128xf32>
    %select_n3A_4144 = arith.select %eq3A_4142, %select_n3A_4115, %reshape3A_4125 : vector<512x128xi1>, vector<512x128xf32>
    %reshape3A_4145 = vector.shape_cast %select_n3A_4143 : vector<512x128xf32> to vector<16x2x16x128xf32>
    %slice3A_4146 = vector.extract_strided_slice %reshape3A_4145 {offsets = [0, 1, 0, 0], sizes = [16, 1, 16, 128], strides = [1, 1, 1, 1]} : vector<16x2x16x128xf32> to vector<16x1x16x128xf32>
    %slice3A_4147 = vector.extract_strided_slice %reshape3A_4145 {offsets = [0, 0, 0, 0], sizes = [16, 1, 16, 128], strides = [1, 1, 1, 1]} : vector<16x2x16x128xf32> to vector<16x1x16x128xf32>
    %concatenate3A_4148 = tpu.concatenate %slice3A_4146, %slice3A_4147 in 1 : vector<16x1x16x128xf32>, vector<16x1x16x128xf32> -> vector<16x2x16x128xf32>
    %reshape3A_4149 = vector.shape_cast %concatenate3A_4148 : vector<16x2x16x128xf32> to vector<512x128xf32>
    %reshape3A_4150 = vector.shape_cast %select_n3A_4144 : vector<512x128xf32> to vector<16x2x16x128xf32>
    %slice3A_4151 = vector.extract_strided_slice %reshape3A_4150 {offsets = [0, 1, 0, 0], sizes = [16, 1, 16, 128], strides = [1, 1, 1, 1]} : vector<16x2x16x128xf32> to vector<16x1x16x128xf32>
    %slice3A_4152 = vector.extract_strided_slice %reshape3A_4150 {offsets = [0, 0, 0, 0], sizes = [16, 1, 16, 128], strides = [1, 1, 1, 1]} : vector<16x2x16x128xf32> to vector<16x1x16x128xf32>
    %concatenate3A_4153 = tpu.concatenate %slice3A_4151, %slice3A_4152 in 1 : vector<16x1x16x128xf32>, vector<16x1x16x128xf32> -> vector<16x2x16x128xf32>
    %reshape3A_4154 = vector.shape_cast %concatenate3A_4153 : vector<16x2x16x128xf32> to vector<512x128xf32>
    %and3A_4155 = arith.constant 16 : i32
    %and3A_4156 = vector.broadcast %and3A_4155 : i32 to vector<512x128xi32>
    %and3A_4157 = arith.andi %iota3A, %and3A_4156 : vector<512x128xi32>
    %eq3A_4158 = arith.constant 0 : i32
    %eq3A_4159 = vector.broadcast %eq3A_4158 : i32 to vector<512x128xi32>
    %eq3A_4160 = arith.cmpi eq, %and3A_4157, %eq3A_4159 : vector<512x128xi32>
    %gt3A_4161 = arith.cmpf ogt, %select_n3A_4143, %reshape3A_4149 : vector<512x128xf32>
    %eq3A_4162 = arith.cmpf oeq, %select_n3A_4143, %reshape3A_4149 : vector<512x128xf32>
    %lt3A_4163 = arith.cmpf olt, %select_n3A_4144, %reshape3A_4154 : vector<512x128xf32>
    %and3A_4164 = arith.andi %eq3A_4162, %lt3A_4163 : vector<512x128xi1>
    %or3A_4165 = arith.ori %gt3A_4161, %and3A_4164 : vector<512x128xi1>
    %eq3A_4166 = arith.xori %eq3A_4160, %eq3A_4057 : vector<512x128xi1>
    %eq3A_4167 = arith.constant dense<true> : vector<512x128xi1>
    %eq3A_4168 = arith.xori %eq3A_4166, %eq3A_4167 : vector<512x128xi1>
    %eq3A_4169 = arith.xori %or3A_4165, %eq3A_4168 : vector<512x128xi1>
    %eq3A_4170 = arith.constant dense<true> : vector<512x128xi1>
    %eq3A_4171 = arith.xori %eq3A_4169, %eq3A_4170 : vector<512x128xi1>
    %select_n3A_4172 = arith.select %eq3A_4171, %select_n3A_4143, %reshape3A_4149 : vector<512x128xi1>, vector<512x128xf32>
    %select_n3A_4173 = arith.select %eq3A_4171, %select_n3A_4144, %reshape3A_4154 : vector<512x128xi1>, vector<512x128xf32>
    %reshape3A_4174 = vector.shape_cast %select_n3A_4172 : vector<512x128xf32> to vector<32x2x8x128xf32>
    %slice3A_4175 = vector.extract_strided_slice %reshape3A_4174 {offsets = [0, 1, 0, 0], sizes = [32, 1, 8, 128], strides = [1, 1, 1, 1]} : vector<32x2x8x128xf32> to vector<32x1x8x128xf32>
    %slice3A_4176 = vector.extract_strided_slice %reshape3A_4174 {offsets = [0, 0, 0, 0], sizes = [32, 1, 8, 128], strides = [1, 1, 1, 1]} : vector<32x2x8x128xf32> to vector<32x1x8x128xf32>
    %concatenate3A_4177 = tpu.concatenate %slice3A_4175, %slice3A_4176 in 1 : vector<32x1x8x128xf32>, vector<32x1x8x128xf32> -> vector<32x2x8x128xf32>
    %reshape3A_4178 = vector.shape_cast %concatenate3A_4177 : vector<32x2x8x128xf32> to vector<512x128xf32>
    %reshape3A_4179 = vector.shape_cast %select_n3A_4173 : vector<512x128xf32> to vector<32x2x8x128xf32>
    %slice3A_4180 = vector.extract_strided_slice %reshape3A_4179 {offsets = [0, 1, 0, 0], sizes = [32, 1, 8, 128], strides = [1, 1, 1, 1]} : vector<32x2x8x128xf32> to vector<32x1x8x128xf32>
    %slice3A_4181 = vector.extract_strided_slice %reshape3A_4179 {offsets = [0, 0, 0, 0], sizes = [32, 1, 8, 128], strides = [1, 1, 1, 1]} : vector<32x2x8x128xf32> to vector<32x1x8x128xf32>
    %concatenate3A_4182 = tpu.concatenate %slice3A_4180, %slice3A_4181 in 1 : vector<32x1x8x128xf32>, vector<32x1x8x128xf32> -> vector<32x2x8x128xf32>
    %reshape3A_4183 = vector.shape_cast %concatenate3A_4182 : vector<32x2x8x128xf32> to vector<512x128xf32>
    %and3A_4184 = arith.constant 8 : i32
    %and3A_4185 = vector.broadcast %and3A_4184 : i32 to vector<512x128xi32>
    %and3A_4186 = arith.andi %iota3A, %and3A_4185 : vector<512x128xi32>
    %eq3A_4187 = arith.constant 0 : i32
    %eq3A_4188 = vector.broadcast %eq3A_4187 : i32 to vector<512x128xi32>
    %eq3A_4189 = arith.cmpi eq, %and3A_4186, %eq3A_4188 : vector<512x128xi32>
    %gt3A_4190 = arith.cmpf ogt, %select_n3A_4172, %reshape3A_4178 : vector<512x128xf32>
    %eq3A_4191 = arith.cmpf oeq, %select_n3A_4172, %reshape3A_4178 : vector<512x128xf32>
    %lt3A_4192 = arith.cmpf olt, %select_n3A_4173, %reshape3A_4183 : vector<512x128xf32>
    %and3A_4193 = arith.andi %eq3A_4191, %lt3A_4192 : vector<512x128xi1>
    %or3A_4194 = arith.ori %gt3A_4190, %and3A_4193 : vector<512x128xi1>
    %eq3A_4195 = arith.xori %eq3A_4189, %eq3A_4057 : vector<512x128xi1>
    %eq3A_4196 = arith.constant dense<true> : vector<512x128xi1>
    %eq3A_4197 = arith.xori %eq3A_4195, %eq3A_4196 : vector<512x128xi1>
    %eq3A_4198 = arith.xori %or3A_4194, %eq3A_4197 : vector<512x128xi1>
    %eq3A_4199 = arith.constant dense<true> : vector<512x128xi1>
    %eq3A_4200 = arith.xori %eq3A_4198, %eq3A_4199 : vector<512x128xi1>
    %select_n3A_4201 = arith.select %eq3A_4200, %select_n3A_4172, %reshape3A_4178 : vector<512x128xi1>, vector<512x128xf32>
    %select_n3A_4202 = arith.select %eq3A_4200, %select_n3A_4173, %reshape3A_4183 : vector<512x128xi1>, vector<512x128xf32>
    %reshape3A_4203 = vector.shape_cast %select_n3A_4201 : vector<512x128xf32> to vector<64x2x4x128xf32>
    %slice3A_4204 = vector.extract_strided_slice %reshape3A_4203 {offsets = [0, 1, 0, 0], sizes = [64, 1, 4, 128], strides = [1, 1, 1, 1]} : vector<64x2x4x128xf32> to vector<64x1x4x128xf32>
    %slice3A_4205 = vector.extract_strided_slice %reshape3A_4203 {offsets = [0, 0, 0, 0], sizes = [64, 1, 4, 128], strides = [1, 1, 1, 1]} : vector<64x2x4x128xf32> to vector<64x1x4x128xf32>
    %concatenate3A_4206 = tpu.concatenate %slice3A_4204, %slice3A_4205 in 1 : vector<64x1x4x128xf32>, vector<64x1x4x128xf32> -> vector<64x2x4x128xf32>
    %reshape3A_4207 = vector.shape_cast %concatenate3A_4206 : vector<64x2x4x128xf32> to vector<512x128xf32>
    %reshape3A_4208 = vector.shape_cast %select_n3A_4202 : vector<512x128xf32> to vector<64x2x4x128xf32>
    %slice3A_4209 = vector.extract_strided_slice %reshape3A_4208 {offsets = [0, 1, 0, 0], sizes = [64, 1, 4, 128], strides = [1, 1, 1, 1]} : vector<64x2x4x128xf32> to vector<64x1x4x128xf32>
    %slice3A_4210 = vector.extract_strided_slice %reshape3A_4208 {offsets = [0, 0, 0, 0], sizes = [64, 1, 4, 128], strides = [1, 1, 1, 1]} : vector<64x2x4x128xf32> to vector<64x1x4x128xf32>
    %concatenate3A_4211 = tpu.concatenate %slice3A_4209, %slice3A_4210 in 1 : vector<64x1x4x128xf32>, vector<64x1x4x128xf32> -> vector<64x2x4x128xf32>
    %reshape3A_4212 = vector.shape_cast %concatenate3A_4211 : vector<64x2x4x128xf32> to vector<512x128xf32>
    %and3A_4213 = arith.constant 4 : i32
    %and3A_4214 = vector.broadcast %and3A_4213 : i32 to vector<512x128xi32>
    %and3A_4215 = arith.andi %iota3A, %and3A_4214 : vector<512x128xi32>
    %eq3A_4216 = arith.constant 0 : i32
    %eq3A_4217 = vector.broadcast %eq3A_4216 : i32 to vector<512x128xi32>
    %eq3A_4218 = arith.cmpi eq, %and3A_4215, %eq3A_4217 : vector<512x128xi32>
    %gt3A_4219 = arith.cmpf ogt, %select_n3A_4201, %reshape3A_4207 : vector<512x128xf32>
    %eq3A_4220 = arith.cmpf oeq, %select_n3A_4201, %reshape3A_4207 : vector<512x128xf32>
    %lt3A_4221 = arith.cmpf olt, %select_n3A_4202, %reshape3A_4212 : vector<512x128xf32>
    %and3A_4222 = arith.andi %eq3A_4220, %lt3A_4221 : vector<512x128xi1>
    %or3A_4223 = arith.ori %gt3A_4219, %and3A_4222 : vector<512x128xi1>
    %eq3A_4224 = arith.xori %eq3A_4218, %eq3A_4057 : vector<512x128xi1>
    %eq3A_4225 = arith.constant dense<true> : vector<512x128xi1>
    %eq3A_4226 = arith.xori %eq3A_4224, %eq3A_4225 : vector<512x128xi1>
    %eq3A_4227 = arith.xori %or3A_4223, %eq3A_4226 : vector<512x128xi1>
    %eq3A_4228 = arith.constant dense<true> : vector<512x128xi1>
    %eq3A_4229 = arith.xori %eq3A_4227, %eq3A_4228 : vector<512x128xi1>
    %select_n3A_4230 = arith.select %eq3A_4229, %select_n3A_4201, %reshape3A_4207 : vector<512x128xi1>, vector<512x128xf32>
    %select_n3A_4231 = arith.select %eq3A_4229, %select_n3A_4202, %reshape3A_4212 : vector<512x128xi1>, vector<512x128xf32>
    %reshape3A_4232 = vector.shape_cast %select_n3A_4230 : vector<512x128xf32> to vector<128x2x2x128xf32>
    %slice3A_4233 = vector.extract_strided_slice %reshape3A_4232 {offsets = [0, 1, 0, 0], sizes = [128, 1, 2, 128], strides = [1, 1, 1, 1]} : vector<128x2x2x128xf32> to vector<128x1x2x128xf32>
    %slice3A_4234 = vector.extract_strided_slice %reshape3A_4232 {offsets = [0, 0, 0, 0], sizes = [128, 1, 2, 128], strides = [1, 1, 1, 1]} : vector<128x2x2x128xf32> to vector<128x1x2x128xf32>
    %concatenate3A_4235 = tpu.concatenate %slice3A_4233, %slice3A_4234 in 1 : vector<128x1x2x128xf32>, vector<128x1x2x128xf32> -> vector<128x2x2x128xf32>
    %reshape3A_4236 = vector.shape_cast %concatenate3A_4235 : vector<128x2x2x128xf32> to vector<512x128xf32>
    %reshape3A_4237 = vector.shape_cast %select_n3A_4231 : vector<512x128xf32> to vector<128x2x2x128xf32>
    %slice3A_4238 = vector.extract_strided_slice %reshape3A_4237 {offsets = [0, 1, 0, 0], sizes = [128, 1, 2, 128], strides = [1, 1, 1, 1]} : vector<128x2x2x128xf32> to vector<128x1x2x128xf32>
    %slice3A_4239 = vector.extract_strided_slice %reshape3A_4237 {offsets = [0, 0, 0, 0], sizes = [128, 1, 2, 128], strides = [1, 1, 1, 1]} : vector<128x2x2x128xf32> to vector<128x1x2x128xf32>
    %concatenate3A_4240 = tpu.concatenate %slice3A_4238, %slice3A_4239 in 1 : vector<128x1x2x128xf32>, vector<128x1x2x128xf32> -> vector<128x2x2x128xf32>
    %reshape3A_4241 = vector.shape_cast %concatenate3A_4240 : vector<128x2x2x128xf32> to vector<512x128xf32>
    %and3A_4242 = arith.constant 2 : i32
    %and3A_4243 = vector.broadcast %and3A_4242 : i32 to vector<512x128xi32>
    %and3A_4244 = arith.andi %iota3A, %and3A_4243 : vector<512x128xi32>
    %eq3A_4245 = arith.constant 0 : i32
    %eq3A_4246 = vector.broadcast %eq3A_4245 : i32 to vector<512x128xi32>
    %eq3A_4247 = arith.cmpi eq, %and3A_4244, %eq3A_4246 : vector<512x128xi32>
    %gt3A_4248 = arith.cmpf ogt, %select_n3A_4230, %reshape3A_4236 : vector<512x128xf32>
    %eq3A_4249 = arith.cmpf oeq, %select_n3A_4230, %reshape3A_4236 : vector<512x128xf32>
    %lt3A_4250 = arith.cmpf olt, %select_n3A_4231, %reshape3A_4241 : vector<512x128xf32>
    %and3A_4251 = arith.andi %eq3A_4249, %lt3A_4250 : vector<512x128xi1>
    %or3A_4252 = arith.ori %gt3A_4248, %and3A_4251 : vector<512x128xi1>
    %eq3A_4253 = arith.xori %eq3A_4247, %eq3A_4057 : vector<512x128xi1>
    %eq3A_4254 = arith.constant dense<true> : vector<512x128xi1>
    %eq3A_4255 = arith.xori %eq3A_4253, %eq3A_4254 : vector<512x128xi1>
    %eq3A_4256 = arith.xori %or3A_4252, %eq3A_4255 : vector<512x128xi1>
    %eq3A_4257 = arith.constant dense<true> : vector<512x128xi1>
    %eq3A_4258 = arith.xori %eq3A_4256, %eq3A_4257 : vector<512x128xi1>
    %select_n3A_4259 = arith.select %eq3A_4258, %select_n3A_4230, %reshape3A_4236 : vector<512x128xi1>, vector<512x128xf32>
    %select_n3A_4260 = arith.select %eq3A_4258, %select_n3A_4231, %reshape3A_4241 : vector<512x128xi1>, vector<512x128xf32>
    %reshape3A_4261 = vector.shape_cast %select_n3A_4259 : vector<512x128xf32> to vector<256x2x1x128xf32>
    %slice3A_4262 = vector.extract_strided_slice %reshape3A_4261 {offsets = [0, 1, 0, 0], sizes = [256, 1, 1, 128], strides = [1, 1, 1, 1]} : vector<256x2x1x128xf32> to vector<256x1x1x128xf32>
    %slice3A_4263 = vector.extract_strided_slice %reshape3A_4261 {offsets = [0, 0, 0, 0], sizes = [256, 1, 1, 128], strides = [1, 1, 1, 1]} : vector<256x2x1x128xf32> to vector<256x1x1x128xf32>
    %concatenate3A_4264 = tpu.concatenate %slice3A_4262, %slice3A_4263 in 1 : vector<256x1x1x128xf32>, vector<256x1x1x128xf32> -> vector<256x2x1x128xf32>
    %reshape3A_4265 = vector.shape_cast %concatenate3A_4264 : vector<256x2x1x128xf32> to vector<512x128xf32>
    %reshape3A_4266 = vector.shape_cast %select_n3A_4260 : vector<512x128xf32> to vector<256x2x1x128xf32>
    %slice3A_4267 = vector.extract_strided_slice %reshape3A_4266 {offsets = [0, 1, 0, 0], sizes = [256, 1, 1, 128], strides = [1, 1, 1, 1]} : vector<256x2x1x128xf32> to vector<256x1x1x128xf32>
    %slice3A_4268 = vector.extract_strided_slice %reshape3A_4266 {offsets = [0, 0, 0, 0], sizes = [256, 1, 1, 128], strides = [1, 1, 1, 1]} : vector<256x2x1x128xf32> to vector<256x1x1x128xf32>
    %concatenate3A_4269 = tpu.concatenate %slice3A_4267, %slice3A_4268 in 1 : vector<256x1x1x128xf32>, vector<256x1x1x128xf32> -> vector<256x2x1x128xf32>
    %reshape3A_4270 = vector.shape_cast %concatenate3A_4269 : vector<256x2x1x128xf32> to vector<512x128xf32>
    %and3A_4271 = arith.constant 1 : i32
    %and3A_4272 = vector.broadcast %and3A_4271 : i32 to vector<512x128xi32>
    %and3A_4273 = arith.andi %iota3A, %and3A_4272 : vector<512x128xi32>
    %eq3A_4274 = arith.constant 0 : i32
    %eq3A_4275 = vector.broadcast %eq3A_4274 : i32 to vector<512x128xi32>
    %eq3A_4276 = arith.cmpi eq, %and3A_4273, %eq3A_4275 : vector<512x128xi32>
    %gt3A_4277 = arith.cmpf ogt, %select_n3A_4259, %reshape3A_4265 : vector<512x128xf32>
    %eq3A_4278 = arith.cmpf oeq, %select_n3A_4259, %reshape3A_4265 : vector<512x128xf32>
    %lt3A_4279 = arith.cmpf olt, %select_n3A_4260, %reshape3A_4270 : vector<512x128xf32>
    %and3A_4280 = arith.andi %eq3A_4278, %lt3A_4279 : vector<512x128xi1>
    %or3A_4281 = arith.ori %gt3A_4277, %and3A_4280 : vector<512x128xi1>
    %eq3A_4282 = arith.xori %eq3A_4276, %eq3A_4057 : vector<512x128xi1>
    %eq3A_4283 = arith.constant dense<true> : vector<512x128xi1>
    %eq3A_4284 = arith.xori %eq3A_4282, %eq3A_4283 : vector<512x128xi1>
    %eq3A_4285 = arith.xori %or3A_4281, %eq3A_4284 : vector<512x128xi1>
    %eq3A_4286 = arith.constant dense<true> : vector<512x128xi1>
    %eq3A_4287 = arith.xori %eq3A_4285, %eq3A_4286 : vector<512x128xi1>
    %select_n3A_4288 = arith.select %eq3A_4287, %select_n3A_4259, %reshape3A_4265 : vector<512x128xi1>, vector<512x128xf32>
    %select_n3A_4289 = arith.select %eq3A_4287, %select_n3A_4260, %reshape3A_4270 : vector<512x128xi1>, vector<512x128xf32>
    %and3A_4290 = arith.constant 64 : i32
    %and3A_4291 = vector.broadcast %and3A_4290 : i32 to vector<512x128xi32>
    %and3A_4292 = arith.andi %iota3A_0, %and3A_4291 : vector<512x128xi32>
    %eq3A_4293 = arith.constant 0 : i32
    %eq3A_4294 = vector.broadcast %eq3A_4293 : i32 to vector<512x128xi32>
    %eq3A_4295 = arith.cmpi eq, %and3A_4292, %eq3A_4294 : vector<512x128xi32>
    %roll3A_4296 = arith.constant 64 : i32
    %roll3A_4297 = tpu.dynamic_rotate %select_n3A_4288 by %roll3A_4296 dim 1 : vector<512x128xf32>, i32 -> vector<512x128xf32>
    %roll3A_4298 = arith.constant 64 : i32
    %roll3A_4299 = tpu.dynamic_rotate %select_n3A_4288 by %roll3A_4298 dim 1 : vector<512x128xf32>, i32 -> vector<512x128xf32>
    %select_n3A_4300 = arith.select %eq3A_4295, %roll3A_4297, %roll3A_4299 : vector<512x128xi1>, vector<512x128xf32>
    %and3A_4301 = arith.constant 64 : i32
    %and3A_4302 = vector.broadcast %and3A_4301 : i32 to vector<512x128xi32>
    %and3A_4303 = arith.andi %iota3A_0, %and3A_4302 : vector<512x128xi32>
    %eq3A_4304 = arith.constant 0 : i32
    %eq3A_4305 = vector.broadcast %eq3A_4304 : i32 to vector<512x128xi32>
    %eq3A_4306 = arith.cmpi eq, %and3A_4303, %eq3A_4305 : vector<512x128xi32>
    %roll3A_4307 = arith.constant 64 : i32
    %roll3A_4308 = tpu.dynamic_rotate %select_n3A_4289 by %roll3A_4307 dim 1 : vector<512x128xf32>, i32 -> vector<512x128xf32>
    %roll3A_4309 = arith.constant 64 : i32
    %roll3A_4310 = tpu.dynamic_rotate %select_n3A_4289 by %roll3A_4309 dim 1 : vector<512x128xf32>, i32 -> vector<512x128xf32>
    %select_n3A_4311 = arith.select %eq3A_4306, %roll3A_4308, %roll3A_4310 : vector<512x128xi1>, vector<512x128xf32>
    %and3A_4312 = arith.constant 64 : i32
    %and3A_4313 = vector.broadcast %and3A_4312 : i32 to vector<512x128xi32>
    %and3A_4314 = arith.andi %iota3A_0, %and3A_4313 : vector<512x128xi32>
    %eq3A_4315 = arith.constant 0 : i32
    %eq3A_4316 = vector.broadcast %eq3A_4315 : i32 to vector<512x128xi32>
    %eq3A_4317 = arith.cmpi eq, %and3A_4314, %eq3A_4316 : vector<512x128xi32>
    %gt3A_4318 = arith.cmpf ogt, %select_n3A_4288, %select_n3A_4300 : vector<512x128xf32>
    %eq3A_4319 = arith.cmpf oeq, %select_n3A_4288, %select_n3A_4300 : vector<512x128xf32>
    %lt3A_4320 = arith.cmpf olt, %select_n3A_4289, %select_n3A_4311 : vector<512x128xf32>
    %and3A_4321 = arith.andi %eq3A_4319, %lt3A_4320 : vector<512x128xi1>
    %or3A_4322 = arith.ori %gt3A_4318, %and3A_4321 : vector<512x128xi1>
    %eq3A_4323 = arith.xori %eq3A_4317, %eq3A_4057 : vector<512x128xi1>
    %eq3A_4324 = arith.constant dense<true> : vector<512x128xi1>
    %eq3A_4325 = arith.xori %eq3A_4323, %eq3A_4324 : vector<512x128xi1>
    %eq3A_4326 = arith.xori %or3A_4322, %eq3A_4325 : vector<512x128xi1>
    %eq3A_4327 = arith.constant dense<true> : vector<512x128xi1>
    %eq3A_4328 = arith.xori %eq3A_4326, %eq3A_4327 : vector<512x128xi1>
    %select_n3A_4329 = arith.select %eq3A_4328, %select_n3A_4288, %select_n3A_4300 : vector<512x128xi1>, vector<512x128xf32>
    %select_n3A_4330 = arith.select %eq3A_4328, %select_n3A_4289, %select_n3A_4311 : vector<512x128xi1>, vector<512x128xf32>
    %and3A_4331 = arith.constant 32 : i32
    %and3A_4332 = vector.broadcast %and3A_4331 : i32 to vector<512x128xi32>
    %and3A_4333 = arith.andi %iota3A_0, %and3A_4332 : vector<512x128xi32>
    %eq3A_4334 = arith.constant 0 : i32
    %eq3A_4335 = vector.broadcast %eq3A_4334 : i32 to vector<512x128xi32>
    %eq3A_4336 = arith.cmpi eq, %and3A_4333, %eq3A_4335 : vector<512x128xi32>
    %roll3A_4337 = arith.constant 96 : i32
    %roll3A_4338 = tpu.dynamic_rotate %select_n3A_4329 by %roll3A_4337 dim 1 : vector<512x128xf32>, i32 -> vector<512x128xf32>
    %roll3A_4339 = arith.constant 32 : i32
    %roll3A_4340 = tpu.dynamic_rotate %select_n3A_4329 by %roll3A_4339 dim 1 : vector<512x128xf32>, i32 -> vector<512x128xf32>
    %select_n3A_4341 = arith.select %eq3A_4336, %roll3A_4338, %roll3A_4340 : vector<512x128xi1>, vector<512x128xf32>
    %and3A_4342 = arith.constant 32 : i32
    %and3A_4343 = vector.broadcast %and3A_4342 : i32 to vector<512x128xi32>
    %and3A_4344 = arith.andi %iota3A_0, %and3A_4343 : vector<512x128xi32>
    %eq3A_4345 = arith.constant 0 : i32
    %eq3A_4346 = vector.broadcast %eq3A_4345 : i32 to vector<512x128xi32>
    %eq3A_4347 = arith.cmpi eq, %and3A_4344, %eq3A_4346 : vector<512x128xi32>
    %roll3A_4348 = arith.constant 96 : i32
    %roll3A_4349 = tpu.dynamic_rotate %select_n3A_4330 by %roll3A_4348 dim 1 : vector<512x128xf32>, i32 -> vector<512x128xf32>
    %roll3A_4350 = arith.constant 32 : i32
    %roll3A_4351 = tpu.dynamic_rotate %select_n3A_4330 by %roll3A_4350 dim 1 : vector<512x128xf32>, i32 -> vector<512x128xf32>
    %select_n3A_4352 = arith.select %eq3A_4347, %roll3A_4349, %roll3A_4351 : vector<512x128xi1>, vector<512x128xf32>
    %and3A_4353 = arith.constant 32 : i32
    %and3A_4354 = vector.broadcast %and3A_4353 : i32 to vector<512x128xi32>
    %and3A_4355 = arith.andi %iota3A_0, %and3A_4354 : vector<512x128xi32>
    %eq3A_4356 = arith.constant 0 : i32
    %eq3A_4357 = vector.broadcast %eq3A_4356 : i32 to vector<512x128xi32>
    %eq3A_4358 = arith.cmpi eq, %and3A_4355, %eq3A_4357 : vector<512x128xi32>
    %gt3A_4359 = arith.cmpf ogt, %select_n3A_4329, %select_n3A_4341 : vector<512x128xf32>
    %eq3A_4360 = arith.cmpf oeq, %select_n3A_4329, %select_n3A_4341 : vector<512x128xf32>
    %lt3A_4361 = arith.cmpf olt, %select_n3A_4330, %select_n3A_4352 : vector<512x128xf32>
    %and3A_4362 = arith.andi %eq3A_4360, %lt3A_4361 : vector<512x128xi1>
    %or3A_4363 = arith.ori %gt3A_4359, %and3A_4362 : vector<512x128xi1>
    %eq3A_4364 = arith.xori %eq3A_4358, %eq3A_4057 : vector<512x128xi1>
    %eq3A_4365 = arith.constant dense<true> : vector<512x128xi1>
    %eq3A_4366 = arith.xori %eq3A_4364, %eq3A_4365 : vector<512x128xi1>
    %eq3A_4367 = arith.xori %or3A_4363, %eq3A_4366 : vector<512x128xi1>
    %eq3A_4368 = arith.constant dense<true> : vector<512x128xi1>
    %eq3A_4369 = arith.xori %eq3A_4367, %eq3A_4368 : vector<512x128xi1>
    %select_n3A_4370 = arith.select %eq3A_4369, %select_n3A_4329, %select_n3A_4341 : vector<512x128xi1>, vector<512x128xf32>
    %select_n3A_4371 = arith.select %eq3A_4369, %select_n3A_4330, %select_n3A_4352 : vector<512x128xi1>, vector<512x128xf32>
    %and3A_4372 = arith.constant 16 : i32
    %and3A_4373 = vector.broadcast %and3A_4372 : i32 to vector<512x128xi32>
    %and3A_4374 = arith.andi %iota3A_0, %and3A_4373 : vector<512x128xi32>
    %eq3A_4375 = arith.constant 0 : i32
    %eq3A_4376 = vector.broadcast %eq3A_4375 : i32 to vector<512x128xi32>
    %eq3A_4377 = arith.cmpi eq, %and3A_4374, %eq3A_4376 : vector<512x128xi32>
    %roll3A_4378 = arith.constant 112 : i32
    %roll3A_4379 = tpu.dynamic_rotate %select_n3A_4370 by %roll3A_4378 dim 1 : vector<512x128xf32>, i32 -> vector<512x128xf32>
    %roll3A_4380 = arith.constant 16 : i32
    %roll3A_4381 = tpu.dynamic_rotate %select_n3A_4370 by %roll3A_4380 dim 1 : vector<512x128xf32>, i32 -> vector<512x128xf32>
    %select_n3A_4382 = arith.select %eq3A_4377, %roll3A_4379, %roll3A_4381 : vector<512x128xi1>, vector<512x128xf32>
    %and3A_4383 = arith.constant 16 : i32
    %and3A_4384 = vector.broadcast %and3A_4383 : i32 to vector<512x128xi32>
    %and3A_4385 = arith.andi %iota3A_0, %and3A_4384 : vector<512x128xi32>
    %eq3A_4386 = arith.constant 0 : i32
    %eq3A_4387 = vector.broadcast %eq3A_4386 : i32 to vector<512x128xi32>
    %eq3A_4388 = arith.cmpi eq, %and3A_4385, %eq3A_4387 : vector<512x128xi32>
    %roll3A_4389 = arith.constant 112 : i32
    %roll3A_4390 = tpu.dynamic_rotate %select_n3A_4371 by %roll3A_4389 dim 1 : vector<512x128xf32>, i32 -> vector<512x128xf32>
    %roll3A_4391 = arith.constant 16 : i32
    %roll3A_4392 = tpu.dynamic_rotate %select_n3A_4371 by %roll3A_4391 dim 1 : vector<512x128xf32>, i32 -> vector<512x128xf32>
    %select_n3A_4393 = arith.select %eq3A_4388, %roll3A_4390, %roll3A_4392 : vector<512x128xi1>, vector<512x128xf32>
    %and3A_4394 = arith.constant 16 : i32
    %and3A_4395 = vector.broadcast %and3A_4394 : i32 to vector<512x128xi32>
    %and3A_4396 = arith.andi %iota3A_0, %and3A_4395 : vector<512x128xi32>
    %eq3A_4397 = arith.constant 0 : i32
    %eq3A_4398 = vector.broadcast %eq3A_4397 : i32 to vector<512x128xi32>
    %eq3A_4399 = arith.cmpi eq, %and3A_4396, %eq3A_4398 : vector<512x128xi32>
    %gt3A_4400 = arith.cmpf ogt, %select_n3A_4370, %select_n3A_4382 : vector<512x128xf32>
    %eq3A_4401 = arith.cmpf oeq, %select_n3A_4370, %select_n3A_4382 : vector<512x128xf32>
    %lt3A_4402 = arith.cmpf olt, %select_n3A_4371, %select_n3A_4393 : vector<512x128xf32>
    %and3A_4403 = arith.andi %eq3A_4401, %lt3A_4402 : vector<512x128xi1>
    %or3A_4404 = arith.ori %gt3A_4400, %and3A_4403 : vector<512x128xi1>
    %eq3A_4405 = arith.xori %eq3A_4399, %eq3A_4057 : vector<512x128xi1>
    %eq3A_4406 = arith.constant dense<true> : vector<512x128xi1>
    %eq3A_4407 = arith.xori %eq3A_4405, %eq3A_4406 : vector<512x128xi1>
    %eq3A_4408 = arith.xori %or3A_4404, %eq3A_4407 : vector<512x128xi1>
    %eq3A_4409 = arith.constant dense<true> : vector<512x128xi1>
    %eq3A_4410 = arith.xori %eq3A_4408, %eq3A_4409 : vector<512x128xi1>
    %select_n3A_4411 = arith.select %eq3A_4410, %select_n3A_4370, %select_n3A_4382 : vector<512x128xi1>, vector<512x128xf32>
    %select_n3A_4412 = arith.select %eq3A_4410, %select_n3A_4371, %select_n3A_4393 : vector<512x128xi1>, vector<512x128xf32>
    %and3A_4413 = arith.constant 8 : i32
    %and3A_4414 = vector.broadcast %and3A_4413 : i32 to vector<512x128xi32>
    %and3A_4415 = arith.andi %iota3A_0, %and3A_4414 : vector<512x128xi32>
    %eq3A_4416 = arith.constant 0 : i32
    %eq3A_4417 = vector.broadcast %eq3A_4416 : i32 to vector<512x128xi32>
    %eq3A_4418 = arith.cmpi eq, %and3A_4415, %eq3A_4417 : vector<512x128xi32>
    %roll3A_4419 = arith.constant 120 : i32
    %roll3A_4420 = tpu.dynamic_rotate %select_n3A_4411 by %roll3A_4419 dim 1 : vector<512x128xf32>, i32 -> vector<512x128xf32>
    %roll3A_4421 = arith.constant 8 : i32
    %roll3A_4422 = tpu.dynamic_rotate %select_n3A_4411 by %roll3A_4421 dim 1 : vector<512x128xf32>, i32 -> vector<512x128xf32>
    %select_n3A_4423 = arith.select %eq3A_4418, %roll3A_4420, %roll3A_4422 : vector<512x128xi1>, vector<512x128xf32>
    %and3A_4424 = arith.constant 8 : i32
    %and3A_4425 = vector.broadcast %and3A_4424 : i32 to vector<512x128xi32>
    %and3A_4426 = arith.andi %iota3A_0, %and3A_4425 : vector<512x128xi32>
    %eq3A_4427 = arith.constant 0 : i32
    %eq3A_4428 = vector.broadcast %eq3A_4427 : i32 to vector<512x128xi32>
    %eq3A_4429 = arith.cmpi eq, %and3A_4426, %eq3A_4428 : vector<512x128xi32>
    %roll3A_4430 = arith.constant 120 : i32
    %roll3A_4431 = tpu.dynamic_rotate %select_n3A_4412 by %roll3A_4430 dim 1 : vector<512x128xf32>, i32 -> vector<512x128xf32>
    %roll3A_4432 = arith.constant 8 : i32
    %roll3A_4433 = tpu.dynamic_rotate %select_n3A_4412 by %roll3A_4432 dim 1 : vector<512x128xf32>, i32 -> vector<512x128xf32>
    %select_n3A_4434 = arith.select %eq3A_4429, %roll3A_4431, %roll3A_4433 : vector<512x128xi1>, vector<512x128xf32>
    %and3A_4435 = arith.constant 8 : i32
    %and3A_4436 = vector.broadcast %and3A_4435 : i32 to vector<512x128xi32>
    %and3A_4437 = arith.andi %iota3A_0, %and3A_4436 : vector<512x128xi32>
    %eq3A_4438 = arith.constant 0 : i32
    %eq3A_4439 = vector.broadcast %eq3A_4438 : i32 to vector<512x128xi32>
    %eq3A_4440 = arith.cmpi eq, %and3A_4437, %eq3A_4439 : vector<512x128xi32>
    %gt3A_4441 = arith.cmpf ogt, %select_n3A_4411, %select_n3A_4423 : vector<512x128xf32>
    %eq3A_4442 = arith.cmpf oeq, %select_n3A_4411, %select_n3A_4423 : vector<512x128xf32>
    %lt3A_4443 = arith.cmpf olt, %select_n3A_4412, %select_n3A_4434 : vector<512x128xf32>
    %and3A_4444 = arith.andi %eq3A_4442, %lt3A_4443 : vector<512x128xi1>
    %or3A_4445 = arith.ori %gt3A_4441, %and3A_4444 : vector<512x128xi1>
    %eq3A_4446 = arith.xori %eq3A_4440, %eq3A_4057 : vector<512x128xi1>
    %eq3A_4447 = arith.constant dense<true> : vector<512x128xi1>
    %eq3A_4448 = arith.xori %eq3A_4446, %eq3A_4447 : vector<512x128xi1>
    %eq3A_4449 = arith.xori %or3A_4445, %eq3A_4448 : vector<512x128xi1>
    %eq3A_4450 = arith.constant dense<true> : vector<512x128xi1>
    %eq3A_4451 = arith.xori %eq3A_4449, %eq3A_4450 : vector<512x128xi1>
    %select_n3A_4452 = arith.select %eq3A_4451, %select_n3A_4411, %select_n3A_4423 : vector<512x128xi1>, vector<512x128xf32>
    %select_n3A_4453 = arith.select %eq3A_4451, %select_n3A_4412, %select_n3A_4434 : vector<512x128xi1>, vector<512x128xf32>
    %and3A_4454 = arith.constant 4 : i32
    %and3A_4455 = vector.broadcast %and3A_4454 : i32 to vector<512x128xi32>
    %and3A_4456 = arith.andi %iota3A_0, %and3A_4455 : vector<512x128xi32>
    %eq3A_4457 = arith.constant 0 : i32
    %eq3A_4458 = vector.broadcast %eq3A_4457 : i32 to vector<512x128xi32>
    %eq3A_4459 = arith.cmpi eq, %and3A_4456, %eq3A_4458 : vector<512x128xi32>
    %roll3A_4460 = arith.constant 124 : i32
    %roll3A_4461 = tpu.dynamic_rotate %select_n3A_4452 by %roll3A_4460 dim 1 : vector<512x128xf32>, i32 -> vector<512x128xf32>
    %roll3A_4462 = arith.constant 4 : i32
    %roll3A_4463 = tpu.dynamic_rotate %select_n3A_4452 by %roll3A_4462 dim 1 : vector<512x128xf32>, i32 -> vector<512x128xf32>
    %select_n3A_4464 = arith.select %eq3A_4459, %roll3A_4461, %roll3A_4463 : vector<512x128xi1>, vector<512x128xf32>
    %and3A_4465 = arith.constant 4 : i32
    %and3A_4466 = vector.broadcast %and3A_4465 : i32 to vector<512x128xi32>
    %and3A_4467 = arith.andi %iota3A_0, %and3A_4466 : vector<512x128xi32>
    %eq3A_4468 = arith.constant 0 : i32
    %eq3A_4469 = vector.broadcast %eq3A_4468 : i32 to vector<512x128xi32>
    %eq3A_4470 = arith.cmpi eq, %and3A_4467, %eq3A_4469 : vector<512x128xi32>
    %roll3A_4471 = arith.constant 124 : i32
    %roll3A_4472 = tpu.dynamic_rotate %select_n3A_4453 by %roll3A_4471 dim 1 : vector<512x128xf32>, i32 -> vector<512x128xf32>
    %roll3A_4473 = arith.constant 4 : i32
    %roll3A_4474 = tpu.dynamic_rotate %select_n3A_4453 by %roll3A_4473 dim 1 : vector<512x128xf32>, i32 -> vector<512x128xf32>
    %select_n3A_4475 = arith.select %eq3A_4470, %roll3A_4472, %roll3A_4474 : vector<512x128xi1>, vector<512x128xf32>
    %and3A_4476 = arith.constant 4 : i32
    %and3A_4477 = vector.broadcast %and3A_4476 : i32 to vector<512x128xi32>
    %and3A_4478 = arith.andi %iota3A_0, %and3A_4477 : vector<512x128xi32>
    %eq3A_4479 = arith.constant 0 : i32
    %eq3A_4480 = vector.broadcast %eq3A_4479 : i32 to vector<512x128xi32>
    %eq3A_4481 = arith.cmpi eq, %and3A_4478, %eq3A_4480 : vector<512x128xi32>
    %gt3A_4482 = arith.cmpf ogt, %select_n3A_4452, %select_n3A_4464 : vector<512x128xf32>
    %eq3A_4483 = arith.cmpf oeq, %select_n3A_4452, %select_n3A_4464 : vector<512x128xf32>
    %lt3A_4484 = arith.cmpf olt, %select_n3A_4453, %select_n3A_4475 : vector<512x128xf32>
    %and3A_4485 = arith.andi %eq3A_4483, %lt3A_4484 : vector<512x128xi1>
    %or3A_4486 = arith.ori %gt3A_4482, %and3A_4485 : vector<512x128xi1>
    %eq3A_4487 = arith.xori %eq3A_4481, %eq3A_4057 : vector<512x128xi1>
    %eq3A_4488 = arith.constant dense<true> : vector<512x128xi1>
    %eq3A_4489 = arith.xori %eq3A_4487, %eq3A_4488 : vector<512x128xi1>
    %eq3A_4490 = arith.xori %or3A_4486, %eq3A_4489 : vector<512x128xi1>
    %eq3A_4491 = arith.constant dense<true> : vector<512x128xi1>
    %eq3A_4492 = arith.xori %eq3A_4490, %eq3A_4491 : vector<512x128xi1>
    %select_n3A_4493 = arith.select %eq3A_4492, %select_n3A_4452, %select_n3A_4464 : vector<512x128xi1>, vector<512x128xf32>
    %select_n3A_4494 = arith.select %eq3A_4492, %select_n3A_4453, %select_n3A_4475 : vector<512x128xi1>, vector<512x128xf32>
    %and3A_4495 = arith.constant 2 : i32
    %and3A_4496 = vector.broadcast %and3A_4495 : i32 to vector<512x128xi32>
    %and3A_4497 = arith.andi %iota3A_0, %and3A_4496 : vector<512x128xi32>
    %eq3A_4498 = arith.constant 0 : i32
    %eq3A_4499 = vector.broadcast %eq3A_4498 : i32 to vector<512x128xi32>
    %eq3A_4500 = arith.cmpi eq, %and3A_4497, %eq3A_4499 : vector<512x128xi32>
    %roll3A_4501 = arith.constant 126 : i32
    %roll3A_4502 = tpu.dynamic_rotate %select_n3A_4493 by %roll3A_4501 dim 1 : vector<512x128xf32>, i32 -> vector<512x128xf32>
    %roll3A_4503 = arith.constant 2 : i32
    %roll3A_4504 = tpu.dynamic_rotate %select_n3A_4493 by %roll3A_4503 dim 1 : vector<512x128xf32>, i32 -> vector<512x128xf32>
    %select_n3A_4505 = arith.select %eq3A_4500, %roll3A_4502, %roll3A_4504 : vector<512x128xi1>, vector<512x128xf32>
    %and3A_4506 = arith.constant 2 : i32
    %and3A_4507 = vector.broadcast %and3A_4506 : i32 to vector<512x128xi32>
    %and3A_4508 = arith.andi %iota3A_0, %and3A_4507 : vector<512x128xi32>
    %eq3A_4509 = arith.constant 0 : i32
    %eq3A_4510 = vector.broadcast %eq3A_4509 : i32 to vector<512x128xi32>
    %eq3A_4511 = arith.cmpi eq, %and3A_4508, %eq3A_4510 : vector<512x128xi32>
    %roll3A_4512 = arith.constant 126 : i32
    %roll3A_4513 = tpu.dynamic_rotate %select_n3A_4494 by %roll3A_4512 dim 1 : vector<512x128xf32>, i32 -> vector<512x128xf32>
    %roll3A_4514 = arith.constant 2 : i32
    %roll3A_4515 = tpu.dynamic_rotate %select_n3A_4494 by %roll3A_4514 dim 1 : vector<512x128xf32>, i32 -> vector<512x128xf32>
    %select_n3A_4516 = arith.select %eq3A_4511, %roll3A_4513, %roll3A_4515 : vector<512x128xi1>, vector<512x128xf32>
    %and3A_4517 = arith.constant 2 : i32
    %and3A_4518 = vector.broadcast %and3A_4517 : i32 to vector<512x128xi32>
    %and3A_4519 = arith.andi %iota3A_0, %and3A_4518 : vector<512x128xi32>
    %eq3A_4520 = arith.constant 0 : i32
    %eq3A_4521 = vector.broadcast %eq3A_4520 : i32 to vector<512x128xi32>
    %eq3A_4522 = arith.cmpi eq, %and3A_4519, %eq3A_4521 : vector<512x128xi32>
    %gt3A_4523 = arith.cmpf ogt, %select_n3A_4493, %select_n3A_4505 : vector<512x128xf32>
    %eq3A_4524 = arith.cmpf oeq, %select_n3A_4493, %select_n3A_4505 : vector<512x128xf32>
    %lt3A_4525 = arith.cmpf olt, %select_n3A_4494, %select_n3A_4516 : vector<512x128xf32>
    %and3A_4526 = arith.andi %eq3A_4524, %lt3A_4525 : vector<512x128xi1>
    %or3A_4527 = arith.ori %gt3A_4523, %and3A_4526 : vector<512x128xi1>
    %eq3A_4528 = arith.xori %eq3A_4522, %eq3A_4057 : vector<512x128xi1>
    %eq3A_4529 = arith.constant dense<true> : vector<512x128xi1>
    %eq3A_4530 = arith.xori %eq3A_4528, %eq3A_4529 : vector<512x128xi1>
    %eq3A_4531 = arith.xori %or3A_4527, %eq3A_4530 : vector<512x128xi1>
    %eq3A_4532 = arith.constant dense<true> : vector<512x128xi1>
    %eq3A_4533 = arith.xori %eq3A_4531, %eq3A_4532 : vector<512x128xi1>
    %select_n3A_4534 = arith.select %eq3A_4533, %select_n3A_4493, %select_n3A_4505 : vector<512x128xi1>, vector<512x128xf32>
    %select_n3A_4535 = arith.select %eq3A_4533, %select_n3A_4494, %select_n3A_4516 : vector<512x128xi1>, vector<512x128xf32>
    %and3A_4536 = arith.constant 1 : i32
    %and3A_4537 = vector.broadcast %and3A_4536 : i32 to vector<512x128xi32>
    %and3A_4538 = arith.andi %iota3A_0, %and3A_4537 : vector<512x128xi32>
    %eq3A_4539 = arith.constant 0 : i32
    %eq3A_4540 = vector.broadcast %eq3A_4539 : i32 to vector<512x128xi32>
    %eq3A_4541 = arith.cmpi eq, %and3A_4538, %eq3A_4540 : vector<512x128xi32>
    %roll3A_4542 = arith.constant 127 : i32
    %roll3A_4543 = tpu.dynamic_rotate %select_n3A_4534 by %roll3A_4542 dim 1 : vector<512x128xf32>, i32 -> vector<512x128xf32>
    %roll3A_4544 = arith.constant 1 : i32
    %roll3A_4545 = tpu.dynamic_rotate %select_n3A_4534 by %roll3A_4544 dim 1 : vector<512x128xf32>, i32 -> vector<512x128xf32>
    %select_n3A_4546 = arith.select %eq3A_4541, %roll3A_4543, %roll3A_4545 : vector<512x128xi1>, vector<512x128xf32>
    %and3A_4547 = arith.constant 1 : i32
    %and3A_4548 = vector.broadcast %and3A_4547 : i32 to vector<512x128xi32>
    %and3A_4549 = arith.andi %iota3A_0, %and3A_4548 : vector<512x128xi32>
    %eq3A_4550 = arith.constant 0 : i32
    %eq3A_4551 = vector.broadcast %eq3A_4550 : i32 to vector<512x128xi32>
    %eq3A_4552 = arith.cmpi eq, %and3A_4549, %eq3A_4551 : vector<512x128xi32>
    %roll3A_4553 = arith.constant 127 : i32
    %roll3A_4554 = tpu.dynamic_rotate %select_n3A_4535 by %roll3A_4553 dim 1 : vector<512x128xf32>, i32 -> vector<512x128xf32>
    %roll3A_4555 = arith.constant 1 : i32
    %roll3A_4556 = tpu.dynamic_rotate %select_n3A_4535 by %roll3A_4555 dim 1 : vector<512x128xf32>, i32 -> vector<512x128xf32>
    %select_n3A_4557 = arith.select %eq3A_4552, %roll3A_4554, %roll3A_4556 : vector<512x128xi1>, vector<512x128xf32>
    %and3A_4558 = arith.constant 1 : i32
    %and3A_4559 = vector.broadcast %and3A_4558 : i32 to vector<512x128xi32>
    %and3A_4560 = arith.andi %iota3A_0, %and3A_4559 : vector<512x128xi32>
    %eq3A_4561 = arith.constant 0 : i32
    %eq3A_4562 = vector.broadcast %eq3A_4561 : i32 to vector<512x128xi32>
    %eq3A_4563 = arith.cmpi eq, %and3A_4560, %eq3A_4562 : vector<512x128xi32>
    %gt3A_4564 = arith.cmpf ogt, %select_n3A_4534, %select_n3A_4546 : vector<512x128xf32>
    %eq3A_4565 = arith.cmpf oeq, %select_n3A_4534, %select_n3A_4546 : vector<512x128xf32>
    %lt3A_4566 = arith.cmpf olt, %select_n3A_4535, %select_n3A_4557 : vector<512x128xf32>
    %and3A_4567 = arith.andi %eq3A_4565, %lt3A_4566 : vector<512x128xi1>
    %or3A_4568 = arith.ori %gt3A_4564, %and3A_4567 : vector<512x128xi1>
    %eq3A_4569 = arith.xori %eq3A_4563, %eq3A_4057 : vector<512x128xi1>
    %eq3A_4570 = arith.constant dense<true> : vector<512x128xi1>
    %eq3A_4571 = arith.xori %eq3A_4569, %eq3A_4570 : vector<512x128xi1>
    %eq3A_4572 = arith.xori %or3A_4568, %eq3A_4571 : vector<512x128xi1>
    %eq3A_4573 = arith.constant dense<true> : vector<512x128xi1>
    %eq3A_4574 = arith.xori %eq3A_4572, %eq3A_4573 : vector<512x128xi1>
    %select_n3A_4575 = arith.select %eq3A_4574, %select_n3A_4534, %select_n3A_4546 : vector<512x128xi1>, vector<512x128xf32>
    %select_n3A_4576 = arith.select %eq3A_4574, %select_n3A_4535, %select_n3A_4557 : vector<512x128xi1>, vector<512x128xf32>
    %broadcast_in_dim3A_4577 = arith.constant true
    %broadcast_in_dim3A_4578 = vector.broadcast %broadcast_in_dim3A_4577 : i1 to vector<512x128xi1>
    %reshape3A_4579 = vector.shape_cast %select_n3A_4575 : vector<512x128xf32> to vector<1x2x256x128xf32>
    %slice3A_4580 = vector.extract_strided_slice %reshape3A_4579 {offsets = [0, 1, 0, 0], sizes = [1, 1, 256, 128], strides = [1, 1, 1, 1]} : vector<1x2x256x128xf32> to vector<1x1x256x128xf32>
    %slice3A_4581 = vector.extract_strided_slice %reshape3A_4579 {offsets = [0, 0, 0, 0], sizes = [1, 1, 256, 128], strides = [1, 1, 1, 1]} : vector<1x2x256x128xf32> to vector<1x1x256x128xf32>
    %concatenate3A_4582 = tpu.concatenate %slice3A_4580, %slice3A_4581 in 1 : vector<1x1x256x128xf32>, vector<1x1x256x128xf32> -> vector<1x2x256x128xf32>
    %reshape3A_4583 = vector.shape_cast %concatenate3A_4582 : vector<1x2x256x128xf32> to vector<512x128xf32>
    %reshape3A_4584 = vector.shape_cast %select_n3A_4576 : vector<512x128xf32> to vector<1x2x256x128xf32>
    %slice3A_4585 = vector.extract_strided_slice %reshape3A_4584 {offsets = [0, 1, 0, 0], sizes = [1, 1, 256, 128], strides = [1, 1, 1, 1]} : vector<1x2x256x128xf32> to vector<1x1x256x128xf32>
    %slice3A_4586 = vector.extract_strided_slice %reshape3A_4584 {offsets = [0, 0, 0, 0], sizes = [1, 1, 256, 128], strides = [1, 1, 1, 1]} : vector<1x2x256x128xf32> to vector<1x1x256x128xf32>
    %concatenate3A_4587 = tpu.concatenate %slice3A_4585, %slice3A_4586 in 1 : vector<1x1x256x128xf32>, vector<1x1x256x128xf32> -> vector<1x2x256x128xf32>
    %reshape3A_4588 = vector.shape_cast %concatenate3A_4587 : vector<1x2x256x128xf32> to vector<512x128xf32>
    %and3A_4589 = arith.constant 256 : i32
    %and3A_4590 = vector.broadcast %and3A_4589 : i32 to vector<512x128xi32>
    %and3A_4591 = arith.andi %iota3A, %and3A_4590 : vector<512x128xi32>
    %eq3A_4592 = arith.constant 0 : i32
    %eq3A_4593 = vector.broadcast %eq3A_4592 : i32 to vector<512x128xi32>
    %eq3A_4594 = arith.cmpi eq, %and3A_4591, %eq3A_4593 : vector<512x128xi32>
    %gt3A_4595 = arith.cmpf ogt, %select_n3A_4575, %reshape3A_4583 : vector<512x128xf32>
    %eq3A_4596 = arith.cmpf oeq, %select_n3A_4575, %reshape3A_4583 : vector<512x128xf32>
    %lt3A_4597 = arith.cmpf olt, %select_n3A_4576, %reshape3A_4588 : vector<512x128xf32>
    %and3A_4598 = arith.andi %eq3A_4596, %lt3A_4597 : vector<512x128xi1>
    %or3A_4599 = arith.ori %gt3A_4595, %and3A_4598 : vector<512x128xi1>
    %eq3A_4600 = arith.xori %eq3A_4594, %broadcast_in_dim3A_4578 : vector<512x128xi1>
    %eq3A_4601 = arith.constant dense<true> : vector<512x128xi1>
    %eq3A_4602 = arith.xori %eq3A_4600, %eq3A_4601 : vector<512x128xi1>
    %eq3A_4603 = arith.xori %or3A_4599, %eq3A_4602 : vector<512x128xi1>
    %eq3A_4604 = arith.constant dense<true> : vector<512x128xi1>
    %eq3A_4605 = arith.xori %eq3A_4603, %eq3A_4604 : vector<512x128xi1>
    %select_n3A_4606 = arith.select %eq3A_4605, %select_n3A_4575, %reshape3A_4583 : vector<512x128xi1>, vector<512x128xf32>
    %select_n3A_4607 = arith.select %eq3A_4605, %select_n3A_4576, %reshape3A_4588 : vector<512x128xi1>, vector<512x128xf32>
    %reshape3A_4608 = vector.shape_cast %select_n3A_4606 : vector<512x128xf32> to vector<2x2x128x128xf32>
    %slice3A_4609 = vector.extract_strided_slice %reshape3A_4608 {offsets = [0, 1, 0, 0], sizes = [2, 1, 128, 128], strides = [1, 1, 1, 1]} : vector<2x2x128x128xf32> to vector<2x1x128x128xf32>
    %slice3A_4610 = vector.extract_strided_slice %reshape3A_4608 {offsets = [0, 0, 0, 0], sizes = [2, 1, 128, 128], strides = [1, 1, 1, 1]} : vector<2x2x128x128xf32> to vector<2x1x128x128xf32>
    %concatenate3A_4611 = tpu.concatenate %slice3A_4609, %slice3A_4610 in 1 : vector<2x1x128x128xf32>, vector<2x1x128x128xf32> -> vector<2x2x128x128xf32>
    %reshape3A_4612 = vector.shape_cast %concatenate3A_4611 : vector<2x2x128x128xf32> to vector<512x128xf32>
    %reshape3A_4613 = vector.shape_cast %select_n3A_4607 : vector<512x128xf32> to vector<2x2x128x128xf32>
    %slice3A_4614 = vector.extract_strided_slice %reshape3A_4613 {offsets = [0, 1, 0, 0], sizes = [2, 1, 128, 128], strides = [1, 1, 1, 1]} : vector<2x2x128x128xf32> to vector<2x1x128x128xf32>
    %slice3A_4615 = vector.extract_strided_slice %reshape3A_4613 {offsets = [0, 0, 0, 0], sizes = [2, 1, 128, 128], strides = [1, 1, 1, 1]} : vector<2x2x128x128xf32> to vector<2x1x128x128xf32>
    %concatenate3A_4616 = tpu.concatenate %slice3A_4614, %slice3A_4615 in 1 : vector<2x1x128x128xf32>, vector<2x1x128x128xf32> -> vector<2x2x128x128xf32>
    %reshape3A_4617 = vector.shape_cast %concatenate3A_4616 : vector<2x2x128x128xf32> to vector<512x128xf32>
    %and3A_4618 = arith.constant 128 : i32
    %and3A_4619 = vector.broadcast %and3A_4618 : i32 to vector<512x128xi32>
    %and3A_4620 = arith.andi %iota3A, %and3A_4619 : vector<512x128xi32>
    %eq3A_4621 = arith.constant 0 : i32
    %eq3A_4622 = vector.broadcast %eq3A_4621 : i32 to vector<512x128xi32>
    %eq3A_4623 = arith.cmpi eq, %and3A_4620, %eq3A_4622 : vector<512x128xi32>
    %gt3A_4624 = arith.cmpf ogt, %select_n3A_4606, %reshape3A_4612 : vector<512x128xf32>
    %eq3A_4625 = arith.cmpf oeq, %select_n3A_4606, %reshape3A_4612 : vector<512x128xf32>
    %lt3A_4626 = arith.cmpf olt, %select_n3A_4607, %reshape3A_4617 : vector<512x128xf32>
    %and3A_4627 = arith.andi %eq3A_4625, %lt3A_4626 : vector<512x128xi1>
    %or3A_4628 = arith.ori %gt3A_4624, %and3A_4627 : vector<512x128xi1>
    %eq3A_4629 = arith.xori %eq3A_4623, %broadcast_in_dim3A_4578 : vector<512x128xi1>
    %eq3A_4630 = arith.constant dense<true> : vector<512x128xi1>
    %eq3A_4631 = arith.xori %eq3A_4629, %eq3A_4630 : vector<512x128xi1>
    %eq3A_4632 = arith.xori %or3A_4628, %eq3A_4631 : vector<512x128xi1>
    %eq3A_4633 = arith.constant dense<true> : vector<512x128xi1>
    %eq3A_4634 = arith.xori %eq3A_4632, %eq3A_4633 : vector<512x128xi1>
    %select_n3A_4635 = arith.select %eq3A_4634, %select_n3A_4606, %reshape3A_4612 : vector<512x128xi1>, vector<512x128xf32>
    %select_n3A_4636 = arith.select %eq3A_4634, %select_n3A_4607, %reshape3A_4617 : vector<512x128xi1>, vector<512x128xf32>
    %reshape3A_4637 = vector.shape_cast %select_n3A_4635 : vector<512x128xf32> to vector<4x2x64x128xf32>
    %slice3A_4638 = vector.extract_strided_slice %reshape3A_4637 {offsets = [0, 1, 0, 0], sizes = [4, 1, 64, 128], strides = [1, 1, 1, 1]} : vector<4x2x64x128xf32> to vector<4x1x64x128xf32>
    %slice3A_4639 = vector.extract_strided_slice %reshape3A_4637 {offsets = [0, 0, 0, 0], sizes = [4, 1, 64, 128], strides = [1, 1, 1, 1]} : vector<4x2x64x128xf32> to vector<4x1x64x128xf32>
    %concatenate3A_4640 = tpu.concatenate %slice3A_4638, %slice3A_4639 in 1 : vector<4x1x64x128xf32>, vector<4x1x64x128xf32> -> vector<4x2x64x128xf32>
    %reshape3A_4641 = vector.shape_cast %concatenate3A_4640 : vector<4x2x64x128xf32> to vector<512x128xf32>
    %reshape3A_4642 = vector.shape_cast %select_n3A_4636 : vector<512x128xf32> to vector<4x2x64x128xf32>
    %slice3A_4643 = vector.extract_strided_slice %reshape3A_4642 {offsets = [0, 1, 0, 0], sizes = [4, 1, 64, 128], strides = [1, 1, 1, 1]} : vector<4x2x64x128xf32> to vector<4x1x64x128xf32>
    %slice3A_4644 = vector.extract_strided_slice %reshape3A_4642 {offsets = [0, 0, 0, 0], sizes = [4, 1, 64, 128], strides = [1, 1, 1, 1]} : vector<4x2x64x128xf32> to vector<4x1x64x128xf32>
    %concatenate3A_4645 = tpu.concatenate %slice3A_4643, %slice3A_4644 in 1 : vector<4x1x64x128xf32>, vector<4x1x64x128xf32> -> vector<4x2x64x128xf32>
    %reshape3A_4646 = vector.shape_cast %concatenate3A_4645 : vector<4x2x64x128xf32> to vector<512x128xf32>
    %and3A_4647 = arith.constant 64 : i32
    %and3A_4648 = vector.broadcast %and3A_4647 : i32 to vector<512x128xi32>
    %and3A_4649 = arith.andi %iota3A, %and3A_4648 : vector<512x128xi32>
    %eq3A_4650 = arith.constant 0 : i32
    %eq3A_4651 = vector.broadcast %eq3A_4650 : i32 to vector<512x128xi32>
    %eq3A_4652 = arith.cmpi eq, %and3A_4649, %eq3A_4651 : vector<512x128xi32>
    %gt3A_4653 = arith.cmpf ogt, %select_n3A_4635, %reshape3A_4641 : vector<512x128xf32>
    %eq3A_4654 = arith.cmpf oeq, %select_n3A_4635, %reshape3A_4641 : vector<512x128xf32>
    %lt3A_4655 = arith.cmpf olt, %select_n3A_4636, %reshape3A_4646 : vector<512x128xf32>
    %and3A_4656 = arith.andi %eq3A_4654, %lt3A_4655 : vector<512x128xi1>
    %or3A_4657 = arith.ori %gt3A_4653, %and3A_4656 : vector<512x128xi1>
    %eq3A_4658 = arith.xori %eq3A_4652, %broadcast_in_dim3A_4578 : vector<512x128xi1>
    %eq3A_4659 = arith.constant dense<true> : vector<512x128xi1>
    %eq3A_4660 = arith.xori %eq3A_4658, %eq3A_4659 : vector<512x128xi1>
    %eq3A_4661 = arith.xori %or3A_4657, %eq3A_4660 : vector<512x128xi1>
    %eq3A_4662 = arith.constant dense<true> : vector<512x128xi1>
    %eq3A_4663 = arith.xori %eq3A_4661, %eq3A_4662 : vector<512x128xi1>
    %select_n3A_4664 = arith.select %eq3A_4663, %select_n3A_4635, %reshape3A_4641 : vector<512x128xi1>, vector<512x128xf32>
    %select_n3A_4665 = arith.select %eq3A_4663, %select_n3A_4636, %reshape3A_4646 : vector<512x128xi1>, vector<512x128xf32>
    %reshape3A_4666 = vector.shape_cast %select_n3A_4664 : vector<512x128xf32> to vector<8x2x32x128xf32>
    %slice3A_4667 = vector.extract_strided_slice %reshape3A_4666 {offsets = [0, 1, 0, 0], sizes = [8, 1, 32, 128], strides = [1, 1, 1, 1]} : vector<8x2x32x128xf32> to vector<8x1x32x128xf32>
    %slice3A_4668 = vector.extract_strided_slice %reshape3A_4666 {offsets = [0, 0, 0, 0], sizes = [8, 1, 32, 128], strides = [1, 1, 1, 1]} : vector<8x2x32x128xf32> to vector<8x1x32x128xf32>
    %concatenate3A_4669 = tpu.concatenate %slice3A_4667, %slice3A_4668 in 1 : vector<8x1x32x128xf32>, vector<8x1x32x128xf32> -> vector<8x2x32x128xf32>
    %reshape3A_4670 = vector.shape_cast %concatenate3A_4669 : vector<8x2x32x128xf32> to vector<512x128xf32>
    %reshape3A_4671 = vector.shape_cast %select_n3A_4665 : vector<512x128xf32> to vector<8x2x32x128xf32>
    %slice3A_4672 = vector.extract_strided_slice %reshape3A_4671 {offsets = [0, 1, 0, 0], sizes = [8, 1, 32, 128], strides = [1, 1, 1, 1]} : vector<8x2x32x128xf32> to vector<8x1x32x128xf32>
    %slice3A_4673 = vector.extract_strided_slice %reshape3A_4671 {offsets = [0, 0, 0, 0], sizes = [8, 1, 32, 128], strides = [1, 1, 1, 1]} : vector<8x2x32x128xf32> to vector<8x1x32x128xf32>
    %concatenate3A_4674 = tpu.concatenate %slice3A_4672, %slice3A_4673 in 1 : vector<8x1x32x128xf32>, vector<8x1x32x128xf32> -> vector<8x2x32x128xf32>
    %reshape3A_4675 = vector.shape_cast %concatenate3A_4674 : vector<8x2x32x128xf32> to vector<512x128xf32>
    %and3A_4676 = arith.constant 32 : i32
    %and3A_4677 = vector.broadcast %and3A_4676 : i32 to vector<512x128xi32>
    %and3A_4678 = arith.andi %iota3A, %and3A_4677 : vector<512x128xi32>
    %eq3A_4679 = arith.constant 0 : i32
    %eq3A_4680 = vector.broadcast %eq3A_4679 : i32 to vector<512x128xi32>
    %eq3A_4681 = arith.cmpi eq, %and3A_4678, %eq3A_4680 : vector<512x128xi32>
    %gt3A_4682 = arith.cmpf ogt, %select_n3A_4664, %reshape3A_4670 : vector<512x128xf32>
    %eq3A_4683 = arith.cmpf oeq, %select_n3A_4664, %reshape3A_4670 : vector<512x128xf32>
    %lt3A_4684 = arith.cmpf olt, %select_n3A_4665, %reshape3A_4675 : vector<512x128xf32>
    %and3A_4685 = arith.andi %eq3A_4683, %lt3A_4684 : vector<512x128xi1>
    %or3A_4686 = arith.ori %gt3A_4682, %and3A_4685 : vector<512x128xi1>
    %eq3A_4687 = arith.xori %eq3A_4681, %broadcast_in_dim3A_4578 : vector<512x128xi1>
    %eq3A_4688 = arith.constant dense<true> : vector<512x128xi1>
    %eq3A_4689 = arith.xori %eq3A_4687, %eq3A_4688 : vector<512x128xi1>
    %eq3A_4690 = arith.xori %or3A_4686, %eq3A_4689 : vector<512x128xi1>
    %eq3A_4691 = arith.constant dense<true> : vector<512x128xi1>
    %eq3A_4692 = arith.xori %eq3A_4690, %eq3A_4691 : vector<512x128xi1>
    %select_n3A_4693 = arith.select %eq3A_4692, %select_n3A_4664, %reshape3A_4670 : vector<512x128xi1>, vector<512x128xf32>
    %select_n3A_4694 = arith.select %eq3A_4692, %select_n3A_4665, %reshape3A_4675 : vector<512x128xi1>, vector<512x128xf32>
    %reshape3A_4695 = vector.shape_cast %select_n3A_4693 : vector<512x128xf32> to vector<16x2x16x128xf32>
    %slice3A_4696 = vector.extract_strided_slice %reshape3A_4695 {offsets = [0, 1, 0, 0], sizes = [16, 1, 16, 128], strides = [1, 1, 1, 1]} : vector<16x2x16x128xf32> to vector<16x1x16x128xf32>
    %slice3A_4697 = vector.extract_strided_slice %reshape3A_4695 {offsets = [0, 0, 0, 0], sizes = [16, 1, 16, 128], strides = [1, 1, 1, 1]} : vector<16x2x16x128xf32> to vector<16x1x16x128xf32>
    %concatenate3A_4698 = tpu.concatenate %slice3A_4696, %slice3A_4697 in 1 : vector<16x1x16x128xf32>, vector<16x1x16x128xf32> -> vector<16x2x16x128xf32>
    %reshape3A_4699 = vector.shape_cast %concatenate3A_4698 : vector<16x2x16x128xf32> to vector<512x128xf32>
    %reshape3A_4700 = vector.shape_cast %select_n3A_4694 : vector<512x128xf32> to vector<16x2x16x128xf32>
    %slice3A_4701 = vector.extract_strided_slice %reshape3A_4700 {offsets = [0, 1, 0, 0], sizes = [16, 1, 16, 128], strides = [1, 1, 1, 1]} : vector<16x2x16x128xf32> to vector<16x1x16x128xf32>
    %slice3A_4702 = vector.extract_strided_slice %reshape3A_4700 {offsets = [0, 0, 0, 0], sizes = [16, 1, 16, 128], strides = [1, 1, 1, 1]} : vector<16x2x16x128xf32> to vector<16x1x16x128xf32>
    %concatenate3A_4703 = tpu.concatenate %slice3A_4701, %slice3A_4702 in 1 : vector<16x1x16x128xf32>, vector<16x1x16x128xf32> -> vector<16x2x16x128xf32>
    %reshape3A_4704 = vector.shape_cast %concatenate3A_4703 : vector<16x2x16x128xf32> to vector<512x128xf32>
    %and3A_4705 = arith.constant 16 : i32
    %and3A_4706 = vector.broadcast %and3A_4705 : i32 to vector<512x128xi32>
    %and3A_4707 = arith.andi %iota3A, %and3A_4706 : vector<512x128xi32>
    %eq3A_4708 = arith.constant 0 : i32
    %eq3A_4709 = vector.broadcast %eq3A_4708 : i32 to vector<512x128xi32>
    %eq3A_4710 = arith.cmpi eq, %and3A_4707, %eq3A_4709 : vector<512x128xi32>
    %gt3A_4711 = arith.cmpf ogt, %select_n3A_4693, %reshape3A_4699 : vector<512x128xf32>
    %eq3A_4712 = arith.cmpf oeq, %select_n3A_4693, %reshape3A_4699 : vector<512x128xf32>
    %lt3A_4713 = arith.cmpf olt, %select_n3A_4694, %reshape3A_4704 : vector<512x128xf32>
    %and3A_4714 = arith.andi %eq3A_4712, %lt3A_4713 : vector<512x128xi1>
    %or3A_4715 = arith.ori %gt3A_4711, %and3A_4714 : vector<512x128xi1>
    %eq3A_4716 = arith.xori %eq3A_4710, %broadcast_in_dim3A_4578 : vector<512x128xi1>
    %eq3A_4717 = arith.constant dense<true> : vector<512x128xi1>
    %eq3A_4718 = arith.xori %eq3A_4716, %eq3A_4717 : vector<512x128xi1>
    %eq3A_4719 = arith.xori %or3A_4715, %eq3A_4718 : vector<512x128xi1>
    %eq3A_4720 = arith.constant dense<true> : vector<512x128xi1>
    %eq3A_4721 = arith.xori %eq3A_4719, %eq3A_4720 : vector<512x128xi1>
    %select_n3A_4722 = arith.select %eq3A_4721, %select_n3A_4693, %reshape3A_4699 : vector<512x128xi1>, vector<512x128xf32>
    %select_n3A_4723 = arith.select %eq3A_4721, %select_n3A_4694, %reshape3A_4704 : vector<512x128xi1>, vector<512x128xf32>
    %reshape3A_4724 = vector.shape_cast %select_n3A_4722 : vector<512x128xf32> to vector<32x2x8x128xf32>
    %slice3A_4725 = vector.extract_strided_slice %reshape3A_4724 {offsets = [0, 1, 0, 0], sizes = [32, 1, 8, 128], strides = [1, 1, 1, 1]} : vector<32x2x8x128xf32> to vector<32x1x8x128xf32>
    %slice3A_4726 = vector.extract_strided_slice %reshape3A_4724 {offsets = [0, 0, 0, 0], sizes = [32, 1, 8, 128], strides = [1, 1, 1, 1]} : vector<32x2x8x128xf32> to vector<32x1x8x128xf32>
    %concatenate3A_4727 = tpu.concatenate %slice3A_4725, %slice3A_4726 in 1 : vector<32x1x8x128xf32>, vector<32x1x8x128xf32> -> vector<32x2x8x128xf32>
    %reshape3A_4728 = vector.shape_cast %concatenate3A_4727 : vector<32x2x8x128xf32> to vector<512x128xf32>
    %reshape3A_4729 = vector.shape_cast %select_n3A_4723 : vector<512x128xf32> to vector<32x2x8x128xf32>
    %slice3A_4730 = vector.extract_strided_slice %reshape3A_4729 {offsets = [0, 1, 0, 0], sizes = [32, 1, 8, 128], strides = [1, 1, 1, 1]} : vector<32x2x8x128xf32> to vector<32x1x8x128xf32>
    %slice3A_4731 = vector.extract_strided_slice %reshape3A_4729 {offsets = [0, 0, 0, 0], sizes = [32, 1, 8, 128], strides = [1, 1, 1, 1]} : vector<32x2x8x128xf32> to vector<32x1x8x128xf32>
    %concatenate3A_4732 = tpu.concatenate %slice3A_4730, %slice3A_4731 in 1 : vector<32x1x8x128xf32>, vector<32x1x8x128xf32> -> vector<32x2x8x128xf32>
    %reshape3A_4733 = vector.shape_cast %concatenate3A_4732 : vector<32x2x8x128xf32> to vector<512x128xf32>
    %and3A_4734 = arith.constant 8 : i32
    %and3A_4735 = vector.broadcast %and3A_4734 : i32 to vector<512x128xi32>
    %and3A_4736 = arith.andi %iota3A, %and3A_4735 : vector<512x128xi32>
    %eq3A_4737 = arith.constant 0 : i32
    %eq3A_4738 = vector.broadcast %eq3A_4737 : i32 to vector<512x128xi32>
    %eq3A_4739 = arith.cmpi eq, %and3A_4736, %eq3A_4738 : vector<512x128xi32>
    %gt3A_4740 = arith.cmpf ogt, %select_n3A_4722, %reshape3A_4728 : vector<512x128xf32>
    %eq3A_4741 = arith.cmpf oeq, %select_n3A_4722, %reshape3A_4728 : vector<512x128xf32>
    %lt3A_4742 = arith.cmpf olt, %select_n3A_4723, %reshape3A_4733 : vector<512x128xf32>
    %and3A_4743 = arith.andi %eq3A_4741, %lt3A_4742 : vector<512x128xi1>
    %or3A_4744 = arith.ori %gt3A_4740, %and3A_4743 : vector<512x128xi1>
    %eq3A_4745 = arith.xori %eq3A_4739, %broadcast_in_dim3A_4578 : vector<512x128xi1>
    %eq3A_4746 = arith.constant dense<true> : vector<512x128xi1>
    %eq3A_4747 = arith.xori %eq3A_4745, %eq3A_4746 : vector<512x128xi1>
    %eq3A_4748 = arith.xori %or3A_4744, %eq3A_4747 : vector<512x128xi1>
    %eq3A_4749 = arith.constant dense<true> : vector<512x128xi1>
    %eq3A_4750 = arith.xori %eq3A_4748, %eq3A_4749 : vector<512x128xi1>
    %select_n3A_4751 = arith.select %eq3A_4750, %select_n3A_4722, %reshape3A_4728 : vector<512x128xi1>, vector<512x128xf32>
    %select_n3A_4752 = arith.select %eq3A_4750, %select_n3A_4723, %reshape3A_4733 : vector<512x128xi1>, vector<512x128xf32>
    %reshape3A_4753 = vector.shape_cast %select_n3A_4751 : vector<512x128xf32> to vector<64x2x4x128xf32>
    %slice3A_4754 = vector.extract_strided_slice %reshape3A_4753 {offsets = [0, 1, 0, 0], sizes = [64, 1, 4, 128], strides = [1, 1, 1, 1]} : vector<64x2x4x128xf32> to vector<64x1x4x128xf32>
    %slice3A_4755 = vector.extract_strided_slice %reshape3A_4753 {offsets = [0, 0, 0, 0], sizes = [64, 1, 4, 128], strides = [1, 1, 1, 1]} : vector<64x2x4x128xf32> to vector<64x1x4x128xf32>
    %concatenate3A_4756 = tpu.concatenate %slice3A_4754, %slice3A_4755 in 1 : vector<64x1x4x128xf32>, vector<64x1x4x128xf32> -> vector<64x2x4x128xf32>
    %reshape3A_4757 = vector.shape_cast %concatenate3A_4756 : vector<64x2x4x128xf32> to vector<512x128xf32>
    %reshape3A_4758 = vector.shape_cast %select_n3A_4752 : vector<512x128xf32> to vector<64x2x4x128xf32>
    %slice3A_4759 = vector.extract_strided_slice %reshape3A_4758 {offsets = [0, 1, 0, 0], sizes = [64, 1, 4, 128], strides = [1, 1, 1, 1]} : vector<64x2x4x128xf32> to vector<64x1x4x128xf32>
    %slice3A_4760 = vector.extract_strided_slice %reshape3A_4758 {offsets = [0, 0, 0, 0], sizes = [64, 1, 4, 128], strides = [1, 1, 1, 1]} : vector<64x2x4x128xf32> to vector<64x1x4x128xf32>
    %concatenate3A_4761 = tpu.concatenate %slice3A_4759, %slice3A_4760 in 1 : vector<64x1x4x128xf32>, vector<64x1x4x128xf32> -> vector<64x2x4x128xf32>
    %reshape3A_4762 = vector.shape_cast %concatenate3A_4761 : vector<64x2x4x128xf32> to vector<512x128xf32>
    %and3A_4763 = arith.constant 4 : i32
    %and3A_4764 = vector.broadcast %and3A_4763 : i32 to vector<512x128xi32>
    %and3A_4765 = arith.andi %iota3A, %and3A_4764 : vector<512x128xi32>
    %eq3A_4766 = arith.constant 0 : i32
    %eq3A_4767 = vector.broadcast %eq3A_4766 : i32 to vector<512x128xi32>
    %eq3A_4768 = arith.cmpi eq, %and3A_4765, %eq3A_4767 : vector<512x128xi32>
    %gt3A_4769 = arith.cmpf ogt, %select_n3A_4751, %reshape3A_4757 : vector<512x128xf32>
    %eq3A_4770 = arith.cmpf oeq, %select_n3A_4751, %reshape3A_4757 : vector<512x128xf32>
    %lt3A_4771 = arith.cmpf olt, %select_n3A_4752, %reshape3A_4762 : vector<512x128xf32>
    %and3A_4772 = arith.andi %eq3A_4770, %lt3A_4771 : vector<512x128xi1>
    %or3A_4773 = arith.ori %gt3A_4769, %and3A_4772 : vector<512x128xi1>
    %eq3A_4774 = arith.xori %eq3A_4768, %broadcast_in_dim3A_4578 : vector<512x128xi1>
    %eq3A_4775 = arith.constant dense<true> : vector<512x128xi1>
    %eq3A_4776 = arith.xori %eq3A_4774, %eq3A_4775 : vector<512x128xi1>
    %eq3A_4777 = arith.xori %or3A_4773, %eq3A_4776 : vector<512x128xi1>
    %eq3A_4778 = arith.constant dense<true> : vector<512x128xi1>
    %eq3A_4779 = arith.xori %eq3A_4777, %eq3A_4778 : vector<512x128xi1>
    %select_n3A_4780 = arith.select %eq3A_4779, %select_n3A_4751, %reshape3A_4757 : vector<512x128xi1>, vector<512x128xf32>
    %select_n3A_4781 = arith.select %eq3A_4779, %select_n3A_4752, %reshape3A_4762 : vector<512x128xi1>, vector<512x128xf32>
    %reshape3A_4782 = vector.shape_cast %select_n3A_4780 : vector<512x128xf32> to vector<128x2x2x128xf32>
    %slice3A_4783 = vector.extract_strided_slice %reshape3A_4782 {offsets = [0, 1, 0, 0], sizes = [128, 1, 2, 128], strides = [1, 1, 1, 1]} : vector<128x2x2x128xf32> to vector<128x1x2x128xf32>
    %slice3A_4784 = vector.extract_strided_slice %reshape3A_4782 {offsets = [0, 0, 0, 0], sizes = [128, 1, 2, 128], strides = [1, 1, 1, 1]} : vector<128x2x2x128xf32> to vector<128x1x2x128xf32>
    %concatenate3A_4785 = tpu.concatenate %slice3A_4783, %slice3A_4784 in 1 : vector<128x1x2x128xf32>, vector<128x1x2x128xf32> -> vector<128x2x2x128xf32>
    %reshape3A_4786 = vector.shape_cast %concatenate3A_4785 : vector<128x2x2x128xf32> to vector<512x128xf32>
    %reshape3A_4787 = vector.shape_cast %select_n3A_4781 : vector<512x128xf32> to vector<128x2x2x128xf32>
    %slice3A_4788 = vector.extract_strided_slice %reshape3A_4787 {offsets = [0, 1, 0, 0], sizes = [128, 1, 2, 128], strides = [1, 1, 1, 1]} : vector<128x2x2x128xf32> to vector<128x1x2x128xf32>
    %slice3A_4789 = vector.extract_strided_slice %reshape3A_4787 {offsets = [0, 0, 0, 0], sizes = [128, 1, 2, 128], strides = [1, 1, 1, 1]} : vector<128x2x2x128xf32> to vector<128x1x2x128xf32>
    %concatenate3A_4790 = tpu.concatenate %slice3A_4788, %slice3A_4789 in 1 : vector<128x1x2x128xf32>, vector<128x1x2x128xf32> -> vector<128x2x2x128xf32>
    %reshape3A_4791 = vector.shape_cast %concatenate3A_4790 : vector<128x2x2x128xf32> to vector<512x128xf32>
    %and3A_4792 = arith.constant 2 : i32
    %and3A_4793 = vector.broadcast %and3A_4792 : i32 to vector<512x128xi32>
    %and3A_4794 = arith.andi %iota3A, %and3A_4793 : vector<512x128xi32>
    %eq3A_4795 = arith.constant 0 : i32
    %eq3A_4796 = vector.broadcast %eq3A_4795 : i32 to vector<512x128xi32>
    %eq3A_4797 = arith.cmpi eq, %and3A_4794, %eq3A_4796 : vector<512x128xi32>
    %gt3A_4798 = arith.cmpf ogt, %select_n3A_4780, %reshape3A_4786 : vector<512x128xf32>
    %eq3A_4799 = arith.cmpf oeq, %select_n3A_4780, %reshape3A_4786 : vector<512x128xf32>
    %lt3A_4800 = arith.cmpf olt, %select_n3A_4781, %reshape3A_4791 : vector<512x128xf32>
    %and3A_4801 = arith.andi %eq3A_4799, %lt3A_4800 : vector<512x128xi1>
    %or3A_4802 = arith.ori %gt3A_4798, %and3A_4801 : vector<512x128xi1>
    %eq3A_4803 = arith.xori %eq3A_4797, %broadcast_in_dim3A_4578 : vector<512x128xi1>
    %eq3A_4804 = arith.constant dense<true> : vector<512x128xi1>
    %eq3A_4805 = arith.xori %eq3A_4803, %eq3A_4804 : vector<512x128xi1>
    %eq3A_4806 = arith.xori %or3A_4802, %eq3A_4805 : vector<512x128xi1>
    %eq3A_4807 = arith.constant dense<true> : vector<512x128xi1>
    %eq3A_4808 = arith.xori %eq3A_4806, %eq3A_4807 : vector<512x128xi1>
    %select_n3A_4809 = arith.select %eq3A_4808, %select_n3A_4780, %reshape3A_4786 : vector<512x128xi1>, vector<512x128xf32>
    %select_n3A_4810 = arith.select %eq3A_4808, %select_n3A_4781, %reshape3A_4791 : vector<512x128xi1>, vector<512x128xf32>
    %reshape3A_4811 = vector.shape_cast %select_n3A_4809 : vector<512x128xf32> to vector<256x2x1x128xf32>
    %slice3A_4812 = vector.extract_strided_slice %reshape3A_4811 {offsets = [0, 1, 0, 0], sizes = [256, 1, 1, 128], strides = [1, 1, 1, 1]} : vector<256x2x1x128xf32> to vector<256x1x1x128xf32>
    %slice3A_4813 = vector.extract_strided_slice %reshape3A_4811 {offsets = [0, 0, 0, 0], sizes = [256, 1, 1, 128], strides = [1, 1, 1, 1]} : vector<256x2x1x128xf32> to vector<256x1x1x128xf32>
    %concatenate3A_4814 = tpu.concatenate %slice3A_4812, %slice3A_4813 in 1 : vector<256x1x1x128xf32>, vector<256x1x1x128xf32> -> vector<256x2x1x128xf32>
    %reshape3A_4815 = vector.shape_cast %concatenate3A_4814 : vector<256x2x1x128xf32> to vector<512x128xf32>
    %reshape3A_4816 = vector.shape_cast %select_n3A_4810 : vector<512x128xf32> to vector<256x2x1x128xf32>
    %slice3A_4817 = vector.extract_strided_slice %reshape3A_4816 {offsets = [0, 1, 0, 0], sizes = [256, 1, 1, 128], strides = [1, 1, 1, 1]} : vector<256x2x1x128xf32> to vector<256x1x1x128xf32>
    %slice3A_4818 = vector.extract_strided_slice %reshape3A_4816 {offsets = [0, 0, 0, 0], sizes = [256, 1, 1, 128], strides = [1, 1, 1, 1]} : vector<256x2x1x128xf32> to vector<256x1x1x128xf32>
    %concatenate3A_4819 = tpu.concatenate %slice3A_4817, %slice3A_4818 in 1 : vector<256x1x1x128xf32>, vector<256x1x1x128xf32> -> vector<256x2x1x128xf32>
    %reshape3A_4820 = vector.shape_cast %concatenate3A_4819 : vector<256x2x1x128xf32> to vector<512x128xf32>
    %and3A_4821 = arith.constant 1 : i32
    %and3A_4822 = vector.broadcast %and3A_4821 : i32 to vector<512x128xi32>
    %and3A_4823 = arith.andi %iota3A, %and3A_4822 : vector<512x128xi32>
    %eq3A_4824 = arith.constant 0 : i32
    %eq3A_4825 = vector.broadcast %eq3A_4824 : i32 to vector<512x128xi32>
    %eq3A_4826 = arith.cmpi eq, %and3A_4823, %eq3A_4825 : vector<512x128xi32>
    %gt3A_4827 = arith.cmpf ogt, %select_n3A_4809, %reshape3A_4815 : vector<512x128xf32>
    %eq3A_4828 = arith.cmpf oeq, %select_n3A_4809, %reshape3A_4815 : vector<512x128xf32>
    %lt3A_4829 = arith.cmpf olt, %select_n3A_4810, %reshape3A_4820 : vector<512x128xf32>
    %and3A_4830 = arith.andi %eq3A_4828, %lt3A_4829 : vector<512x128xi1>
    %or3A_4831 = arith.ori %gt3A_4827, %and3A_4830 : vector<512x128xi1>
    %eq3A_4832 = arith.xori %eq3A_4826, %broadcast_in_dim3A_4578 : vector<512x128xi1>
    %eq3A_4833 = arith.constant dense<true> : vector<512x128xi1>
    %eq3A_4834 = arith.xori %eq3A_4832, %eq3A_4833 : vector<512x128xi1>
    %eq3A_4835 = arith.xori %or3A_4831, %eq3A_4834 : vector<512x128xi1>
    %eq3A_4836 = arith.constant dense<true> : vector<512x128xi1>
    %eq3A_4837 = arith.xori %eq3A_4835, %eq3A_4836 : vector<512x128xi1>
    %select_n3A_4838 = arith.select %eq3A_4837, %select_n3A_4809, %reshape3A_4815 : vector<512x128xi1>, vector<512x128xf32>
    %select_n3A_4839 = arith.select %eq3A_4837, %select_n3A_4810, %reshape3A_4820 : vector<512x128xi1>, vector<512x128xf32>
    %and3A_4840 = arith.constant 64 : i32
    %and3A_4841 = vector.broadcast %and3A_4840 : i32 to vector<512x128xi32>
    %and3A_4842 = arith.andi %iota3A_0, %and3A_4841 : vector<512x128xi32>
    %eq3A_4843 = arith.constant 0 : i32
    %eq3A_4844 = vector.broadcast %eq3A_4843 : i32 to vector<512x128xi32>
    %eq3A_4845 = arith.cmpi eq, %and3A_4842, %eq3A_4844 : vector<512x128xi32>
    %roll3A_4846 = arith.constant 64 : i32
    %roll3A_4847 = tpu.dynamic_rotate %select_n3A_4838 by %roll3A_4846 dim 1 : vector<512x128xf32>, i32 -> vector<512x128xf32>
    %roll3A_4848 = arith.constant 64 : i32
    %roll3A_4849 = tpu.dynamic_rotate %select_n3A_4838 by %roll3A_4848 dim 1 : vector<512x128xf32>, i32 -> vector<512x128xf32>
    %select_n3A_4850 = arith.select %eq3A_4845, %roll3A_4847, %roll3A_4849 : vector<512x128xi1>, vector<512x128xf32>
    %and3A_4851 = arith.constant 64 : i32
    %and3A_4852 = vector.broadcast %and3A_4851 : i32 to vector<512x128xi32>
    %and3A_4853 = arith.andi %iota3A_0, %and3A_4852 : vector<512x128xi32>
    %eq3A_4854 = arith.constant 0 : i32
    %eq3A_4855 = vector.broadcast %eq3A_4854 : i32 to vector<512x128xi32>
    %eq3A_4856 = arith.cmpi eq, %and3A_4853, %eq3A_4855 : vector<512x128xi32>
    %roll3A_4857 = arith.constant 64 : i32
    %roll3A_4858 = tpu.dynamic_rotate %select_n3A_4839 by %roll3A_4857 dim 1 : vector<512x128xf32>, i32 -> vector<512x128xf32>
    %roll3A_4859 = arith.constant 64 : i32
    %roll3A_4860 = tpu.dynamic_rotate %select_n3A_4839 by %roll3A_4859 dim 1 : vector<512x128xf32>, i32 -> vector<512x128xf32>
    %select_n3A_4861 = arith.select %eq3A_4856, %roll3A_4858, %roll3A_4860 : vector<512x128xi1>, vector<512x128xf32>
    %and3A_4862 = arith.constant 64 : i32
    %and3A_4863 = vector.broadcast %and3A_4862 : i32 to vector<512x128xi32>
    %and3A_4864 = arith.andi %iota3A_0, %and3A_4863 : vector<512x128xi32>
    %eq3A_4865 = arith.constant 0 : i32
    %eq3A_4866 = vector.broadcast %eq3A_4865 : i32 to vector<512x128xi32>
    %eq3A_4867 = arith.cmpi eq, %and3A_4864, %eq3A_4866 : vector<512x128xi32>
    %gt3A_4868 = arith.cmpf ogt, %select_n3A_4838, %select_n3A_4850 : vector<512x128xf32>
    %eq3A_4869 = arith.cmpf oeq, %select_n3A_4838, %select_n3A_4850 : vector<512x128xf32>
    %lt3A_4870 = arith.cmpf olt, %select_n3A_4839, %select_n3A_4861 : vector<512x128xf32>
    %and3A_4871 = arith.andi %eq3A_4869, %lt3A_4870 : vector<512x128xi1>
    %or3A_4872 = arith.ori %gt3A_4868, %and3A_4871 : vector<512x128xi1>
    %eq3A_4873 = arith.xori %eq3A_4867, %broadcast_in_dim3A_4578 : vector<512x128xi1>
    %eq3A_4874 = arith.constant dense<true> : vector<512x128xi1>
    %eq3A_4875 = arith.xori %eq3A_4873, %eq3A_4874 : vector<512x128xi1>
    %eq3A_4876 = arith.xori %or3A_4872, %eq3A_4875 : vector<512x128xi1>
    %eq3A_4877 = arith.constant dense<true> : vector<512x128xi1>
    %eq3A_4878 = arith.xori %eq3A_4876, %eq3A_4877 : vector<512x128xi1>
    %select_n3A_4879 = arith.select %eq3A_4878, %select_n3A_4838, %select_n3A_4850 : vector<512x128xi1>, vector<512x128xf32>
    %select_n3A_4880 = arith.select %eq3A_4878, %select_n3A_4839, %select_n3A_4861 : vector<512x128xi1>, vector<512x128xf32>
    %and3A_4881 = arith.constant 32 : i32
    %and3A_4882 = vector.broadcast %and3A_4881 : i32 to vector<512x128xi32>
    %and3A_4883 = arith.andi %iota3A_0, %and3A_4882 : vector<512x128xi32>
    %eq3A_4884 = arith.constant 0 : i32
    %eq3A_4885 = vector.broadcast %eq3A_4884 : i32 to vector<512x128xi32>
    %eq3A_4886 = arith.cmpi eq, %and3A_4883, %eq3A_4885 : vector<512x128xi32>
    %roll3A_4887 = arith.constant 96 : i32
    %roll3A_4888 = tpu.dynamic_rotate %select_n3A_4879 by %roll3A_4887 dim 1 : vector<512x128xf32>, i32 -> vector<512x128xf32>
    %roll3A_4889 = arith.constant 32 : i32
    %roll3A_4890 = tpu.dynamic_rotate %select_n3A_4879 by %roll3A_4889 dim 1 : vector<512x128xf32>, i32 -> vector<512x128xf32>
    %select_n3A_4891 = arith.select %eq3A_4886, %roll3A_4888, %roll3A_4890 : vector<512x128xi1>, vector<512x128xf32>
    %and3A_4892 = arith.constant 32 : i32
    %and3A_4893 = vector.broadcast %and3A_4892 : i32 to vector<512x128xi32>
    %and3A_4894 = arith.andi %iota3A_0, %and3A_4893 : vector<512x128xi32>
    %eq3A_4895 = arith.constant 0 : i32
    %eq3A_4896 = vector.broadcast %eq3A_4895 : i32 to vector<512x128xi32>
    %eq3A_4897 = arith.cmpi eq, %and3A_4894, %eq3A_4896 : vector<512x128xi32>
    %roll3A_4898 = arith.constant 96 : i32
    %roll3A_4899 = tpu.dynamic_rotate %select_n3A_4880 by %roll3A_4898 dim 1 : vector<512x128xf32>, i32 -> vector<512x128xf32>
    %roll3A_4900 = arith.constant 32 : i32
    %roll3A_4901 = tpu.dynamic_rotate %select_n3A_4880 by %roll3A_4900 dim 1 : vector<512x128xf32>, i32 -> vector<512x128xf32>
    %select_n3A_4902 = arith.select %eq3A_4897, %roll3A_4899, %roll3A_4901 : vector<512x128xi1>, vector<512x128xf32>
    %and3A_4903 = arith.constant 32 : i32
    %and3A_4904 = vector.broadcast %and3A_4903 : i32 to vector<512x128xi32>
    %and3A_4905 = arith.andi %iota3A_0, %and3A_4904 : vector<512x128xi32>
    %eq3A_4906 = arith.constant 0 : i32
    %eq3A_4907 = vector.broadcast %eq3A_4906 : i32 to vector<512x128xi32>
    %eq3A_4908 = arith.cmpi eq, %and3A_4905, %eq3A_4907 : vector<512x128xi32>
    %gt3A_4909 = arith.cmpf ogt, %select_n3A_4879, %select_n3A_4891 : vector<512x128xf32>
    %eq3A_4910 = arith.cmpf oeq, %select_n3A_4879, %select_n3A_4891 : vector<512x128xf32>
    %lt3A_4911 = arith.cmpf olt, %select_n3A_4880, %select_n3A_4902 : vector<512x128xf32>
    %and3A_4912 = arith.andi %eq3A_4910, %lt3A_4911 : vector<512x128xi1>
    %or3A_4913 = arith.ori %gt3A_4909, %and3A_4912 : vector<512x128xi1>
    %eq3A_4914 = arith.xori %eq3A_4908, %broadcast_in_dim3A_4578 : vector<512x128xi1>
    %eq3A_4915 = arith.constant dense<true> : vector<512x128xi1>
    %eq3A_4916 = arith.xori %eq3A_4914, %eq3A_4915 : vector<512x128xi1>
    %eq3A_4917 = arith.xori %or3A_4913, %eq3A_4916 : vector<512x128xi1>
    %eq3A_4918 = arith.constant dense<true> : vector<512x128xi1>
    %eq3A_4919 = arith.xori %eq3A_4917, %eq3A_4918 : vector<512x128xi1>
    %select_n3A_4920 = arith.select %eq3A_4919, %select_n3A_4879, %select_n3A_4891 : vector<512x128xi1>, vector<512x128xf32>
    %select_n3A_4921 = arith.select %eq3A_4919, %select_n3A_4880, %select_n3A_4902 : vector<512x128xi1>, vector<512x128xf32>
    %and3A_4922 = arith.constant 16 : i32
    %and3A_4923 = vector.broadcast %and3A_4922 : i32 to vector<512x128xi32>
    %and3A_4924 = arith.andi %iota3A_0, %and3A_4923 : vector<512x128xi32>
    %eq3A_4925 = arith.constant 0 : i32
    %eq3A_4926 = vector.broadcast %eq3A_4925 : i32 to vector<512x128xi32>
    %eq3A_4927 = arith.cmpi eq, %and3A_4924, %eq3A_4926 : vector<512x128xi32>
    %roll3A_4928 = arith.constant 112 : i32
    %roll3A_4929 = tpu.dynamic_rotate %select_n3A_4920 by %roll3A_4928 dim 1 : vector<512x128xf32>, i32 -> vector<512x128xf32>
    %roll3A_4930 = arith.constant 16 : i32
    %roll3A_4931 = tpu.dynamic_rotate %select_n3A_4920 by %roll3A_4930 dim 1 : vector<512x128xf32>, i32 -> vector<512x128xf32>
    %select_n3A_4932 = arith.select %eq3A_4927, %roll3A_4929, %roll3A_4931 : vector<512x128xi1>, vector<512x128xf32>
    %and3A_4933 = arith.constant 16 : i32
    %and3A_4934 = vector.broadcast %and3A_4933 : i32 to vector<512x128xi32>
    %and3A_4935 = arith.andi %iota3A_0, %and3A_4934 : vector<512x128xi32>
    %eq3A_4936 = arith.constant 0 : i32
    %eq3A_4937 = vector.broadcast %eq3A_4936 : i32 to vector<512x128xi32>
    %eq3A_4938 = arith.cmpi eq, %and3A_4935, %eq3A_4937 : vector<512x128xi32>
    %roll3A_4939 = arith.constant 112 : i32
    %roll3A_4940 = tpu.dynamic_rotate %select_n3A_4921 by %roll3A_4939 dim 1 : vector<512x128xf32>, i32 -> vector<512x128xf32>
    %roll3A_4941 = arith.constant 16 : i32
    %roll3A_4942 = tpu.dynamic_rotate %select_n3A_4921 by %roll3A_4941 dim 1 : vector<512x128xf32>, i32 -> vector<512x128xf32>
    %select_n3A_4943 = arith.select %eq3A_4938, %roll3A_4940, %roll3A_4942 : vector<512x128xi1>, vector<512x128xf32>
    %and3A_4944 = arith.constant 16 : i32
    %and3A_4945 = vector.broadcast %and3A_4944 : i32 to vector<512x128xi32>
    %and3A_4946 = arith.andi %iota3A_0, %and3A_4945 : vector<512x128xi32>
    %eq3A_4947 = arith.constant 0 : i32
    %eq3A_4948 = vector.broadcast %eq3A_4947 : i32 to vector<512x128xi32>
    %eq3A_4949 = arith.cmpi eq, %and3A_4946, %eq3A_4948 : vector<512x128xi32>
    %gt3A_4950 = arith.cmpf ogt, %select_n3A_4920, %select_n3A_4932 : vector<512x128xf32>
    %eq3A_4951 = arith.cmpf oeq, %select_n3A_4920, %select_n3A_4932 : vector<512x128xf32>
    %lt3A_4952 = arith.cmpf olt, %select_n3A_4921, %select_n3A_4943 : vector<512x128xf32>
    %and3A_4953 = arith.andi %eq3A_4951, %lt3A_4952 : vector<512x128xi1>
    %or3A_4954 = arith.ori %gt3A_4950, %and3A_4953 : vector<512x128xi1>
    %eq3A_4955 = arith.xori %eq3A_4949, %broadcast_in_dim3A_4578 : vector<512x128xi1>
    %eq3A_4956 = arith.constant dense<true> : vector<512x128xi1>
    %eq3A_4957 = arith.xori %eq3A_4955, %eq3A_4956 : vector<512x128xi1>
    %eq3A_4958 = arith.xori %or3A_4954, %eq3A_4957 : vector<512x128xi1>
    %eq3A_4959 = arith.constant dense<true> : vector<512x128xi1>
    %eq3A_4960 = arith.xori %eq3A_4958, %eq3A_4959 : vector<512x128xi1>
    %select_n3A_4961 = arith.select %eq3A_4960, %select_n3A_4920, %select_n3A_4932 : vector<512x128xi1>, vector<512x128xf32>
    %select_n3A_4962 = arith.select %eq3A_4960, %select_n3A_4921, %select_n3A_4943 : vector<512x128xi1>, vector<512x128xf32>
    %and3A_4963 = arith.constant 8 : i32
    %and3A_4964 = vector.broadcast %and3A_4963 : i32 to vector<512x128xi32>
    %and3A_4965 = arith.andi %iota3A_0, %and3A_4964 : vector<512x128xi32>
    %eq3A_4966 = arith.constant 0 : i32
    %eq3A_4967 = vector.broadcast %eq3A_4966 : i32 to vector<512x128xi32>
    %eq3A_4968 = arith.cmpi eq, %and3A_4965, %eq3A_4967 : vector<512x128xi32>
    %roll3A_4969 = arith.constant 120 : i32
    %roll3A_4970 = tpu.dynamic_rotate %select_n3A_4961 by %roll3A_4969 dim 1 : vector<512x128xf32>, i32 -> vector<512x128xf32>
    %roll3A_4971 = arith.constant 8 : i32
    %roll3A_4972 = tpu.dynamic_rotate %select_n3A_4961 by %roll3A_4971 dim 1 : vector<512x128xf32>, i32 -> vector<512x128xf32>
    %select_n3A_4973 = arith.select %eq3A_4968, %roll3A_4970, %roll3A_4972 : vector<512x128xi1>, vector<512x128xf32>
    %and3A_4974 = arith.constant 8 : i32
    %and3A_4975 = vector.broadcast %and3A_4974 : i32 to vector<512x128xi32>
    %and3A_4976 = arith.andi %iota3A_0, %and3A_4975 : vector<512x128xi32>
    %eq3A_4977 = arith.constant 0 : i32
    %eq3A_4978 = vector.broadcast %eq3A_4977 : i32 to vector<512x128xi32>
    %eq3A_4979 = arith.cmpi eq, %and3A_4976, %eq3A_4978 : vector<512x128xi32>
    %roll3A_4980 = arith.constant 120 : i32
    %roll3A_4981 = tpu.dynamic_rotate %select_n3A_4962 by %roll3A_4980 dim 1 : vector<512x128xf32>, i32 -> vector<512x128xf32>
    %roll3A_4982 = arith.constant 8 : i32
    %roll3A_4983 = tpu.dynamic_rotate %select_n3A_4962 by %roll3A_4982 dim 1 : vector<512x128xf32>, i32 -> vector<512x128xf32>
    %select_n3A_4984 = arith.select %eq3A_4979, %roll3A_4981, %roll3A_4983 : vector<512x128xi1>, vector<512x128xf32>
    %and3A_4985 = arith.constant 8 : i32
    %and3A_4986 = vector.broadcast %and3A_4985 : i32 to vector<512x128xi32>
    %and3A_4987 = arith.andi %iota3A_0, %and3A_4986 : vector<512x128xi32>
    %eq3A_4988 = arith.constant 0 : i32
    %eq3A_4989 = vector.broadcast %eq3A_4988 : i32 to vector<512x128xi32>
    %eq3A_4990 = arith.cmpi eq, %and3A_4987, %eq3A_4989 : vector<512x128xi32>
    %gt3A_4991 = arith.cmpf ogt, %select_n3A_4961, %select_n3A_4973 : vector<512x128xf32>
    %eq3A_4992 = arith.cmpf oeq, %select_n3A_4961, %select_n3A_4973 : vector<512x128xf32>
    %lt3A_4993 = arith.cmpf olt, %select_n3A_4962, %select_n3A_4984 : vector<512x128xf32>
    %and3A_4994 = arith.andi %eq3A_4992, %lt3A_4993 : vector<512x128xi1>
    %or3A_4995 = arith.ori %gt3A_4991, %and3A_4994 : vector<512x128xi1>
    %eq3A_4996 = arith.xori %eq3A_4990, %broadcast_in_dim3A_4578 : vector<512x128xi1>
    %eq3A_4997 = arith.constant dense<true> : vector<512x128xi1>
    %eq3A_4998 = arith.xori %eq3A_4996, %eq3A_4997 : vector<512x128xi1>
    %eq3A_4999 = arith.xori %or3A_4995, %eq3A_4998 : vector<512x128xi1>
    %eq3A_5000 = arith.constant dense<true> : vector<512x128xi1>
    %eq3A_5001 = arith.xori %eq3A_4999, %eq3A_5000 : vector<512x128xi1>
    %select_n3A_5002 = arith.select %eq3A_5001, %select_n3A_4961, %select_n3A_4973 : vector<512x128xi1>, vector<512x128xf32>
    %select_n3A_5003 = arith.select %eq3A_5001, %select_n3A_4962, %select_n3A_4984 : vector<512x128xi1>, vector<512x128xf32>
    %and3A_5004 = arith.constant 4 : i32
    %and3A_5005 = vector.broadcast %and3A_5004 : i32 to vector<512x128xi32>
    %and3A_5006 = arith.andi %iota3A_0, %and3A_5005 : vector<512x128xi32>
    %eq3A_5007 = arith.constant 0 : i32
    %eq3A_5008 = vector.broadcast %eq3A_5007 : i32 to vector<512x128xi32>
    %eq3A_5009 = arith.cmpi eq, %and3A_5006, %eq3A_5008 : vector<512x128xi32>
    %roll3A_5010 = arith.constant 124 : i32
    %roll3A_5011 = tpu.dynamic_rotate %select_n3A_5002 by %roll3A_5010 dim 1 : vector<512x128xf32>, i32 -> vector<512x128xf32>
    %roll3A_5012 = arith.constant 4 : i32
    %roll3A_5013 = tpu.dynamic_rotate %select_n3A_5002 by %roll3A_5012 dim 1 : vector<512x128xf32>, i32 -> vector<512x128xf32>
    %select_n3A_5014 = arith.select %eq3A_5009, %roll3A_5011, %roll3A_5013 : vector<512x128xi1>, vector<512x128xf32>
    %and3A_5015 = arith.constant 4 : i32
    %and3A_5016 = vector.broadcast %and3A_5015 : i32 to vector<512x128xi32>
    %and3A_5017 = arith.andi %iota3A_0, %and3A_5016 : vector<512x128xi32>
    %eq3A_5018 = arith.constant 0 : i32
    %eq3A_5019 = vector.broadcast %eq3A_5018 : i32 to vector<512x128xi32>
    %eq3A_5020 = arith.cmpi eq, %and3A_5017, %eq3A_5019 : vector<512x128xi32>
    %roll3A_5021 = arith.constant 124 : i32
    %roll3A_5022 = tpu.dynamic_rotate %select_n3A_5003 by %roll3A_5021 dim 1 : vector<512x128xf32>, i32 -> vector<512x128xf32>
    %roll3A_5023 = arith.constant 4 : i32
    %roll3A_5024 = tpu.dynamic_rotate %select_n3A_5003 by %roll3A_5023 dim 1 : vector<512x128xf32>, i32 -> vector<512x128xf32>
    %select_n3A_5025 = arith.select %eq3A_5020, %roll3A_5022, %roll3A_5024 : vector<512x128xi1>, vector<512x128xf32>
    %and3A_5026 = arith.constant 4 : i32
    %and3A_5027 = vector.broadcast %and3A_5026 : i32 to vector<512x128xi32>
    %and3A_5028 = arith.andi %iota3A_0, %and3A_5027 : vector<512x128xi32>
    %eq3A_5029 = arith.constant 0 : i32
    %eq3A_5030 = vector.broadcast %eq3A_5029 : i32 to vector<512x128xi32>
    %eq3A_5031 = arith.cmpi eq, %and3A_5028, %eq3A_5030 : vector<512x128xi32>
    %gt3A_5032 = arith.cmpf ogt, %select_n3A_5002, %select_n3A_5014 : vector<512x128xf32>
    %eq3A_5033 = arith.cmpf oeq, %select_n3A_5002, %select_n3A_5014 : vector<512x128xf32>
    %lt3A_5034 = arith.cmpf olt, %select_n3A_5003, %select_n3A_5025 : vector<512x128xf32>
    %and3A_5035 = arith.andi %eq3A_5033, %lt3A_5034 : vector<512x128xi1>
    %or3A_5036 = arith.ori %gt3A_5032, %and3A_5035 : vector<512x128xi1>
    %eq3A_5037 = arith.xori %eq3A_5031, %broadcast_in_dim3A_4578 : vector<512x128xi1>
    %eq3A_5038 = arith.constant dense<true> : vector<512x128xi1>
    %eq3A_5039 = arith.xori %eq3A_5037, %eq3A_5038 : vector<512x128xi1>
    %eq3A_5040 = arith.xori %or3A_5036, %eq3A_5039 : vector<512x128xi1>
    %eq3A_5041 = arith.constant dense<true> : vector<512x128xi1>
    %eq3A_5042 = arith.xori %eq3A_5040, %eq3A_5041 : vector<512x128xi1>
    %select_n3A_5043 = arith.select %eq3A_5042, %select_n3A_5002, %select_n3A_5014 : vector<512x128xi1>, vector<512x128xf32>
    %select_n3A_5044 = arith.select %eq3A_5042, %select_n3A_5003, %select_n3A_5025 : vector<512x128xi1>, vector<512x128xf32>
    %and3A_5045 = arith.constant 2 : i32
    %and3A_5046 = vector.broadcast %and3A_5045 : i32 to vector<512x128xi32>
    %and3A_5047 = arith.andi %iota3A_0, %and3A_5046 : vector<512x128xi32>
    %eq3A_5048 = arith.constant 0 : i32
    %eq3A_5049 = vector.broadcast %eq3A_5048 : i32 to vector<512x128xi32>
    %eq3A_5050 = arith.cmpi eq, %and3A_5047, %eq3A_5049 : vector<512x128xi32>
    %roll3A_5051 = arith.constant 126 : i32
    %roll3A_5052 = tpu.dynamic_rotate %select_n3A_5043 by %roll3A_5051 dim 1 : vector<512x128xf32>, i32 -> vector<512x128xf32>
    %roll3A_5053 = arith.constant 2 : i32
    %roll3A_5054 = tpu.dynamic_rotate %select_n3A_5043 by %roll3A_5053 dim 1 : vector<512x128xf32>, i32 -> vector<512x128xf32>
    %select_n3A_5055 = arith.select %eq3A_5050, %roll3A_5052, %roll3A_5054 : vector<512x128xi1>, vector<512x128xf32>
    %and3A_5056 = arith.constant 2 : i32
    %and3A_5057 = vector.broadcast %and3A_5056 : i32 to vector<512x128xi32>
    %and3A_5058 = arith.andi %iota3A_0, %and3A_5057 : vector<512x128xi32>
    %eq3A_5059 = arith.constant 0 : i32
    %eq3A_5060 = vector.broadcast %eq3A_5059 : i32 to vector<512x128xi32>
    %eq3A_5061 = arith.cmpi eq, %and3A_5058, %eq3A_5060 : vector<512x128xi32>
    %roll3A_5062 = arith.constant 126 : i32
    %roll3A_5063 = tpu.dynamic_rotate %select_n3A_5044 by %roll3A_5062 dim 1 : vector<512x128xf32>, i32 -> vector<512x128xf32>
    %roll3A_5064 = arith.constant 2 : i32
    %roll3A_5065 = tpu.dynamic_rotate %select_n3A_5044 by %roll3A_5064 dim 1 : vector<512x128xf32>, i32 -> vector<512x128xf32>
    %select_n3A_5066 = arith.select %eq3A_5061, %roll3A_5063, %roll3A_5065 : vector<512x128xi1>, vector<512x128xf32>
    %and3A_5067 = arith.constant 2 : i32
    %and3A_5068 = vector.broadcast %and3A_5067 : i32 to vector<512x128xi32>
    %and3A_5069 = arith.andi %iota3A_0, %and3A_5068 : vector<512x128xi32>
    %eq3A_5070 = arith.constant 0 : i32
    %eq3A_5071 = vector.broadcast %eq3A_5070 : i32 to vector<512x128xi32>
    %eq3A_5072 = arith.cmpi eq, %and3A_5069, %eq3A_5071 : vector<512x128xi32>
    %gt3A_5073 = arith.cmpf ogt, %select_n3A_5043, %select_n3A_5055 : vector<512x128xf32>
    %eq3A_5074 = arith.cmpf oeq, %select_n3A_5043, %select_n3A_5055 : vector<512x128xf32>
    %lt3A_5075 = arith.cmpf olt, %select_n3A_5044, %select_n3A_5066 : vector<512x128xf32>
    %and3A_5076 = arith.andi %eq3A_5074, %lt3A_5075 : vector<512x128xi1>
    %or3A_5077 = arith.ori %gt3A_5073, %and3A_5076 : vector<512x128xi1>
    %eq3A_5078 = arith.xori %eq3A_5072, %broadcast_in_dim3A_4578 : vector<512x128xi1>
    %eq3A_5079 = arith.constant dense<true> : vector<512x128xi1>
    %eq3A_5080 = arith.xori %eq3A_5078, %eq3A_5079 : vector<512x128xi1>
    %eq3A_5081 = arith.xori %or3A_5077, %eq3A_5080 : vector<512x128xi1>
    %eq3A_5082 = arith.constant dense<true> : vector<512x128xi1>
    %eq3A_5083 = arith.xori %eq3A_5081, %eq3A_5082 : vector<512x128xi1>
    %select_n3A_5084 = arith.select %eq3A_5083, %select_n3A_5043, %select_n3A_5055 : vector<512x128xi1>, vector<512x128xf32>
    %select_n3A_5085 = arith.select %eq3A_5083, %select_n3A_5044, %select_n3A_5066 : vector<512x128xi1>, vector<512x128xf32>
    %and3A_5086 = arith.constant 1 : i32
    %and3A_5087 = vector.broadcast %and3A_5086 : i32 to vector<512x128xi32>
    %and3A_5088 = arith.andi %iota3A_0, %and3A_5087 : vector<512x128xi32>
    %eq3A_5089 = arith.constant 0 : i32
    %eq3A_5090 = vector.broadcast %eq3A_5089 : i32 to vector<512x128xi32>
    %eq3A_5091 = arith.cmpi eq, %and3A_5088, %eq3A_5090 : vector<512x128xi32>
    %roll3A_5092 = arith.constant 127 : i32
    %roll3A_5093 = tpu.dynamic_rotate %select_n3A_5084 by %roll3A_5092 dim 1 : vector<512x128xf32>, i32 -> vector<512x128xf32>
    %roll3A_5094 = arith.constant 1 : i32
    %roll3A_5095 = tpu.dynamic_rotate %select_n3A_5084 by %roll3A_5094 dim 1 : vector<512x128xf32>, i32 -> vector<512x128xf32>
    %select_n3A_5096 = arith.select %eq3A_5091, %roll3A_5093, %roll3A_5095 : vector<512x128xi1>, vector<512x128xf32>
    %and3A_5097 = arith.constant 1 : i32
    %and3A_5098 = vector.broadcast %and3A_5097 : i32 to vector<512x128xi32>
    %and3A_5099 = arith.andi %iota3A_0, %and3A_5098 : vector<512x128xi32>
    %eq3A_5100 = arith.constant 0 : i32
    %eq3A_5101 = vector.broadcast %eq3A_5100 : i32 to vector<512x128xi32>
    %eq3A_5102 = arith.cmpi eq, %and3A_5099, %eq3A_5101 : vector<512x128xi32>
    %roll3A_5103 = arith.constant 127 : i32
    %roll3A_5104 = tpu.dynamic_rotate %select_n3A_5085 by %roll3A_5103 dim 1 : vector<512x128xf32>, i32 -> vector<512x128xf32>
    %roll3A_5105 = arith.constant 1 : i32
    %roll3A_5106 = tpu.dynamic_rotate %select_n3A_5085 by %roll3A_5105 dim 1 : vector<512x128xf32>, i32 -> vector<512x128xf32>
    %select_n3A_5107 = arith.select %eq3A_5102, %roll3A_5104, %roll3A_5106 : vector<512x128xi1>, vector<512x128xf32>
    %and3A_5108 = arith.constant 1 : i32
    %and3A_5109 = vector.broadcast %and3A_5108 : i32 to vector<512x128xi32>
    %and3A_5110 = arith.andi %iota3A_0, %and3A_5109 : vector<512x128xi32>
    %eq3A_5111 = arith.constant 0 : i32
    %eq3A_5112 = vector.broadcast %eq3A_5111 : i32 to vector<512x128xi32>
    %eq3A_5113 = arith.cmpi eq, %and3A_5110, %eq3A_5112 : vector<512x128xi32>
    %gt3A_5114 = arith.cmpf ogt, %select_n3A_5084, %select_n3A_5096 : vector<512x128xf32>
    %eq3A_5115 = arith.cmpf oeq, %select_n3A_5084, %select_n3A_5096 : vector<512x128xf32>
    %lt3A_5116 = arith.cmpf olt, %select_n3A_5085, %select_n3A_5107 : vector<512x128xf32>
    %and3A_5117 = arith.andi %eq3A_5115, %lt3A_5116 : vector<512x128xi1>
    %or3A_5118 = arith.ori %gt3A_5114, %and3A_5117 : vector<512x128xi1>
    %eq3A_5119 = arith.xori %eq3A_5113, %broadcast_in_dim3A_4578 : vector<512x128xi1>
    %eq3A_5120 = arith.constant dense<true> : vector<512x128xi1>
    %eq3A_5121 = arith.xori %eq3A_5119, %eq3A_5120 : vector<512x128xi1>
    %eq3A_5122 = arith.xori %or3A_5118, %eq3A_5121 : vector<512x128xi1>
    %eq3A_5123 = arith.constant dense<true> : vector<512x128xi1>
    %eq3A_5124 = arith.xori %eq3A_5122, %eq3A_5123 : vector<512x128xi1>
    %select_n3A_5125 = arith.select %eq3A_5124, %select_n3A_5085, %select_n3A_5107 : vector<512x128xi1>, vector<512x128xf32>
    %slice3A_5126 = vector.extract_strided_slice %select_n3A_5125 {offsets = [0, 0], sizes = [48, 128], strides = [1, 1]} : vector<512x128xf32> to vector<48x128xf32>
    %swap3A = arith.constant 0 : index
    %swap3A_5127 = arith.constant 0 : index
    %swap3A_5128 = vector.load %arg1[%swap3A, %swap3A_5127] : memref<48x128xf32, #tpu.memory_space<vmem>>, vector<48x128xf32>
    tpu.vector_store %arg1[%swap3A, %swap3A_5127], %slice3A_5126 {strides = array<i32>} : memref<48x128xf32, #tpu.memory_space<vmem>>, vector<48x128xf32>,
    return
  }
}

module attributes {stable_mosaic.version = 14 : i64} {
  func.func @_nms_compact_body(%arg0: memref<4x48x128xf32, #tpu.memory_space<vmem>>, %arg1: memref<4x48x128x1xf32, #tpu.memory_space<vmem>>, %arg2: memref<4x1024x1xf32, #tpu.memory_space<vmem>>, %arg3: memref<48x128x1xf32, #tpu.memory_space<vmem>>, %arg4: memref<1xi32, #tpu.memory_space<smem>>) attributes {dimension_semantics = [], scalar_prefetch = 0 : i64, scratch_operands = 2 : i64, tpu.core_type = #tpu.core_type<tc>} {
    %iota3A = tpu.iota {dimensions = array<i32: 0>} : vector<128x128xi32>
    %iota3A_0 = tpu.iota {dimensions = array<i32: 1>} : vector<128x128xi32>
    %gt3A = arith.cmpi sgt, %iota3A_0, %iota3A : vector<128x128xi32>
    %convert_element_type3A = arith.extui %gt3A : vector<128x128xi1> to vector<128x128xi32>
    %convert_element_type3A_1 = arith.sitofp %convert_element_type3A : vector<128x128xi32> to vector<128x128xf32>
    %eq3A = arith.cmpi eq, %iota3A_0, %iota3A : vector<128x128xi32>
    %convert_element_type3A_2 = arith.extui %eq3A : vector<128x128xi1> to vector<128x128xi32>
    %convert_element_type3A_3 = arith.sitofp %convert_element_type3A_2 : vector<128x128xi32> to vector<128x128xf32>
    %iota3A_4 = tpu.iota {dimensions = array<i32: 1>} : vector<1x128xi32>
    %iota3A_5 = tpu.iota {dimensions = array<i32: 0>} : vector<1024x1xi32>
    %broadcast_in_dim3A = arith.constant 0.000000e+00 : f32
    %broadcast_in_dim3A_6 = vector.broadcast %broadcast_in_dim3A : f32 to vector<4x1024x1xf32>
    %swap3A = arith.constant 0 : index
    %swap3A_7 = arith.constant 0 : index
    %swap3A_8 = arith.constant 0 : index
    %swap3A_9 = vector.load %arg2[%swap3A, %swap3A_7, %swap3A_8] : memref<4x1024x1xf32, #tpu.memory_space<vmem>>, vector<4x1024x1xf32>
    tpu.vector_store %arg2[%swap3A, %swap3A_7, %swap3A_8], %broadcast_in_dim3A_6 {strides = array<i32>} : memref<4x1024x1xf32, #tpu.memory_space<vmem>>, vector<4x1024x1xf32>,
    %swap3A_10 = arith.constant 0 : i32
    %swap3A_11 = arith.constant 0 : index
    %swap3A_12 = memref.load %arg4[%swap3A_11] : memref<1xi32, #tpu.memory_space<smem>>
    memref.store %swap3A_10, %arg4[%swap3A_11] : memref<1xi32, #tpu.memory_space<smem>>
    %scan3A = arith.constant 0 : i32
    %scan3A_13 = arith.constant 48 : i32
    %scan3A_14 = arith.addi %scan3A, %scan3A_13 : i32
    %scan3A_15 = arith.constant 1 : i32
    scf.for %scan3A_17 = %scan3A to %scan3A_14 step %scan3A_15  : i32 {
      %get3A = arith.constant 0 : index
      %get3A_18 = memref.load %arg4[%get3A] : memref<1xi32, #tpu.memory_space<smem>>
      %lt3A = arith.constant 1000 : i32
      %lt3A_19 = arith.cmpi slt, %get3A_18, %lt3A : i32
      %convert_element_type3A_20 = arith.extui %lt3A_19 : i1 to i32
      %cond3A = arith.constant 0 : i32
      %cond3A_21 = arith.cmpi ne, %convert_element_type3A_20, %cond3A : i32
      scf.if %cond3A_21 {
        %get3A_22 = arith.constant 0 : index
        %get3A_23 = arith.index_cast %scan3A_17 : i32 to index
        %get3A_24 = arith.constant 0 : index
        %get3A_25 = vector.load %arg0[%get3A_22, %get3A_23, %get3A_24] : memref<4x48x128xf32, #tpu.memory_space<vmem>>, vector<1x1x128xf32>
        %get3A_26 = vector.shape_cast %get3A_25 : vector<1x1x128xf32> to vector<1x128xf32>
        %get3A_27 = arith.constant 1 : index
        %get3A_28 = arith.index_cast %scan3A_17 : i32 to index
        %get3A_29 = arith.constant 0 : index
        %get3A_30 = vector.load %arg0[%get3A_27, %get3A_28, %get3A_29] : memref<4x48x128xf32, #tpu.memory_space<vmem>>, vector<1x1x128xf32>
        %get3A_31 = vector.shape_cast %get3A_30 : vector<1x1x128xf32> to vector<1x128xf32>
        %get3A_32 = arith.constant 2 : index
        %get3A_33 = arith.index_cast %scan3A_17 : i32 to index
        %get3A_34 = arith.constant 0 : index
        %get3A_35 = vector.load %arg0[%get3A_32, %get3A_33, %get3A_34] : memref<4x48x128xf32, #tpu.memory_space<vmem>>, vector<1x1x128xf32>
        %get3A_36 = vector.shape_cast %get3A_35 : vector<1x1x128xf32> to vector<1x128xf32>
        %get3A_37 = arith.constant 3 : index
        %get3A_38 = arith.index_cast %scan3A_17 : i32 to index
        %get3A_39 = arith.constant 0 : index
        %get3A_40 = vector.load %arg0[%get3A_37, %get3A_38, %get3A_39] : memref<4x48x128xf32, #tpu.memory_space<vmem>>, vector<1x1x128xf32>
        %get3A_41 = vector.shape_cast %get3A_40 : vector<1x1x128xf32> to vector<1x128xf32>
        %sub3A = arith.subf %get3A_36, %get3A_26 : vector<1x128xf32>
        %sub3A_42 = arith.subf %get3A_41, %get3A_31 : vector<1x128xf32>
        %mul3A = arith.mulf %sub3A, %sub3A_42 : vector<1x128xf32>
        %get3A_43 = arith.constant 0 : index
        %get3A_44 = arith.index_cast %scan3A_17 : i32 to index
        %get3A_45 = arith.constant 0 : index
        %get3A_46 = arith.constant 0 : index
        %get3A_47 = vector.load %arg1[%get3A_43, %get3A_44, %get3A_45, %get3A_46] : memref<4x48x128x1xf32, #tpu.memory_space<vmem>>, vector<1x1x128x1xf32>
        %get3A_48 = vector.shape_cast %get3A_47 : vector<1x1x128x1xf32> to vector<1x128x1xf32>
        %reshape3A = vector.shape_cast %get3A_48 : vector<1x128x1xf32> to vector<128x1xf32>
        %get3A_49 = arith.constant 1 : index
        %get3A_50 = arith.index_cast %scan3A_17 : i32 to index
        %get3A_51 = arith.constant 0 : index
        %get3A_52 = arith.constant 0 : index
        %get3A_53 = vector.load %arg1[%get3A_49, %get3A_50, %get3A_51, %get3A_52] : memref<4x48x128x1xf32, #tpu.memory_space<vmem>>, vector<1x1x128x1xf32>
        %get3A_54 = vector.shape_cast %get3A_53 : vector<1x1x128x1xf32> to vector<1x128x1xf32>
        %reshape3A_55 = vector.shape_cast %get3A_54 : vector<1x128x1xf32> to vector<128x1xf32>
        %get3A_56 = arith.constant 2 : index
        %get3A_57 = arith.index_cast %scan3A_17 : i32 to index
        %get3A_58 = arith.constant 0 : index
        %get3A_59 = arith.constant 0 : index
        %get3A_60 = vector.load %arg1[%get3A_56, %get3A_57, %get3A_58, %get3A_59] : memref<4x48x128x1xf32, #tpu.memory_space<vmem>>, vector<1x1x128x1xf32>
        %get3A_61 = vector.shape_cast %get3A_60 : vector<1x1x128x1xf32> to vector<1x128x1xf32>
        %reshape3A_62 = vector.shape_cast %get3A_61 : vector<1x128x1xf32> to vector<128x1xf32>
        %get3A_63 = arith.constant 3 : index
        %get3A_64 = arith.index_cast %scan3A_17 : i32 to index
        %get3A_65 = arith.constant 0 : index
        %get3A_66 = arith.constant 0 : index
        %get3A_67 = vector.load %arg1[%get3A_63, %get3A_64, %get3A_65, %get3A_66] : memref<4x48x128x1xf32, #tpu.memory_space<vmem>>, vector<1x1x128x1xf32>
        %get3A_68 = vector.shape_cast %get3A_67 : vector<1x1x128x1xf32> to vector<1x128x1xf32>
        %reshape3A_69 = vector.shape_cast %get3A_68 : vector<1x128x1xf32> to vector<128x1xf32>
        %sub3A_70 = arith.subf %reshape3A_62, %reshape3A : vector<128x1xf32>
        %sub3A_71 = arith.subf %reshape3A_69, %reshape3A_55 : vector<128x1xf32>
        %mul3A_72 = arith.mulf %sub3A_70, %sub3A_71 : vector<128x1xf32>
        %broadcast_in_dim3A_73 = arith.constant 0.000000e+00 : f32
        %broadcast_in_dim3A_74 = vector.broadcast %broadcast_in_dim3A_73 : f32 to vector<1x128xf32>
        %while3A = arith.constant 0 : i32
        %while3A_75 = arith.subi %scan3A_17, %while3A : i32
        %while3A_76 = arith.addi %while3A, %while3A_75 : i32
        %while3A_77 = arith.constant 1 : i32
        %while3A_78 = arith.divsi %while3A_75, %while3A_77 : i32
        %while3A_79 = arith.muli %while3A_78, %while3A_77 : i32
        %while3A_80 = arith.addi %while3A, %while3A_79 : i32
        %while3A_81 = arith.constant 1 : i32
        %while3A_82 = scf.for %while3A_265 = %while3A to %while3A_80 step %while3A_81 iter_args(%while3A_266 = %broadcast_in_dim3A_74) -> (vector<1x128xf32>)  : i32 {
          %get3A_267 = arith.constant 0 : index
          %get3A_268 = arith.index_cast %while3A_265 : i32 to index
          %get3A_269 = arith.constant 0 : index
          %get3A_270 = arith.constant 0 : index
          %get3A_271 = vector.load %arg1[%get3A_267, %get3A_268, %get3A_269, %get3A_270] : memref<4x48x128x1xf32, #tpu.memory_space<vmem>>, vector<1x1x128x1xf32>
          %get3A_272 = vector.shape_cast %get3A_271 : vector<1x1x128x1xf32> to vector<1x128x1xf32>
          %reshape3A_273 = vector.shape_cast %get3A_272 : vector<1x128x1xf32> to vector<128x1xf32>
          %get3A_274 = arith.constant 1 : index
          %get3A_275 = arith.index_cast %while3A_265 : i32 to index
          %get3A_276 = arith.constant 0 : index
          %get3A_277 = arith.constant 0 : index
          %get3A_278 = vector.load %arg1[%get3A_274, %get3A_275, %get3A_276, %get3A_277] : memref<4x48x128x1xf32, #tpu.memory_space<vmem>>, vector<1x1x128x1xf32>
          %get3A_279 = vector.shape_cast %get3A_278 : vector<1x1x128x1xf32> to vector<1x128x1xf32>
          %reshape3A_280 = vector.shape_cast %get3A_279 : vector<1x128x1xf32> to vector<128x1xf32>
          %get3A_281 = arith.constant 2 : index
          %get3A_282 = arith.index_cast %while3A_265 : i32 to index
          %get3A_283 = arith.constant 0 : index
          %get3A_284 = arith.constant 0 : index
          %get3A_285 = vector.load %arg1[%get3A_281, %get3A_282, %get3A_283, %get3A_284] : memref<4x48x128x1xf32, #tpu.memory_space<vmem>>, vector<1x1x128x1xf32>
          %get3A_286 = vector.shape_cast %get3A_285 : vector<1x1x128x1xf32> to vector<1x128x1xf32>
          %reshape3A_287 = vector.shape_cast %get3A_286 : vector<1x128x1xf32> to vector<128x1xf32>
          %get3A_288 = arith.constant 3 : index
          %get3A_289 = arith.index_cast %while3A_265 : i32 to index
          %get3A_290 = arith.constant 0 : index
          %get3A_291 = arith.constant 0 : index
          %get3A_292 = vector.load %arg1[%get3A_288, %get3A_289, %get3A_290, %get3A_291] : memref<4x48x128x1xf32, #tpu.memory_space<vmem>>, vector<1x1x128x1xf32>
          %get3A_293 = vector.shape_cast %get3A_292 : vector<1x1x128x1xf32> to vector<1x128x1xf32>
          %reshape3A_294 = vector.shape_cast %get3A_293 : vector<1x128x1xf32> to vector<128x1xf32>
          %get3A_295 = arith.index_cast %while3A_265 : i32 to index
          %get3A_296 = arith.constant 0 : index
          %get3A_297 = arith.constant 0 : index
          %get3A_298 = vector.load %arg3[%get3A_295, %get3A_296, %get3A_297] : memref<48x128x1xf32, #tpu.memory_space<vmem>>, vector<1x128x1xf32>
          %reshape3A_299 = vector.shape_cast %get3A_298 : vector<1x128x1xf32> to vector<128x1xf32>
          %sub3A_300 = arith.subf %reshape3A_287, %reshape3A_273 : vector<128x1xf32>
          %sub3A_301 = arith.subf %reshape3A_294, %reshape3A_280 : vector<128x1xf32>
          %mul3A_302 = arith.mulf %sub3A_300, %sub3A_301 : vector<128x1xf32>
          %max3A_303 = vector.broadcast %reshape3A_273 : vector<128x1xf32> to vector<128x128xf32>
          %max3A_304 = vector.broadcast %get3A_26 : vector<1x128xf32> to vector<128x128xf32>
          %max3A_305 = arith.maximumf %max3A_303, %max3A_304 : vector<128x128xf32>
          %max3A_306 = vector.broadcast %reshape3A_280 : vector<128x1xf32> to vector<128x128xf32>
          %max3A_307 = vector.broadcast %get3A_31 : vector<1x128xf32> to vector<128x128xf32>
          %max3A_308 = arith.maximumf %max3A_306, %max3A_307 : vector<128x128xf32>
          %min3A_309 = vector.broadcast %reshape3A_287 : vector<128x1xf32> to vector<128x128xf32>
          %min3A_310 = vector.broadcast %get3A_36 : vector<1x128xf32> to vector<128x128xf32>
          %min3A_311 = arith.minimumf %min3A_309, %min3A_310 : vector<128x128xf32>
          %min3A_312 = vector.broadcast %reshape3A_294 : vector<128x1xf32> to vector<128x128xf32>
          %min3A_313 = vector.broadcast %get3A_41 : vector<1x128xf32> to vector<128x128xf32>
          %min3A_314 = arith.minimumf %min3A_312, %min3A_313 : vector<128x128xf32>
          %sub3A_315 = arith.subf %min3A_311, %max3A_305 : vector<128x128xf32>
          %max3A_316 = arith.constant 0.000000e+00 : f32
          %max3A_317 = vector.broadcast %max3A_316 : f32 to vector<128x128xf32>
          %max3A_318 = arith.maximumf %sub3A_315, %max3A_317 : vector<128x128xf32>
          %sub3A_319 = arith.subf %min3A_314, %max3A_308 : vector<128x128xf32>
          %max3A_320 = arith.constant 0.000000e+00 : f32
          %max3A_321 = vector.broadcast %max3A_320 : f32 to vector<128x128xf32>
          %max3A_322 = arith.maximumf %sub3A_319, %max3A_321 : vector<128x128xf32>
          %mul3A_323 = arith.mulf %max3A_318, %max3A_322 : vector<128x128xf32>
          %add3A_324 = vector.broadcast %mul3A_302 : vector<128x1xf32> to vector<128x128xf32>
          %add3A_325 = vector.broadcast %mul3A : vector<1x128xf32> to vector<128x128xf32>
          %add3A_326 = arith.addf %add3A_324, %add3A_325 : vector<128x128xf32>
          %sub3A_327 = arith.subf %add3A_326, %mul3A_323 : vector<128x128xf32>
          %add3A_328 = arith.constant 9.99999971E-10 : f32
          %add3A_329 = vector.broadcast %add3A_328 : f32 to vector<128x128xf32>
          %add3A_330 = arith.addf %sub3A_327, %add3A_329 : vector<128x128xf32>
          %div3A_331 = arith.divf %mul3A_323, %add3A_330 : vector<128x128xf32>
          %gt3A_332 = arith.constant 0.699999988 : f32
          %gt3A_333 = vector.broadcast %gt3A_332 : f32 to vector<128x128xf32>
          %gt3A_334 = arith.cmpf ogt, %div3A_331, %gt3A_333 : vector<128x128xf32>
          %convert_element_type3A_335 = arith.extui %gt3A_334 : vector<128x128xi1> to vector<128x128xi32>
          %convert_element_type3A_336 = arith.sitofp %convert_element_type3A_335 : vector<128x128xi32> to vector<128x128xf32>
          %mul3A_337 = vector.broadcast %reshape3A_299 : vector<128x1xf32> to vector<128x128xf32>
          %mul3A_338 = arith.mulf %convert_element_type3A_336, %mul3A_337 : vector<128x128xf32>
          %reduce_max3A = arith.constant dense<0xFF800000> : vector<128xf32>
          %reduce_max3A_339 = vector.multi_reduction <maximumf>, %mul3A_338, %reduce_max3A [0] : vector<128x128xf32> to vector<128xf32>
          %broadcast_in_dim3A_340 = vector.shape_cast %reduce_max3A_339 : vector<128xf32> to vector<1x128xf32>
          %max3A_341 = arith.maximumf %while3A_266, %broadcast_in_dim3A_340 : vector<1x128xf32>
          scf.yield %max3A_341 : vector<1x128xf32>
        }
        %while3A_83 = arith.constant 1 : i32
        %while3A_84 = scf.for %while3A_265 = %while3A_80 to %while3A_76 step %while3A_83 iter_args(%while3A_266 = %while3A_82) -> (vector<1x128xf32>)  : i32 {
          %get3A_267 = arith.constant 0 : index
          %get3A_268 = arith.index_cast %while3A_265 : i32 to index
          %get3A_269 = arith.constant 0 : index
          %get3A_270 = arith.constant 0 : index
          %get3A_271 = vector.load %arg1[%get3A_267, %get3A_268, %get3A_269, %get3A_270] : memref<4x48x128x1xf32, #tpu.memory_space<vmem>>, vector<1x1x128x1xf32>
          %get3A_272 = vector.shape_cast %get3A_271 : vector<1x1x128x1xf32> to vector<1x128x1xf32>
          %reshape3A_273 = vector.shape_cast %get3A_272 : vector<1x128x1xf32> to vector<128x1xf32>
          %get3A_274 = arith.constant 1 : index
          %get3A_275 = arith.index_cast %while3A_265 : i32 to index
          %get3A_276 = arith.constant 0 : index
          %get3A_277 = arith.constant 0 : index
          %get3A_278 = vector.load %arg1[%get3A_274, %get3A_275, %get3A_276, %get3A_277] : memref<4x48x128x1xf32, #tpu.memory_space<vmem>>, vector<1x1x128x1xf32>
          %get3A_279 = vector.shape_cast %get3A_278 : vector<1x1x128x1xf32> to vector<1x128x1xf32>
          %reshape3A_280 = vector.shape_cast %get3A_279 : vector<1x128x1xf32> to vector<128x1xf32>
          %get3A_281 = arith.constant 2 : index
          %get3A_282 = arith.index_cast %while3A_265 : i32 to index
          %get3A_283 = arith.constant 0 : index
          %get3A_284 = arith.constant 0 : index
          %get3A_285 = vector.load %arg1[%get3A_281, %get3A_282, %get3A_283, %get3A_284] : memref<4x48x128x1xf32, #tpu.memory_space<vmem>>, vector<1x1x128x1xf32>
          %get3A_286 = vector.shape_cast %get3A_285 : vector<1x1x128x1xf32> to vector<1x128x1xf32>
          %reshape3A_287 = vector.shape_cast %get3A_286 : vector<1x128x1xf32> to vector<128x1xf32>
          %get3A_288 = arith.constant 3 : index
          %get3A_289 = arith.index_cast %while3A_265 : i32 to index
          %get3A_290 = arith.constant 0 : index
          %get3A_291 = arith.constant 0 : index
          %get3A_292 = vector.load %arg1[%get3A_288, %get3A_289, %get3A_290, %get3A_291] : memref<4x48x128x1xf32, #tpu.memory_space<vmem>>, vector<1x1x128x1xf32>
          %get3A_293 = vector.shape_cast %get3A_292 : vector<1x1x128x1xf32> to vector<1x128x1xf32>
          %reshape3A_294 = vector.shape_cast %get3A_293 : vector<1x128x1xf32> to vector<128x1xf32>
          %get3A_295 = arith.index_cast %while3A_265 : i32 to index
          %get3A_296 = arith.constant 0 : index
          %get3A_297 = arith.constant 0 : index
          %get3A_298 = vector.load %arg3[%get3A_295, %get3A_296, %get3A_297] : memref<48x128x1xf32, #tpu.memory_space<vmem>>, vector<1x128x1xf32>
          %reshape3A_299 = vector.shape_cast %get3A_298 : vector<1x128x1xf32> to vector<128x1xf32>
          %sub3A_300 = arith.subf %reshape3A_287, %reshape3A_273 : vector<128x1xf32>
          %sub3A_301 = arith.subf %reshape3A_294, %reshape3A_280 : vector<128x1xf32>
          %mul3A_302 = arith.mulf %sub3A_300, %sub3A_301 : vector<128x1xf32>
          %max3A_303 = vector.broadcast %reshape3A_273 : vector<128x1xf32> to vector<128x128xf32>
          %max3A_304 = vector.broadcast %get3A_26 : vector<1x128xf32> to vector<128x128xf32>
          %max3A_305 = arith.maximumf %max3A_303, %max3A_304 : vector<128x128xf32>
          %max3A_306 = vector.broadcast %reshape3A_280 : vector<128x1xf32> to vector<128x128xf32>
          %max3A_307 = vector.broadcast %get3A_31 : vector<1x128xf32> to vector<128x128xf32>
          %max3A_308 = arith.maximumf %max3A_306, %max3A_307 : vector<128x128xf32>
          %min3A_309 = vector.broadcast %reshape3A_287 : vector<128x1xf32> to vector<128x128xf32>
          %min3A_310 = vector.broadcast %get3A_36 : vector<1x128xf32> to vector<128x128xf32>
          %min3A_311 = arith.minimumf %min3A_309, %min3A_310 : vector<128x128xf32>
          %min3A_312 = vector.broadcast %reshape3A_294 : vector<128x1xf32> to vector<128x128xf32>
          %min3A_313 = vector.broadcast %get3A_41 : vector<1x128xf32> to vector<128x128xf32>
          %min3A_314 = arith.minimumf %min3A_312, %min3A_313 : vector<128x128xf32>
          %sub3A_315 = arith.subf %min3A_311, %max3A_305 : vector<128x128xf32>
          %max3A_316 = arith.constant 0.000000e+00 : f32
          %max3A_317 = vector.broadcast %max3A_316 : f32 to vector<128x128xf32>
          %max3A_318 = arith.maximumf %sub3A_315, %max3A_317 : vector<128x128xf32>
          %sub3A_319 = arith.subf %min3A_314, %max3A_308 : vector<128x128xf32>
          %max3A_320 = arith.constant 0.000000e+00 : f32
          %max3A_321 = vector.broadcast %max3A_320 : f32 to vector<128x128xf32>
          %max3A_322 = arith.maximumf %sub3A_319, %max3A_321 : vector<128x128xf32>
          %mul3A_323 = arith.mulf %max3A_318, %max3A_322 : vector<128x128xf32>
          %add3A_324 = vector.broadcast %mul3A_302 : vector<128x1xf32> to vector<128x128xf32>
          %add3A_325 = vector.broadcast %mul3A : vector<1x128xf32> to vector<128x128xf32>
          %add3A_326 = arith.addf %add3A_324, %add3A_325 : vector<128x128xf32>
          %sub3A_327 = arith.subf %add3A_326, %mul3A_323 : vector<128x128xf32>
          %add3A_328 = arith.constant 9.99999971E-10 : f32
          %add3A_329 = vector.broadcast %add3A_328 : f32 to vector<128x128xf32>
          %add3A_330 = arith.addf %sub3A_327, %add3A_329 : vector<128x128xf32>
          %div3A_331 = arith.divf %mul3A_323, %add3A_330 : vector<128x128xf32>
          %gt3A_332 = arith.constant 0.699999988 : f32
          %gt3A_333 = vector.broadcast %gt3A_332 : f32 to vector<128x128xf32>
          %gt3A_334 = arith.cmpf ogt, %div3A_331, %gt3A_333 : vector<128x128xf32>
          %convert_element_type3A_335 = arith.extui %gt3A_334 : vector<128x128xi1> to vector<128x128xi32>
          %convert_element_type3A_336 = arith.sitofp %convert_element_type3A_335 : vector<128x128xi32> to vector<128x128xf32>
          %mul3A_337 = vector.broadcast %reshape3A_299 : vector<128x1xf32> to vector<128x128xf32>
          %mul3A_338 = arith.mulf %convert_element_type3A_336, %mul3A_337 : vector<128x128xf32>
          %reduce_max3A = arith.constant dense<0xFF800000> : vector<128xf32>
          %reduce_max3A_339 = vector.multi_reduction <maximumf>, %mul3A_338, %reduce_max3A [0] : vector<128x128xf32> to vector<128xf32>
          %broadcast_in_dim3A_340 = vector.shape_cast %reduce_max3A_339 : vector<128xf32> to vector<1x128xf32>
          %max3A_341 = arith.maximumf %while3A_266, %broadcast_in_dim3A_340 : vector<1x128xf32>
          scf.yield %max3A_341 : vector<1x128xf32>
        }
        %mul3A_85 = arith.constant 128 : i32
        %mul3A_86 = arith.muli %scan3A_17, %mul3A_85 : i32
        %add3A = vector.broadcast %mul3A_86 : i32 to vector<1x128xi32>
        %add3A_87 = arith.addi %add3A, %iota3A_4 : vector<1x128xi32>
        %lt3A_88 = arith.constant 6000 : i32
        %lt3A_89 = vector.broadcast %lt3A_88 : i32 to vector<1x128xi32>
        %lt3A_90 = arith.cmpi slt, %add3A_87, %lt3A_89 : vector<1x128xi32>
        %convert_element_type3A_91 = arith.extui %lt3A_90 : vector<1x128xi1> to vector<1x128xi32>
        %convert_element_type3A_92 = arith.sitofp %convert_element_type3A_91 : vector<1x128xi32> to vector<1x128xf32>
        %sub3A_93 = arith.constant 1.000000e+00 : f32
        %sub3A_94 = vector.broadcast %sub3A_93 : f32 to vector<1x128xf32>
        %sub3A_95 = arith.subf %sub3A_94, %while3A_84 : vector<1x128xf32>
        %mul3A_96 = arith.mulf %convert_element_type3A_92, %sub3A_95 : vector<1x128xf32>
        %max3A = vector.broadcast %reshape3A : vector<128x1xf32> to vector<128x128xf32>
        %max3A_97 = vector.broadcast %get3A_26 : vector<1x128xf32> to vector<128x128xf32>
        %max3A_98 = arith.maximumf %max3A, %max3A_97 : vector<128x128xf32>
        %max3A_99 = vector.broadcast %reshape3A_55 : vector<128x1xf32> to vector<128x128xf32>
        %max3A_100 = vector.broadcast %get3A_31 : vector<1x128xf32> to vector<128x128xf32>
        %max3A_101 = arith.maximumf %max3A_99, %max3A_100 : vector<128x128xf32>
        %min3A = vector.broadcast %reshape3A_62 : vector<128x1xf32> to vector<128x128xf32>
        %min3A_102 = vector.broadcast %get3A_36 : vector<1x128xf32> to vector<128x128xf32>
        %min3A_103 = arith.minimumf %min3A, %min3A_102 : vector<128x128xf32>
        %min3A_104 = vector.broadcast %reshape3A_69 : vector<128x1xf32> to vector<128x128xf32>
        %min3A_105 = vector.broadcast %get3A_41 : vector<1x128xf32> to vector<128x128xf32>
        %min3A_106 = arith.minimumf %min3A_104, %min3A_105 : vector<128x128xf32>
        %sub3A_107 = arith.subf %min3A_103, %max3A_98 : vector<128x128xf32>
        %max3A_108 = arith.constant 0.000000e+00 : f32
        %max3A_109 = vector.broadcast %max3A_108 : f32 to vector<128x128xf32>
        %max3A_110 = arith.maximumf %sub3A_107, %max3A_109 : vector<128x128xf32>
        %sub3A_111 = arith.subf %min3A_106, %max3A_101 : vector<128x128xf32>
        %max3A_112 = arith.constant 0.000000e+00 : f32
        %max3A_113 = vector.broadcast %max3A_112 : f32 to vector<128x128xf32>
        %max3A_114 = arith.maximumf %sub3A_111, %max3A_113 : vector<128x128xf32>
        %mul3A_115 = arith.mulf %max3A_110, %max3A_114 : vector<128x128xf32>
        %add3A_116 = vector.broadcast %mul3A_72 : vector<128x1xf32> to vector<128x128xf32>
        %add3A_117 = vector.broadcast %mul3A : vector<1x128xf32> to vector<128x128xf32>
        %add3A_118 = arith.addf %add3A_116, %add3A_117 : vector<128x128xf32>
        %sub3A_119 = arith.subf %add3A_118, %mul3A_115 : vector<128x128xf32>
        %add3A_120 = arith.constant 9.99999971E-10 : f32
        %add3A_121 = vector.broadcast %add3A_120 : f32 to vector<128x128xf32>
        %add3A_122 = arith.addf %sub3A_119, %add3A_121 : vector<128x128xf32>
        %div3A = arith.divf %mul3A_115, %add3A_122 : vector<128x128xf32>
        %gt3A_123 = arith.constant 0.699999988 : f32
        %gt3A_124 = vector.broadcast %gt3A_123 : f32 to vector<128x128xf32>
        %gt3A_125 = arith.cmpf ogt, %div3A, %gt3A_124 : vector<128x128xf32>
        %convert_element_type3A_126 = arith.extui %gt3A_125 : vector<128x128xi1> to vector<128x128xi32>
        %convert_element_type3A_127 = arith.sitofp %convert_element_type3A_126 : vector<128x128xi32> to vector<128x128xf32>
        %mul3A_128 = arith.mulf %convert_element_type3A_127, %convert_element_type3A_1 : vector<128x128xf32>
        %while3A_129 = arith.constant true
        %while3A_130:2 = scf.while (%while3A_265 = %mul3A_96, %while3A_266 = %while3A_129) : (vector<1x128xf32>, i1) -> (vector<1x128xf32>, i1) {
          scf.condition(%while3A_266) %while3A_265, %while3A_266 : vector<1x128xf32>, i1
        } do {
        ^bb0(%while3A_265: vector<1x128xf32>, %while3A_266: i1):
          %mul3A_267 = vector.broadcast %while3A_265 : vector<1x128xf32> to vector<128x128xf32>
          %mul3A_268 = arith.mulf %convert_element_type3A_3, %mul3A_267 : vector<128x128xf32>
          %reduce_sum3A_269 = arith.constant dense<0.000000e+00> : vector<128xf32>
          %reduce_sum3A_270 = vector.multi_reduction <add>, %mul3A_268, %reduce_sum3A_269 [1] : vector<128x128xf32> to vector<128xf32>
          %broadcast_in_dim3A_271 = vector.shape_cast %reduce_sum3A_270 : vector<128xf32> to vector<128x1xf32>
          %mul3A_272 = vector.broadcast %broadcast_in_dim3A_271 : vector<128x1xf32> to vector<128x128xf32>
          %mul3A_273 = arith.mulf %mul3A_128, %mul3A_272 : vector<128x128xf32>
          %reduce_max3A = arith.constant dense<0xFF800000> : vector<128xf32>
          %reduce_max3A_274 = vector.multi_reduction <maximumf>, %mul3A_273, %reduce_max3A [0] : vector<128x128xf32> to vector<128xf32>
          %broadcast_in_dim3A_275 = vector.shape_cast %reduce_max3A_274 : vector<128xf32> to vector<1x128xf32>
          %sub3A_276 = arith.constant 1.000000e+00 : f32
          %sub3A_277 = vector.broadcast %sub3A_276 : f32 to vector<1x128xf32>
          %sub3A_278 = arith.subf %sub3A_277, %broadcast_in_dim3A_275 : vector<1x128xf32>
          %mul3A_279 = arith.mulf %mul3A_96, %sub3A_278 : vector<1x128xf32>
          %ne3A = arith.cmpf one, %mul3A_279, %while3A_265 : vector<1x128xf32>
          %reduce_or3A = arith.constant 1.000000e+00 : f32
          %reduce_or3A_280 = arith.constant 0.000000e+00 : f32
          %reduce_or3A_281 = vector.broadcast %reduce_or3A : f32 to vector<1x128xf32>
          %reduce_or3A_282 = vector.broadcast %reduce_or3A_280 : f32 to vector<1x128xf32>
          %reduce_or3A_283 = arith.select %ne3A, %reduce_or3A_281, %reduce_or3A_282 : vector<1x128xi1>, vector<1x128xf32>
          %reduce_or3A_284 = vector.shape_cast %reduce_or3A_283 : vector<1x128xf32> to vector<1x1x128xf32>
          %reduce_or3A_285 = arith.constant dense<0xFF800000> : vector<1xf32>
          %reduce_or3A_286 = vector.multi_reduction <maximumf>, %reduce_or3A_284, %reduce_or3A_285 [1, 2] : vector<1x1x128xf32> to vector<1xf32>
          %reduce_or3A_287 = vector.shape_cast %reduce_or3A_286 : vector<1xf32> to vector<1x1x1xf32>
          %reduce_or3A_288 = vector.extract %reduce_or3A_287[0, 0, 0] : f32 from vector<1x1x1xf32>
          %reduce_or3A_289 = arith.constant 0.000000e+00 : f32
          %reduce_or3A_290 = arith.cmpf ogt, %reduce_or3A_288, %reduce_or3A_289 : f32
          scf.yield %mul3A_279, %reduce_or3A_290 : vector<1x128xf32>, i1
        }
        %mul3A_131 = vector.broadcast %while3A_130#0 : vector<1x128xf32> to vector<128x128xf32>
        %mul3A_132 = arith.mulf %convert_element_type3A_3, %mul3A_131 : vector<128x128xf32>
        %reduce_sum3A = arith.constant dense<0.000000e+00> : vector<128xf32>
        %reduce_sum3A_133 = vector.multi_reduction <add>, %mul3A_132, %reduce_sum3A [1] : vector<128x128xf32> to vector<128xf32>
        %broadcast_in_dim3A_134 = vector.shape_cast %reduce_sum3A_133 : vector<128xf32> to vector<128x1xf32>
        %reshape3A_135 = vector.shape_cast %broadcast_in_dim3A_134 : vector<128x1xf32> to vector<1x128x1xf32>
        %swap3A_136 = arith.index_cast %scan3A_17 : i32 to index
        %swap3A_137 = arith.constant 0 : index
        %swap3A_138 = arith.constant 0 : index
        %swap3A_139 = vector.load %arg3[%swap3A_136, %swap3A_137, %swap3A_138] : memref<48x128x1xf32, #tpu.memory_space<vmem>>, vector<1x128x1xf32>
        tpu.vector_store %arg3[%swap3A_136, %swap3A_137, %swap3A_138], %reshape3A_135 {strides = array<i32>} : memref<48x128x1xf32, #tpu.memory_space<vmem>>, vector<1x128x1xf32>,
        %get3A_140 = arith.constant 0 : index
        %get3A_141 = memref.load %arg4[%get3A_140] : memref<1xi32, #tpu.memory_space<smem>>
        %broadcast_in_dim3A_142 = arith.constant 0.000000e+00 : f32
        %broadcast_in_dim3A_143 = vector.broadcast %broadcast_in_dim3A_142 : f32 to vector<1x1xf32>
        %slice3A = vector.extract_strided_slice %while3A_130#0 {offsets = [0, 0], sizes = [1, 127], strides = [1, 1]} : vector<1x128xf32> to vector<1x127xf32>
        %concatenate3A = tpu.concatenate %broadcast_in_dim3A_143, %slice3A in 1 : vector<1x1xf32>, vector<1x127xf32> -> vector<1x128xf32>
        %add3A_144 = arith.addf %while3A_130#0, %concatenate3A : vector<1x128xf32>
        %broadcast_in_dim3A_145 = arith.constant 0.000000e+00 : f32
        %broadcast_in_dim3A_146 = vector.broadcast %broadcast_in_dim3A_145 : f32 to vector<1x2xf32>
        %slice3A_147 = vector.extract_strided_slice %add3A_144 {offsets = [0, 0], sizes = [1, 126], strides = [1, 1]} : vector<1x128xf32> to vector<1x126xf32>
        %concatenate3A_148 = tpu.concatenate %broadcast_in_dim3A_146, %slice3A_147 in 1 : vector<1x2xf32>, vector<1x126xf32> -> vector<1x128xf32>
        %add3A_149 = arith.addf %add3A_144, %concatenate3A_148 : vector<1x128xf32>
        %broadcast_in_dim3A_150 = arith.constant 0.000000e+00 : f32
        %broadcast_in_dim3A_151 = vector.broadcast %broadcast_in_dim3A_150 : f32 to vector<1x4xf32>
        %slice3A_152 = vector.extract_strided_slice %add3A_149 {offsets = [0, 0], sizes = [1, 124], strides = [1, 1]} : vector<1x128xf32> to vector<1x124xf32>
        %concatenate3A_153 = tpu.concatenate %broadcast_in_dim3A_151, %slice3A_152 in 1 : vector<1x4xf32>, vector<1x124xf32> -> vector<1x128xf32>
        %add3A_154 = arith.addf %add3A_149, %concatenate3A_153 : vector<1x128xf32>
        %broadcast_in_dim3A_155 = arith.constant 0.000000e+00 : f32
        %broadcast_in_dim3A_156 = vector.broadcast %broadcast_in_dim3A_155 : f32 to vector<1x8xf32>
        %slice3A_157 = vector.extract_strided_slice %add3A_154 {offsets = [0, 0], sizes = [1, 120], strides = [1, 1]} : vector<1x128xf32> to vector<1x120xf32>
        %concatenate3A_158 = tpu.concatenate %broadcast_in_dim3A_156, %slice3A_157 in 1 : vector<1x8xf32>, vector<1x120xf32> -> vector<1x128xf32>
        %add3A_159 = arith.addf %add3A_154, %concatenate3A_158 : vector<1x128xf32>
        %broadcast_in_dim3A_160 = arith.constant 0.000000e+00 : f32
        %broadcast_in_dim3A_161 = vector.broadcast %broadcast_in_dim3A_160 : f32 to vector<1x16xf32>
        %slice3A_162 = vector.extract_strided_slice %add3A_159 {offsets = [0, 0], sizes = [1, 112], strides = [1, 1]} : vector<1x128xf32> to vector<1x112xf32>
        %concatenate3A_163 = tpu.concatenate %broadcast_in_dim3A_161, %slice3A_162 in 1 : vector<1x16xf32>, vector<1x112xf32> -> vector<1x128xf32>
        %add3A_164 = arith.addf %add3A_159, %concatenate3A_163 : vector<1x128xf32>
        %broadcast_in_dim3A_165 = arith.constant 0.000000e+00 : f32
        %broadcast_in_dim3A_166 = vector.broadcast %broadcast_in_dim3A_165 : f32 to vector<1x32xf32>
        %slice3A_167 = vector.extract_strided_slice %add3A_164 {offsets = [0, 0], sizes = [1, 96], strides = [1, 1]} : vector<1x128xf32> to vector<1x96xf32>
        %concatenate3A_168 = tpu.concatenate %broadcast_in_dim3A_166, %slice3A_167 in 1 : vector<1x32xf32>, vector<1x96xf32> -> vector<1x128xf32>
        %add3A_169 = arith.addf %add3A_164, %concatenate3A_168 : vector<1x128xf32>
        %broadcast_in_dim3A_170 = arith.constant 0.000000e+00 : f32
        %broadcast_in_dim3A_171 = vector.broadcast %broadcast_in_dim3A_170 : f32 to vector<1x64xf32>
        %slice3A_172 = vector.extract_strided_slice %add3A_169 {offsets = [0, 0], sizes = [1, 64], strides = [1, 1]} : vector<1x128xf32> to vector<1x64xf32>
        %concatenate3A_173 = tpu.concatenate %broadcast_in_dim3A_171, %slice3A_172 in 1 : vector<1x64xf32>, vector<1x64xf32> -> vector<1x128xf32>
        %add3A_174 = arith.addf %add3A_169, %concatenate3A_173 : vector<1x128xf32>
        %convert_element_type3A_175 = arith.fptosi %add3A_174 : vector<1x128xf32> to vector<1x128xi32>
        %add3A_176 = vector.broadcast %get3A_141 : i32 to vector<1x128xi32>
        %add3A_177 = arith.addi %add3A_176, %convert_element_type3A_175 : vector<1x128xi32>
        %sub3A_178 = arith.constant 1 : i32
        %sub3A_179 = vector.broadcast %sub3A_178 : i32 to vector<1x128xi32>
        %sub3A_180 = arith.subi %add3A_177, %sub3A_179 : vector<1x128xi32>
        %eq3A_181 = vector.broadcast %iota3A_5 : vector<1024x1xi32> to vector<1024x128xi32>
        %eq3A_182 = vector.broadcast %sub3A_180 : vector<1x128xi32> to vector<1024x128xi32>
        %eq3A_183 = arith.cmpi eq, %eq3A_181, %eq3A_182 : vector<1024x128xi32>
        %convert_element_type3A_184 = arith.extui %eq3A_183 : vector<1024x128xi1> to vector<1024x128xi32>
        %convert_element_type3A_185 = arith.sitofp %convert_element_type3A_184 : vector<1024x128xi32> to vector<1024x128xf32>
        %mul3A_186 = vector.broadcast %while3A_130#0 : vector<1x128xf32> to vector<1024x128xf32>
        %mul3A_187 = arith.mulf %convert_element_type3A_185, %mul3A_186 : vector<1024x128xf32>
        %get3A_188 = arith.constant 0 : index
        %get3A_189 = arith.constant 0 : index
        %get3A_190 = arith.constant 0 : index
        %get3A_191 = vector.load %arg2[%get3A_188, %get3A_189, %get3A_190] : memref<4x1024x1xf32, #tpu.memory_space<vmem>>, vector<1x1024x1xf32>
        %get3A_192 = vector.shape_cast %get3A_191 : vector<1x1024x1xf32> to vector<1024x1xf32>
        %mul3A_193 = vector.broadcast %get3A_26 : vector<1x128xf32> to vector<1024x128xf32>
        %mul3A_194 = arith.mulf %mul3A_187, %mul3A_193 : vector<1024x128xf32>
        %reduce_sum3A_195 = arith.constant dense<0.000000e+00> : vector<1024xf32>
        %reduce_sum3A_196 = vector.multi_reduction <add>, %mul3A_194, %reduce_sum3A_195 [1] : vector<1024x128xf32> to vector<1024xf32>
        %broadcast_in_dim3A_197 = vector.shape_cast %reduce_sum3A_196 : vector<1024xf32> to vector<1024x1xf32>
        %add3A_198 = arith.addf %get3A_192, %broadcast_in_dim3A_197 : vector<1024x1xf32>
        %swap3A_199 = arith.constant 0 : index
        %swap3A_200 = arith.constant 0 : index
        %swap3A_201 = arith.constant 0 : index
        %swap3A_202 = vector.load %arg2[%swap3A_199, %swap3A_200, %swap3A_201] : memref<4x1024x1xf32, #tpu.memory_space<vmem>>, vector<1x1024x1xf32>
        %swap3A_203 = vector.shape_cast %swap3A_202 : vector<1x1024x1xf32> to vector<1024x1xf32>
        %swap3A_204 = vector.shape_cast %add3A_198 : vector<1024x1xf32> to vector<1x1024x1xf32>
        tpu.vector_store %arg2[%swap3A_199, %swap3A_200, %swap3A_201], %swap3A_204 {strides = array<i32>} : memref<4x1024x1xf32, #tpu.memory_space<vmem>>, vector<1x1024x1xf32>,
        %get3A_205 = arith.constant 1 : index
        %get3A_206 = arith.constant 0 : index
        %get3A_207 = arith.constant 0 : index
        %get3A_208 = vector.load %arg2[%get3A_205, %get3A_206, %get3A_207] : memref<4x1024x1xf32, #tpu.memory_space<vmem>>, vector<1x1024x1xf32>
        %get3A_209 = vector.shape_cast %get3A_208 : vector<1x1024x1xf32> to vector<1024x1xf32>
        %mul3A_210 = vector.broadcast %get3A_31 : vector<1x128xf32> to vector<1024x128xf32>
        %mul3A_211 = arith.mulf %mul3A_187, %mul3A_210 : vector<1024x128xf32>
        %reduce_sum3A_212 = arith.constant dense<0.000000e+00> : vector<1024xf32>
        %reduce_sum3A_213 = vector.multi_reduction <add>, %mul3A_211, %reduce_sum3A_212 [1] : vector<1024x128xf32> to vector<1024xf32>
        %broadcast_in_dim3A_214 = vector.shape_cast %reduce_sum3A_213 : vector<1024xf32> to vector<1024x1xf32>
        %add3A_215 = arith.addf %get3A_209, %broadcast_in_dim3A_214 : vector<1024x1xf32>
        %swap3A_216 = arith.constant 1 : index
        %swap3A_217 = arith.constant 0 : index
        %swap3A_218 = arith.constant 0 : index
        %swap3A_219 = vector.load %arg2[%swap3A_216, %swap3A_217, %swap3A_218] : memref<4x1024x1xf32, #tpu.memory_space<vmem>>, vector<1x1024x1xf32>
        %swap3A_220 = vector.shape_cast %swap3A_219 : vector<1x1024x1xf32> to vector<1024x1xf32>
        %swap3A_221 = vector.shape_cast %add3A_215 : vector<1024x1xf32> to vector<1x1024x1xf32>
        tpu.vector_store %arg2[%swap3A_216, %swap3A_217, %swap3A_218], %swap3A_221 {strides = array<i32>} : memref<4x1024x1xf32, #tpu.memory_space<vmem>>, vector<1x1024x1xf32>,
        %get3A_222 = arith.constant 2 : index
        %get3A_223 = arith.constant 0 : index
        %get3A_224 = arith.constant 0 : index
        %get3A_225 = vector.load %arg2[%get3A_222, %get3A_223, %get3A_224] : memref<4x1024x1xf32, #tpu.memory_space<vmem>>, vector<1x1024x1xf32>
        %get3A_226 = vector.shape_cast %get3A_225 : vector<1x1024x1xf32> to vector<1024x1xf32>
        %mul3A_227 = vector.broadcast %get3A_36 : vector<1x128xf32> to vector<1024x128xf32>
        %mul3A_228 = arith.mulf %mul3A_187, %mul3A_227 : vector<1024x128xf32>
        %reduce_sum3A_229 = arith.constant dense<0.000000e+00> : vector<1024xf32>
        %reduce_sum3A_230 = vector.multi_reduction <add>, %mul3A_228, %reduce_sum3A_229 [1] : vector<1024x128xf32> to vector<1024xf32>
        %broadcast_in_dim3A_231 = vector.shape_cast %reduce_sum3A_230 : vector<1024xf32> to vector<1024x1xf32>
        %add3A_232 = arith.addf %get3A_226, %broadcast_in_dim3A_231 : vector<1024x1xf32>
        %swap3A_233 = arith.constant 2 : index
        %swap3A_234 = arith.constant 0 : index
        %swap3A_235 = arith.constant 0 : index
        %swap3A_236 = vector.load %arg2[%swap3A_233, %swap3A_234, %swap3A_235] : memref<4x1024x1xf32, #tpu.memory_space<vmem>>, vector<1x1024x1xf32>
        %swap3A_237 = vector.shape_cast %swap3A_236 : vector<1x1024x1xf32> to vector<1024x1xf32>
        %swap3A_238 = vector.shape_cast %add3A_232 : vector<1024x1xf32> to vector<1x1024x1xf32>
        tpu.vector_store %arg2[%swap3A_233, %swap3A_234, %swap3A_235], %swap3A_238 {strides = array<i32>} : memref<4x1024x1xf32, #tpu.memory_space<vmem>>, vector<1x1024x1xf32>,
        %get3A_239 = arith.constant 3 : index
        %get3A_240 = arith.constant 0 : index
        %get3A_241 = arith.constant 0 : index
        %get3A_242 = vector.load %arg2[%get3A_239, %get3A_240, %get3A_241] : memref<4x1024x1xf32, #tpu.memory_space<vmem>>, vector<1x1024x1xf32>
        %get3A_243 = vector.shape_cast %get3A_242 : vector<1x1024x1xf32> to vector<1024x1xf32>
        %mul3A_244 = vector.broadcast %get3A_41 : vector<1x128xf32> to vector<1024x128xf32>
        %mul3A_245 = arith.mulf %mul3A_187, %mul3A_244 : vector<1024x128xf32>
        %reduce_sum3A_246 = arith.constant dense<0.000000e+00> : vector<1024xf32>
        %reduce_sum3A_247 = vector.multi_reduction <add>, %mul3A_245, %reduce_sum3A_246 [1] : vector<1024x128xf32> to vector<1024xf32>
        %broadcast_in_dim3A_248 = vector.shape_cast %reduce_sum3A_247 : vector<1024xf32> to vector<1024x1xf32>
        %add3A_249 = arith.addf %get3A_243, %broadcast_in_dim3A_248 : vector<1024x1xf32>
        %swap3A_250 = arith.constant 3 : index
        %swap3A_251 = arith.constant 0 : index
        %swap3A_252 = arith.constant 0 : index
        %swap3A_253 = vector.load %arg2[%swap3A_250, %swap3A_251, %swap3A_252] : memref<4x1024x1xf32, #tpu.memory_space<vmem>>, vector<1x1024x1xf32>
        %swap3A_254 = vector.shape_cast %swap3A_253 : vector<1x1024x1xf32> to vector<1024x1xf32>
        %swap3A_255 = vector.shape_cast %add3A_249 : vector<1024x1xf32> to vector<1x1024x1xf32>
        tpu.vector_store %arg2[%swap3A_250, %swap3A_251, %swap3A_252], %swap3A_255 {strides = array<i32>} : memref<4x1024x1xf32, #tpu.memory_space<vmem>>, vector<1x1024x1xf32>,
        %reduce_sum3A_256 = vector.shape_cast %while3A_130#0 : vector<1x128xf32> to vector<1x1x128xf32>
        %reduce_sum3A_257 = arith.constant dense<0.000000e+00> : vector<1xf32>
        %reduce_sum3A_258 = vector.multi_reduction <add>, %reduce_sum3A_256, %reduce_sum3A_257 [1, 2] : vector<1x1x128xf32> to vector<1xf32>
        %reduce_sum3A_259 = vector.shape_cast %reduce_sum3A_258 : vector<1xf32> to vector<1x1x1xf32>
        %reduce_sum3A_260 = vector.extract %reduce_sum3A_259[0, 0, 0] : f32 from vector<1x1x1xf32>
        %convert_element_type3A_261 = arith.fptosi %reduce_sum3A_260 : f32 to i32
        %add3A_262 = arith.addi %get3A_141, %convert_element_type3A_261 : i32
        %swap3A_263 = arith.constant 0 : index
        %swap3A_264 = memref.load %arg4[%swap3A_263] : memref<1xi32, #tpu.memory_space<smem>>
        memref.store %add3A_262, %arg4[%swap3A_263] : memref<1xi32, #tpu.memory_space<smem>>
      } else {
      }
    }
    %scan3A_16 = arith.constant 48 : i32
    return
  }
}

</mosaic_0001>

<sc_bundles>
// kernel: gather_offload_async_start
scs
__scs_entry_jumppad:
0x0: {  	(pc) =	sbr.rel $0x88, $3  }
0x1: {  	(tag) =	ssettag $0x0;
	lr =	simm.s32 $0x1  }
0x2: {  	[smem:$0x3F94] =	sst lr;
	_ =	strace $0xD0000000  }
0x3: {  	_ = 	snop  }
0x4: {  	_ = 	snop  }
0x5: {  	_ = 	snop  }
0x6: {  	_ = 	snop  }
0x7: {  	_ = 	snop  }
__scs_overlays_trampoline_lowered:
0x8: {  	[smem:$0x3FA3] =	sst s0  }
0x9: {  	[smem:$0x3FA4] =	sst s1  }
0xa: {  	[smem:$0x3FA5] =	sst s2  }
0xb: {  	[smem:$0x3FA6] =	sst s3  }
0xc: {  	[smem:$0x3FA7] =	sst s4  }
0xd: {  	[smem:$0x3FA8] =	sst s5  }
0xe: {  	[smem:$0x3FA9] =	sst s6  }
0xf: {  	[smem:$0x3FAA] =	sst s7  }
0x10: {  	[smem:$0x3FAB] =	sst s8  }
0x11: {  	[smem:$0x3FAC] =	sst s9;
	s0 =	simm.s32 @!p0 $0x0  }
0x12: {  	s1 =	sld [smem:$0x3F92];
	s0 =	simm.s32 @p0 $0x1  }
0x13: {  	[smem:$0x3FAD] =	sst s0;
	s0 =	simm.s32 @!p1 $0x0  }
0x14: {  	s2 =	sld [smem:$0x3F91];
	s0 =	simm.s32 @p1 $0x1  }
0x15: {  	[smem:$0x3FAE] =	sst s0;
	s0 =	simm.s32 @!p2 $0x0  }
0x16: {  	s3 =	sld [smem:$0x3FDB];
	s0 =	simm.s32 @p2 $0x1  }
0x17: {  	s4 =	simm.s32 $0x1BF5;
	[smem:$0x3FB0] =	sst s0  }
0x18: {  	s0 =	sld [smem:$0x3F93];
	_ =	swait.ge [sflag:s4], $0x0  }
0x19: {  	s7 =	sld [smem:$0x3F94]  }
0x1a: {  	s8 =	sadd.s32 $0xFFFFE003, lr  }
0x1b: {  	s9 =	sadd.s32 $0xFFFFFEF7, lr;
	s5 =	simm.s32 $0xFFFFFFFF;
	p2 =	slt.u32 s8, $0xFFFFF086  }
0x1c: {  	p1 =	slt.u32 s9, $0xF7A;
	s5 =	simm.s32 @!p2 $0x0  }
0x1d: {  	s5 =	simm.s32 @p1 $0x1;
	p0 =	seq.s32 s7, s2  }
0x1e: {  	s7 =	smul.u32 @!p0 $0xF7A, s2;
	p2 =	seq.s32 @!p0 s5, $0x0  }
0x1f: {  	s9 =	smul.u32 $0xF7A, s1;
	s8 =	simm.s32 @!p0 $0x1BF5;
	p2 =	por !p2, p0  }
0x20: {  	[sflag:s8] =	ssyncset.s32 @!p0 $0xFFFFF086;
	s6 =	sadd.s32 @!p0 s3, s7;
	s7 =	simm.s32 @!p0 $0x108  }
0x21: {  	s3 =	sadd.s32 s3, s9;
	s6 =	sadd.s32 @!p0 $0x88, s6;
	s7 =	simm.s32 @p2 $0x1082  }
0x22: {  	[simem:s7], [sflag:s8] =	dma.local @!p0 [hbm:s6], $0xF7A  }
0x23: {  	s9 =	sor.u32 $0xD0000000, s2;
	s6 =	simm.s32 $0x108;
	_ =	swait.ge @!p0 [sflag:s8], $0x0  }
0x24: {  	s3 =	sadd.s32 $0x88, s3;
	s6 =	simm.s32 @!p1 $0x1082;
	[sflag:s4] =	ssyncset.s32 $0xFFFFF086  }
0x25: {  	[simem:s6], [sflag:s4] =	dma.local [hbm:s3], $0xF7A  }
0x26: {  	[smem:$0x3F94] =	sst s1;
	(tag) =	ssettag s2;
	_ =	strace s9  }
0x27: {  	s1 =	sld [smem:$0x3FA4]  }
0x28: {  	s2 =	sld [smem:$0x3FA5]  }
0x29: {  	s4 =	sld [smem:$0x3FA7]  }
0x2a: {  	p0 =	seq.s32 s5, $0x0;
	s5 =	sld [smem:$0x3FA8]  }
0x2b: {  	s6 =	sld [smem:$0x3FA9]  }
0x2c: {  	s7 =	sld [smem:$0x3FAA]  }
0x2d: {  	s3 =	simm.s32 $0x108;
	s8 =	sld [smem:$0x3FAB]  }
0x2e: {  	s3 =	simm.s32 @!p0 $0x1082;
	s9 =	sld [smem:$0x3FAC]  }
0x2f: {  	lr =	sadd.s32 s0, s3;
	s0 =	sld [smem:$0x3FA3]  }
0x30: {  	s3 =	sld [smem:$0x3FA6]  }
0x31: {  	[smem:$0x3FAF] =	sst s10  }
0x32: {  	s10 =	sld [smem:$0x3FAD];
	_ =	sdelay $0x3  }
0x33: {  	p0 =	seq.s32 s10, $0x1;
	s10 =	sld [smem:$0x3FAF];
	_ =	sdelay $0x3  }
0x34: {  	[smem:$0x3FAF] =	sst s10  }
0x35: {  	s10 =	sld [smem:$0x3FAE];
	_ =	sdelay $0x3  }
0x36: {  	p1 =	seq.s32 s10, $0x1;
	s10 =	sld [smem:$0x3FAF];
	_ =	sdelay $0x3  }
0x37: {  	[smem:$0x3FAF] =	sst s10  }
0x38: {  	s10 =	sld [smem:$0x3FB0]  }
0x39: {  	_ = 	snop;
	(pc) =	sbr.ind lr, $3  }
0x3a: {  	_ = 	snop  }
0x3b: {  	_ = 	snop  }
0x3c: {  	p2 =	seq.s32 s10, $0x1;
	s10 =	sld [smem:$0x3FAF]  }
0x3d: {  	_ =	shalt  }
0x3e: {  	_ =	shalt  }
0x3f: {  	_ =	shalt  }
0x40: {  	_ =	shalt  }
0x41: {  	_ =	shalt  }
0x42: {  	_ =	shalt  }
0x43: {  	_ =	shalt  }
0x44: {  	_ =	shalt  }
0x45: {  	_ =	shalt  }
0x46: {  	_ =	shalt  }
0x47: {  	_ =	shalt  }
0x48: {  	_ =	shalt  }
0x49: {  	_ =	shalt  }
0x4a: {  	_ =	shalt  }
0x4b: {  	_ =	shalt  }
0x4c: {  	_ =	shalt  }
0x4d: {  	_ =	shalt  }
0x4e: {  	_ =	shalt  }
0x4f: {  	_ =	shalt  }
0x50: {  	_ =	shalt  }
0x51: {  	_ =	shalt  }
0x52: {  	_ =	shalt  }
0x53: {  	_ =	shalt  }
0x54: {  	_ =	shalt  }
0x55: {  	_ =	shalt  }
0x56: {  	_ =	shalt  }
0x57: {  	_ =	shalt  }
0x58: {  	_ =	shalt  }
0x59: {  	_ =	shalt  }
0x5a: {  	_ =	shalt  }
0x5b: {  	_ =	shalt  }
0x5c: {  	_ =	shalt  }
0x5d: {  	_ =	shalt  }
0x5e: {  	_ =	shalt  }
0x5f: {  	_ =	shalt  }
0x60: {  	_ =	shalt  }
0x61: {  	_ =	shalt  }
0x62: {  	_ =	shalt  }
0x63: {  	_ =	shalt  }
0x64: {  	_ =	shalt  }
0x65: {  	_ =	shalt  }
0x66: {  	_ =	shalt  }
0x67: {  	_ =	shalt  }
0x68: {  	_ =	shalt  }
0x69: {  	_ =	shalt  }
0x6a: {  	_ =	shalt  }
0x6b: {  	_ =	shalt  }
0x6c: {  	_ =	shalt  }
0x6d: {  	_ =	shalt  }
0x6e: {  	_ =	shalt  }
0x6f: {  	_ =	shalt  }
0x70: {  	_ =	shalt  }
0x71: {  	_ =	shalt  }
0x72: {  	_ =	shalt  }
0x73: {  	_ =	shalt  }
0x74: {  	_ =	shalt  }
0x75: {  	_ =	shalt  }
0x76: {  	_ =	shalt  }
0x77: {  	_ =	shalt  }
0x78: {  	_ =	shalt  }
0x79: {  	_ =	shalt  }
0x7a: {  	_ =	shalt  }
0x7b: {  	_ =	shalt  }
0x7c: {  	_ =	shalt  }
0x7d: {  	_ =	shalt  }
0x7e: {  	_ =	shalt  }
0x7f: {  	_ =	shalt  }
0x80: {  	_ =	shalt  }
0x81: {  	_ =	shalt  }
0x82: {  	_ =	shalt  }
0x83: {  	_ =	shalt  }
0x84: {  	_ =	shalt  }
0x85: {  	_ =	shalt  }
0x86: {  	_ =	shalt  }
0x87: {  	_ =	shalt  }
.Lfunc_end0:
.L_simem_size_0:
called_computation_lowered:
.L_overlay_start_0:
0x88: {  	s0 =	sld [smem:$0x3FD9]  }
0x89: {  	s1 =	sld [smem:$0x3FFE];
	_ =	sdelay $0x3  }
0x8a: {  	s0 =	sadd.s32 s1, s0  }
0x8b: {  	[smem:$0x3FBB] =	sst s0  }
0x8c: {  	_ = 	snop  }
0x8d: {  	(tm) =	ssettm $0x1  }
0x8e: {  	s15 =	sld [smem:$0x3FFB];
	_ =	sdelay $0x3  }
0x8f: {  	_ =	strace s15  }
0x90: {  	s0 =	sld [smem:$0x3FFC];
	_ =	sdelay $0x3  }
0x91: {  	_ =	strace s0  }
0x92: {  	s0 =	sld [smem:$0x3FFD];
	_ =	sdelay $0x3  }
0x93: {  	_ =	strace s0  }
0x94: {  	_ =	strace $0x8FFFFFFF  }
0x95: {  	s16 =	sld [smem:$0x3FDB];
	_ =	sdelay $0x1  }
0x96: {  	s17 =	simm.s32 $_scs_section_size  }
0x97: {  	s2 =	simm.s32 $_size__tile_overlayer_lowered;
	s3 =	simm.s32 $_tile_overlayer_lowered  }
0x98: {  	s20 =	simm.s32 $0x1BFF;
	s19 =	sshll.u32 s3, $0x1;
	s0 =	sadd.s32 s17, s16  }
0x99: {  	s4 =	simm.s32 $0x0;
	s18 =	sshll.u32 s2, $0x1;
	s2 =	sadd.s32 s19, s0  }
0x9a: {  	[timem:s4], [sflag:s20] =	dma.local [hbm:s2], s18  }
0x9b: {  	_ =	swait.ge [sflag:s20], s18  }
0x9c: {  	s1 =	ssub.s32 $0x0, s18;
	[sflag:s20] =	ssyncset.done $0x0  }
0x9d: {  	[sflag:s20] =	ssyncadd.s32 s1;
	_ =	sdelay $0x1  }
0x9e: {  	s21 =	simm.s32 $0x1B8B  }
0x9f: {  	_ =	swait.ge [sflag:s21], $0x1  }
0xa0: {  	[sflag:s21] =	ssyncset.done $0x0  }
0xa1: {  	s23 =	simm.s32 $0x1B8E;
	s22 =	sld [smem:$0x3FFE];
	[sflag:s21] =	ssyncadd.s32 $0xFFFFFFFF  }
0xa2: {  	s24 =	simm.s32 $execute0_lowered;
	[smem:$0x3FD2] =	sst s23  }
0xa3: {  	s2 =	sshll.u32 s24, $0x1;
	_ =	strace $0x80000046;
	[dreg:$0x1] =	wrdreg $0xFFFFFFFF  }
0xa4: {  	s25 =	simm.s32 $_size_execute0_lowered;
	s0 =	sadd.s32 s0, s2;
	[dreg:$0x0] =	wrdreg $0x0  }
0xa5: {  	s2 =	sshll.u32 s25, $0x1;
	[dreg:$0x2] =	wrdreg s0  }
0xa6: {  	[dreg:$0x3] =	wrdreg s2  }
0xa7: {  	[dreg:$0x4] =	wrdreg $0xC0  }
0xa8: {  	_ =	task [dreg:s4], $0x5FFFF  }
0xa9: {  	[dreg:$0x1] =	wrdreg $0xFFFFFFFF  }
0xaa: {  	[dreg:$0x0] =	wrdreg $0x60  }
0xab: {  	[dreg:$0x2] =	wrdreg s22  }
0xac: {  	[dreg:$0x3] =	wrdreg $0x9  }
0xad: {  	_ =	task.clear_ibuf [dreg:s4], $0x4FFFF;
	_ =	strace $0x90000046  }
0xae: {  	s26 =	simm.s32 $0x9;
	_ =	strace $0x80000048  }
0xaf: {  	_ =	swait.ge [sflag:s26], $0x1  }
0xb0: {  	[sflag:s26] =	ssyncadd.s32 $0xFFFFFFFF  }
0xb1: {  	_ =	strace $0x90000048  }
0xb2: {  	_ =	sfence  }
0xb3: {  	s28 =	sld [smem:$0x0];
	_ =	sdelay $0x1  }
0xb4: {  	s29 =	srdreg.scid  }
0xb5: {  	s30 =	sshll.u32 s29, $0xD;
	s31 =	sshrl.u32 s29, $0x2  }
0xb6: {  	s1 =	sand.u32 $0x1, s29;
	s2 =	sand.u32 $0x4000, s30;
	s0 =	sadd.s32 s31, s28  }
0xb7: {  	s1 =	sor.u32 s2, s1;
	s0 =	sshll.u32 s0, $0x11  }
0xb8: {  	s0 =	sor.u32 s0, s1  }
0xb9: {  	s0 =	sadd.s32 $0x8F2B, s0  }
0xba: {  	[sflag:s0] =	ssyncadd.remote.s32 $0x1  }
0xbb: {  	_ =	sfence.sel $0xFFFF  }
0xbc: {  	[dreg:$0x0] =	wrdreg $0xFFFFFFFF;
	(pc) =	sbr.abs _section_cstart, $3  }
0xbd: {  	[dreg:$0x1] =	wrdreg $0xFFFFFFFF  }
0xbe: {  	_ =	task.clear_ibuf [dreg:s4], $0x2FFFF;
	_ =	strace $0x9FFFFFFF  }
0xbf: {  	(tm) =	ssettm $0x7FFFFFFF  }
tec
execute0_lowered:
.L_overlay_start_1:
0x0: {  	(tag) =	ssettag $0x1  }
0x1: {  	s0 =	stileid.u32  }
0x2: {  	s1 =	smin.u32 s0, $0xE  }
0x3: {  	s1 =	sadd.s32 s0, s1  }
0x4: {  	s2 =	simm.s32 $0x190;
	p0 =	slt.u32 s0, $0xE;
	s1 =	smul.u32 $0xC8, s1  }
0x5: {  	s2 =	simm.s32 @!p0 $0xC8  }
0x6: {  	s2 =	sadd.s32 s2, s1  }
0x7: {  	s3 =	smin.u32 s2, $0x1770  }
0x8: {  	s7 =	ssub.s32 s3, s1  }
0x9: {  	p0 =	sgt.s32 s7, $0x0  }
0xa: {  	s7 =	simm.s32 @!p0 $0x0  }
0xb: {  	s31 =	sand.u32 $0xFFF8, s7  }
0xc: {  	s2 =	sshrl.u32 s31, $0x3  }
0xd: {  	s2 =	smul.u32 $0x147B, s2  }
0xe: {  	s9 =	rddreg [dreg:$0x0];
	s6 =	simm.s32 $0x1;
	s11 =	simm.s32 $0x3  }
0xf: {  	s13 =	simm.s32 $0x0;
	s12 =	simm.s32 $0x0;
	s8 =	sshrl.u32 s2, $0x11  }
0x10: {  	s4 =	sadd.s32 $0x5200, s9;
	s5 =	sadd.s32 $0x4E00, s9;
	s10 =	smul.u32 $0xC8, s8  }
.Ltmp0:
0x11: {  	s9 =	sadd.s32 $0x104E00, s9;
	s2 =	rddreg [dreg:$0x1];
	(pc) =	sbr.rel .LBB2_1-.Ltmp0, $4  }
0x12: {  	_ =	strace $0x80000047;
	p0 =	sne.s32 s7, s10;
	s10 =	simm.s32 $0x1  }
0x13: {  	[sflag:s6] =	ssyncpa.u1 $0x0;
	s7 =	simm.s32 $0x2;
	s10 =	simm.s32 @!p0 $0x0  }
0x14: {  	[sflag:s7] =	ssyncpa.u1 $0x0;
	p0 =	por $0x0, $0x0;
	s8 =	sadd.s32 s8, s10  }
0x15: {  	vm0 =	vmmov $0xff;
	vm1 =	vcmask $0x3F20;
	[sflag:s11] =	ssyncpa.u1 $0x0;
	s11 =	smov.u32 s1;
	s10 =	sadd.s32 $0x1, s8  }
.LBB2_6:
0x16: {  	[hbm:s17] =	stream.linear.scatter [tilespmem:s14], [sflag:$0x3], $0x400, $0x38;
	[tilespmem:$0xC990] =	vst v63  }
.LBB2_7:
0x17: {  	s13 =	sadd.s32 $0xC8, s11  }
0x18: {  	s15 =	smov.u32 s1;
	p2 =	slt.s32 s13, s3  }
0x19: {  	s15 =	smov.u32 @p2 s13;
	p2 =	sne.s32 s12, s10  }
.Ltmp1:
0x1a: {  	p1 =	slt.u32 s12, $0x2;
	(pc) =	sbr.rel @!p2 .LBB2_8-.Ltmp1, $4  }
0x1b: {  	s14 =	simm.s32 @!p1 $0x3  }
0x1c: {  	s16 =	sadd.s32 $0x1, s12;
	_ =	swait.ge @!p1 [sflag:s14], $0x6400  }
0x1d: {  	p0 =	por !p0, !p0;
	s13 =	smov.u32 s11;
	[sflag:s14] =	ssyncset.done @!p1 $0x0  }
0x1e: {  	s12 =	smov.u32 s16;
	s11 =	smov.u32 s15;
	[sflag:s14] =	ssyncadd.s32 @!p1 $0xFFFF9C00  }
.LBB2_1:
0x1f: {  	p1 =	sge.u32 s12, s8  }
0x20: {  	s14 =	sxor.u32 @!p1 $0xFFFFFFFF, s12  }
0x21: {  	s14 =	sand.u32 @!p1 $0x1, s14  }
0x22: {  	s14 =	smul.u32 @!p1 $0x320, s14  }
0x23: {  	s31 =	sadd.s32 $0xFFFFFFFF, s12;
	s15 =	sshrl.u32 @!p1 s11, $0x3  }
0x24: {  	s16 =	sand.u32 @!p1 $0x7, s11;
	s15 =	sadd.s32 @!p1 s5, s15;
	s14 =	sshrl.u32 @!p1 s14, $0x2  }
0x25: {  	[tilespmem:s14], [sflag:$0x2] =	stream.linear.gather @!p1 [hbm4b:s15+s16], $0xC8, $0x38;
	[tilespmem:$0xC990] =	vst v63  }
0x26: {  	p1 =	sge.u32 s31, s8  }
.Ltmp2:
0x27: {  	_ = 	snop;
	(pc) =	sbr.rel @p1 .LBB2_7-.Ltmp2, $1  }
0x28: {  	_ =	sdelay $0x3  }
0x29: {  	s14 =	simm.s32 $0x1  }
0x2a: {  	s14 =	simm.s32 @!p0 $0x0  }
0x2b: {  	s15 =	smul.u32 $0x320, s14  }
0x2c: {  	_ =	swait.ge [sflag:s7], $0xC8  }
0x2d: {  	[sflag:s7] =	ssyncset.done $0x0;
	s16 =	sshrl.u32 s15, $0x2  }
0x2e: {  	[sflag:s7] =	ssyncadd.s32 $0xFFFFFF38;
	s15 =	sadd.s32 $0x0, s16  }
0x2f: {  	v0 =	vld.msk [tilespmem:s15+$0x0 ss:$0x1], $0xffff;
	_ =	sdelay $0x4  }
0x30: {  	vm2 =	vgt.s32 v0, $0x0  }
0x31: {  	v0 =	vnsel vm2, $0x0, v0  }
0x32: {  	v0 =	vmin.u32 v0, $0xFFBF  }
0x33: {  	v0 =	vshll.u32 v0, $0x4  }
0x34: {  	s14 =	smul.u32 $0x19000, s14  }
0x35: {  	s31 =	sand.u32 $0x1, s12  }
0x36: {  	s17 =	smul.u32 $0x320, s31;
	s14 =	sshrl.u32 s14, $0x2  }
0x37: {  	s19 =	smul.u32 $0x19000, s31;
	s14 =	sor.u32 $0x190, s14  }
0x38: {  	[tilespmem:s14], [sflag:$0x1] =	stream.indirect_vreg.gather [hbm:s4], $0x80, v0, vm0, $0x38;
	[tilespmem:$0xC990] =	vst v63  }
0x39: {  	s18 =	sshrl.u32 s17, $0x2;
	s20 =	sadd.s32 $0x10, s16;
	s15 =	sadd.s32 $0x400, s14  }
0x3a: {  	[tilespmem:s15], [sflag:$0x1] =	stream.indirect_vreg.gather [hbm:s4], $0x80, v0, vm1, $0x38;
	[tilespmem:$0xC990] =	vst v63  }
0x3b: {  	s17 =	sshrl.u32 s19, $0x2;
	s19 =	smov.u32 s14;
	v0 =	vld.msk [tilespmem:s20+$0x0 ss:$0x1], $0xffff;
	s20 =	simm.s32 $0x80  }
.LBB2_3:
0x3c: {  	p1 =	sne.s32 s20, $0x2C0;
	_ =	sdelay $0x4  }
0x3d: {  	vm2 =	vgt.s32 v0, $0x0  }
0x3e: {  	v0 =	vnsel vm2, $0x0, v0  }
0x3f: {  	v0 =	vmin.u32 v0, $0xFFBF  }
0x40: {  	v0 =	vshll.u32 v0, $0x4;
	_ =	sdelay $0x3  }
.Ltmp3:
0x41: {  	s21 =	sshra.s32 s20, $0x2;
	s19 =	sadd.s32 $0x800, s19;
	(pc) =	sbr.rel @p1 .LBB2_3-.Ltmp3, $4  }
0x42: {  	[tilespmem:s19], [sflag:$0x1] =	stream.indirect_vreg.gather [hbm:s4], $0x80, v0, vm0, $0x38;
	[tilespmem:$0xC990] =	vst v63  }
0x43: {  	s21 =	sadd.s32 s21, s16;
	s22 =	sadd.s32 $0x400, s19  }
0x44: {  	[tilespmem:s22], [sflag:$0x1] =	stream.indirect_vreg.gather [hbm:s4], $0x80, v0, vm1, $0x38;
	[tilespmem:$0xC990] =	vst v63  }
0x45: {  	s20 =	sadd.s32 $0x40, s20;
	v0 =	vld.msk [tilespmem:s21+$0x0 ss:$0x1], $0xffff  }
0x46: {  	_ =	sdelay $0x3  }
0x47: {  	vm2 =	vgt.s32 v0, $0x0  }
0x48: {  	v0 =	vnsel vm2, $0x0, v0  }
0x49: {  	v0 =	vmin.u32 v0, $0xFFBF  }
0x4a: {  	v0 =	vshll.u32 v0, $0x4;
	_ =	sdelay $0x3  }
0x4b: {  	s16 =	sadd.s32 $0x800, s19  }
0x4c: {  	[tilespmem:s16], [sflag:$0x1] =	stream.indirect_vreg.gather [hbm:s4], $0x80, v0, vm0, $0x38;
	[tilespmem:$0xC990] =	vst v63  }
0x4d: {  	s16 =	sadd.s32 $0x400, s16  }
0x4e: {  	[tilespmem:s16], [sflag:$0x1] =	stream.indirect_vreg.gather [hbm:s4], $0x80, v0, vm1, $0x38;
	[tilespmem:$0xC990] =	vst v63  }
0x4f: {  	v0 =	vld.msk [tilespmem:s18+$0xC0 ss:$0x1], $0xff;
	_ =	sdelay $0x4  }
0x50: {  	vm2 =	vgt.s32 v0, $0x0  }
0x51: {  	v0 =	vnsel vm2, $0x0, v0  }
0x52: {  	v0 =	vmin.u32 v0, $0xFFBF  }
0x53: {  	v0 =	vshll.u32 v0, $0x4;
	_ =	sdelay $0x3  }
0x54: {  	s31 =	sadd.s32 $0x6190, s17  }
0x55: {  	[tilespmem:s31], [sflag:$0x1] =	stream.indirect_vreg.gather [hbm:s4], $0x80, v0, vm0, $0x38;
	[tilespmem:$0xC990] =	vst v63  }
0x56: {  	s13 =	sshll.u32 s13, $0x4;
	_ =	swait.ge [sflag:s6], $0x6400  }
0x57: {  	s13 =	sadd.s32 s13, s9;
	[sflag:s6] =	ssyncset.done $0x0  }
0x58: {  	s17 =	sadd.s32 $0x0, s13;
	s16 =	simm.s32 $0x80;
	[sflag:s6] =	ssyncadd.s32 $0xFFFF9C00  }
.LBB2_5:
0x59: {  	[hbm:s17] =	stream.linear.scatter [tilespmem:s14], [sflag:$0x3], $0x400, $0x38;
	[tilespmem:$0xC990] =	vst v63  }
0x5a: {  	s17 =	smov.u32 s16;
	s14 =	smov.u32 s15;
	p1 =	sne.s32 s16, $0xC00  }
.Ltmp4:
0x5b: {  	s16 =	sadd.s32 $0x80, s16;
	(pc) =	sbr.rel @p1 .LBB2_5-.Ltmp4, $2  }
0x5c: {  	_ =	sdelay $0x2  }
0x5d: {  	s15 =	sadd.s32 $0x400, s15;
	s17 =	sadd.s32 s17, s13  }
.Ltmp5:
0x5e: {  	_ = 	snop;
	(pc) =	sbr.rel .LBB2_6-.Ltmp5, $1  }
0x5f: {  	_ =	sdelay $0x3  }
.LBB2_8:
0x60: {  	_ =	sfence.sel $0x180000  }
0x61: {  	s1 =	simm.s32 $0x2;
	[bflag:$0x0] =	sbarrier.arrive $0xFFFF  }
0x62: {  	s30 =	simm.s32 $0x3;
	[sflag:s1] =	ssyncpa.u1 $0x1  }
0x63: {  	s31 =	simm.s32 $0x1;
	[sflag:s30] =	ssyncpa.u1 $0x1  }
0x64: {  	[sflag:s31] =	ssyncpa.u1 $0x1  }
0x65: {  	p0 =	sne.s32 s0, $0x0;
	_ =	strace $0x90000047  }
0x66: {  	s0 =	sadd.s32 @!p0 $0x100000, s2;
	[bflag:$0x2] =	sbarrier.arrive $0xFFFF  }
0x67: {  	[sflag:s0] =	ssyncadd.tile.s32 @!p0 $0x1;
	_ =	shalt  }
.Lfunc_end2:
_tile_overlayer_lowered:
.L_overlay_start_2:
0x68: {  	(tag) =	ssettag $0x2  }
0x69: {  	s0 =	rddreg [dreg:$0x0];
	s2 =	stileid.u32  }
0x6a: {  	s1 =	rddreg [dreg:$0x1];
	p0 =	sne.s32 s2, $0x0  }
0x6b: {  	s3 =	rddreg [dreg:$0x2];
	[bflag:$0x3] =	sbarrier.arrive $0xFFFF;
	s2 =	simm.s32 @!p0 $0x1C01  }
0x6c: {  	[timem:s3], [sflag:s2] =	dma.local @!p0 [hbm:s0], s1  }
0x6d: {  	s0 =	simm.s32 @!p0 $0x1  }
0x6e: {  	_ =	swait.ge @!p0 [sflag:s0], s1  }
0x6f: {  	s1 =	ssub.s32 @!p0 $0x0, s1;
	[sflag:s0] =	ssyncset.done @!p0 $0x0  }
0x70: {  	[sflag:s0] =	ssyncadd.s32 @!p0 s1  }
0x71: {  	[bflag:$0x3] =	sbarrier.arrive $0xFFFF  }
0x72: {  	_ =	shalt  }

</sc_bundles>
